<compile_context>
chip_gen: v7x
topology: tpu7x:2x2x1
jax: 0.10.2.dev20260603
libtpu: 0.0.44.dev20260713+nightly
codegen_flags: <defaults>
</compile_context>

<pallas_src>
import dataclasses
import functools

import jax
import jax.numpy as jnp
from jax import lax
from jax.experimental import pallas as pl
from jax.experimental.pallas import tpu as pltpu
from jax.experimental.pallas import tpu_sc as plsc

NC = 2
NS = 16
NW = NC * NS
CH = 96


def _chunks(total, step=CH):
    out, o = [], 0
    while o < total:
        sz = min(step, total - o)
        out.append((o, sz))
        o += sz
    return out


def _make_seg_sum(n, d, e, with_cnt):
    epw = e // NW
    nfull = epw // CH
    rem = epw - nfull * CH
    assert epw * NW == e and rem % 16 == 0 and rem < CH
    assert nfull >= 8 and (nfull - 5) % 3 == 0
    rpt_a = -(-(n // NS) // 8) * 8
    rpt_b = n - (NS - 1) * rpt_a
    assert 0 < rpt_b <= rpt_a

    mesh = plsc.VectorSubcoreMesh(core_axis_name="c", subcore_axis_name="s")
    out_type = [jax.ShapeDtypeStruct((NC, n, d), jnp.float32)]
    scratch = (
        [pltpu.VMEM((2, CH), jnp.int32)] * 3
        + [pltpu.VMEM((CH,), jnp.int32)] * 3
        + [pltpu.VMEM((CH, d), jnp.float32)] * 3
        + [pltpu.VMEM_SHARED((n, d), jnp.float32)]
        + [pltpu.SemaphoreType.DMA] * 9
    )
    if with_cnt:
        out_type.append(jax.ShapeDtypeStruct((NW, 1, n), jnp.float32))
        scratch.append(pltpu.VMEM((1, n), jnp.float32))
    if rem:
        scratch.append(pltpu.VMEM((2, rem), jnp.int32))

    cp = pltpu.CompilerParams()
    if "needs_layout_passes" in pltpu.CompilerParams.__dataclass_fields__:
        cp = dataclasses.replace(cp, needs_layout_passes=False)

    @functools.partial(pl.kernel, mesh=mesh, out_type=out_type,
                       scratch_types=scratch, compiler_params=cp)
    def seg_sum(x_hbm, idx_hbm, rem_hbm, agg_hbm, *rest):
        rest = list(rest)
        cnt_hbm = rest.pop(0) if with_cnt else None
        ibufs = tuple(rest[:3])
        didx_b = tuple(rest[3:6])
        rows_b = tuple(rest[6:9])
        agg_sp = rest[9]
        isems = tuple(rest[10:13])
        gsems = tuple(rest[13:16])
        ssems = tuple(rest[16:19])
        rows0 = rows_b[0]
        rest = rest[19:]
        if with_cnt:
            cnt_v = rest.pop(0)
        if rem:
            (rbuf,) = rest

        c = lax.axis_index("c")
        s = lax.axis_index("s")
        w = c * NS + s
        z16 = jnp.zeros((16,), jnp.float32)
        z16i = jnp.zeros((16,), jnp.int32)
        one16 = jnp.full((16,), 1.0, jnp.float32)

        def i_start(i, slot):
            pltpu.async_copy(idx_hbm.at[w, i], ibufs[slot], isems[slot])

        def i_wait(i, slot):
            pltpu.make_async_copy(idx_hbm.at[w, i], ibufs[slot],
                                  isems[slot]).wait()

        def g_start(slot):
            pltpu.async_copy(x_hbm.at[ibufs[slot].at[0]], rows_b[slot],
                             gsems[slot])

        def g_wait(slot):
            pltpu.make_async_copy(x_hbm.at[ibufs[slot].at[0]], rows_b[slot],
                                  gsems[slot]).wait()

        def didx_copy(slot):
            for kk in range(CH // 16):
                didx_b[slot][pl.ds(kk * 16, 16)] = (
                    ibufs[slot][1, pl.ds(kk * 16, 16)])

        def s_start(slot):
            pltpu.async_copy(rows_b[slot], agg_sp.at[didx_b[slot]],
                             ssems[slot], add=True)

        def s_wait(slot):
            pltpu.make_async_copy(rows_b[slot], agg_sp.at[didx_b[slot]],
                                  ssems[slot]).wait()

        def cnt_upd(slot):
            if with_cnt:
                for kk in range(CH // 16):
                    idx16 = didx_b[slot][pl.ds(kk * 16, 16)]
                    plsc.addupdate_scatter(cnt_v, [z16i, idx16], one16)

        i_start(0, 0)
        i_start(1, 1)
        i_start(2, 2)

        @pl.loop(0, CH)
        def _(r):
            for cc in range(d // 16):
                rows0[r, pl.ds(cc * 16, 16)] = z16

        if with_cnt:
            @pl.loop(0, n // 16)
            def _(i):
                cnt_v[0, pl.ds(i * 16, 16)] = z16

        def zero_fill(base, size):
            for (o, sz) in _chunks(size):
                pltpu.sync_copy(rows0.at[pl.ds(0, sz)],
                                agg_sp.at[pl.ds(base + o, sz)])

        def flush(base, size):
            pltpu.sync_copy(agg_sp.at[pl.ds(base, size)],
                            agg_hbm.at[c].at[pl.ds(base, size)])

        base_a = pl.multiple_of(s * rpt_a, 8)

        @pl.when(s < NS - 1)
        def _():
            zero_fill(base_a, rpt_a)

        @pl.when(s == NS - 1)
        def _():
            zero_fill((NS - 1) * rpt_a, rpt_b)

        plsc.subcore_barrier()

        def body(i, slot, start_idx, start_gather, first=False):
            sp = (slot + 2) % 3
            g_wait(slot)
            if not first:
                s_wait(sp)
            if start_gather:
                i_wait(i + 2, sp)
                g_start(sp)
            didx_copy(slot)
            if start_idx:
                i_start(i + 3, slot)
            s_start(slot)
            cnt_upd(slot)

        i_wait(0, 0)
        g_start(0)
        i_wait(1, 1)
        g_start(1)
        body(0, 0, True, True, first=True)

        @pl.loop(0, (nfull - 5) // 3)
        def _(j):
            i0 = 3 * j + 1
            body(i0, 1, True, True)
            body(i0 + 1, 2, True, True)
            body(i0 + 2, 0, True, True)

        body(nfull - 4, 1, True, True)
        body(nfull - 3, 2, False, True)
        body(nfull - 2, 0, False, False)
        body(nfull - 1, 1, False, False)
        s_wait(1)

        if rem:
            pltpu.sync_copy(rem_hbm.at[w], rbuf)
            pltpu.sync_copy(x_hbm.at[rbuf.at[0]], rows0.at[pl.ds(0, rem)])
            pltpu.sync_copy(rows0.at[pl.ds(0, rem)],
                            agg_sp.at[rbuf.at[1]], add=True)
            if with_cnt:
                for kk in range(rem // 16):
                    idx16 = rbuf[1, pl.ds(kk * 16, 16)]
                    plsc.addupdate_scatter(cnt_v, [z16i, idx16], one16)

        plsc.subcore_barrier()

        @pl.when(s < NS - 1)
        def _():
            flush(base_a, rpt_a)

        @pl.when(s == NS - 1)
        def _():
            flush((NS - 1) * rpt_a, rpt_b)

        if with_cnt:
            pltpu.sync_copy(cnt_v, cnt_hbm.at[w])

    return seg_sum


def _dot_t(a, w):
    return lax.dot_general(a, w, (((1,), (1,)), ((), ())),
                           preferred_element_type=jnp.float32)


def _tc1_body(aggp, cntp, x, wl, bl, wr, gamma, beta, h_out, invc_out):
    cnt = jnp.sum(cntp[...], axis=1, keepdims=True)
    invc = 1.0 / jnp.maximum(cnt, 1.0)
    mean_agg = (aggp[0] + aggp[1]) * invc
    h = _dot_t(mean_agg, wl[...]) + bl[...][None, :] + _dot_t(x[...], wr[...])
    mu = jnp.mean(h, axis=0, keepdims=True)
    hc = h - mu
    var = jnp.mean(hc * hc, axis=0, keepdims=True)
    hn = hc / jnp.sqrt(var + 1e-5) * gamma[...][None, :] + beta[...][None, :]
    h_out[...] = jnp.maximum(hn, 0.0)
    invc_out[...] = invc


def _tc2_body(aggp, invc, h, wl, bl, wr, out):
    mean_agg = (aggp[0] + aggp[1]) * invc[...]
    out[...] = (_dot_t(mean_agg, wl[...]) + bl[...][None, :]
                + _dot_t(h[...], wr[...]))


def kernel(x, edge_index, Wl1, bl1, Wr1, gamma, beta, Wl2, bl2, Wr2):
    n, d = x.shape
    e = edge_index.shape[1]
    src = edge_index[0].astype(jnp.int32)
    dst = edge_index[1].astype(jnp.int32)

    epw = e // NW
    nfull = epw // CH
    rem = epw - nfull * CH
    srcw = src.reshape(NW, epw)
    dstw = dst.reshape(NW, epw)
    idx_blocks = jnp.stack(
        [srcw[:, :nfull * CH].reshape(NW, nfull, CH),
         dstw[:, :nfull * CH].reshape(NW, nfull, CH)], axis=2)
    rem_blocks = jnp.stack([srcw[:, nfull * CH:], dstw[:, nfull * CH:]],
                           axis=1)

    seg_sum_cnt = _make_seg_sum(n, d, e, with_cnt=True)
    seg_sum = _make_seg_sum(n, d, e, with_cnt=False)

    agg1, cntp = seg_sum_cnt(x, idx_blocks, rem_blocks)
    cnt_t = cntp.reshape(NW, n).T

    h, invc = pl.pallas_call(
        _tc1_body,
        out_shape=[jax.ShapeDtypeStruct((n, d), jnp.float32),
                   jax.ShapeDtypeStruct((n, 1), jnp.float32)],
    )(agg1, cnt_t, x, Wl1, bl1, Wr1, gamma, beta)

    (agg2,) = seg_sum(h, idx_blocks, rem_blocks)

    out = pl.pallas_call(
        _tc2_body,
        out_shape=jax.ShapeDtypeStruct((n, d), jnp.float32),
    )(agg2, invc, h, Wl2, bl2, Wr2)
    return out

# --- scband reference (transcript-rebuilt; emitter-appended) ---
"""Pipeline reference for scband-graph-sage-85383949845212 (READ-ONLY COPY).

The authoritative reference and input builder live on the scoring server;
editing this copy changes nothing except your own understanding.
"""

import jax, jax.numpy as jnp
import numpy as np

N_NODES = 10000
N_EDGES = 320000
D_IN = 128
D_HID = 128
D_OUT = 128


def setup_inputs(seed: int = 0) -> dict:
    key = jax.random.key(seed)
    ks = jax.random.split(key, 10)
    x = jax.random.normal(ks[0], (N_NODES, D_IN), dtype=jnp.float32)
    edge_index = jax.random.randint(ks[1], (2, N_EDGES), 0, N_NODES, dtype=jnp.int64)
    s1 = 1.0 / np.sqrt(D_IN)
    s2 = 1.0 / np.sqrt(D_HID)
    return {
        'x': x,
        'edge_index': edge_index,
        'Wl1': jax.random.uniform(ks[2], (D_HID, D_IN), jnp.float32, -s1, s1),
        'bl1': jnp.zeros((D_HID,), jnp.float32),
        'Wr1': jax.random.uniform(ks[3], (D_HID, D_IN), jnp.float32, -s1, s1),
        'gamma': jnp.ones((D_HID,), jnp.float32),
        'beta': jnp.zeros((D_HID,), jnp.float32),
        'Wl2': jax.random.uniform(ks[4], (D_OUT, D_HID), jnp.float32, -s2, s2),
        'bl2': jnp.zeros((D_OUT,), jnp.float32),
        'Wr2': jax.random.uniform(ks[5], (D_OUT, D_HID), jnp.float32, -s2, s2),
    }


def _sage_conv(x, edge_index, Wl, bl, Wr):
    # PyG SAGEConv with mean aggregation:
    # out = lin_l(mean_{j in N(i)} x_j) + lin_r(x_i)
    src = edge_index[0]
    dst = edge_index[1]
    n = x.shape[0]
    msg = jnp.take(x, src, axis=0)                      # gather (SparseCore)
    agg = jax.ops.segment_sum(msg, dst, num_segments=n)  # scatter-add
    cnt = jax.ops.segment_sum(jnp.ones((src.shape[0],), x.dtype), dst, num_segments=n)
    agg = agg / jnp.clip(cnt, 1.0, None)[:, None]
    return agg @ Wl.T + bl + x @ Wr.T


def _batch_norm(x, gamma, beta, eps=1e-5):
    mean = jnp.mean(x, axis=0, keepdims=True)
    var = jnp.var(x, axis=0, keepdims=True)
    return (x - mean) / jnp.sqrt(var + eps) * gamma + beta


def reference(x, edge_index, Wl1, bl1, Wr1, gamma, beta, Wl2, bl2, Wr2):
    h = _sage_conv(x, edge_index, Wl1, bl1, Wr1)
    h = _batch_norm(h, gamma, beta)
    h = jax.nn.relu(h)
    # dropout omitted (deterministic reference / eval behavior)
    out = _sage_conv(h, edge_index, Wl2, bl2, Wr2)
    return out

if __name__ == "__main__":
    import jax
    _d = setup_inputs()
    print(jax.jit(kernel)(*tuple(_d.values())))

</pallas_src>

<mosaic_0001>
#map = affine_map<(d0, d1) -> (0, 0)>
#map1 = affine_map<(d0, d1) -> (0, 0, 0, 0)>
#map2 = affine_map<(d0, d1) -> (0, 0, 0)>
module attributes {stable_mosaic.version = 14 : i64} {
  func.func @seg_sum(%arg0: i32, %arg1: i32, %arg2: memref<10000x128xf32, #tpu.memory_space<hbm>>, %arg3: memref<32x104x2x96xi32, #tpu.memory_space<hbm>>, %arg4: memref<32x2x16xi32, #tpu.memory_space<hbm>>, %arg5: memref<2x10000x128xf32, #tpu.memory_space<hbm>>, %arg6: memref<2x96xi32, #tpu.memory_space<vmem>>, %arg7: memref<2x96xi32, #tpu.memory_space<vmem>>, %arg8: memref<2x96xi32, #tpu.memory_space<vmem>>, %arg9: memref<96xi32, #tpu.memory_space<vmem>>, %arg10: memref<96xi32, #tpu.memory_space<vmem>>, %arg11: memref<96xi32, #tpu.memory_space<vmem>>, %arg12: memref<96x128xf32, #tpu.memory_space<vmem>>, %arg13: memref<96x128xf32, #tpu.memory_space<vmem>>, %arg14: memref<96x128xf32, #tpu.memory_space<vmem>>, %arg15: memref<10000x128xf32, #tpu.memory_space<vmem_shared>>, %arg16: memref<!tpu.dma_semaphore, #tpu.memory_space<semaphore_mem>>, %arg17: memref<!tpu.dma_semaphore, #tpu.memory_space<semaphore_mem>>, %arg18: memref<!tpu.dma_semaphore, #tpu.memory_space<semaphore_mem>>, %arg19: memref<!tpu.dma_semaphore, #tpu.memory_space<semaphore_mem>>, %arg20: memref<!tpu.dma_semaphore, #tpu.memory_space<semaphore_mem>>, %arg21: memref<!tpu.dma_semaphore, #tpu.memory_space<semaphore_mem>>, %arg22: memref<!tpu.dma_semaphore, #tpu.memory_space<semaphore_mem>>, %arg23: memref<!tpu.dma_semaphore, #tpu.memory_space<semaphore_mem>>, %arg24: memref<!tpu.dma_semaphore, #tpu.memory_space<semaphore_mem>>, %arg25: memref<2x16xi32, #tpu.memory_space<vmem>>) attributes {dimension_semantics = [#tpu.dimension_semantics<core_parallel>, #tpu.dimension_semantics<subcore_parallel>], iteration_bounds = array<i64: 2, 16>, scalar_prefetch = 0 : i64, scratch_operands = 20 : i64, tpu.core_type = #tpu.core_type<sc_vector_subcore>, window_params = [{transform_indices = #map}, {transform_indices = #map1}, {transform_indices = #map2}, {transform_indices = #map2}]} {
    %mul3A = arith.constant 16 : i32
    %mul3A_0 = arith.muli %arg0, %mul3A : i32
    %add3A = arith.addi %mul3A_0, %arg1 : i32
    %broadcast_in_dim3A = arith.constant 0.000000e+00 : f32
    %broadcast_in_dim3A_1 = vector.broadcast %broadcast_in_dim3A : f32 to vector<16xf32>
    %broadcast_in_dim3A_2 = arith.constant 0 : i32
    %broadcast_in_dim3A_3 = vector.broadcast %broadcast_in_dim3A_2 : i32 to vector<16xi32>
    %broadcast_in_dim3A_4 = arith.constant 1.000000e+00 : f32
    %broadcast_in_dim3A_5 = vector.broadcast %broadcast_in_dim3A_4 : f32 to vector<16xf32>
    %dma_start3A = arith.constant 0 : i32
    %dma_start3A_6 = arith.constant 0 : i32
    %dma_start3A_7 = arith.constant 0 : i32
    %dma_start3A_8 = tpu.memref_slice %arg3[%add3A, %dma_start3A, %dma_start3A_6, %dma_start3A_7] : memref<32x104x2x96xi32, #tpu.memory_space<hbm>> -> memref<1x1x2x96xi32, #tpu.memory_space<hbm>>
    %dma_start3A_9 = tpu.memref_squeeze %dma_start3A_8 : memref<1x1x2x96xi32, #tpu.memory_space<hbm>> -> memref<2x96xi32, #tpu.memory_space<hbm>>
    %dma_start3A_10 = arith.constant 0 : i32
    %dma_start3A_11 = arith.constant 0 : i32
    %dma_start3A_12 = tpu.memref_slice %arg3[%add3A, %dma_start3A, %dma_start3A_10, %dma_start3A_11] : memref<32x104x2x96xi32, #tpu.memory_space<hbm>> -> memref<1x1x2x96xi32, #tpu.memory_space<hbm>>
    %dma_start3A_13 = tpu.memref_squeeze %dma_start3A_12 : memref<1x1x2x96xi32, #tpu.memory_space<hbm>> -> memref<2x96xi32, #tpu.memory_space<hbm>>
    tpu.enqueue_dma source(%dma_start3A_13 : memref<2x96xi32, #tpu.memory_space<hbm>>) target(%arg6 : memref<2x96xi32, #tpu.memory_space<vmem>>) target_semaphore(%arg16 : memref<!tpu.dma_semaphore, #tpu.memory_space<semaphore_mem>>)
    %dma_start3A_14 = arith.constant 1 : i32
    %dma_start3A_15 = arith.constant 0 : i32
    %dma_start3A_16 = arith.constant 0 : i32
    %dma_start3A_17 = tpu.memref_slice %arg3[%add3A, %dma_start3A_14, %dma_start3A_15, %dma_start3A_16] : memref<32x104x2x96xi32, #tpu.memory_space<hbm>> -> memref<1x1x2x96xi32, #tpu.memory_space<hbm>>
    %dma_start3A_18 = tpu.memref_squeeze %dma_start3A_17 : memref<1x1x2x96xi32, #tpu.memory_space<hbm>> -> memref<2x96xi32, #tpu.memory_space<hbm>>
    %dma_start3A_19 = arith.constant 0 : i32
    %dma_start3A_20 = arith.constant 0 : i32
    %dma_start3A_21 = tpu.memref_slice %arg3[%add3A, %dma_start3A_14, %dma_start3A_19, %dma_start3A_20] : memref<32x104x2x96xi32, #tpu.memory_space<hbm>> -> memref<1x1x2x96xi32, #tpu.memory_space<hbm>>
    %dma_start3A_22 = tpu.memref_squeeze %dma_start3A_21 : memref<1x1x2x96xi32, #tpu.memory_space<hbm>> -> memref<2x96xi32, #tpu.memory_space<hbm>>
    tpu.enqueue_dma source(%dma_start3A_22 : memref<2x96xi32, #tpu.memory_space<hbm>>) target(%arg7 : memref<2x96xi32, #tpu.memory_space<vmem>>) target_semaphore(%arg17 : memref<!tpu.dma_semaphore, #tpu.memory_space<semaphore_mem>>)
    %dma_start3A_23 = arith.constant 2 : i32
    %dma_start3A_24 = arith.constant 0 : i32
    %dma_start3A_25 = arith.constant 0 : i32
    %dma_start3A_26 = tpu.memref_slice %arg3[%add3A, %dma_start3A_23, %dma_start3A_24, %dma_start3A_25] : memref<32x104x2x96xi32, #tpu.memory_space<hbm>> -> memref<1x1x2x96xi32, #tpu.memory_space<hbm>>
    %dma_start3A_27 = tpu.memref_squeeze %dma_start3A_26 : memref<1x1x2x96xi32, #tpu.memory_space<hbm>> -> memref<2x96xi32, #tpu.memory_space<hbm>>
    %dma_start3A_28 = arith.constant 0 : i32
    %dma_start3A_29 = arith.constant 0 : i32
    %dma_start3A_30 = tpu.memref_slice %arg3[%add3A, %dma_start3A_23, %dma_start3A_28, %dma_start3A_29] : memref<32x104x2x96xi32, #tpu.memory_space<hbm>> -> memref<1x1x2x96xi32, #tpu.memory_space<hbm>>
    %dma_start3A_31 = tpu.memref_squeeze %dma_start3A_30 : memref<1x1x2x96xi32, #tpu.memory_space<hbm>> -> memref<2x96xi32, #tpu.memory_space<hbm>>
    tpu.enqueue_dma source(%dma_start3A_31 : memref<2x96xi32, #tpu.memory_space<hbm>>) target(%arg8 : memref<2x96xi32, #tpu.memory_space<vmem>>) target_semaphore(%arg18 : memref<!tpu.dma_semaphore, #tpu.memory_space<semaphore_mem>>)
    %scan3A = arith.constant 0 : i32
    %scan3A_32 = arith.constant 96 : i32
    %scan3A_33 = arith.addi %scan3A, %scan3A_32 : i32
    %scan3A_34 = arith.constant 1 : i32
    scf.for %scan3A_401 = %scan3A to %scan3A_33 step %scan3A_34  : i32 {
      %mul3A_402 = arith.constant 1 : i32
      %mul3A_403 = arith.muli %scan3A_401, %mul3A_402 : i32
      %add3A_404 = arith.constant 0 : i32
      %add3A_405 = arith.addi %add3A_404, %mul3A_403 : i32
      %swap3A_406 = arith.index_cast %add3A_405 : i32 to index
      %swap3A_407 = arith.constant 0 : index
      %swap3A_408 = tpu.vector_load %arg12[%swap3A_406, %swap3A_407] {strides = array<i32>} : memref<96x128xf32, #tpu.memory_space<vmem>>, vector<16xf32>,
      tpu.vector_store %arg12[%swap3A_406, %swap3A_407], %broadcast_in_dim3A_1 {strides = array<i32>} : memref<96x128xf32, #tpu.memory_space<vmem>>, vector<16xf32>,
      %swap3A_409 = arith.index_cast %add3A_405 : i32 to index
      %swap3A_410 = arith.constant 16 : index
      %swap3A_411 = tpu.vector_load %arg12[%swap3A_409, %swap3A_410] {strides = array<i32>} : memref<96x128xf32, #tpu.memory_space<vmem>>, vector<16xf32>,
      tpu.vector_store %arg12[%swap3A_409, %swap3A_410], %broadcast_in_dim3A_1 {strides = array<i32>} : memref<96x128xf32, #tpu.memory_space<vmem>>, vector<16xf32>,
      %swap3A_412 = arith.index_cast %add3A_405 : i32 to index
      %swap3A_413 = arith.constant 32 : index
      %swap3A_414 = tpu.vector_load %arg12[%swap3A_412, %swap3A_413] {strides = array<i32>} : memref<96x128xf32, #tpu.memory_space<vmem>>, vector<16xf32>,
      tpu.vector_store %arg12[%swap3A_412, %swap3A_413], %broadcast_in_dim3A_1 {strides = array<i32>} : memref<96x128xf32, #tpu.memory_space<vmem>>, vector<16xf32>,
      %swap3A_415 = arith.index_cast %add3A_405 : i32 to index
      %swap3A_416 = arith.constant 48 : index
      %swap3A_417 = tpu.vector_load %arg12[%swap3A_415, %swap3A_416] {strides = array<i32>} : memref<96x128xf32, #tpu.memory_space<vmem>>, vector<16xf32>,
      tpu.vector_store %arg12[%swap3A_415, %swap3A_416], %broadcast_in_dim3A_1 {strides = array<i32>} : memref<96x128xf32, #tpu.memory_space<vmem>>, vector<16xf32>,
      %swap3A_418 = arith.index_cast %add3A_405 : i32 to index
      %swap3A_419 = arith.constant 64 : index
      %swap3A_420 = tpu.vector_load %arg12[%swap3A_418, %swap3A_419] {strides = array<i32>} : memref<96x128xf32, #tpu.memory_space<vmem>>, vector<16xf32>,
      tpu.vector_store %arg12[%swap3A_418, %swap3A_419], %broadcast_in_dim3A_1 {strides = array<i32>} : memref<96x128xf32, #tpu.memory_space<vmem>>, vector<16xf32>,
      %swap3A_421 = arith.index_cast %add3A_405 : i32 to index
      %swap3A_422 = arith.constant 80 : index
      %swap3A_423 = tpu.vector_load %arg12[%swap3A_421, %swap3A_422] {strides = array<i32>} : memref<96x128xf32, #tpu.memory_space<vmem>>, vector<16xf32>,
      tpu.vector_store %arg12[%swap3A_421, %swap3A_422], %broadcast_in_dim3A_1 {strides = array<i32>} : memref<96x128xf32, #tpu.memory_space<vmem>>, vector<16xf32>,
      %swap3A_424 = arith.index_cast %add3A_405 : i32 to index
      %swap3A_425 = arith.constant 96 : index
      %swap3A_426 = tpu.vector_load %arg12[%swap3A_424, %swap3A_425] {strides = array<i32>} : memref<96x128xf32, #tpu.memory_space<vmem>>, vector<16xf32>,
      tpu.vector_store %arg12[%swap3A_424, %swap3A_425], %broadcast_in_dim3A_1 {strides = array<i32>} : memref<96x128xf32, #tpu.memory_space<vmem>>, vector<16xf32>,
      %swap3A_427 = arith.index_cast %add3A_405 : i32 to index
      %swap3A_428 = arith.constant 112 : index
      %swap3A_429 = tpu.vector_load %arg12[%swap3A_427, %swap3A_428] {strides = array<i32>} : memref<96x128xf32, #tpu.memory_space<vmem>>, vector<16xf32>,
      tpu.vector_store %arg12[%swap3A_427, %swap3A_428], %broadcast_in_dim3A_1 {strides = array<i32>} : memref<96x128xf32, #tpu.memory_space<vmem>>, vector<16xf32>,
    }
    %scan3A_35 = arith.constant 96 : i32
    %mul3A_36 = arith.constant 632 : i32
    %mul3A_37 = arith.muli %arg1, %mul3A_36 : i32
    %multiple_of3A = tpu.assume_multiple %mul3A_37, 8 : i32
    %lt3A = arith.constant 15 : i32
    %lt3A_38 = arith.cmpi slt, %arg1, %lt3A : i32
    %convert_element_type3A = arith.extui %lt3A_38 : i1 to i32
    %cond3A = arith.constant 0 : i32
    %cond3A_39 = arith.cmpi ne, %convert_element_type3A, %cond3A : i32
    scf.if %cond3A_39 {
      %add3A_401 = arith.constant 0 : i32
      %add3A_402 = arith.addi %multiple_of3A, %add3A_401 : i32
      "tpu.region"() ({
        %run_scoped3A_415 = tpu.sem_alloc : memref<!tpu.dma_semaphore, #tpu.memory_space<semaphore_mem>>
        %dma_start3A_416 = arith.constant 0 : i32
        %dma_start3A_417 = arith.constant 0 : i32
        %dma_start3A_418 = tpu.memref_slice %arg12[%dma_start3A_416, %dma_start3A_417] : memref<96x128xf32, #tpu.memory_space<vmem>> -> memref<96x128xf32, #tpu.memory_space<vmem>>
        %dma_start3A_419 = arith.constant 0 : i32
        %dma_start3A_420 = tpu.memref_slice %arg15[%add3A_402, %dma_start3A_419] : memref<10000x128xf32, #tpu.memory_space<vmem_shared>> -> memref<96x128xf32, #tpu.memory_space<vmem_shared>>
        %dma_start3A_421 = arith.constant 0 : i32
        %dma_start3A_422 = tpu.memref_slice %arg15[%add3A_402, %dma_start3A_421] : memref<10000x128xf32, #tpu.memory_space<vmem_shared>> -> memref<96x128xf32, #tpu.memory_space<vmem_shared>>
        %dma_start3A_423 = arith.constant 0 : i32
        %dma_start3A_424 = arith.constant 0 : i32
        %dma_start3A_425 = tpu.memref_slice %arg12[%dma_start3A_423, %dma_start3A_424] : memref<96x128xf32, #tpu.memory_space<vmem>> -> memref<96x128xf32, #tpu.memory_space<vmem>>
        tpu.enqueue_dma source(%dma_start3A_425 : memref<96x128xf32, #tpu.memory_space<vmem>>) target(%dma_start3A_422 : memref<96x128xf32, #tpu.memory_space<vmem_shared>>) target_semaphore(%run_scoped3A_415 : memref<!tpu.dma_semaphore, #tpu.memory_space<semaphore_mem>>)
        %dma_wait3A_426 = arith.constant 0 : i32
        %dma_wait3A_427 = arith.constant 0 : i32
        %dma_wait3A_428 = tpu.memref_slice %arg12[%dma_wait3A_426, %dma_wait3A_427] : memref<96x128xf32, #tpu.memory_space<vmem>> -> memref<96x128xf32, #tpu.memory_space<vmem>>
        %dma_wait3A_429 = arith.constant 0 : i32
        %dma_wait3A_430 = tpu.memref_slice %arg15[%add3A_402, %dma_wait3A_429] : memref<10000x128xf32, #tpu.memory_space<vmem_shared>> -> memref<96x128xf32, #tpu.memory_space<vmem_shared>>
        %dma_wait3A_431 = arith.constant 0 : i32
        %dma_wait3A_432 = tpu.memref_slice %arg15[%add3A_402, %dma_wait3A_431] : memref<10000x128xf32, #tpu.memory_space<vmem_shared>> -> memref<96x128xf32, #tpu.memory_space<vmem_shared>>
        %dma_wait3A_433 = arith.constant 0 : i32
        %dma_wait3A_434 = arith.constant 0 : i32
        %dma_wait3A_435 = tpu.memref_slice %arg12[%dma_wait3A_433, %dma_wait3A_434] : memref<96x128xf32, #tpu.memory_space<vmem>> -> memref<96x128xf32, #tpu.memory_space<vmem>>
        tpu.wait_dma2 semaphore(%run_scoped3A_415 : memref<!tpu.dma_semaphore, #tpu.memory_space<semaphore_mem>>) src(%dma_wait3A_435 : memref<96x128xf32, #tpu.memory_space<vmem>>) dst(%dma_wait3A_432 : memref<96x128xf32, #tpu.memory_space<vmem_shared>>)
        tpu.yield
      }) : () -> ()
      %add3A_403 = arith.constant 96 : i32
      %add3A_404 = arith.addi %multiple_of3A, %add3A_403 : i32
      "tpu.region"() ({
        %run_scoped3A_415 = tpu.sem_alloc : memref<!tpu.dma_semaphore, #tpu.memory_space<semaphore_mem>>
        %dma_start3A_416 = arith.constant 0 : i32
        %dma_start3A_417 = arith.constant 0 : i32
        %dma_start3A_418 = tpu.memref_slice %arg12[%dma_start3A_416, %dma_start3A_417] : memref<96x128xf32, #tpu.memory_space<vmem>> -> memref<96x128xf32, #tpu.memory_space<vmem>>
        %dma_start3A_419 = arith.constant 0 : i32
        %dma_start3A_420 = tpu.memref_slice %arg15[%add3A_404, %dma_start3A_419] : memref<10000x128xf32, #tpu.memory_space<vmem_shared>> -> memref<96x128xf32, #tpu.memory_space<vmem_shared>>
        %dma_start3A_421 = arith.constant 0 : i32
        %dma_start3A_422 = tpu.memref_slice %arg15[%add3A_404, %dma_start3A_421] : memref<10000x128xf32, #tpu.memory_space<vmem_shared>> -> memref<96x128xf32, #tpu.memory_space<vmem_shared>>
        %dma_start3A_423 = arith.constant 0 : i32
        %dma_start3A_424 = arith.constant 0 : i32
        %dma_start3A_425 = tpu.memref_slice %arg12[%dma_start3A_423, %dma_start3A_424] : memref<96x128xf32, #tpu.memory_space<vmem>> -> memref<96x128xf32, #tpu.memory_space<vmem>>
        tpu.enqueue_dma source(%dma_start3A_425 : memref<96x128xf32, #tpu.memory_space<vmem>>) target(%dma_start3A_422 : memref<96x128xf32, #tpu.memory_space<vmem_shared>>) target_semaphore(%run_scoped3A_415 : memref<!tpu.dma_semaphore, #tpu.memory_space<semaphore_mem>>)
        %dma_wait3A_426 = arith.constant 0 : i32
        %dma_wait3A_427 = arith.constant 0 : i32
        %dma_wait3A_428 = tpu.memref_slice %arg12[%dma_wait3A_426, %dma_wait3A_427] : memref<96x128xf32, #tpu.memory_space<vmem>> -> memref<96x128xf32, #tpu.memory_space<vmem>>
        %dma_wait3A_429 = arith.constant 0 : i32
        %dma_wait3A_430 = tpu.memref_slice %arg15[%add3A_404, %dma_wait3A_429] : memref<10000x128xf32, #tpu.memory_space<vmem_shared>> -> memref<96x128xf32, #tpu.memory_space<vmem_shared>>
        %dma_wait3A_431 = arith.constant 0 : i32
        %dma_wait3A_432 = tpu.memref_slice %arg15[%add3A_404, %dma_wait3A_431] : memref<10000x128xf32, #tpu.memory_space<vmem_shared>> -> memref<96x128xf32, #tpu.memory_space<vmem_shared>>
        %dma_wait3A_433 = arith.constant 0 : i32
        %dma_wait3A_434 = arith.constant 0 : i32
        %dma_wait3A_435 = tpu.memref_slice %arg12[%dma_wait3A_433, %dma_wait3A_434] : memref<96x128xf32, #tpu.memory_space<vmem>> -> memref<96x128xf32, #tpu.memory_space<vmem>>
        tpu.wait_dma2 semaphore(%run_scoped3A_415 : memref<!tpu.dma_semaphore, #tpu.memory_space<semaphore_mem>>) src(%dma_wait3A_435 : memref<96x128xf32, #tpu.memory_space<vmem>>) dst(%dma_wait3A_432 : memref<96x128xf32, #tpu.memory_space<vmem_shared>>)
        tpu.yield
      }) : () -> ()
      %add3A_405 = arith.constant 192 : i32
      %add3A_406 = arith.addi %multiple_of3A, %add3A_405 : i32
      "tpu.region"() ({
        %run_scoped3A_415 = tpu.sem_alloc : memref<!tpu.dma_semaphore, #tpu.memory_space<semaphore_mem>>
        %dma_start3A_416 = arith.constant 0 : i32
        %dma_start3A_417 = arith.constant 0 : i32
        %dma_start3A_418 = tpu.memref_slice %arg12[%dma_start3A_416, %dma_start3A_417] : memref<96x128xf32, #tpu.memory_space<vmem>> -> memref<96x128xf32, #tpu.memory_space<vmem>>
        %dma_start3A_419 = arith.constant 0 : i32
        %dma_start3A_420 = tpu.memref_slice %arg15[%add3A_406, %dma_start3A_419] : memref<10000x128xf32, #tpu.memory_space<vmem_shared>> -> memref<96x128xf32, #tpu.memory_space<vmem_shared>>
        %dma_start3A_421 = arith.constant 0 : i32
        %dma_start3A_422 = tpu.memref_slice %arg15[%add3A_406, %dma_start3A_421] : memref<10000x128xf32, #tpu.memory_space<vmem_shared>> -> memref<96x128xf32, #tpu.memory_space<vmem_shared>>
        %dma_start3A_423 = arith.constant 0 : i32
        %dma_start3A_424 = arith.constant 0 : i32
        %dma_start3A_425 = tpu.memref_slice %arg12[%dma_start3A_423, %dma_start3A_424] : memref<96x128xf32, #tpu.memory_space<vmem>> -> memref<96x128xf32, #tpu.memory_space<vmem>>
        tpu.enqueue_dma source(%dma_start3A_425 : memref<96x128xf32, #tpu.memory_space<vmem>>) target(%dma_start3A_422 : memref<96x128xf32, #tpu.memory_space<vmem_shared>>) target_semaphore(%run_scoped3A_415 : memref<!tpu.dma_semaphore, #tpu.memory_space<semaphore_mem>>)
        %dma_wait3A_426 = arith.constant 0 : i32
        %dma_wait3A_427 = arith.constant 0 : i32
        %dma_wait3A_428 = tpu.memref_slice %arg12[%dma_wait3A_426, %dma_wait3A_427] : memref<96x128xf32, #tpu.memory_space<vmem>> -> memref<96x128xf32, #tpu.memory_space<vmem>>
        %dma_wait3A_429 = arith.constant 0 : i32
        %dma_wait3A_430 = tpu.memref_slice %arg15[%add3A_406, %dma_wait3A_429] : memref<10000x128xf32, #tpu.memory_space<vmem_shared>> -> memref<96x128xf32, #tpu.memory_space<vmem_shared>>
        %dma_wait3A_431 = arith.constant 0 : i32
        %dma_wait3A_432 = tpu.memref_slice %arg15[%add3A_406, %dma_wait3A_431] : memref<10000x128xf32, #tpu.memory_space<vmem_shared>> -> memref<96x128xf32, #tpu.memory_space<vmem_shared>>
        %dma_wait3A_433 = arith.constant 0 : i32
        %dma_wait3A_434 = arith.constant 0 : i32
        %dma_wait3A_435 = tpu.memref_slice %arg12[%dma_wait3A_433, %dma_wait3A_434] : memref<96x128xf32, #tpu.memory_space<vmem>> -> memref<96x128xf32, #tpu.memory_space<vmem>>
        tpu.wait_dma2 semaphore(%run_scoped3A_415 : memref<!tpu.dma_semaphore, #tpu.memory_space<semaphore_mem>>) src(%dma_wait3A_435 : memref<96x128xf32, #tpu.memory_space<vmem>>) dst(%dma_wait3A_432 : memref<96x128xf32, #tpu.memory_space<vmem_shared>>)
        tpu.yield
      }) : () -> ()
      %add3A_407 = arith.constant 288 : i32
      %add3A_408 = arith.addi %multiple_of3A, %add3A_407 : i32
      "tpu.region"() ({
        %run_scoped3A_415 = tpu.sem_alloc : memref<!tpu.dma_semaphore, #tpu.memory_space<semaphore_mem>>
        %dma_start3A_416 = arith.constant 0 : i32
        %dma_start3A_417 = arith.constant 0 : i32
        %dma_start3A_418 = tpu.memref_slice %arg12[%dma_start3A_416, %dma_start3A_417] : memref<96x128xf32, #tpu.memory_space<vmem>> -> memref<96x128xf32, #tpu.memory_space<vmem>>
        %dma_start3A_419 = arith.constant 0 : i32
        %dma_start3A_420 = tpu.memref_slice %arg15[%add3A_408, %dma_start3A_419] : memref<10000x128xf32, #tpu.memory_space<vmem_shared>> -> memref<96x128xf32, #tpu.memory_space<vmem_shared>>
        %dma_start3A_421 = arith.constant 0 : i32
        %dma_start3A_422 = tpu.memref_slice %arg15[%add3A_408, %dma_start3A_421] : memref<10000x128xf32, #tpu.memory_space<vmem_shared>> -> memref<96x128xf32, #tpu.memory_space<vmem_shared>>
        %dma_start3A_423 = arith.constant 0 : i32
        %dma_start3A_424 = arith.constant 0 : i32
        %dma_start3A_425 = tpu.memref_slice %arg12[%dma_start3A_423, %dma_start3A_424] : memref<96x128xf32, #tpu.memory_space<vmem>> -> memref<96x128xf32, #tpu.memory_space<vmem>>
        tpu.enqueue_dma source(%dma_start3A_425 : memref<96x128xf32, #tpu.memory_space<vmem>>) target(%dma_start3A_422 : memref<96x128xf32, #tpu.memory_space<vmem_shared>>) target_semaphore(%run_scoped3A_415 : memref<!tpu.dma_semaphore, #tpu.memory_space<semaphore_mem>>)
        %dma_wait3A_426 = arith.constant 0 : i32
        %dma_wait3A_427 = arith.constant 0 : i32
        %dma_wait3A_428 = tpu.memref_slice %arg12[%dma_wait3A_426, %dma_wait3A_427] : memref<96x128xf32, #tpu.memory_space<vmem>> -> memref<96x128xf32, #tpu.memory_space<vmem>>
        %dma_wait3A_429 = arith.constant 0 : i32
        %dma_wait3A_430 = tpu.memref_slice %arg15[%add3A_408, %dma_wait3A_429] : memref<10000x128xf32, #tpu.memory_space<vmem_shared>> -> memref<96x128xf32, #tpu.memory_space<vmem_shared>>
        %dma_wait3A_431 = arith.constant 0 : i32
        %dma_wait3A_432 = tpu.memref_slice %arg15[%add3A_408, %dma_wait3A_431] : memref<10000x128xf32, #tpu.memory_space<vmem_shared>> -> memref<96x128xf32, #tpu.memory_space<vmem_shared>>
        %dma_wait3A_433 = arith.constant 0 : i32
        %dma_wait3A_434 = arith.constant 0 : i32
        %dma_wait3A_435 = tpu.memref_slice %arg12[%dma_wait3A_433, %dma_wait3A_434] : memref<96x128xf32, #tpu.memory_space<vmem>> -> memref<96x128xf32, #tpu.memory_space<vmem>>
        tpu.wait_dma2 semaphore(%run_scoped3A_415 : memref<!tpu.dma_semaphore, #tpu.memory_space<semaphore_mem>>) src(%dma_wait3A_435 : memref<96x128xf32, #tpu.memory_space<vmem>>) dst(%dma_wait3A_432 : memref<96x128xf32, #tpu.memory_space<vmem_shared>>)
        tpu.yield
      }) : () -> ()
      %add3A_409 = arith.constant 384 : i32
      %add3A_410 = arith.addi %multiple_of3A, %add3A_409 : i32
      "tpu.region"() ({
        %run_scoped3A_415 = tpu.sem_alloc : memref<!tpu.dma_semaphore, #tpu.memory_space<semaphore_mem>>
        %dma_start3A_416 = arith.constant 0 : i32
        %dma_start3A_417 = arith.constant 0 : i32
        %dma_start3A_418 = tpu.memref_slice %arg12[%dma_start3A_416, %dma_start3A_417] : memref<96x128xf32, #tpu.memory_space<vmem>> -> memref<96x128xf32, #tpu.memory_space<vmem>>
        %dma_start3A_419 = arith.constant 0 : i32
        %dma_start3A_420 = tpu.memref_slice %arg15[%add3A_410, %dma_start3A_419] : memref<10000x128xf32, #tpu.memory_space<vmem_shared>> -> memref<96x128xf32, #tpu.memory_space<vmem_shared>>
        %dma_start3A_421 = arith.constant 0 : i32
        %dma_start3A_422 = tpu.memref_slice %arg15[%add3A_410, %dma_start3A_421] : memref<10000x128xf32, #tpu.memory_space<vmem_shared>> -> memref<96x128xf32, #tpu.memory_space<vmem_shared>>
        %dma_start3A_423 = arith.constant 0 : i32
        %dma_start3A_424 = arith.constant 0 : i32
        %dma_start3A_425 = tpu.memref_slice %arg12[%dma_start3A_423, %dma_start3A_424] : memref<96x128xf32, #tpu.memory_space<vmem>> -> memref<96x128xf32, #tpu.memory_space<vmem>>
        tpu.enqueue_dma source(%dma_start3A_425 : memref<96x128xf32, #tpu.memory_space<vmem>>) target(%dma_start3A_422 : memref<96x128xf32, #tpu.memory_space<vmem_shared>>) target_semaphore(%run_scoped3A_415 : memref<!tpu.dma_semaphore, #tpu.memory_space<semaphore_mem>>)
        %dma_wait3A_426 = arith.constant 0 : i32
        %dma_wait3A_427 = arith.constant 0 : i32
        %dma_wait3A_428 = tpu.memref_slice %arg12[%dma_wait3A_426, %dma_wait3A_427] : memref<96x128xf32, #tpu.memory_space<vmem>> -> memref<96x128xf32, #tpu.memory_space<vmem>>
        %dma_wait3A_429 = arith.constant 0 : i32
        %dma_wait3A_430 = tpu.memref_slice %arg15[%add3A_410, %dma_wait3A_429] : memref<10000x128xf32, #tpu.memory_space<vmem_shared>> -> memref<96x128xf32, #tpu.memory_space<vmem_shared>>
        %dma_wait3A_431 = arith.constant 0 : i32
        %dma_wait3A_432 = tpu.memref_slice %arg15[%add3A_410, %dma_wait3A_431] : memref<10000x128xf32, #tpu.memory_space<vmem_shared>> -> memref<96x128xf32, #tpu.memory_space<vmem_shared>>
        %dma_wait3A_433 = arith.constant 0 : i32
        %dma_wait3A_434 = arith.constant 0 : i32
        %dma_wait3A_435 = tpu.memref_slice %arg12[%dma_wait3A_433, %dma_wait3A_434] : memref<96x128xf32, #tpu.memory_space<vmem>> -> memref<96x128xf32, #tpu.memory_space<vmem>>
        tpu.wait_dma2 semaphore(%run_scoped3A_415 : memref<!tpu.dma_semaphore, #tpu.memory_space<semaphore_mem>>) src(%dma_wait3A_435 : memref<96x128xf32, #tpu.memory_space<vmem>>) dst(%dma_wait3A_432 : memref<96x128xf32, #tpu.memory_space<vmem_shared>>)
        tpu.yield
      }) : () -> ()
      %add3A_411 = arith.constant 480 : i32
      %add3A_412 = arith.addi %multiple_of3A, %add3A_411 : i32
      "tpu.region"() ({
        %run_scoped3A_415 = tpu.sem_alloc : memref<!tpu.dma_semaphore, #tpu.memory_space<semaphore_mem>>
        %dma_start3A_416 = arith.constant 0 : i32
        %dma_start3A_417 = arith.constant 0 : i32
        %dma_start3A_418 = tpu.memref_slice %arg12[%dma_start3A_416, %dma_start3A_417] : memref<96x128xf32, #tpu.memory_space<vmem>> -> memref<96x128xf32, #tpu.memory_space<vmem>>
        %dma_start3A_419 = arith.constant 0 : i32
        %dma_start3A_420 = tpu.memref_slice %arg15[%add3A_412, %dma_start3A_419] : memref<10000x128xf32, #tpu.memory_space<vmem_shared>> -> memref<96x128xf32, #tpu.memory_space<vmem_shared>>
        %dma_start3A_421 = arith.constant 0 : i32
        %dma_start3A_422 = tpu.memref_slice %arg15[%add3A_412, %dma_start3A_421] : memref<10000x128xf32, #tpu.memory_space<vmem_shared>> -> memref<96x128xf32, #tpu.memory_space<vmem_shared>>
        %dma_start3A_423 = arith.constant 0 : i32
        %dma_start3A_424 = arith.constant 0 : i32
        %dma_start3A_425 = tpu.memref_slice %arg12[%dma_start3A_423, %dma_start3A_424] : memref<96x128xf32, #tpu.memory_space<vmem>> -> memref<96x128xf32, #tpu.memory_space<vmem>>
        tpu.enqueue_dma source(%dma_start3A_425 : memref<96x128xf32, #tpu.memory_space<vmem>>) target(%dma_start3A_422 : memref<96x128xf32, #tpu.memory_space<vmem_shared>>) target_semaphore(%run_scoped3A_415 : memref<!tpu.dma_semaphore, #tpu.memory_space<semaphore_mem>>)
        %dma_wait3A_426 = arith.constant 0 : i32
        %dma_wait3A_427 = arith.constant 0 : i32
        %dma_wait3A_428 = tpu.memref_slice %arg12[%dma_wait3A_426, %dma_wait3A_427] : memref<96x128xf32, #tpu.memory_space<vmem>> -> memref<96x128xf32, #tpu.memory_space<vmem>>
        %dma_wait3A_429 = arith.constant 0 : i32
        %dma_wait3A_430 = tpu.memref_slice %arg15[%add3A_412, %dma_wait3A_429] : memref<10000x128xf32, #tpu.memory_space<vmem_shared>> -> memref<96x128xf32, #tpu.memory_space<vmem_shared>>
        %dma_wait3A_431 = arith.constant 0 : i32
        %dma_wait3A_432 = tpu.memref_slice %arg15[%add3A_412, %dma_wait3A_431] : memref<10000x128xf32, #tpu.memory_space<vmem_shared>> -> memref<96x128xf32, #tpu.memory_space<vmem_shared>>
        %dma_wait3A_433 = arith.constant 0 : i32
        %dma_wait3A_434 = arith.constant 0 : i32
        %dma_wait3A_435 = tpu.memref_slice %arg12[%dma_wait3A_433, %dma_wait3A_434] : memref<96x128xf32, #tpu.memory_space<vmem>> -> memref<96x128xf32, #tpu.memory_space<vmem>>
        tpu.wait_dma2 semaphore(%run_scoped3A_415 : memref<!tpu.dma_semaphore, #tpu.memory_space<semaphore_mem>>) src(%dma_wait3A_435 : memref<96x128xf32, #tpu.memory_space<vmem>>) dst(%dma_wait3A_432 : memref<96x128xf32, #tpu.memory_space<vmem_shared>>)
        tpu.yield
      }) : () -> ()
      %add3A_413 = arith.constant 576 : i32
      %add3A_414 = arith.addi %multiple_of3A, %add3A_413 : i32
      "tpu.region"() ({
        %run_scoped3A_415 = tpu.sem_alloc : memref<!tpu.dma_semaphore, #tpu.memory_space<semaphore_mem>>
        %dma_start3A_416 = arith.constant 0 : i32
        %dma_start3A_417 = arith.constant 0 : i32
        %dma_start3A_418 = tpu.memref_slice %arg12[%dma_start3A_416, %dma_start3A_417] : memref<96x128xf32, #tpu.memory_space<vmem>> -> memref<56x128xf32, #tpu.memory_space<vmem>>
        %dma_start3A_419 = arith.constant 0 : i32
        %dma_start3A_420 = tpu.memref_slice %arg15[%add3A_414, %dma_start3A_419] : memref<10000x128xf32, #tpu.memory_space<vmem_shared>> -> memref<56x128xf32, #tpu.memory_space<vmem_shared>>
        %dma_start3A_421 = arith.constant 0 : i32
        %dma_start3A_422 = tpu.memref_slice %arg15[%add3A_414, %dma_start3A_421] : memref<10000x128xf32, #tpu.memory_space<vmem_shared>> -> memref<56x128xf32, #tpu.memory_space<vmem_shared>>
        %dma_start3A_423 = arith.constant 0 : i32
        %dma_start3A_424 = arith.constant 0 : i32
        %dma_start3A_425 = tpu.memref_slice %arg12[%dma_start3A_423, %dma_start3A_424] : memref<96x128xf32, #tpu.memory_space<vmem>> -> memref<56x128xf32, #tpu.memory_space<vmem>>
        tpu.enqueue_dma source(%dma_start3A_425 : memref<56x128xf32, #tpu.memory_space<vmem>>) target(%dma_start3A_422 : memref<56x128xf32, #tpu.memory_space<vmem_shared>>) target_semaphore(%run_scoped3A_415 : memref<!tpu.dma_semaphore, #tpu.memory_space<semaphore_mem>>)
        %dma_wait3A_426 = arith.constant 0 : i32
        %dma_wait3A_427 = arith.constant 0 : i32
        %dma_wait3A_428 = tpu.memref_slice %arg12[%dma_wait3A_426, %dma_wait3A_427] : memref<96x128xf32, #tpu.memory_space<vmem>> -> memref<56x128xf32, #tpu.memory_space<vmem>>
        %dma_wait3A_429 = arith.constant 0 : i32
        %dma_wait3A_430 = tpu.memref_slice %arg15[%add3A_414, %dma_wait3A_429] : memref<10000x128xf32, #tpu.memory_space<vmem_shared>> -> memref<56x128xf32, #tpu.memory_space<vmem_shared>>
        %dma_wait3A_431 = arith.constant 0 : i32
        %dma_wait3A_432 = tpu.memref_slice %arg15[%add3A_414, %dma_wait3A_431] : memref<10000x128xf32, #tpu.memory_space<vmem_shared>> -> memref<56x128xf32, #tpu.memory_space<vmem_shared>>
        %dma_wait3A_433 = arith.constant 0 : i32
        %dma_wait3A_434 = arith.constant 0 : i32
        %dma_wait3A_435 = tpu.memref_slice %arg12[%dma_wait3A_433, %dma_wait3A_434] : memref<96x128xf32, #tpu.memory_space<vmem>> -> memref<56x128xf32, #tpu.memory_space<vmem>>
        tpu.wait_dma2 semaphore(%run_scoped3A_415 : memref<!tpu.dma_semaphore, #tpu.memory_space<semaphore_mem>>) src(%dma_wait3A_435 : memref<56x128xf32, #tpu.memory_space<vmem>>) dst(%dma_wait3A_432 : memref<56x128xf32, #tpu.memory_space<vmem_shared>>)
        tpu.yield
      }) : () -> ()
    } else {
    }
    %eq3A = arith.constant 15 : i32
    %eq3A_40 = arith.cmpi eq, %arg1, %eq3A : i32
    %convert_element_type3A_41 = arith.extui %eq3A_40 : i1 to i32
    %cond3A_42 = arith.constant 0 : i32
    %cond3A_43 = arith.cmpi ne, %convert_element_type3A_41, %cond3A_42 : i32
    scf.if %cond3A_43 {
      "tpu.region"() ({
        %run_scoped3A_401 = tpu.sem_alloc : memref<!tpu.dma_semaphore, #tpu.memory_space<semaphore_mem>>
        %dma_start3A_402 = arith.constant 0 : i32
        %dma_start3A_403 = arith.constant 0 : i32
        %dma_start3A_404 = tpu.memref_slice %arg12[%dma_start3A_402, %dma_start3A_403] : memref<96x128xf32, #tpu.memory_space<vmem>> -> memref<96x128xf32, #tpu.memory_space<vmem>>
        %dma_start3A_405 = arith.constant 9480 : i32
        %dma_start3A_406 = arith.constant 0 : i32
        %dma_start3A_407 = tpu.memref_slice %arg15[%dma_start3A_405, %dma_start3A_406] : memref<10000x128xf32, #tpu.memory_space<vmem_shared>> -> memref<96x128xf32, #tpu.memory_space<vmem_shared>>
        %dma_start3A_408 = arith.constant 9480 : i32
        %dma_start3A_409 = arith.constant 0 : i32
        %dma_start3A_410 = tpu.memref_slice %arg15[%dma_start3A_408, %dma_start3A_409] : memref<10000x128xf32, #tpu.memory_space<vmem_shared>> -> memref<96x128xf32, #tpu.memory_space<vmem_shared>>
        %dma_start3A_411 = arith.constant 0 : i32
        %dma_start3A_412 = arith.constant 0 : i32
        %dma_start3A_413 = tpu.memref_slice %arg12[%dma_start3A_411, %dma_start3A_412] : memref<96x128xf32, #tpu.memory_space<vmem>> -> memref<96x128xf32, #tpu.memory_space<vmem>>
        tpu.enqueue_dma source(%dma_start3A_413 : memref<96x128xf32, #tpu.memory_space<vmem>>) target(%dma_start3A_410 : memref<96x128xf32, #tpu.memory_space<vmem_shared>>) target_semaphore(%run_scoped3A_401 : memref<!tpu.dma_semaphore, #tpu.memory_space<semaphore_mem>>)
        %dma_wait3A_414 = arith.constant 0 : i32
        %dma_wait3A_415 = arith.constant 0 : i32
        %dma_wait3A_416 = tpu.memref_slice %arg12[%dma_wait3A_414, %dma_wait3A_415] : memref<96x128xf32, #tpu.memory_space<vmem>> -> memref<96x128xf32, #tpu.memory_space<vmem>>
        %dma_wait3A_417 = arith.constant 9480 : i32
        %dma_wait3A_418 = arith.constant 0 : i32
        %dma_wait3A_419 = tpu.memref_slice %arg15[%dma_wait3A_417, %dma_wait3A_418] : memref<10000x128xf32, #tpu.memory_space<vmem_shared>> -> memref<96x128xf32, #tpu.memory_space<vmem_shared>>
        %dma_wait3A_420 = arith.constant 9480 : i32
        %dma_wait3A_421 = arith.constant 0 : i32
        %dma_wait3A_422 = tpu.memref_slice %arg15[%dma_wait3A_420, %dma_wait3A_421] : memref<10000x128xf32, #tpu.memory_space<vmem_shared>> -> memref<96x128xf32, #tpu.memory_space<vmem_shared>>
        %dma_wait3A_423 = arith.constant 0 : i32
        %dma_wait3A_424 = arith.constant 0 : i32
        %dma_wait3A_425 = tpu.memref_slice %arg12[%dma_wait3A_423, %dma_wait3A_424] : memref<96x128xf32, #tpu.memory_space<vmem>> -> memref<96x128xf32, #tpu.memory_space<vmem>>
        tpu.wait_dma2 semaphore(%run_scoped3A_401 : memref<!tpu.dma_semaphore, #tpu.memory_space<semaphore_mem>>) src(%dma_wait3A_425 : memref<96x128xf32, #tpu.memory_space<vmem>>) dst(%dma_wait3A_422 : memref<96x128xf32, #tpu.memory_space<vmem_shared>>)
        tpu.yield
      }) : () -> ()
      "tpu.region"() ({
        %run_scoped3A_401 = tpu.sem_alloc : memref<!tpu.dma_semaphore, #tpu.memory_space<semaphore_mem>>
        %dma_start3A_402 = arith.constant 0 : i32
        %dma_start3A_403 = arith.constant 0 : i32
        %dma_start3A_404 = tpu.memref_slice %arg12[%dma_start3A_402, %dma_start3A_403] : memref<96x128xf32, #tpu.memory_space<vmem>> -> memref<96x128xf32, #tpu.memory_space<vmem>>
        %dma_start3A_405 = arith.constant 9576 : i32
        %dma_start3A_406 = arith.constant 0 : i32
        %dma_start3A_407 = tpu.memref_slice %arg15[%dma_start3A_405, %dma_start3A_406] : memref<10000x128xf32, #tpu.memory_space<vmem_shared>> -> memref<96x128xf32, #tpu.memory_space<vmem_shared>>
        %dma_start3A_408 = arith.constant 9576 : i32
        %dma_start3A_409 = arith.constant 0 : i32
        %dma_start3A_410 = tpu.memref_slice %arg15[%dma_start3A_408, %dma_start3A_409] : memref<10000x128xf32, #tpu.memory_space<vmem_shared>> -> memref<96x128xf32, #tpu.memory_space<vmem_shared>>
        %dma_start3A_411 = arith.constant 0 : i32
        %dma_start3A_412 = arith.constant 0 : i32
        %dma_start3A_413 = tpu.memref_slice %arg12[%dma_start3A_411, %dma_start3A_412] : memref<96x128xf32, #tpu.memory_space<vmem>> -> memref<96x128xf32, #tpu.memory_space<vmem>>
        tpu.enqueue_dma source(%dma_start3A_413 : memref<96x128xf32, #tpu.memory_space<vmem>>) target(%dma_start3A_410 : memref<96x128xf32, #tpu.memory_space<vmem_shared>>) target_semaphore(%run_scoped3A_401 : memref<!tpu.dma_semaphore, #tpu.memory_space<semaphore_mem>>)
        %dma_wait3A_414 = arith.constant 0 : i32
        %dma_wait3A_415 = arith.constant 0 : i32
        %dma_wait3A_416 = tpu.memref_slice %arg12[%dma_wait3A_414, %dma_wait3A_415] : memref<96x128xf32, #tpu.memory_space<vmem>> -> memref<96x128xf32, #tpu.memory_space<vmem>>
        %dma_wait3A_417 = arith.constant 9576 : i32
        %dma_wait3A_418 = arith.constant 0 : i32
        %dma_wait3A_419 = tpu.memref_slice %arg15[%dma_wait3A_417, %dma_wait3A_418] : memref<10000x128xf32, #tpu.memory_space<vmem_shared>> -> memref<96x128xf32, #tpu.memory_space<vmem_shared>>
        %dma_wait3A_420 = arith.constant 9576 : i32
        %dma_wait3A_421 = arith.constant 0 : i32
        %dma_wait3A_422 = tpu.memref_slice %arg15[%dma_wait3A_420, %dma_wait3A_421] : memref<10000x128xf32, #tpu.memory_space<vmem_shared>> -> memref<96x128xf32, #tpu.memory_space<vmem_shared>>
        %dma_wait3A_423 = arith.constant 0 : i32
        %dma_wait3A_424 = arith.constant 0 : i32
        %dma_wait3A_425 = tpu.memref_slice %arg12[%dma_wait3A_423, %dma_wait3A_424] : memref<96x128xf32, #tpu.memory_space<vmem>> -> memref<96x128xf32, #tpu.memory_space<vmem>>
        tpu.wait_dma2 semaphore(%run_scoped3A_401 : memref<!tpu.dma_semaphore, #tpu.memory_space<semaphore_mem>>) src(%dma_wait3A_425 : memref<96x128xf32, #tpu.memory_space<vmem>>) dst(%dma_wait3A_422 : memref<96x128xf32, #tpu.memory_space<vmem_shared>>)
        tpu.yield
      }) : () -> ()
      "tpu.region"() ({
        %run_scoped3A_401 = tpu.sem_alloc : memref<!tpu.dma_semaphore, #tpu.memory_space<semaphore_mem>>
        %dma_start3A_402 = arith.constant 0 : i32
        %dma_start3A_403 = arith.constant 0 : i32
        %dma_start3A_404 = tpu.memref_slice %arg12[%dma_start3A_402, %dma_start3A_403] : memref<96x128xf32, #tpu.memory_space<vmem>> -> memref<96x128xf32, #tpu.memory_space<vmem>>
        %dma_start3A_405 = arith.constant 9672 : i32
        %dma_start3A_406 = arith.constant 0 : i32
        %dma_start3A_407 = tpu.memref_slice %arg15[%dma_start3A_405, %dma_start3A_406] : memref<10000x128xf32, #tpu.memory_space<vmem_shared>> -> memref<96x128xf32, #tpu.memory_space<vmem_shared>>
        %dma_start3A_408 = arith.constant 9672 : i32
        %dma_start3A_409 = arith.constant 0 : i32
        %dma_start3A_410 = tpu.memref_slice %arg15[%dma_start3A_408, %dma_start3A_409] : memref<10000x128xf32, #tpu.memory_space<vmem_shared>> -> memref<96x128xf32, #tpu.memory_space<vmem_shared>>
        %dma_start3A_411 = arith.constant 0 : i32
        %dma_start3A_412 = arith.constant 0 : i32
        %dma_start3A_413 = tpu.memref_slice %arg12[%dma_start3A_411, %dma_start3A_412] : memref<96x128xf32, #tpu.memory_space<vmem>> -> memref<96x128xf32, #tpu.memory_space<vmem>>
        tpu.enqueue_dma source(%dma_start3A_413 : memref<96x128xf32, #tpu.memory_space<vmem>>) target(%dma_start3A_410 : memref<96x128xf32, #tpu.memory_space<vmem_shared>>) target_semaphore(%run_scoped3A_401 : memref<!tpu.dma_semaphore, #tpu.memory_space<semaphore_mem>>)
        %dma_wait3A_414 = arith.constant 0 : i32
        %dma_wait3A_415 = arith.constant 0 : i32
        %dma_wait3A_416 = tpu.memref_slice %arg12[%dma_wait3A_414, %dma_wait3A_415] : memref<96x128xf32, #tpu.memory_space<vmem>> -> memref<96x128xf32, #tpu.memory_space<vmem>>
        %dma_wait3A_417 = arith.constant 9672 : i32
        %dma_wait3A_418 = arith.constant 0 : i32
        %dma_wait3A_419 = tpu.memref_slice %arg15[%dma_wait3A_417, %dma_wait3A_418] : memref<10000x128xf32, #tpu.memory_space<vmem_shared>> -> memref<96x128xf32, #tpu.memory_space<vmem_shared>>
        %dma_wait3A_420 = arith.constant 9672 : i32
        %dma_wait3A_421 = arith.constant 0 : i32
        %dma_wait3A_422 = tpu.memref_slice %arg15[%dma_wait3A_420, %dma_wait3A_421] : memref<10000x128xf32, #tpu.memory_space<vmem_shared>> -> memref<96x128xf32, #tpu.memory_space<vmem_shared>>
        %dma_wait3A_423 = arith.constant 0 : i32
        %dma_wait3A_424 = arith.constant 0 : i32
        %dma_wait3A_425 = tpu.memref_slice %arg12[%dma_wait3A_423, %dma_wait3A_424] : memref<96x128xf32, #tpu.memory_space<vmem>> -> memref<96x128xf32, #tpu.memory_space<vmem>>
        tpu.wait_dma2 semaphore(%run_scoped3A_401 : memref<!tpu.dma_semaphore, #tpu.memory_space<semaphore_mem>>) src(%dma_wait3A_425 : memref<96x128xf32, #tpu.memory_space<vmem>>) dst(%dma_wait3A_422 : memref<96x128xf32, #tpu.memory_space<vmem_shared>>)
        tpu.yield
      }) : () -> ()
      "tpu.region"() ({
        %run_scoped3A_401 = tpu.sem_alloc : memref<!tpu.dma_semaphore, #tpu.memory_space<semaphore_mem>>
        %dma_start3A_402 = arith.constant 0 : i32
        %dma_start3A_403 = arith.constant 0 : i32
        %dma_start3A_404 = tpu.memref_slice %arg12[%dma_start3A_402, %dma_start3A_403] : memref<96x128xf32, #tpu.memory_space<vmem>> -> memref<96x128xf32, #tpu.memory_space<vmem>>
        %dma_start3A_405 = arith.constant 9768 : i32
        %dma_start3A_406 = arith.constant 0 : i32
        %dma_start3A_407 = tpu.memref_slice %arg15[%dma_start3A_405, %dma_start3A_406] : memref<10000x128xf32, #tpu.memory_space<vmem_shared>> -> memref<96x128xf32, #tpu.memory_space<vmem_shared>>
        %dma_start3A_408 = arith.constant 9768 : i32
        %dma_start3A_409 = arith.constant 0 : i32
        %dma_start3A_410 = tpu.memref_slice %arg15[%dma_start3A_408, %dma_start3A_409] : memref<10000x128xf32, #tpu.memory_space<vmem_shared>> -> memref<96x128xf32, #tpu.memory_space<vmem_shared>>
        %dma_start3A_411 = arith.constant 0 : i32
        %dma_start3A_412 = arith.constant 0 : i32
        %dma_start3A_413 = tpu.memref_slice %arg12[%dma_start3A_411, %dma_start3A_412] : memref<96x128xf32, #tpu.memory_space<vmem>> -> memref<96x128xf32, #tpu.memory_space<vmem>>
        tpu.enqueue_dma source(%dma_start3A_413 : memref<96x128xf32, #tpu.memory_space<vmem>>) target(%dma_start3A_410 : memref<96x128xf32, #tpu.memory_space<vmem_shared>>) target_semaphore(%run_scoped3A_401 : memref<!tpu.dma_semaphore, #tpu.memory_space<semaphore_mem>>)
        %dma_wait3A_414 = arith.constant 0 : i32
        %dma_wait3A_415 = arith.constant 0 : i32
        %dma_wait3A_416 = tpu.memref_slice %arg12[%dma_wait3A_414, %dma_wait3A_415] : memref<96x128xf32, #tpu.memory_space<vmem>> -> memref<96x128xf32, #tpu.memory_space<vmem>>
        %dma_wait3A_417 = arith.constant 9768 : i32
        %dma_wait3A_418 = arith.constant 0 : i32
        %dma_wait3A_419 = tpu.memref_slice %arg15[%dma_wait3A_417, %dma_wait3A_418] : memref<10000x128xf32, #tpu.memory_space<vmem_shared>> -> memref<96x128xf32, #tpu.memory_space<vmem_shared>>
        %dma_wait3A_420 = arith.constant 9768 : i32
        %dma_wait3A_421 = arith.constant 0 : i32
        %dma_wait3A_422 = tpu.memref_slice %arg15[%dma_wait3A_420, %dma_wait3A_421] : memref<10000x128xf32, #tpu.memory_space<vmem_shared>> -> memref<96x128xf32, #tpu.memory_space<vmem_shared>>
        %dma_wait3A_423 = arith.constant 0 : i32
        %dma_wait3A_424 = arith.constant 0 : i32
        %dma_wait3A_425 = tpu.memref_slice %arg12[%dma_wait3A_423, %dma_wait3A_424] : memref<96x128xf32, #tpu.memory_space<vmem>> -> memref<96x128xf32, #tpu.memory_space<vmem>>
        tpu.wait_dma2 semaphore(%run_scoped3A_401 : memref<!tpu.dma_semaphore, #tpu.memory_space<semaphore_mem>>) src(%dma_wait3A_425 : memref<96x128xf32, #tpu.memory_space<vmem>>) dst(%dma_wait3A_422 : memref<96x128xf32, #tpu.memory_space<vmem_shared>>)
        tpu.yield
      }) : () -> ()
      "tpu.region"() ({
        %run_scoped3A_401 = tpu.sem_alloc : memref<!tpu.dma_semaphore, #tpu.memory_space<semaphore_mem>>
        %dma_start3A_402 = arith.constant 0 : i32
        %dma_start3A_403 = arith.constant 0 : i32
        %dma_start3A_404 = tpu.memref_slice %arg12[%dma_start3A_402, %dma_start3A_403] : memref<96x128xf32, #tpu.memory_space<vmem>> -> memref<96x128xf32, #tpu.memory_space<vmem>>
        %dma_start3A_405 = arith.constant 9864 : i32
        %dma_start3A_406 = arith.constant 0 : i32
        %dma_start3A_407 = tpu.memref_slice %arg15[%dma_start3A_405, %dma_start3A_406] : memref<10000x128xf32, #tpu.memory_space<vmem_shared>> -> memref<96x128xf32, #tpu.memory_space<vmem_shared>>
        %dma_start3A_408 = arith.constant 9864 : i32
        %dma_start3A_409 = arith.constant 0 : i32
        %dma_start3A_410 = tpu.memref_slice %arg15[%dma_start3A_408, %dma_start3A_409] : memref<10000x128xf32, #tpu.memory_space<vmem_shared>> -> memref<96x128xf32, #tpu.memory_space<vmem_shared>>
        %dma_start3A_411 = arith.constant 0 : i32
        %dma_start3A_412 = arith.constant 0 : i32
        %dma_start3A_413 = tpu.memref_slice %arg12[%dma_start3A_411, %dma_start3A_412] : memref<96x128xf32, #tpu.memory_space<vmem>> -> memref<96x128xf32, #tpu.memory_space<vmem>>
        tpu.enqueue_dma source(%dma_start3A_413 : memref<96x128xf32, #tpu.memory_space<vmem>>) target(%dma_start3A_410 : memref<96x128xf32, #tpu.memory_space<vmem_shared>>) target_semaphore(%run_scoped3A_401 : memref<!tpu.dma_semaphore, #tpu.memory_space<semaphore_mem>>)
        %dma_wait3A_414 = arith.constant 0 : i32
        %dma_wait3A_415 = arith.constant 0 : i32
        %dma_wait3A_416 = tpu.memref_slice %arg12[%dma_wait3A_414, %dma_wait3A_415] : memref<96x128xf32, #tpu.memory_space<vmem>> -> memref<96x128xf32, #tpu.memory_space<vmem>>
        %dma_wait3A_417 = arith.constant 9864 : i32
        %dma_wait3A_418 = arith.constant 0 : i32
        %dma_wait3A_419 = tpu.memref_slice %arg15[%dma_wait3A_417, %dma_wait3A_418] : memref<10000x128xf32, #tpu.memory_space<vmem_shared>> -> memref<96x128xf32, #tpu.memory_space<vmem_shared>>
        %dma_wait3A_420 = arith.constant 9864 : i32
        %dma_wait3A_421 = arith.constant 0 : i32
        %dma_wait3A_422 = tpu.memref_slice %arg15[%dma_wait3A_420, %dma_wait3A_421] : memref<10000x128xf32, #tpu.memory_space<vmem_shared>> -> memref<96x128xf32, #tpu.memory_space<vmem_shared>>
        %dma_wait3A_423 = arith.constant 0 : i32
        %dma_wait3A_424 = arith.constant 0 : i32
        %dma_wait3A_425 = tpu.memref_slice %arg12[%dma_wait3A_423, %dma_wait3A_424] : memref<96x128xf32, #tpu.memory_space<vmem>> -> memref<96x128xf32, #tpu.memory_space<vmem>>
        tpu.wait_dma2 semaphore(%run_scoped3A_401 : memref<!tpu.dma_semaphore, #tpu.memory_space<semaphore_mem>>) src(%dma_wait3A_425 : memref<96x128xf32, #tpu.memory_space<vmem>>) dst(%dma_wait3A_422 : memref<96x128xf32, #tpu.memory_space<vmem_shared>>)
        tpu.yield
      }) : () -> ()
      "tpu.region"() ({
        %run_scoped3A_401 = tpu.sem_alloc : memref<!tpu.dma_semaphore, #tpu.memory_space<semaphore_mem>>
        %dma_start3A_402 = arith.constant 0 : i32
        %dma_start3A_403 = arith.constant 0 : i32
        %dma_start3A_404 = tpu.memref_slice %arg12[%dma_start3A_402, %dma_start3A_403] : memref<96x128xf32, #tpu.memory_space<vmem>> -> memref<40x128xf32, #tpu.memory_space<vmem>>
        %dma_start3A_405 = arith.constant 9960 : i32
        %dma_start3A_406 = arith.constant 0 : i32
        %dma_start3A_407 = tpu.memref_slice %arg15[%dma_start3A_405, %dma_start3A_406] : memref<10000x128xf32, #tpu.memory_space<vmem_shared>> -> memref<40x128xf32, #tpu.memory_space<vmem_shared>>
        %dma_start3A_408 = arith.constant 9960 : i32
        %dma_start3A_409 = arith.constant 0 : i32
        %dma_start3A_410 = tpu.memref_slice %arg15[%dma_start3A_408, %dma_start3A_409] : memref<10000x128xf32, #tpu.memory_space<vmem_shared>> -> memref<40x128xf32, #tpu.memory_space<vmem_shared>>
        %dma_start3A_411 = arith.constant 0 : i32
        %dma_start3A_412 = arith.constant 0 : i32
        %dma_start3A_413 = tpu.memref_slice %arg12[%dma_start3A_411, %dma_start3A_412] : memref<96x128xf32, #tpu.memory_space<vmem>> -> memref<40x128xf32, #tpu.memory_space<vmem>>
        tpu.enqueue_dma source(%dma_start3A_413 : memref<40x128xf32, #tpu.memory_space<vmem>>) target(%dma_start3A_410 : memref<40x128xf32, #tpu.memory_space<vmem_shared>>) target_semaphore(%run_scoped3A_401 : memref<!tpu.dma_semaphore, #tpu.memory_space<semaphore_mem>>)
        %dma_wait3A_414 = arith.constant 0 : i32
        %dma_wait3A_415 = arith.constant 0 : i32
        %dma_wait3A_416 = tpu.memref_slice %arg12[%dma_wait3A_414, %dma_wait3A_415] : memref<96x128xf32, #tpu.memory_space<vmem>> -> memref<40x128xf32, #tpu.memory_space<vmem>>
        %dma_wait3A_417 = arith.constant 9960 : i32
        %dma_wait3A_418 = arith.constant 0 : i32
        %dma_wait3A_419 = tpu.memref_slice %arg15[%dma_wait3A_417, %dma_wait3A_418] : memref<10000x128xf32, #tpu.memory_space<vmem_shared>> -> memref<40x128xf32, #tpu.memory_space<vmem_shared>>
        %dma_wait3A_420 = arith.constant 9960 : i32
        %dma_wait3A_421 = arith.constant 0 : i32
        %dma_wait3A_422 = tpu.memref_slice %arg15[%dma_wait3A_420, %dma_wait3A_421] : memref<10000x128xf32, #tpu.memory_space<vmem_shared>> -> memref<40x128xf32, #tpu.memory_space<vmem_shared>>
        %dma_wait3A_423 = arith.constant 0 : i32
        %dma_wait3A_424 = arith.constant 0 : i32
        %dma_wait3A_425 = tpu.memref_slice %arg12[%dma_wait3A_423, %dma_wait3A_424] : memref<96x128xf32, #tpu.memory_space<vmem>> -> memref<40x128xf32, #tpu.memory_space<vmem>>
        tpu.wait_dma2 semaphore(%run_scoped3A_401 : memref<!tpu.dma_semaphore, #tpu.memory_space<semaphore_mem>>) src(%dma_wait3A_425 : memref<40x128xf32, #tpu.memory_space<vmem>>) dst(%dma_wait3A_422 : memref<40x128xf32, #tpu.memory_space<vmem_shared>>)
        tpu.yield
      }) : () -> ()
    } else {
    }
    %barrier3A = arith.constant 0 : index
    tpu.barrier barrier_id(%barrier3A)
    %dma_wait3A = arith.constant 0 : i32
    %dma_wait3A_44 = arith.constant 0 : i32
    %dma_wait3A_45 = arith.constant 0 : i32
    %dma_wait3A_46 = tpu.memref_slice %arg3[%add3A, %dma_wait3A, %dma_wait3A_44, %dma_wait3A_45] : memref<32x104x2x96xi32, #tpu.memory_space<hbm>> -> memref<1x1x2x96xi32, #tpu.memory_space<hbm>>
    %dma_wait3A_47 = tpu.memref_squeeze %dma_wait3A_46 : memref<1x1x2x96xi32, #tpu.memory_space<hbm>> -> memref<2x96xi32, #tpu.memory_space<hbm>>
    %dma_wait3A_48 = arith.constant 0 : i32
    %dma_wait3A_49 = arith.constant 0 : i32
    %dma_wait3A_50 = tpu.memref_slice %arg3[%add3A, %dma_wait3A, %dma_wait3A_48, %dma_wait3A_49] : memref<32x104x2x96xi32, #tpu.memory_space<hbm>> -> memref<1x1x2x96xi32, #tpu.memory_space<hbm>>
    %dma_wait3A_51 = tpu.memref_squeeze %dma_wait3A_50 : memref<1x1x2x96xi32, #tpu.memory_space<hbm>> -> memref<2x96xi32, #tpu.memory_space<hbm>>
    tpu.wait_dma2 semaphore(%arg16 : memref<!tpu.dma_semaphore, #tpu.memory_space<semaphore_mem>>) src(%dma_wait3A_51 : memref<2x96xi32, #tpu.memory_space<hbm>>) dst(%arg6 : memref<2x96xi32, #tpu.memory_space<vmem>>)
    %dma_start3A_52 = arith.constant 0 : i32
    %dma_start3A_53 = arith.constant 0 : i32
    %dma_start3A_54 = tpu.memref_slice %arg6[%dma_start3A_52, %dma_start3A_53] : memref<2x96xi32, #tpu.memory_space<vmem>> -> memref<1x96xi32, #tpu.memory_space<vmem>>
    %dma_start3A_55 = tpu.memref_squeeze %dma_start3A_54 : memref<1x96xi32, #tpu.memory_space<vmem>> -> memref<96xi32, #tpu.memory_space<vmem>>
    %dma_start3A_56 = arith.constant 0 : i32
    %dma_start3A_57 = arith.constant 0 : i32
    %dma_start3A_58 = tpu.memref_slice %arg2[%dma_start3A_56, %dma_start3A_57] : memref<10000x128xf32, #tpu.memory_space<hbm>> -> memref<10000x128xf32, #tpu.memory_space<hbm>>
    tpu.enqueue_indirect_dma source(%dma_start3A_58 : memref<10000x128xf32, #tpu.memory_space<hbm>>) target(%arg12 : memref<96x128xf32, #tpu.memory_space<vmem>>) offsets(%dma_start3A_55 : memref<96xi32, #tpu.memory_space<vmem>>) semaphore(%arg19 : memref<!tpu.dma_semaphore, #tpu.memory_space<semaphore_mem>>)
    %dma_wait3A_59 = arith.constant 1 : i32
    %dma_wait3A_60 = arith.constant 0 : i32
    %dma_wait3A_61 = arith.constant 0 : i32
    %dma_wait3A_62 = tpu.memref_slice %arg3[%add3A, %dma_wait3A_59, %dma_wait3A_60, %dma_wait3A_61] : memref<32x104x2x96xi32, #tpu.memory_space<hbm>> -> memref<1x1x2x96xi32, #tpu.memory_space<hbm>>
    %dma_wait3A_63 = tpu.memref_squeeze %dma_wait3A_62 : memref<1x1x2x96xi32, #tpu.memory_space<hbm>> -> memref<2x96xi32, #tpu.memory_space<hbm>>
    %dma_wait3A_64 = arith.constant 0 : i32
    %dma_wait3A_65 = arith.constant 0 : i32
    %dma_wait3A_66 = tpu.memref_slice %arg3[%add3A, %dma_wait3A_59, %dma_wait3A_64, %dma_wait3A_65] : memref<32x104x2x96xi32, #tpu.memory_space<hbm>> -> memref<1x1x2x96xi32, #tpu.memory_space<hbm>>
    %dma_wait3A_67 = tpu.memref_squeeze %dma_wait3A_66 : memref<1x1x2x96xi32, #tpu.memory_space<hbm>> -> memref<2x96xi32, #tpu.memory_space<hbm>>
    tpu.wait_dma2 semaphore(%arg17 : memref<!tpu.dma_semaphore, #tpu.memory_space<semaphore_mem>>) src(%dma_wait3A_67 : memref<2x96xi32, #tpu.memory_space<hbm>>) dst(%arg7 : memref<2x96xi32, #tpu.memory_space<vmem>>)
    %dma_start3A_68 = arith.constant 0 : i32
    %dma_start3A_69 = arith.constant 0 : i32
    %dma_start3A_70 = tpu.memref_slice %arg7[%dma_start3A_68, %dma_start3A_69] : memref<2x96xi32, #tpu.memory_space<vmem>> -> memref<1x96xi32, #tpu.memory_space<vmem>>
    %dma_start3A_71 = tpu.memref_squeeze %dma_start3A_70 : memref<1x96xi32, #tpu.memory_space<vmem>> -> memref<96xi32, #tpu.memory_space<vmem>>
    %dma_start3A_72 = arith.constant 0 : i32
    %dma_start3A_73 = arith.constant 0 : i32
    %dma_start3A_74 = tpu.memref_slice %arg2[%dma_start3A_72, %dma_start3A_73] : memref<10000x128xf32, #tpu.memory_space<hbm>> -> memref<10000x128xf32, #tpu.memory_space<hbm>>
    tpu.enqueue_indirect_dma source(%dma_start3A_74 : memref<10000x128xf32, #tpu.memory_space<hbm>>) target(%arg13 : memref<96x128xf32, #tpu.memory_space<vmem>>) offsets(%dma_start3A_71 : memref<96xi32, #tpu.memory_space<vmem>>) semaphore(%arg20 : memref<!tpu.dma_semaphore, #tpu.memory_space<semaphore_mem>>)
    %dma_wait3A_75 = arith.constant 0 : i32
    %dma_wait3A_76 = arith.constant 0 : i32
    %dma_wait3A_77 = tpu.memref_slice %arg6[%dma_wait3A_75, %dma_wait3A_76] : memref<2x96xi32, #tpu.memory_space<vmem>> -> memref<1x96xi32, #tpu.memory_space<vmem>>
    %dma_wait3A_78 = tpu.memref_squeeze %dma_wait3A_77 : memref<1x96xi32, #tpu.memory_space<vmem>> -> memref<96xi32, #tpu.memory_space<vmem>>
    %dma_wait3A_79 = arith.constant 0 : i32
    %dma_wait3A_80 = arith.constant 0 : i32
    %dma_wait3A_81 = tpu.memref_slice %arg2[%dma_wait3A_79, %dma_wait3A_80] : memref<10000x128xf32, #tpu.memory_space<hbm>> -> memref<10000x128xf32, #tpu.memory_space<hbm>>
    tpu.wait_indirect_dma semaphore(%arg19 : memref<!tpu.dma_semaphore, #tpu.memory_space<semaphore_mem>>) src(%dma_wait3A_81 : memref<10000x128xf32, #tpu.memory_space<hbm>>) dst(%arg12 : memref<96x128xf32, #tpu.memory_space<vmem>>)
    %dma_wait3A_82 = arith.constant 2 : i32
    %dma_wait3A_83 = arith.constant 0 : i32
    %dma_wait3A_84 = arith.constant 0 : i32
    %dma_wait3A_85 = tpu.memref_slice %arg3[%add3A, %dma_wait3A_82, %dma_wait3A_83, %dma_wait3A_84] : memref<32x104x2x96xi32, #tpu.memory_space<hbm>> -> memref<1x1x2x96xi32, #tpu.memory_space<hbm>>
    %dma_wait3A_86 = tpu.memref_squeeze %dma_wait3A_85 : memref<1x1x2x96xi32, #tpu.memory_space<hbm>> -> memref<2x96xi32, #tpu.memory_space<hbm>>
    %dma_wait3A_87 = arith.constant 0 : i32
    %dma_wait3A_88 = arith.constant 0 : i32
    %dma_wait3A_89 = tpu.memref_slice %arg3[%add3A, %dma_wait3A_82, %dma_wait3A_87, %dma_wait3A_88] : memref<32x104x2x96xi32, #tpu.memory_space<hbm>> -> memref<1x1x2x96xi32, #tpu.memory_space<hbm>>
    %dma_wait3A_90 = tpu.memref_squeeze %dma_wait3A_89 : memref<1x1x2x96xi32, #tpu.memory_space<hbm>> -> memref<2x96xi32, #tpu.memory_space<hbm>>
    tpu.wait_dma2 semaphore(%arg18 : memref<!tpu.dma_semaphore, #tpu.memory_space<semaphore_mem>>) src(%dma_wait3A_90 : memref<2x96xi32, #tpu.memory_space<hbm>>) dst(%arg8 : memref<2x96xi32, #tpu.memory_space<vmem>>)
    %dma_start3A_91 = arith.constant 0 : i32
    %dma_start3A_92 = arith.constant 0 : i32
    %dma_start3A_93 = tpu.memref_slice %arg8[%dma_start3A_91, %dma_start3A_92] : memref<2x96xi32, #tpu.memory_space<vmem>> -> memref<1x96xi32, #tpu.memory_space<vmem>>
    %dma_start3A_94 = tpu.memref_squeeze %dma_start3A_93 : memref<1x96xi32, #tpu.memory_space<vmem>> -> memref<96xi32, #tpu.memory_space<vmem>>
    %dma_start3A_95 = arith.constant 0 : i32
    %dma_start3A_96 = arith.constant 0 : i32
    %dma_start3A_97 = tpu.memref_slice %arg2[%dma_start3A_95, %dma_start3A_96] : memref<10000x128xf32, #tpu.memory_space<hbm>> -> memref<10000x128xf32, #tpu.memory_space<hbm>>
    tpu.enqueue_indirect_dma source(%dma_start3A_97 : memref<10000x128xf32, #tpu.memory_space<hbm>>) target(%arg14 : memref<96x128xf32, #tpu.memory_space<vmem>>) offsets(%dma_start3A_94 : memref<96xi32, #tpu.memory_space<vmem>>) semaphore(%arg21 : memref<!tpu.dma_semaphore, #tpu.memory_space<semaphore_mem>>)
    %get3A = arith.constant 1 : i32
    %get3A_98 = arith.index_cast %get3A : i32 to index
    %get3A_99 = arith.constant 0 : index
    %get3A_100 = tpu.vector_load %arg6[%get3A_98, %get3A_99] {strides = array<i32>} : memref<2x96xi32, #tpu.memory_space<vmem>>, vector<16xi32>,
    %swap3A = arith.constant 0 : index
    %swap3A_101 = tpu.vector_load %arg9[%swap3A] {strides = array<i32>} : memref<96xi32, #tpu.memory_space<vmem>>, vector<16xi32>,
    tpu.vector_store %arg9[%swap3A], %get3A_100 {strides = array<i32>} : memref<96xi32, #tpu.memory_space<vmem>>, vector<16xi32>,
    %get3A_102 = arith.constant 1 : i32
    %get3A_103 = arith.index_cast %get3A_102 : i32 to index
    %get3A_104 = arith.constant 16 : index
    %get3A_105 = tpu.vector_load %arg6[%get3A_103, %get3A_104] {strides = array<i32>} : memref<2x96xi32, #tpu.memory_space<vmem>>, vector<16xi32>,
    %swap3A_106 = arith.constant 16 : index
    %swap3A_107 = tpu.vector_load %arg9[%swap3A_106] {strides = array<i32>} : memref<96xi32, #tpu.memory_space<vmem>>, vector<16xi32>,
    tpu.vector_store %arg9[%swap3A_106], %get3A_105 {strides = array<i32>} : memref<96xi32, #tpu.memory_space<vmem>>, vector<16xi32>,
    %get3A_108 = arith.constant 1 : i32
    %get3A_109 = arith.index_cast %get3A_108 : i32 to index
    %get3A_110 = arith.constant 32 : index
    %get3A_111 = tpu.vector_load %arg6[%get3A_109, %get3A_110] {strides = array<i32>} : memref<2x96xi32, #tpu.memory_space<vmem>>, vector<16xi32>,
    %swap3A_112 = arith.constant 32 : index
    %swap3A_113 = tpu.vector_load %arg9[%swap3A_112] {strides = array<i32>} : memref<96xi32, #tpu.memory_space<vmem>>, vector<16xi32>,
    tpu.vector_store %arg9[%swap3A_112], %get3A_111 {strides = array<i32>} : memref<96xi32, #tpu.memory_space<vmem>>, vector<16xi32>,
    %get3A_114 = arith.constant 1 : i32
    %get3A_115 = arith.index_cast %get3A_114 : i32 to index
    %get3A_116 = arith.constant 48 : index
    %get3A_117 = tpu.vector_load %arg6[%get3A_115, %get3A_116] {strides = array<i32>} : memref<2x96xi32, #tpu.memory_space<vmem>>, vector<16xi32>,
    %swap3A_118 = arith.constant 48 : index
    %swap3A_119 = tpu.vector_load %arg9[%swap3A_118] {strides = array<i32>} : memref<96xi32, #tpu.memory_space<vmem>>, vector<16xi32>,
    tpu.vector_store %arg9[%swap3A_118], %get3A_117 {strides = array<i32>} : memref<96xi32, #tpu.memory_space<vmem>>, vector<16xi32>,
    %get3A_120 = arith.constant 1 : i32
    %get3A_121 = arith.index_cast %get3A_120 : i32 to index
    %get3A_122 = arith.constant 64 : index
    %get3A_123 = tpu.vector_load %arg6[%get3A_121, %get3A_122] {strides = array<i32>} : memref<2x96xi32, #tpu.memory_space<vmem>>, vector<16xi32>,
    %swap3A_124 = arith.constant 64 : index
    %swap3A_125 = tpu.vector_load %arg9[%swap3A_124] {strides = array<i32>} : memref<96xi32, #tpu.memory_space<vmem>>, vector<16xi32>,
    tpu.vector_store %arg9[%swap3A_124], %get3A_123 {strides = array<i32>} : memref<96xi32, #tpu.memory_space<vmem>>, vector<16xi32>,
    %get3A_126 = arith.constant 1 : i32
    %get3A_127 = arith.index_cast %get3A_126 : i32 to index
    %get3A_128 = arith.constant 80 : index
    %get3A_129 = tpu.vector_load %arg6[%get3A_127, %get3A_128] {strides = array<i32>} : memref<2x96xi32, #tpu.memory_space<vmem>>, vector<16xi32>,
    %swap3A_130 = arith.constant 80 : index
    %swap3A_131 = tpu.vector_load %arg9[%swap3A_130] {strides = array<i32>} : memref<96xi32, #tpu.memory_space<vmem>>, vector<16xi32>,
    tpu.vector_store %arg9[%swap3A_130], %get3A_129 {strides = array<i32>} : memref<96xi32, #tpu.memory_space<vmem>>, vector<16xi32>,
    %dma_start3A_132 = arith.constant 3 : i32
    %dma_start3A_133 = arith.constant 0 : i32
    %dma_start3A_134 = arith.constant 0 : i32
    %dma_start3A_135 = tpu.memref_slice %arg3[%add3A, %dma_start3A_132, %dma_start3A_133, %dma_start3A_134] : memref<32x104x2x96xi32, #tpu.memory_space<hbm>> -> memref<1x1x2x96xi32, #tpu.memory_space<hbm>>
    %dma_start3A_136 = tpu.memref_squeeze %dma_start3A_135 : memref<1x1x2x96xi32, #tpu.memory_space<hbm>> -> memref<2x96xi32, #tpu.memory_space<hbm>>
    %dma_start3A_137 = arith.constant 0 : i32
    %dma_start3A_138 = arith.constant 0 : i32
    %dma_start3A_139 = tpu.memref_slice %arg3[%add3A, %dma_start3A_132, %dma_start3A_137, %dma_start3A_138] : memref<32x104x2x96xi32, #tpu.memory_space<hbm>> -> memref<1x1x2x96xi32, #tpu.memory_space<hbm>>
    %dma_start3A_140 = tpu.memref_squeeze %dma_start3A_139 : memref<1x1x2x96xi32, #tpu.memory_space<hbm>> -> memref<2x96xi32, #tpu.memory_space<hbm>>
    tpu.enqueue_dma source(%dma_start3A_140 : memref<2x96xi32, #tpu.memory_space<hbm>>) target(%arg6 : memref<2x96xi32, #tpu.memory_space<vmem>>) target_semaphore(%arg16 : memref<!tpu.dma_semaphore, #tpu.memory_space<semaphore_mem>>)
    %dma_start3A_141 = arith.constant 0 : i32
    %dma_start3A_142 = arith.constant 0 : i32
    %dma_start3A_143 = tpu.memref_slice %arg15[%dma_start3A_141, %dma_start3A_142] : memref<10000x128xf32, #tpu.memory_space<vmem_shared>> -> memref<10000x128xf32, #tpu.memory_space<vmem_shared>>
    tpu.enqueue_indirect_dma source(%arg12 : memref<96x128xf32, #tpu.memory_space<vmem>>) target(%dma_start3A_143 : memref<10000x128xf32, #tpu.memory_space<vmem_shared>>) offsets(%arg9 : memref<96xi32, #tpu.memory_space<vmem>>) semaphore(%arg22 : memref<!tpu.dma_semaphore, #tpu.memory_space<semaphore_mem>>) {add = true}
    %scan3A_144 = arith.constant 0 : i32
    %scan3A_145 = arith.constant 33 : i32
    %scan3A_146 = arith.addi %scan3A_144, %scan3A_145 : i32
    %scan3A_147 = arith.constant 1 : i32
    scf.for %scan3A_401 = %scan3A_144 to %scan3A_146 step %scan3A_147  : i32 {
      %mul3A_402 = arith.constant 1 : i32
      %mul3A_403 = arith.muli %scan3A_401, %mul3A_402 : i32
      %add3A_404 = arith.constant 0 : i32
      %add3A_405 = arith.addi %add3A_404, %mul3A_403 : i32
      %mul3A_406 = arith.constant 3 : i32
      %mul3A_407 = arith.muli %mul3A_406, %add3A_405 : i32
      %add3A_408 = arith.constant 1 : i32
      %add3A_409 = arith.addi %mul3A_407, %add3A_408 : i32
      %dma_wait3A_410 = arith.constant 0 : i32
      %dma_wait3A_411 = arith.constant 0 : i32
      %dma_wait3A_412 = tpu.memref_slice %arg7[%dma_wait3A_410, %dma_wait3A_411] : memref<2x96xi32, #tpu.memory_space<vmem>> -> memref<1x96xi32, #tpu.memory_space<vmem>>
      %dma_wait3A_413 = tpu.memref_squeeze %dma_wait3A_412 : memref<1x96xi32, #tpu.memory_space<vmem>> -> memref<96xi32, #tpu.memory_space<vmem>>
      %dma_wait3A_414 = arith.constant 0 : i32
      %dma_wait3A_415 = arith.constant 0 : i32
      %dma_wait3A_416 = tpu.memref_slice %arg2[%dma_wait3A_414, %dma_wait3A_415] : memref<10000x128xf32, #tpu.memory_space<hbm>> -> memref<10000x128xf32, #tpu.memory_space<hbm>>
      tpu.wait_indirect_dma semaphore(%arg20 : memref<!tpu.dma_semaphore, #tpu.memory_space<semaphore_mem>>) src(%dma_wait3A_416 : memref<10000x128xf32, #tpu.memory_space<hbm>>) dst(%arg13 : memref<96x128xf32, #tpu.memory_space<vmem>>)
      %dma_wait3A_417 = arith.constant 0 : i32
      %dma_wait3A_418 = arith.constant 0 : i32
      %dma_wait3A_419 = tpu.memref_slice %arg15[%dma_wait3A_417, %dma_wait3A_418] : memref<10000x128xf32, #tpu.memory_space<vmem_shared>> -> memref<10000x128xf32, #tpu.memory_space<vmem_shared>>
      tpu.wait_indirect_dma semaphore(%arg22 : memref<!tpu.dma_semaphore, #tpu.memory_space<semaphore_mem>>) src(%arg12 : memref<96x128xf32, #tpu.memory_space<vmem>>) dst(%dma_wait3A_419 : memref<10000x128xf32, #tpu.memory_space<vmem_shared>>)
      %add3A_420 = arith.constant 2 : i32
      %add3A_421 = arith.addi %add3A_409, %add3A_420 : i32
      %dma_wait3A_422 = arith.constant 0 : i32
      %dma_wait3A_423 = arith.constant 0 : i32
      %dma_wait3A_424 = tpu.memref_slice %arg3[%add3A, %add3A_421, %dma_wait3A_422, %dma_wait3A_423] : memref<32x104x2x96xi32, #tpu.memory_space<hbm>> -> memref<1x1x2x96xi32, #tpu.memory_space<hbm>>
      %dma_wait3A_425 = tpu.memref_squeeze %dma_wait3A_424 : memref<1x1x2x96xi32, #tpu.memory_space<hbm>> -> memref<2x96xi32, #tpu.memory_space<hbm>>
      %dma_wait3A_426 = arith.constant 0 : i32
      %dma_wait3A_427 = arith.constant 0 : i32
      %dma_wait3A_428 = tpu.memref_slice %arg3[%add3A, %add3A_421, %dma_wait3A_426, %dma_wait3A_427] : memref<32x104x2x96xi32, #tpu.memory_space<hbm>> -> memref<1x1x2x96xi32, #tpu.memory_space<hbm>>
      %dma_wait3A_429 = tpu.memref_squeeze %dma_wait3A_428 : memref<1x1x2x96xi32, #tpu.memory_space<hbm>> -> memref<2x96xi32, #tpu.memory_space<hbm>>
      tpu.wait_dma2 semaphore(%arg16 : memref<!tpu.dma_semaphore, #tpu.memory_space<semaphore_mem>>) src(%dma_wait3A_429 : memref<2x96xi32, #tpu.memory_space<hbm>>) dst(%arg6 : memref<2x96xi32, #tpu.memory_space<vmem>>)
      %dma_start3A_430 = arith.constant 0 : i32
      %dma_start3A_431 = arith.constant 0 : i32
      %dma_start3A_432 = tpu.memref_slice %arg6[%dma_start3A_430, %dma_start3A_431] : memref<2x96xi32, #tpu.memory_space<vmem>> -> memref<1x96xi32, #tpu.memory_space<vmem>>
      %dma_start3A_433 = tpu.memref_squeeze %dma_start3A_432 : memref<1x96xi32, #tpu.memory_space<vmem>> -> memref<96xi32, #tpu.memory_space<vmem>>
      %dma_start3A_434 = arith.constant 0 : i32
      %dma_start3A_435 = arith.constant 0 : i32
      %dma_start3A_436 = tpu.memref_slice %arg2[%dma_start3A_434, %dma_start3A_435] : memref<10000x128xf32, #tpu.memory_space<hbm>> -> memref<10000x128xf32, #tpu.memory_space<hbm>>
      tpu.enqueue_indirect_dma source(%dma_start3A_436 : memref<10000x128xf32, #tpu.memory_space<hbm>>) target(%arg12 : memref<96x128xf32, #tpu.memory_space<vmem>>) offsets(%dma_start3A_433 : memref<96xi32, #tpu.memory_space<vmem>>) semaphore(%arg19 : memref<!tpu.dma_semaphore, #tpu.memory_space<semaphore_mem>>)
      %get3A_437 = arith.constant 1 : i32
      %get3A_438 = arith.index_cast %get3A_437 : i32 to index
      %get3A_439 = arith.constant 0 : index
      %get3A_440 = tpu.vector_load %arg7[%get3A_438, %get3A_439] {strides = array<i32>} : memref<2x96xi32, #tpu.memory_space<vmem>>, vector<16xi32>,
      %swap3A_441 = arith.constant 0 : index
      %swap3A_442 = tpu.vector_load %arg10[%swap3A_441] {strides = array<i32>} : memref<96xi32, #tpu.memory_space<vmem>>, vector<16xi32>,
      tpu.vector_store %arg10[%swap3A_441], %get3A_440 {strides = array<i32>} : memref<96xi32, #tpu.memory_space<vmem>>, vector<16xi32>,
      %get3A_443 = arith.constant 1 : i32
      %get3A_444 = arith.index_cast %get3A_443 : i32 to index
      %get3A_445 = arith.constant 16 : index
      %get3A_446 = tpu.vector_load %arg7[%get3A_444, %get3A_445] {strides = array<i32>} : memref<2x96xi32, #tpu.memory_space<vmem>>, vector<16xi32>,
      %swap3A_447 = arith.constant 16 : index
      %swap3A_448 = tpu.vector_load %arg10[%swap3A_447] {strides = array<i32>} : memref<96xi32, #tpu.memory_space<vmem>>, vector<16xi32>,
      tpu.vector_store %arg10[%swap3A_447], %get3A_446 {strides = array<i32>} : memref<96xi32, #tpu.memory_space<vmem>>, vector<16xi32>,
      %get3A_449 = arith.constant 1 : i32
      %get3A_450 = arith.index_cast %get3A_449 : i32 to index
      %get3A_451 = arith.constant 32 : index
      %get3A_452 = tpu.vector_load %arg7[%get3A_450, %get3A_451] {strides = array<i32>} : memref<2x96xi32, #tpu.memory_space<vmem>>, vector<16xi32>,
      %swap3A_453 = arith.constant 32 : index
      %swap3A_454 = tpu.vector_load %arg10[%swap3A_453] {strides = array<i32>} : memref<96xi32, #tpu.memory_space<vmem>>, vector<16xi32>,
      tpu.vector_store %arg10[%swap3A_453], %get3A_452 {strides = array<i32>} : memref<96xi32, #tpu.memory_space<vmem>>, vector<16xi32>,
      %get3A_455 = arith.constant 1 : i32
      %get3A_456 = arith.index_cast %get3A_455 : i32 to index
      %get3A_457 = arith.constant 48 : index
      %get3A_458 = tpu.vector_load %arg7[%get3A_456, %get3A_457] {strides = array<i32>} : memref<2x96xi32, #tpu.memory_space<vmem>>, vector<16xi32>,
      %swap3A_459 = arith.constant 48 : index
      %swap3A_460 = tpu.vector_load %arg10[%swap3A_459] {strides = array<i32>} : memref<96xi32, #tpu.memory_space<vmem>>, vector<16xi32>,
      tpu.vector_store %arg10[%swap3A_459], %get3A_458 {strides = array<i32>} : memref<96xi32, #tpu.memory_space<vmem>>, vector<16xi32>,
      %get3A_461 = arith.constant 1 : i32
      %get3A_462 = arith.index_cast %get3A_461 : i32 to index
      %get3A_463 = arith.constant 64 : index
      %get3A_464 = tpu.vector_load %arg7[%get3A_462, %get3A_463] {strides = array<i32>} : memref<2x96xi32, #tpu.memory_space<vmem>>, vector<16xi32>,
      %swap3A_465 = arith.constant 64 : index
      %swap3A_466 = tpu.vector_load %arg10[%swap3A_465] {strides = array<i32>} : memref<96xi32, #tpu.memory_space<vmem>>, vector<16xi32>,
      tpu.vector_store %arg10[%swap3A_465], %get3A_464 {strides = array<i32>} : memref<96xi32, #tpu.memory_space<vmem>>, vector<16xi32>,
      %get3A_467 = arith.constant 1 : i32
      %get3A_468 = arith.index_cast %get3A_467 : i32 to index
      %get3A_469 = arith.constant 80 : index
      %get3A_470 = tpu.vector_load %arg7[%get3A_468, %get3A_469] {strides = array<i32>} : memref<2x96xi32, #tpu.memory_space<vmem>>, vector<16xi32>,
      %swap3A_471 = arith.constant 80 : index
      %swap3A_472 = tpu.vector_load %arg10[%swap3A_471] {strides = array<i32>} : memref<96xi32, #tpu.memory_space<vmem>>, vector<16xi32>,
      tpu.vector_store %arg10[%swap3A_471], %get3A_470 {strides = array<i32>} : memref<96xi32, #tpu.memory_space<vmem>>, vector<16xi32>,
      %add3A_473 = arith.constant 3 : i32
      %add3A_474 = arith.addi %add3A_409, %add3A_473 : i32
      %dma_start3A_475 = arith.constant 0 : i32
      %dma_start3A_476 = arith.constant 0 : i32
      %dma_start3A_477 = tpu.memref_slice %arg3[%add3A, %add3A_474, %dma_start3A_475, %dma_start3A_476] : memref<32x104x2x96xi32, #tpu.memory_space<hbm>> -> memref<1x1x2x96xi32, #tpu.memory_space<hbm>>
      %dma_start3A_478 = tpu.memref_squeeze %dma_start3A_477 : memref<1x1x2x96xi32, #tpu.memory_space<hbm>> -> memref<2x96xi32, #tpu.memory_space<hbm>>
      %dma_start3A_479 = arith.constant 0 : i32
      %dma_start3A_480 = arith.constant 0 : i32
      %dma_start3A_481 = tpu.memref_slice %arg3[%add3A, %add3A_474, %dma_start3A_479, %dma_start3A_480] : memref<32x104x2x96xi32, #tpu.memory_space<hbm>> -> memref<1x1x2x96xi32, #tpu.memory_space<hbm>>
      %dma_start3A_482 = tpu.memref_squeeze %dma_start3A_481 : memref<1x1x2x96xi32, #tpu.memory_space<hbm>> -> memref<2x96xi32, #tpu.memory_space<hbm>>
      tpu.enqueue_dma source(%dma_start3A_482 : memref<2x96xi32, #tpu.memory_space<hbm>>) target(%arg7 : memref<2x96xi32, #tpu.memory_space<vmem>>) target_semaphore(%arg17 : memref<!tpu.dma_semaphore, #tpu.memory_space<semaphore_mem>>)
      %dma_start3A_483 = arith.constant 0 : i32
      %dma_start3A_484 = arith.constant 0 : i32
      %dma_start3A_485 = tpu.memref_slice %arg15[%dma_start3A_483, %dma_start3A_484] : memref<10000x128xf32, #tpu.memory_space<vmem_shared>> -> memref<10000x128xf32, #tpu.memory_space<vmem_shared>>
      tpu.enqueue_indirect_dma source(%arg13 : memref<96x128xf32, #tpu.memory_space<vmem>>) target(%dma_start3A_485 : memref<10000x128xf32, #tpu.memory_space<vmem_shared>>) offsets(%arg10 : memref<96xi32, #tpu.memory_space<vmem>>) semaphore(%arg23 : memref<!tpu.dma_semaphore, #tpu.memory_space<semaphore_mem>>) {add = true}
      %add3A_486 = arith.constant 1 : i32
      %add3A_487 = arith.addi %add3A_409, %add3A_486 : i32
      %dma_wait3A_488 = arith.constant 0 : i32
      %dma_wait3A_489 = arith.constant 0 : i32
      %dma_wait3A_490 = tpu.memref_slice %arg8[%dma_wait3A_488, %dma_wait3A_489] : memref<2x96xi32, #tpu.memory_space<vmem>> -> memref<1x96xi32, #tpu.memory_space<vmem>>
      %dma_wait3A_491 = tpu.memref_squeeze %dma_wait3A_490 : memref<1x96xi32, #tpu.memory_space<vmem>> -> memref<96xi32, #tpu.memory_space<vmem>>
      %dma_wait3A_492 = arith.constant 0 : i32
      %dma_wait3A_493 = arith.constant 0 : i32
      %dma_wait3A_494 = tpu.memref_slice %arg2[%dma_wait3A_492, %dma_wait3A_493] : memref<10000x128xf32, #tpu.memory_space<hbm>> -> memref<10000x128xf32, #tpu.memory_space<hbm>>
      tpu.wait_indirect_dma semaphore(%arg21 : memref<!tpu.dma_semaphore, #tpu.memory_space<semaphore_mem>>) src(%dma_wait3A_494 : memref<10000x128xf32, #tpu.memory_space<hbm>>) dst(%arg14 : memref<96x128xf32, #tpu.memory_space<vmem>>)
      %dma_wait3A_495 = arith.constant 0 : i32
      %dma_wait3A_496 = arith.constant 0 : i32
      %dma_wait3A_497 = tpu.memref_slice %arg15[%dma_wait3A_495, %dma_wait3A_496] : memref<10000x128xf32, #tpu.memory_space<vmem_shared>> -> memref<10000x128xf32, #tpu.memory_space<vmem_shared>>
      tpu.wait_indirect_dma semaphore(%arg23 : memref<!tpu.dma_semaphore, #tpu.memory_space<semaphore_mem>>) src(%arg13 : memref<96x128xf32, #tpu.memory_space<vmem>>) dst(%dma_wait3A_497 : memref<10000x128xf32, #tpu.memory_space<vmem_shared>>)
      %add3A_498 = arith.constant 2 : i32
      %add3A_499 = arith.addi %add3A_487, %add3A_498 : i32
      %dma_wait3A_500 = arith.constant 0 : i32
      %dma_wait3A_501 = arith.constant 0 : i32
      %dma_wait3A_502 = tpu.memref_slice %arg3[%add3A, %add3A_499, %dma_wait3A_500, %dma_wait3A_501] : memref<32x104x2x96xi32, #tpu.memory_space<hbm>> -> memref<1x1x2x96xi32, #tpu.memory_space<hbm>>
      %dma_wait3A_503 = tpu.memref_squeeze %dma_wait3A_502 : memref<1x1x2x96xi32, #tpu.memory_space<hbm>> -> memref<2x96xi32, #tpu.memory_space<hbm>>
      %dma_wait3A_504 = arith.constant 0 : i32
      %dma_wait3A_505 = arith.constant 0 : i32
      %dma_wait3A_506 = tpu.memref_slice %arg3[%add3A, %add3A_499, %dma_wait3A_504, %dma_wait3A_505] : memref<32x104x2x96xi32, #tpu.memory_space<hbm>> -> memref<1x1x2x96xi32, #tpu.memory_space<hbm>>
      %dma_wait3A_507 = tpu.memref_squeeze %dma_wait3A_506 : memref<1x1x2x96xi32, #tpu.memory_space<hbm>> -> memref<2x96xi32, #tpu.memory_space<hbm>>
      tpu.wait_dma2 semaphore(%arg17 : memref<!tpu.dma_semaphore, #tpu.memory_space<semaphore_mem>>) src(%dma_wait3A_507 : memref<2x96xi32, #tpu.memory_space<hbm>>) dst(%arg7 : memref<2x96xi32, #tpu.memory_space<vmem>>)
      %dma_start3A_508 = arith.constant 0 : i32
      %dma_start3A_509 = arith.constant 0 : i32
      %dma_start3A_510 = tpu.memref_slice %arg7[%dma_start3A_508, %dma_start3A_509] : memref<2x96xi32, #tpu.memory_space<vmem>> -> memref<1x96xi32, #tpu.memory_space<vmem>>
      %dma_start3A_511 = tpu.memref_squeeze %dma_start3A_510 : memref<1x96xi32, #tpu.memory_space<vmem>> -> memref<96xi32, #tpu.memory_space<vmem>>
      %dma_start3A_512 = arith.constant 0 : i32
      %dma_start3A_513 = arith.constant 0 : i32
      %dma_start3A_514 = tpu.memref_slice %arg2[%dma_start3A_512, %dma_start3A_513] : memref<10000x128xf32, #tpu.memory_space<hbm>> -> memref<10000x128xf32, #tpu.memory_space<hbm>>
      tpu.enqueue_indirect_dma source(%dma_start3A_514 : memref<10000x128xf32, #tpu.memory_space<hbm>>) target(%arg13 : memref<96x128xf32, #tpu.memory_space<vmem>>) offsets(%dma_start3A_511 : memref<96xi32, #tpu.memory_space<vmem>>) semaphore(%arg20 : memref<!tpu.dma_semaphore, #tpu.memory_space<semaphore_mem>>)
      %get3A_515 = arith.constant 1 : i32
      %get3A_516 = arith.index_cast %get3A_515 : i32 to index
      %get3A_517 = arith.constant 0 : index
      %get3A_518 = tpu.vector_load %arg8[%get3A_516, %get3A_517] {strides = array<i32>} : memref<2x96xi32, #tpu.memory_space<vmem>>, vector<16xi32>,
      %swap3A_519 = arith.constant 0 : index
      %swap3A_520 = tpu.vector_load %arg11[%swap3A_519] {strides = array<i32>} : memref<96xi32, #tpu.memory_space<vmem>>, vector<16xi32>,
      tpu.vector_store %arg11[%swap3A_519], %get3A_518 {strides = array<i32>} : memref<96xi32, #tpu.memory_space<vmem>>, vector<16xi32>,
      %get3A_521 = arith.constant 1 : i32
      %get3A_522 = arith.index_cast %get3A_521 : i32 to index
      %get3A_523 = arith.constant 16 : index
      %get3A_524 = tpu.vector_load %arg8[%get3A_522, %get3A_523] {strides = array<i32>} : memref<2x96xi32, #tpu.memory_space<vmem>>, vector<16xi32>,
      %swap3A_525 = arith.constant 16 : index
      %swap3A_526 = tpu.vector_load %arg11[%swap3A_525] {strides = array<i32>} : memref<96xi32, #tpu.memory_space<vmem>>, vector<16xi32>,
      tpu.vector_store %arg11[%swap3A_525], %get3A_524 {strides = array<i32>} : memref<96xi32, #tpu.memory_space<vmem>>, vector<16xi32>,
      %get3A_527 = arith.constant 1 : i32
      %get3A_528 = arith.index_cast %get3A_527 : i32 to index
      %get3A_529 = arith.constant 32 : index
      %get3A_530 = tpu.vector_load %arg8[%get3A_528, %get3A_529] {strides = array<i32>} : memref<2x96xi32, #tpu.memory_space<vmem>>, vector<16xi32>,
      %swap3A_531 = arith.constant 32 : index
      %swap3A_532 = tpu.vector_load %arg11[%swap3A_531] {strides = array<i32>} : memref<96xi32, #tpu.memory_space<vmem>>, vector<16xi32>,
      tpu.vector_store %arg11[%swap3A_531], %get3A_530 {strides = array<i32>} : memref<96xi32, #tpu.memory_space<vmem>>, vector<16xi32>,
      %get3A_533 = arith.constant 1 : i32
      %get3A_534 = arith.index_cast %get3A_533 : i32 to index
      %get3A_535 = arith.constant 48 : index
      %get3A_536 = tpu.vector_load %arg8[%get3A_534, %get3A_535] {strides = array<i32>} : memref<2x96xi32, #tpu.memory_space<vmem>>, vector<16xi32>,
      %swap3A_537 = arith.constant 48 : index
      %swap3A_538 = tpu.vector_load %arg11[%swap3A_537] {strides = array<i32>} : memref<96xi32, #tpu.memory_space<vmem>>, vector<16xi32>,
      tpu.vector_store %arg11[%swap3A_537], %get3A_536 {strides = array<i32>} : memref<96xi32, #tpu.memory_space<vmem>>, vector<16xi32>,
      %get3A_539 = arith.constant 1 : i32
      %get3A_540 = arith.index_cast %get3A_539 : i32 to index
      %get3A_541 = arith.constant 64 : index
      %get3A_542 = tpu.vector_load %arg8[%get3A_540, %get3A_541] {strides = array<i32>} : memref<2x96xi32, #tpu.memory_space<vmem>>, vector<16xi32>,
      %swap3A_543 = arith.constant 64 : index
      %swap3A_544 = tpu.vector_load %arg11[%swap3A_543] {strides = array<i32>} : memref<96xi32, #tpu.memory_space<vmem>>, vector<16xi32>,
      tpu.vector_store %arg11[%swap3A_543], %get3A_542 {strides = array<i32>} : memref<96xi32, #tpu.memory_space<vmem>>, vector<16xi32>,
      %get3A_545 = arith.constant 1 : i32
      %get3A_546 = arith.index_cast %get3A_545 : i32 to index
      %get3A_547 = arith.constant 80 : index
      %get3A_548 = tpu.vector_load %arg8[%get3A_546, %get3A_547] {strides = array<i32>} : memref<2x96xi32, #tpu.memory_space<vmem>>, vector<16xi32>,
      %swap3A_549 = arith.constant 80 : index
      %swap3A_550 = tpu.vector_load %arg11[%swap3A_549] {strides = array<i32>} : memref<96xi32, #tpu.memory_space<vmem>>, vector<16xi32>,
      tpu.vector_store %arg11[%swap3A_549], %get3A_548 {strides = array<i32>} : memref<96xi32, #tpu.memory_space<vmem>>, vector<16xi32>,
      %add3A_551 = arith.constant 3 : i32
      %add3A_552 = arith.addi %add3A_487, %add3A_551 : i32
      %dma_start3A_553 = arith.constant 0 : i32
      %dma_start3A_554 = arith.constant 0 : i32
      %dma_start3A_555 = tpu.memref_slice %arg3[%add3A, %add3A_552, %dma_start3A_553, %dma_start3A_554] : memref<32x104x2x96xi32, #tpu.memory_space<hbm>> -> memref<1x1x2x96xi32, #tpu.memory_space<hbm>>
      %dma_start3A_556 = tpu.memref_squeeze %dma_start3A_555 : memref<1x1x2x96xi32, #tpu.memory_space<hbm>> -> memref<2x96xi32, #tpu.memory_space<hbm>>
      %dma_start3A_557 = arith.constant 0 : i32
      %dma_start3A_558 = arith.constant 0 : i32
      %dma_start3A_559 = tpu.memref_slice %arg3[%add3A, %add3A_552, %dma_start3A_557, %dma_start3A_558] : memref<32x104x2x96xi32, #tpu.memory_space<hbm>> -> memref<1x1x2x96xi32, #tpu.memory_space<hbm>>
      %dma_start3A_560 = tpu.memref_squeeze %dma_start3A_559 : memref<1x1x2x96xi32, #tpu.memory_space<hbm>> -> memref<2x96xi32, #tpu.memory_space<hbm>>
      tpu.enqueue_dma source(%dma_start3A_560 : memref<2x96xi32, #tpu.memory_space<hbm>>) target(%arg8 : memref<2x96xi32, #tpu.memory_space<vmem>>) target_semaphore(%arg18 : memref<!tpu.dma_semaphore, #tpu.memory_space<semaphore_mem>>)
      %dma_start3A_561 = arith.constant 0 : i32
      %dma_start3A_562 = arith.constant 0 : i32
      %dma_start3A_563 = tpu.memref_slice %arg15[%dma_start3A_561, %dma_start3A_562] : memref<10000x128xf32, #tpu.memory_space<vmem_shared>> -> memref<10000x128xf32, #tpu.memory_space<vmem_shared>>
      tpu.enqueue_indirect_dma source(%arg14 : memref<96x128xf32, #tpu.memory_space<vmem>>) target(%dma_start3A_563 : memref<10000x128xf32, #tpu.memory_space<vmem_shared>>) offsets(%arg11 : memref<96xi32, #tpu.memory_space<vmem>>) semaphore(%arg24 : memref<!tpu.dma_semaphore, #tpu.memory_space<semaphore_mem>>) {add = true}
      %add3A_564 = arith.constant 2 : i32
      %add3A_565 = arith.addi %add3A_409, %add3A_564 : i32
      %dma_wait3A_566 = arith.constant 0 : i32
      %dma_wait3A_567 = arith.constant 0 : i32
      %dma_wait3A_568 = tpu.memref_slice %arg6[%dma_wait3A_566, %dma_wait3A_567] : memref<2x96xi32, #tpu.memory_space<vmem>> -> memref<1x96xi32, #tpu.memory_space<vmem>>
      %dma_wait3A_569 = tpu.memref_squeeze %dma_wait3A_568 : memref<1x96xi32, #tpu.memory_space<vmem>> -> memref<96xi32, #tpu.memory_space<vmem>>
      %dma_wait3A_570 = arith.constant 0 : i32
      %dma_wait3A_571 = arith.constant 0 : i32
      %dma_wait3A_572 = tpu.memref_slice %arg2[%dma_wait3A_570, %dma_wait3A_571] : memref<10000x128xf32, #tpu.memory_space<hbm>> -> memref<10000x128xf32, #tpu.memory_space<hbm>>
      tpu.wait_indirect_dma semaphore(%arg19 : memref<!tpu.dma_semaphore, #tpu.memory_space<semaphore_mem>>) src(%dma_wait3A_572 : memref<10000x128xf32, #tpu.memory_space<hbm>>) dst(%arg12 : memref<96x128xf32, #tpu.memory_space<vmem>>)
      %dma_wait3A_573 = arith.constant 0 : i32
      %dma_wait3A_574 = arith.constant 0 : i32
      %dma_wait3A_575 = tpu.memref_slice %arg15[%dma_wait3A_573, %dma_wait3A_574] : memref<10000x128xf32, #tpu.memory_space<vmem_shared>> -> memref<10000x128xf32, #tpu.memory_space<vmem_shared>>
      tpu.wait_indirect_dma semaphore(%arg24 : memref<!tpu.dma_semaphore, #tpu.memory_space<semaphore_mem>>) src(%arg14 : memref<96x128xf32, #tpu.memory_space<vmem>>) dst(%dma_wait3A_575 : memref<10000x128xf32, #tpu.memory_space<vmem_shared>>)
      %add3A_576 = arith.constant 2 : i32
      %add3A_577 = arith.addi %add3A_565, %add3A_576 : i32
      %dma_wait3A_578 = arith.constant 0 : i32
      %dma_wait3A_579 = arith.constant 0 : i32
      %dma_wait3A_580 = tpu.memref_slice %arg3[%add3A, %add3A_577, %dma_wait3A_578, %dma_wait3A_579] : memref<32x104x2x96xi32, #tpu.memory_space<hbm>> -> memref<1x1x2x96xi32, #tpu.memory_space<hbm>>
      %dma_wait3A_581 = tpu.memref_squeeze %dma_wait3A_580 : memref<1x1x2x96xi32, #tpu.memory_space<hbm>> -> memref<2x96xi32, #tpu.memory_space<hbm>>
      %dma_wait3A_582 = arith.constant 0 : i32
      %dma_wait3A_583 = arith.constant 0 : i32
      %dma_wait3A_584 = tpu.memref_slice %arg3[%add3A, %add3A_577, %dma_wait3A_582, %dma_wait3A_583] : memref<32x104x2x96xi32, #tpu.memory_space<hbm>> -> memref<1x1x2x96xi32, #tpu.memory_space<hbm>>
      %dma_wait3A_585 = tpu.memref_squeeze %dma_wait3A_584 : memref<1x1x2x96xi32, #tpu.memory_space<hbm>> -> memref<2x96xi32, #tpu.memory_space<hbm>>
      tpu.wait_dma2 semaphore(%arg18 : memref<!tpu.dma_semaphore, #tpu.memory_space<semaphore_mem>>) src(%dma_wait3A_585 : memref<2x96xi32, #tpu.memory_space<hbm>>) dst(%arg8 : memref<2x96xi32, #tpu.memory_space<vmem>>)
      %dma_start3A_586 = arith.constant 0 : i32
      %dma_start3A_587 = arith.constant 0 : i32
      %dma_start3A_588 = tpu.memref_slice %arg8[%dma_start3A_586, %dma_start3A_587] : memref<2x96xi32, #tpu.memory_space<vmem>> -> memref<1x96xi32, #tpu.memory_space<vmem>>
      %dma_start3A_589 = tpu.memref_squeeze %dma_start3A_588 : memref<1x96xi32, #tpu.memory_space<vmem>> -> memref<96xi32, #tpu.memory_space<vmem>>
      %dma_start3A_590 = arith.constant 0 : i32
      %dma_start3A_591 = arith.constant 0 : i32
      %dma_start3A_592 = tpu.memref_slice %arg2[%dma_start3A_590, %dma_start3A_591] : memref<10000x128xf32, #tpu.memory_space<hbm>> -> memref<10000x128xf32, #tpu.memory_space<hbm>>
      tpu.enqueue_indirect_dma source(%dma_start3A_592 : memref<10000x128xf32, #tpu.memory_space<hbm>>) target(%arg14 : memref<96x128xf32, #tpu.memory_space<vmem>>) offsets(%dma_start3A_589 : memref<96xi32, #tpu.memory_space<vmem>>) semaphore(%arg21 : memref<!tpu.dma_semaphore, #tpu.memory_space<semaphore_mem>>)
      %get3A_593 = arith.constant 1 : i32
      %get3A_594 = arith.index_cast %get3A_593 : i32 to index
      %get3A_595 = arith.constant 0 : index
      %get3A_596 = tpu.vector_load %arg6[%get3A_594, %get3A_595] {strides = array<i32>} : memref<2x96xi32, #tpu.memory_space<vmem>>, vector<16xi32>,
      %swap3A_597 = arith.constant 0 : index
      %swap3A_598 = tpu.vector_load %arg9[%swap3A_597] {strides = array<i32>} : memref<96xi32, #tpu.memory_space<vmem>>, vector<16xi32>,
      tpu.vector_store %arg9[%swap3A_597], %get3A_596 {strides = array<i32>} : memref<96xi32, #tpu.memory_space<vmem>>, vector<16xi32>,
      %get3A_599 = arith.constant 1 : i32
      %get3A_600 = arith.index_cast %get3A_599 : i32 to index
      %get3A_601 = arith.constant 16 : index
      %get3A_602 = tpu.vector_load %arg6[%get3A_600, %get3A_601] {strides = array<i32>} : memref<2x96xi32, #tpu.memory_space<vmem>>, vector<16xi32>,
      %swap3A_603 = arith.constant 16 : index
      %swap3A_604 = tpu.vector_load %arg9[%swap3A_603] {strides = array<i32>} : memref<96xi32, #tpu.memory_space<vmem>>, vector<16xi32>,
      tpu.vector_store %arg9[%swap3A_603], %get3A_602 {strides = array<i32>} : memref<96xi32, #tpu.memory_space<vmem>>, vector<16xi32>,
      %get3A_605 = arith.constant 1 : i32
      %get3A_606 = arith.index_cast %get3A_605 : i32 to index
      %get3A_607 = arith.constant 32 : index
      %get3A_608 = tpu.vector_load %arg6[%get3A_606, %get3A_607] {strides = array<i32>} : memref<2x96xi32, #tpu.memory_space<vmem>>, vector<16xi32>,
      %swap3A_609 = arith.constant 32 : index
      %swap3A_610 = tpu.vector_load %arg9[%swap3A_609] {strides = array<i32>} : memref<96xi32, #tpu.memory_space<vmem>>, vector<16xi32>,
      tpu.vector_store %arg9[%swap3A_609], %get3A_608 {strides = array<i32>} : memref<96xi32, #tpu.memory_space<vmem>>, vector<16xi32>,
      %get3A_611 = arith.constant 1 : i32
      %get3A_612 = arith.index_cast %get3A_611 : i32 to index
      %get3A_613 = arith.constant 48 : index
      %get3A_614 = tpu.vector_load %arg6[%get3A_612, %get3A_613] {strides = array<i32>} : memref<2x96xi32, #tpu.memory_space<vmem>>, vector<16xi32>,
      %swap3A_615 = arith.constant 48 : index
      %swap3A_616 = tpu.vector_load %arg9[%swap3A_615] {strides = array<i32>} : memref<96xi32, #tpu.memory_space<vmem>>, vector<16xi32>,
      tpu.vector_store %arg9[%swap3A_615], %get3A_614 {strides = array<i32>} : memref<96xi32, #tpu.memory_space<vmem>>, vector<16xi32>,
      %get3A_617 = arith.constant 1 : i32
      %get3A_618 = arith.index_cast %get3A_617 : i32 to index
      %get3A_619 = arith.constant 64 : index
      %get3A_620 = tpu.vector_load %arg6[%get3A_618, %get3A_619] {strides = array<i32>} : memref<2x96xi32, #tpu.memory_space<vmem>>, vector<16xi32>,
      %swap3A_621 = arith.constant 64 : index
      %swap3A_622 = tpu.vector_load %arg9[%swap3A_621] {strides = array<i32>} : memref<96xi32, #tpu.memory_space<vmem>>, vector<16xi32>,
      tpu.vector_store %arg9[%swap3A_621], %get3A_620 {strides = array<i32>} : memref<96xi32, #tpu.memory_space<vmem>>, vector<16xi32>,
      %get3A_623 = arith.constant 1 : i32
      %get3A_624 = arith.index_cast %get3A_623 : i32 to index
      %get3A_625 = arith.constant 80 : index
      %get3A_626 = tpu.vector_load %arg6[%get3A_624, %get3A_625] {strides = array<i32>} : memref<2x96xi32, #tpu.memory_space<vmem>>, vector<16xi32>,
      %swap3A_627 = arith.constant 80 : index
      %swap3A_628 = tpu.vector_load %arg9[%swap3A_627] {strides = array<i32>} : memref<96xi32, #tpu.memory_space<vmem>>, vector<16xi32>,
      tpu.vector_store %arg9[%swap3A_627], %get3A_626 {strides = array<i32>} : memref<96xi32, #tpu.memory_space<vmem>>, vector<16xi32>,
      %add3A_629 = arith.constant 3 : i32
      %add3A_630 = arith.addi %add3A_565, %add3A_629 : i32
      %dma_start3A_631 = arith.constant 0 : i32
      %dma_start3A_632 = arith.constant 0 : i32
      %dma_start3A_633 = tpu.memref_slice %arg3[%add3A, %add3A_630, %dma_start3A_631, %dma_start3A_632] : memref<32x104x2x96xi32, #tpu.memory_space<hbm>> -> memref<1x1x2x96xi32, #tpu.memory_space<hbm>>
      %dma_start3A_634 = tpu.memref_squeeze %dma_start3A_633 : memref<1x1x2x96xi32, #tpu.memory_space<hbm>> -> memref<2x96xi32, #tpu.memory_space<hbm>>
      %dma_start3A_635 = arith.constant 0 : i32
      %dma_start3A_636 = arith.constant 0 : i32
      %dma_start3A_637 = tpu.memref_slice %arg3[%add3A, %add3A_630, %dma_start3A_635, %dma_start3A_636] : memref<32x104x2x96xi32, #tpu.memory_space<hbm>> -> memref<1x1x2x96xi32, #tpu.memory_space<hbm>>
      %dma_start3A_638 = tpu.memref_squeeze %dma_start3A_637 : memref<1x1x2x96xi32, #tpu.memory_space<hbm>> -> memref<2x96xi32, #tpu.memory_space<hbm>>
      tpu.enqueue_dma source(%dma_start3A_638 : memref<2x96xi32, #tpu.memory_space<hbm>>) target(%arg6 : memref<2x96xi32, #tpu.memory_space<vmem>>) target_semaphore(%arg16 : memref<!tpu.dma_semaphore, #tpu.memory_space<semaphore_mem>>)
      %dma_start3A_639 = arith.constant 0 : i32
      %dma_start3A_640 = arith.constant 0 : i32
      %dma_start3A_641 = tpu.memref_slice %arg15[%dma_start3A_639, %dma_start3A_640] : memref<10000x128xf32, #tpu.memory_space<vmem_shared>> -> memref<10000x128xf32, #tpu.memory_space<vmem_shared>>
      tpu.enqueue_indirect_dma source(%arg12 : memref<96x128xf32, #tpu.memory_space<vmem>>) target(%dma_start3A_641 : memref<10000x128xf32, #tpu.memory_space<vmem_shared>>) offsets(%arg9 : memref<96xi32, #tpu.memory_space<vmem>>) semaphore(%arg22 : memref<!tpu.dma_semaphore, #tpu.memory_space<semaphore_mem>>) {add = true}
    }
    %scan3A_148 = arith.constant 33 : i32
    %dma_wait3A_149 = arith.constant 0 : i32
    %dma_wait3A_150 = arith.constant 0 : i32
    %dma_wait3A_151 = tpu.memref_slice %arg7[%dma_wait3A_149, %dma_wait3A_150] : memref<2x96xi32, #tpu.memory_space<vmem>> -> memref<1x96xi32, #tpu.memory_space<vmem>>
    %dma_wait3A_152 = tpu.memref_squeeze %dma_wait3A_151 : memref<1x96xi32, #tpu.memory_space<vmem>> -> memref<96xi32, #tpu.memory_space<vmem>>
    %dma_wait3A_153 = arith.constant 0 : i32
    %dma_wait3A_154 = arith.constant 0 : i32
    %dma_wait3A_155 = tpu.memref_slice %arg2[%dma_wait3A_153, %dma_wait3A_154] : memref<10000x128xf32, #tpu.memory_space<hbm>> -> memref<10000x128xf32, #tpu.memory_space<hbm>>
    tpu.wait_indirect_dma semaphore(%arg20 : memref<!tpu.dma_semaphore, #tpu.memory_space<semaphore_mem>>) src(%dma_wait3A_155 : memref<10000x128xf32, #tpu.memory_space<hbm>>) dst(%arg13 : memref<96x128xf32, #tpu.memory_space<vmem>>)
    %dma_wait3A_156 = arith.constant 0 : i32
    %dma_wait3A_157 = arith.constant 0 : i32
    %dma_wait3A_158 = tpu.memref_slice %arg15[%dma_wait3A_156, %dma_wait3A_157] : memref<10000x128xf32, #tpu.memory_space<vmem_shared>> -> memref<10000x128xf32, #tpu.memory_space<vmem_shared>>
    tpu.wait_indirect_dma semaphore(%arg22 : memref<!tpu.dma_semaphore, #tpu.memory_space<semaphore_mem>>) src(%arg12 : memref<96x128xf32, #tpu.memory_space<vmem>>) dst(%dma_wait3A_158 : memref<10000x128xf32, #tpu.memory_space<vmem_shared>>)
    %dma_wait3A_159 = arith.constant 102 : i32
    %dma_wait3A_160 = arith.constant 0 : i32
    %dma_wait3A_161 = arith.constant 0 : i32
    %dma_wait3A_162 = tpu.memref_slice %arg3[%add3A, %dma_wait3A_159, %dma_wait3A_160, %dma_wait3A_161] : memref<32x104x2x96xi32, #tpu.memory_space<hbm>> -> memref<1x1x2x96xi32, #tpu.memory_space<hbm>>
    %dma_wait3A_163 = tpu.memref_squeeze %dma_wait3A_162 : memref<1x1x2x96xi32, #tpu.memory_space<hbm>> -> memref<2x96xi32, #tpu.memory_space<hbm>>
    %dma_wait3A_164 = arith.constant 0 : i32
    %dma_wait3A_165 = arith.constant 0 : i32
    %dma_wait3A_166 = tpu.memref_slice %arg3[%add3A, %dma_wait3A_159, %dma_wait3A_164, %dma_wait3A_165] : memref<32x104x2x96xi32, #tpu.memory_space<hbm>> -> memref<1x1x2x96xi32, #tpu.memory_space<hbm>>
    %dma_wait3A_167 = tpu.memref_squeeze %dma_wait3A_166 : memref<1x1x2x96xi32, #tpu.memory_space<hbm>> -> memref<2x96xi32, #tpu.memory_space<hbm>>
    tpu.wait_dma2 semaphore(%arg16 : memref<!tpu.dma_semaphore, #tpu.memory_space<semaphore_mem>>) src(%dma_wait3A_167 : memref<2x96xi32, #tpu.memory_space<hbm>>) dst(%arg6 : memref<2x96xi32, #tpu.memory_space<vmem>>)
    %dma_start3A_168 = arith.constant 0 : i32
    %dma_start3A_169 = arith.constant 0 : i32
    %dma_start3A_170 = tpu.memref_slice %arg6[%dma_start3A_168, %dma_start3A_169] : memref<2x96xi32, #tpu.memory_space<vmem>> -> memref<1x96xi32, #tpu.memory_space<vmem>>
    %dma_start3A_171 = tpu.memref_squeeze %dma_start3A_170 : memref<1x96xi32, #tpu.memory_space<vmem>> -> memref<96xi32, #tpu.memory_space<vmem>>
    %dma_start3A_172 = arith.constant 0 : i32
    %dma_start3A_173 = arith.constant 0 : i32
    %dma_start3A_174 = tpu.memref_slice %arg2[%dma_start3A_172, %dma_start3A_173] : memref<10000x128xf32, #tpu.memory_space<hbm>> -> memref<10000x128xf32, #tpu.memory_space<hbm>>
    tpu.enqueue_indirect_dma source(%dma_start3A_174 : memref<10000x128xf32, #tpu.memory_space<hbm>>) target(%arg12 : memref<96x128xf32, #tpu.memory_space<vmem>>) offsets(%dma_start3A_171 : memref<96xi32, #tpu.memory_space<vmem>>) semaphore(%arg19 : memref<!tpu.dma_semaphore, #tpu.memory_space<semaphore_mem>>)
    %get3A_175 = arith.constant 1 : i32
    %get3A_176 = arith.index_cast %get3A_175 : i32 to index
    %get3A_177 = arith.constant 0 : index
    %get3A_178 = tpu.vector_load %arg7[%get3A_176, %get3A_177] {strides = array<i32>} : memref<2x96xi32, #tpu.memory_space<vmem>>, vector<16xi32>,
    %swap3A_179 = arith.constant 0 : index
    %swap3A_180 = tpu.vector_load %arg10[%swap3A_179] {strides = array<i32>} : memref<96xi32, #tpu.memory_space<vmem>>, vector<16xi32>,
    tpu.vector_store %arg10[%swap3A_179], %get3A_178 {strides = array<i32>} : memref<96xi32, #tpu.memory_space<vmem>>, vector<16xi32>,
    %get3A_181 = arith.constant 1 : i32
    %get3A_182 = arith.index_cast %get3A_181 : i32 to index
    %get3A_183 = arith.constant 16 : index
    %get3A_184 = tpu.vector_load %arg7[%get3A_182, %get3A_183] {strides = array<i32>} : memref<2x96xi32, #tpu.memory_space<vmem>>, vector<16xi32>,
    %swap3A_185 = arith.constant 16 : index
    %swap3A_186 = tpu.vector_load %arg10[%swap3A_185] {strides = array<i32>} : memref<96xi32, #tpu.memory_space<vmem>>, vector<16xi32>,
    tpu.vector_store %arg10[%swap3A_185], %get3A_184 {strides = array<i32>} : memref<96xi32, #tpu.memory_space<vmem>>, vector<16xi32>,
    %get3A_187 = arith.constant 1 : i32
    %get3A_188 = arith.index_cast %get3A_187 : i32 to index
    %get3A_189 = arith.constant 32 : index
    %get3A_190 = tpu.vector_load %arg7[%get3A_188, %get3A_189] {strides = array<i32>} : memref<2x96xi32, #tpu.memory_space<vmem>>, vector<16xi32>,
    %swap3A_191 = arith.constant 32 : index
    %swap3A_192 = tpu.vector_load %arg10[%swap3A_191] {strides = array<i32>} : memref<96xi32, #tpu.memory_space<vmem>>, vector<16xi32>,
    tpu.vector_store %arg10[%swap3A_191], %get3A_190 {strides = array<i32>} : memref<96xi32, #tpu.memory_space<vmem>>, vector<16xi32>,
    %get3A_193 = arith.constant 1 : i32
    %get3A_194 = arith.index_cast %get3A_193 : i32 to index
    %get3A_195 = arith.constant 48 : index
    %get3A_196 = tpu.vector_load %arg7[%get3A_194, %get3A_195] {strides = array<i32>} : memref<2x96xi32, #tpu.memory_space<vmem>>, vector<16xi32>,
    %swap3A_197 = arith.constant 48 : index
    %swap3A_198 = tpu.vector_load %arg10[%swap3A_197] {strides = array<i32>} : memref<96xi32, #tpu.memory_space<vmem>>, vector<16xi32>,
    tpu.vector_store %arg10[%swap3A_197], %get3A_196 {strides = array<i32>} : memref<96xi32, #tpu.memory_space<vmem>>, vector<16xi32>,
    %get3A_199 = arith.constant 1 : i32
    %get3A_200 = arith.index_cast %get3A_199 : i32 to index
    %get3A_201 = arith.constant 64 : index
    %get3A_202 = tpu.vector_load %arg7[%get3A_200, %get3A_201] {strides = array<i32>} : memref<2x96xi32, #tpu.memory_space<vmem>>, vector<16xi32>,
    %swap3A_203 = arith.constant 64 : index
    %swap3A_204 = tpu.vector_load %arg10[%swap3A_203] {strides = array<i32>} : memref<96xi32, #tpu.memory_space<vmem>>, vector<16xi32>,
    tpu.vector_store %arg10[%swap3A_203], %get3A_202 {strides = array<i32>} : memref<96xi32, #tpu.memory_space<vmem>>, vector<16xi32>,
    %get3A_205 = arith.constant 1 : i32
    %get3A_206 = arith.index_cast %get3A_205 : i32 to index
    %get3A_207 = arith.constant 80 : index
    %get3A_208 = tpu.vector_load %arg7[%get3A_206, %get3A_207] {strides = array<i32>} : memref<2x96xi32, #tpu.memory_space<vmem>>, vector<16xi32>,
    %swap3A_209 = arith.constant 80 : index
    %swap3A_210 = tpu.vector_load %arg10[%swap3A_209] {strides = array<i32>} : memref<96xi32, #tpu.memory_space<vmem>>, vector<16xi32>,
    tpu.vector_store %arg10[%swap3A_209], %get3A_208 {strides = array<i32>} : memref<96xi32, #tpu.memory_space<vmem>>, vector<16xi32>,
    %dma_start3A_211 = arith.constant 103 : i32
    %dma_start3A_212 = arith.constant 0 : i32
    %dma_start3A_213 = arith.constant 0 : i32
    %dma_start3A_214 = tpu.memref_slice %arg3[%add3A, %dma_start3A_211, %dma_start3A_212, %dma_start3A_213] : memref<32x104x2x96xi32, #tpu.memory_space<hbm>> -> memref<1x1x2x96xi32, #tpu.memory_space<hbm>>
    %dma_start3A_215 = tpu.memref_squeeze %dma_start3A_214 : memref<1x1x2x96xi32, #tpu.memory_space<hbm>> -> memref<2x96xi32, #tpu.memory_space<hbm>>
    %dma_start3A_216 = arith.constant 0 : i32
    %dma_start3A_217 = arith.constant 0 : i32
    %dma_start3A_218 = tpu.memref_slice %arg3[%add3A, %dma_start3A_211, %dma_start3A_216, %dma_start3A_217] : memref<32x104x2x96xi32, #tpu.memory_space<hbm>> -> memref<1x1x2x96xi32, #tpu.memory_space<hbm>>
    %dma_start3A_219 = tpu.memref_squeeze %dma_start3A_218 : memref<1x1x2x96xi32, #tpu.memory_space<hbm>> -> memref<2x96xi32, #tpu.memory_space<hbm>>
    tpu.enqueue_dma source(%dma_start3A_219 : memref<2x96xi32, #tpu.memory_space<hbm>>) target(%arg7 : memref<2x96xi32, #tpu.memory_space<vmem>>) target_semaphore(%arg17 : memref<!tpu.dma_semaphore, #tpu.memory_space<semaphore_mem>>)
    %dma_start3A_220 = arith.constant 0 : i32
    %dma_start3A_221 = arith.constant 0 : i32
    %dma_start3A_222 = tpu.memref_slice %arg15[%dma_start3A_220, %dma_start3A_221] : memref<10000x128xf32, #tpu.memory_space<vmem_shared>> -> memref<10000x128xf32, #tpu.memory_space<vmem_shared>>
    tpu.enqueue_indirect_dma source(%arg13 : memref<96x128xf32, #tpu.memory_space<vmem>>) target(%dma_start3A_222 : memref<10000x128xf32, #tpu.memory_space<vmem_shared>>) offsets(%arg10 : memref<96xi32, #tpu.memory_space<vmem>>) semaphore(%arg23 : memref<!tpu.dma_semaphore, #tpu.memory_space<semaphore_mem>>) {add = true}
    %dma_wait3A_223 = arith.constant 0 : i32
    %dma_wait3A_224 = arith.constant 0 : i32
    %dma_wait3A_225 = tpu.memref_slice %arg8[%dma_wait3A_223, %dma_wait3A_224] : memref<2x96xi32, #tpu.memory_space<vmem>> -> memref<1x96xi32, #tpu.memory_space<vmem>>
    %dma_wait3A_226 = tpu.memref_squeeze %dma_wait3A_225 : memref<1x96xi32, #tpu.memory_space<vmem>> -> memref<96xi32, #tpu.memory_space<vmem>>
    %dma_wait3A_227 = arith.constant 0 : i32
    %dma_wait3A_228 = arith.constant 0 : i32
    %dma_wait3A_229 = tpu.memref_slice %arg2[%dma_wait3A_227, %dma_wait3A_228] : memref<10000x128xf32, #tpu.memory_space<hbm>> -> memref<10000x128xf32, #tpu.memory_space<hbm>>
    tpu.wait_indirect_dma semaphore(%arg21 : memref<!tpu.dma_semaphore, #tpu.memory_space<semaphore_mem>>) src(%dma_wait3A_229 : memref<10000x128xf32, #tpu.memory_space<hbm>>) dst(%arg14 : memref<96x128xf32, #tpu.memory_space<vmem>>)
    %dma_wait3A_230 = arith.constant 0 : i32
    %dma_wait3A_231 = arith.constant 0 : i32
    %dma_wait3A_232 = tpu.memref_slice %arg15[%dma_wait3A_230, %dma_wait3A_231] : memref<10000x128xf32, #tpu.memory_space<vmem_shared>> -> memref<10000x128xf32, #tpu.memory_space<vmem_shared>>
    tpu.wait_indirect_dma semaphore(%arg23 : memref<!tpu.dma_semaphore, #tpu.memory_space<semaphore_mem>>) src(%arg13 : memref<96x128xf32, #tpu.memory_space<vmem>>) dst(%dma_wait3A_232 : memref<10000x128xf32, #tpu.memory_space<vmem_shared>>)
    %dma_wait3A_233 = arith.constant 103 : i32
    %dma_wait3A_234 = arith.constant 0 : i32
    %dma_wait3A_235 = arith.constant 0 : i32
    %dma_wait3A_236 = tpu.memref_slice %arg3[%add3A, %dma_wait3A_233, %dma_wait3A_234, %dma_wait3A_235] : memref<32x104x2x96xi32, #tpu.memory_space<hbm>> -> memref<1x1x2x96xi32, #tpu.memory_space<hbm>>
    %dma_wait3A_237 = tpu.memref_squeeze %dma_wait3A_236 : memref<1x1x2x96xi32, #tpu.memory_space<hbm>> -> memref<2x96xi32, #tpu.memory_space<hbm>>
    %dma_wait3A_238 = arith.constant 0 : i32
    %dma_wait3A_239 = arith.constant 0 : i32
    %dma_wait3A_240 = tpu.memref_slice %arg3[%add3A, %dma_wait3A_233, %dma_wait3A_238, %dma_wait3A_239] : memref<32x104x2x96xi32, #tpu.memory_space<hbm>> -> memref<1x1x2x96xi32, #tpu.memory_space<hbm>>
    %dma_wait3A_241 = tpu.memref_squeeze %dma_wait3A_240 : memref<1x1x2x96xi32, #tpu.memory_space<hbm>> -> memref<2x96xi32, #tpu.memory_space<hbm>>
    tpu.wait_dma2 semaphore(%arg17 : memref<!tpu.dma_semaphore, #tpu.memory_space<semaphore_mem>>) src(%dma_wait3A_241 : memref<2x96xi32, #tpu.memory_space<hbm>>) dst(%arg7 : memref<2x96xi32, #tpu.memory_space<vmem>>)
    %dma_start3A_242 = arith.constant 0 : i32
    %dma_start3A_243 = arith.constant 0 : i32
    %dma_start3A_244 = tpu.memref_slice %arg7[%dma_start3A_242, %dma_start3A_243] : memref<2x96xi32, #tpu.memory_space<vmem>> -> memref<1x96xi32, #tpu.memory_space<vmem>>
    %dma_start3A_245 = tpu.memref_squeeze %dma_start3A_244 : memref<1x96xi32, #tpu.memory_space<vmem>> -> memref<96xi32, #tpu.memory_space<vmem>>
    %dma_start3A_246 = arith.constant 0 : i32
    %dma_start3A_247 = arith.constant 0 : i32
    %dma_start3A_248 = tpu.memref_slice %arg2[%dma_start3A_246, %dma_start3A_247] : memref<10000x128xf32, #tpu.memory_space<hbm>> -> memref<10000x128xf32, #tpu.memory_space<hbm>>
    tpu.enqueue_indirect_dma source(%dma_start3A_248 : memref<10000x128xf32, #tpu.memory_space<hbm>>) target(%arg13 : memref<96x128xf32, #tpu.memory_space<vmem>>) offsets(%dma_start3A_245 : memref<96xi32, #tpu.memory_space<vmem>>) semaphore(%arg20 : memref<!tpu.dma_semaphore, #tpu.memory_space<semaphore_mem>>)
    %get3A_249 = arith.constant 1 : i32
    %get3A_250 = arith.index_cast %get3A_249 : i32 to index
    %get3A_251 = arith.constant 0 : index
    %get3A_252 = tpu.vector_load %arg8[%get3A_250, %get3A_251] {strides = array<i32>} : memref<2x96xi32, #tpu.memory_space<vmem>>, vector<16xi32>,
    %swap3A_253 = arith.constant 0 : index
    %swap3A_254 = tpu.vector_load %arg11[%swap3A_253] {strides = array<i32>} : memref<96xi32, #tpu.memory_space<vmem>>, vector<16xi32>,
    tpu.vector_store %arg11[%swap3A_253], %get3A_252 {strides = array<i32>} : memref<96xi32, #tpu.memory_space<vmem>>, vector<16xi32>,
    %get3A_255 = arith.constant 1 : i32
    %get3A_256 = arith.index_cast %get3A_255 : i32 to index
    %get3A_257 = arith.constant 16 : index
    %get3A_258 = tpu.vector_load %arg8[%get3A_256, %get3A_257] {strides = array<i32>} : memref<2x96xi32, #tpu.memory_space<vmem>>, vector<16xi32>,
    %swap3A_259 = arith.constant 16 : index
    %swap3A_260 = tpu.vector_load %arg11[%swap3A_259] {strides = array<i32>} : memref<96xi32, #tpu.memory_space<vmem>>, vector<16xi32>,
    tpu.vector_store %arg11[%swap3A_259], %get3A_258 {strides = array<i32>} : memref<96xi32, #tpu.memory_space<vmem>>, vector<16xi32>,
    %get3A_261 = arith.constant 1 : i32
    %get3A_262 = arith.index_cast %get3A_261 : i32 to index
    %get3A_263 = arith.constant 32 : index
    %get3A_264 = tpu.vector_load %arg8[%get3A_262, %get3A_263] {strides = array<i32>} : memref<2x96xi32, #tpu.memory_space<vmem>>, vector<16xi32>,
    %swap3A_265 = arith.constant 32 : index
    %swap3A_266 = tpu.vector_load %arg11[%swap3A_265] {strides = array<i32>} : memref<96xi32, #tpu.memory_space<vmem>>, vector<16xi32>,
    tpu.vector_store %arg11[%swap3A_265], %get3A_264 {strides = array<i32>} : memref<96xi32, #tpu.memory_space<vmem>>, vector<16xi32>,
    %get3A_267 = arith.constant 1 : i32
    %get3A_268 = arith.index_cast %get3A_267 : i32 to index
    %get3A_269 = arith.constant 48 : index
    %get3A_270 = tpu.vector_load %arg8[%get3A_268, %get3A_269] {strides = array<i32>} : memref<2x96xi32, #tpu.memory_space<vmem>>, vector<16xi32>,
    %swap3A_271 = arith.constant 48 : index
    %swap3A_272 = tpu.vector_load %arg11[%swap3A_271] {strides = array<i32>} : memref<96xi32, #tpu.memory_space<vmem>>, vector<16xi32>,
    tpu.vector_store %arg11[%swap3A_271], %get3A_270 {strides = array<i32>} : memref<96xi32, #tpu.memory_space<vmem>>, vector<16xi32>,
    %get3A_273 = arith.constant 1 : i32
    %get3A_274 = arith.index_cast %get3A_273 : i32 to index
    %get3A_275 = arith.constant 64 : index
    %get3A_276 = tpu.vector_load %arg8[%get3A_274, %get3A_275] {strides = array<i32>} : memref<2x96xi32, #tpu.memory_space<vmem>>, vector<16xi32>,
    %swap3A_277 = arith.constant 64 : index
    %swap3A_278 = tpu.vector_load %arg11[%swap3A_277] {strides = array<i32>} : memref<96xi32, #tpu.memory_space<vmem>>, vector<16xi32>,
    tpu.vector_store %arg11[%swap3A_277], %get3A_276 {strides = array<i32>} : memref<96xi32, #tpu.memory_space<vmem>>, vector<16xi32>,
    %get3A_279 = arith.constant 1 : i32
    %get3A_280 = arith.index_cast %get3A_279 : i32 to index
    %get3A_281 = arith.constant 80 : index
    %get3A_282 = tpu.vector_load %arg8[%get3A_280, %get3A_281] {strides = array<i32>} : memref<2x96xi32, #tpu.memory_space<vmem>>, vector<16xi32>,
    %swap3A_283 = arith.constant 80 : index
    %swap3A_284 = tpu.vector_load %arg11[%swap3A_283] {strides = array<i32>} : memref<96xi32, #tpu.memory_space<vmem>>, vector<16xi32>,
    tpu.vector_store %arg11[%swap3A_283], %get3A_282 {strides = array<i32>} : memref<96xi32, #tpu.memory_space<vmem>>, vector<16xi32>,
    %dma_start3A_285 = arith.constant 0 : i32
    %dma_start3A_286 = arith.constant 0 : i32
    %dma_start3A_287 = tpu.memref_slice %arg15[%dma_start3A_285, %dma_start3A_286] : memref<10000x128xf32, #tpu.memory_space<vmem_shared>> -> memref<10000x128xf32, #tpu.memory_space<vmem_shared>>
    tpu.enqueue_indirect_dma source(%arg14 : memref<96x128xf32, #tpu.memory_space<vmem>>) target(%dma_start3A_287 : memref<10000x128xf32, #tpu.memory_space<vmem_shared>>) offsets(%arg11 : memref<96xi32, #tpu.memory_space<vmem>>) semaphore(%arg24 : memref<!tpu.dma_semaphore, #tpu.memory_space<semaphore_mem>>) {add = true}
    %dma_wait3A_288 = arith.constant 0 : i32
    %dma_wait3A_289 = arith.constant 0 : i32
    %dma_wait3A_290 = tpu.memref_slice %arg6[%dma_wait3A_288, %dma_wait3A_289] : memref<2x96xi32, #tpu.memory_space<vmem>> -> memref<1x96xi32, #tpu.memory_space<vmem>>
    %dma_wait3A_291 = tpu.memref_squeeze %dma_wait3A_290 : memref<1x96xi32, #tpu.memory_space<vmem>> -> memref<96xi32, #tpu.memory_space<vmem>>
    %dma_wait3A_292 = arith.constant 0 : i32
    %dma_wait3A_293 = arith.constant 0 : i32
    %dma_wait3A_294 = tpu.memref_slice %arg2[%dma_wait3A_292, %dma_wait3A_293] : memref<10000x128xf32, #tpu.memory_space<hbm>> -> memref<10000x128xf32, #tpu.memory_space<hbm>>
    tpu.wait_indirect_dma semaphore(%arg19 : memref<!tpu.dma_semaphore, #tpu.memory_space<semaphore_mem>>) src(%dma_wait3A_294 : memref<10000x128xf32, #tpu.memory_space<hbm>>) dst(%arg12 : memref<96x128xf32, #tpu.memory_space<vmem>>)
    %dma_wait3A_295 = arith.constant 0 : i32
    %dma_wait3A_296 = arith.constant 0 : i32
    %dma_wait3A_297 = tpu.memref_slice %arg15[%dma_wait3A_295, %dma_wait3A_296] : memref<10000x128xf32, #tpu.memory_space<vmem_shared>> -> memref<10000x128xf32, #tpu.memory_space<vmem_shared>>
    tpu.wait_indirect_dma semaphore(%arg24 : memref<!tpu.dma_semaphore, #tpu.memory_space<semaphore_mem>>) src(%arg14 : memref<96x128xf32, #tpu.memory_space<vmem>>) dst(%dma_wait3A_297 : memref<10000x128xf32, #tpu.memory_space<vmem_shared>>)
    %get3A_298 = arith.constant 1 : i32
    %get3A_299 = arith.index_cast %get3A_298 : i32 to index
    %get3A_300 = arith.constant 0 : index
    %get3A_301 = tpu.vector_load %arg6[%get3A_299, %get3A_300] {strides = array<i32>} : memref<2x96xi32, #tpu.memory_space<vmem>>, vector<16xi32>,
    %swap3A_302 = arith.constant 0 : index
    %swap3A_303 = tpu.vector_load %arg9[%swap3A_302] {strides = array<i32>} : memref<96xi32, #tpu.memory_space<vmem>>, vector<16xi32>,
    tpu.vector_store %arg9[%swap3A_302], %get3A_301 {strides = array<i32>} : memref<96xi32, #tpu.memory_space<vmem>>, vector<16xi32>,
    %get3A_304 = arith.constant 1 : i32
    %get3A_305 = arith.index_cast %get3A_304 : i32 to index
    %get3A_306 = arith.constant 16 : index
    %get3A_307 = tpu.vector_load %arg6[%get3A_305, %get3A_306] {strides = array<i32>} : memref<2x96xi32, #tpu.memory_space<vmem>>, vector<16xi32>,
    %swap3A_308 = arith.constant 16 : index
    %swap3A_309 = tpu.vector_load %arg9[%swap3A_308] {strides = array<i32>} : memref<96xi32, #tpu.memory_space<vmem>>, vector<16xi32>,
    tpu.vector_store %arg9[%swap3A_308], %get3A_307 {strides = array<i32>} : memref<96xi32, #tpu.memory_space<vmem>>, vector<16xi32>,
    %get3A_310 = arith.constant 1 : i32
    %get3A_311 = arith.index_cast %get3A_310 : i32 to index
    %get3A_312 = arith.constant 32 : index
    %get3A_313 = tpu.vector_load %arg6[%get3A_311, %get3A_312] {strides = array<i32>} : memref<2x96xi32, #tpu.memory_space<vmem>>, vector<16xi32>,
    %swap3A_314 = arith.constant 32 : index
    %swap3A_315 = tpu.vector_load %arg9[%swap3A_314] {strides = array<i32>} : memref<96xi32, #tpu.memory_space<vmem>>, vector<16xi32>,
    tpu.vector_store %arg9[%swap3A_314], %get3A_313 {strides = array<i32>} : memref<96xi32, #tpu.memory_space<vmem>>, vector<16xi32>,
    %get3A_316 = arith.constant 1 : i32
    %get3A_317 = arith.index_cast %get3A_316 : i32 to index
    %get3A_318 = arith.constant 48 : index
    %get3A_319 = tpu.vector_load %arg6[%get3A_317, %get3A_318] {strides = array<i32>} : memref<2x96xi32, #tpu.memory_space<vmem>>, vector<16xi32>,
    %swap3A_320 = arith.constant 48 : index
    %swap3A_321 = tpu.vector_load %arg9[%swap3A_320] {strides = array<i32>} : memref<96xi32, #tpu.memory_space<vmem>>, vector<16xi32>,
    tpu.vector_store %arg9[%swap3A_320], %get3A_319 {strides = array<i32>} : memref<96xi32, #tpu.memory_space<vmem>>, vector<16xi32>,
    %get3A_322 = arith.constant 1 : i32
    %get3A_323 = arith.index_cast %get3A_322 : i32 to index
    %get3A_324 = arith.constant 64 : index
    %get3A_325 = tpu.vector_load %arg6[%get3A_323, %get3A_324] {strides = array<i32>} : memref<2x96xi32, #tpu.memory_space<vmem>>, vector<16xi32>,
    %swap3A_326 = arith.constant 64 : index
    %swap3A_327 = tpu.vector_load %arg9[%swap3A_326] {strides = array<i32>} : memref<96xi32, #tpu.memory_space<vmem>>, vector<16xi32>,
    tpu.vector_store %arg9[%swap3A_326], %get3A_325 {strides = array<i32>} : memref<96xi32, #tpu.memory_space<vmem>>, vector<16xi32>,
    %get3A_328 = arith.constant 1 : i32
    %get3A_329 = arith.index_cast %get3A_328 : i32 to index
    %get3A_330 = arith.constant 80 : index
    %get3A_331 = tpu.vector_load %arg6[%get3A_329, %get3A_330] {strides = array<i32>} : memref<2x96xi32, #tpu.memory_space<vmem>>, vector<16xi32>,
    %swap3A_332 = arith.constant 80 : index
    %swap3A_333 = tpu.vector_load %arg9[%swap3A_332] {strides = array<i32>} : memref<96xi32, #tpu.memory_space<vmem>>, vector<16xi32>,
    tpu.vector_store %arg9[%swap3A_332], %get3A_331 {strides = array<i32>} : memref<96xi32, #tpu.memory_space<vmem>>, vector<16xi32>,
    %dma_start3A_334 = arith.constant 0 : i32
    %dma_start3A_335 = arith.constant 0 : i32
    %dma_start3A_336 = tpu.memref_slice %arg15[%dma_start3A_334, %dma_start3A_335] : memref<10000x128xf32, #tpu.memory_space<vmem_shared>> -> memref<10000x128xf32, #tpu.memory_space<vmem_shared>>
    tpu.enqueue_indirect_dma source(%arg12 : memref<96x128xf32, #tpu.memory_space<vmem>>) target(%dma_start3A_336 : memref<10000x128xf32, #tpu.memory_space<vmem_shared>>) offsets(%arg9 : memref<96xi32, #tpu.memory_space<vmem>>) semaphore(%arg22 : memref<!tpu.dma_semaphore, #tpu.memory_space<semaphore_mem>>) {add = true}
    %dma_wait3A_337 = arith.constant 0 : i32
    %dma_wait3A_338 = arith.constant 0 : i32
    %dma_wait3A_339 = tpu.memref_slice %arg7[%dma_wait3A_337, %dma_wait3A_338] : memref<2x96xi32, #tpu.memory_space<vmem>> -> memref<1x96xi32, #tpu.memory_space<vmem>>
    %dma_wait3A_340 = tpu.memref_squeeze %dma_wait3A_339 : memref<1x96xi32, #tpu.memory_space<vmem>> -> memref<96xi32, #tpu.memory_space<vmem>>
    %dma_wait3A_341 = arith.constant 0 : i32
    %dma_wait3A_342 = arith.constant 0 : i32
    %dma_wait3A_343 = tpu.memref_slice %arg2[%dma_wait3A_341, %dma_wait3A_342] : memref<10000x128xf32, #tpu.memory_space<hbm>> -> memref<10000x128xf32, #tpu.memory_space<hbm>>
    tpu.wait_indirect_dma semaphore(%arg20 : memref<!tpu.dma_semaphore, #tpu.memory_space<semaphore_mem>>) src(%dma_wait3A_343 : memref<10000x128xf32, #tpu.memory_space<hbm>>) dst(%arg13 : memref<96x128xf32, #tpu.memory_space<vmem>>)
    %dma_wait3A_344 = arith.constant 0 : i32
    %dma_wait3A_345 = arith.constant 0 : i32
    %dma_wait3A_346 = tpu.memref_slice %arg15[%dma_wait3A_344, %dma_wait3A_345] : memref<10000x128xf32, #tpu.memory_space<vmem_shared>> -> memref<10000x128xf32, #tpu.memory_space<vmem_shared>>
    tpu.wait_indirect_dma semaphore(%arg22 : memref<!tpu.dma_semaphore, #tpu.memory_space<semaphore_mem>>) src(%arg12 : memref<96x128xf32, #tpu.memory_space<vmem>>) dst(%dma_wait3A_346 : memref<10000x128xf32, #tpu.memory_space<vmem_shared>>)
    %get3A_347 = arith.constant 1 : i32
    %get3A_348 = arith.index_cast %get3A_347 : i32 to index
    %get3A_349 = arith.constant 0 : index
    %get3A_350 = tpu.vector_load %arg7[%get3A_348, %get3A_349] {strides = array<i32>} : memref<2x96xi32, #tpu.memory_space<vmem>>, vector<16xi32>,
    %swap3A_351 = arith.constant 0 : index
    %swap3A_352 = tpu.vector_load %arg10[%swap3A_351] {strides = array<i32>} : memref<96xi32, #tpu.memory_space<vmem>>, vector<16xi32>,
    tpu.vector_store %arg10[%swap3A_351], %get3A_350 {strides = array<i32>} : memref<96xi32, #tpu.memory_space<vmem>>, vector<16xi32>,
    %get3A_353 = arith.constant 1 : i32
    %get3A_354 = arith.index_cast %get3A_353 : i32 to index
    %get3A_355 = arith.constant 16 : index
    %get3A_356 = tpu.vector_load %arg7[%get3A_354, %get3A_355] {strides = array<i32>} : memref<2x96xi32, #tpu.memory_space<vmem>>, vector<16xi32>,
    %swap3A_357 = arith.constant 16 : index
    %swap3A_358 = tpu.vector_load %arg10[%swap3A_357] {strides = array<i32>} : memref<96xi32, #tpu.memory_space<vmem>>, vector<16xi32>,
    tpu.vector_store %arg10[%swap3A_357], %get3A_356 {strides = array<i32>} : memref<96xi32, #tpu.memory_space<vmem>>, vector<16xi32>,
    %get3A_359 = arith.constant 1 : i32
    %get3A_360 = arith.index_cast %get3A_359 : i32 to index
    %get3A_361 = arith.constant 32 : index
    %get3A_362 = tpu.vector_load %arg7[%get3A_360, %get3A_361] {strides = array<i32>} : memref<2x96xi32, #tpu.memory_space<vmem>>, vector<16xi32>,
    %swap3A_363 = arith.constant 32 : index
    %swap3A_364 = tpu.vector_load %arg10[%swap3A_363] {strides = array<i32>} : memref<96xi32, #tpu.memory_space<vmem>>, vector<16xi32>,
    tpu.vector_store %arg10[%swap3A_363], %get3A_362 {strides = array<i32>} : memref<96xi32, #tpu.memory_space<vmem>>, vector<16xi32>,
    %get3A_365 = arith.constant 1 : i32
    %get3A_366 = arith.index_cast %get3A_365 : i32 to index
    %get3A_367 = arith.constant 48 : index
    %get3A_368 = tpu.vector_load %arg7[%get3A_366, %get3A_367] {strides = array<i32>} : memref<2x96xi32, #tpu.memory_space<vmem>>, vector<16xi32>,
    %swap3A_369 = arith.constant 48 : index
    %swap3A_370 = tpu.vector_load %arg10[%swap3A_369] {strides = array<i32>} : memref<96xi32, #tpu.memory_space<vmem>>, vector<16xi32>,
    tpu.vector_store %arg10[%swap3A_369], %get3A_368 {strides = array<i32>} : memref<96xi32, #tpu.memory_space<vmem>>, vector<16xi32>,
    %get3A_371 = arith.constant 1 : i32
    %get3A_372 = arith.index_cast %get3A_371 : i32 to index
    %get3A_373 = arith.constant 64 : index
    %get3A_374 = tpu.vector_load %arg7[%get3A_372, %get3A_373] {strides = array<i32>} : memref<2x96xi32, #tpu.memory_space<vmem>>, vector<16xi32>,
    %swap3A_375 = arith.constant 64 : index
    %swap3A_376 = tpu.vector_load %arg10[%swap3A_375] {strides = array<i32>} : memref<96xi32, #tpu.memory_space<vmem>>, vector<16xi32>,
    tpu.vector_store %arg10[%swap3A_375], %get3A_374 {strides = array<i32>} : memref<96xi32, #tpu.memory_space<vmem>>, vector<16xi32>,
    %get3A_377 = arith.constant 1 : i32
    %get3A_378 = arith.index_cast %get3A_377 : i32 to index
    %get3A_379 = arith.constant 80 : index
    %get3A_380 = tpu.vector_load %arg7[%get3A_378, %get3A_379] {strides = array<i32>} : memref<2x96xi32, #tpu.memory_space<vmem>>, vector<16xi32>,
    %swap3A_381 = arith.constant 80 : index
    %swap3A_382 = tpu.vector_load %arg10[%swap3A_381] {strides = array<i32>} : memref<96xi32, #tpu.memory_space<vmem>>, vector<16xi32>,
    tpu.vector_store %arg10[%swap3A_381], %get3A_380 {strides = array<i32>} : memref<96xi32, #tpu.memory_space<vmem>>, vector<16xi32>,
    %dma_start3A_383 = arith.constant 0 : i32
    %dma_start3A_384 = arith.constant 0 : i32
    %dma_start3A_385 = tpu.memref_slice %arg15[%dma_start3A_383, %dma_start3A_384] : memref<10000x128xf32, #tpu.memory_space<vmem_shared>> -> memref<10000x128xf32, #tpu.memory_space<vmem_shared>>
    tpu.enqueue_indirect_dma source(%arg13 : memref<96x128xf32, #tpu.memory_space<vmem>>) target(%dma_start3A_385 : memref<10000x128xf32, #tpu.memory_space<vmem_shared>>) offsets(%arg10 : memref<96xi32, #tpu.memory_space<vmem>>) semaphore(%arg23 : memref<!tpu.dma_semaphore, #tpu.memory_space<semaphore_mem>>) {add = true}
    %dma_wait3A_386 = arith.constant 0 : i32
    %dma_wait3A_387 = arith.constant 0 : i32
    %dma_wait3A_388 = tpu.memref_slice %arg15[%dma_wait3A_386, %dma_wait3A_387] : memref<10000x128xf32, #tpu.memory_space<vmem_shared>> -> memref<10000x128xf32, #tpu.memory_space<vmem_shared>>
    tpu.wait_indirect_dma semaphore(%arg23 : memref<!tpu.dma_semaphore, #tpu.memory_space<semaphore_mem>>) src(%arg13 : memref<96x128xf32, #tpu.memory_space<vmem>>) dst(%dma_wait3A_388 : memref<10000x128xf32, #tpu.memory_space<vmem_shared>>)
    "tpu.region"() ({
      %run_scoped3A_401 = tpu.sem_alloc : memref<!tpu.dma_semaphore, #tpu.memory_space<semaphore_mem>>
      %dma_start3A_402 = arith.constant 0 : i32
      %dma_start3A_403 = arith.constant 0 : i32
      %dma_start3A_404 = tpu.memref_slice %arg4[%add3A, %dma_start3A_402, %dma_start3A_403] : memref<32x2x16xi32, #tpu.memory_space<hbm>> -> memref<1x2x16xi32, #tpu.memory_space<hbm>>
      %dma_start3A_405 = tpu.memref_squeeze %dma_start3A_404 : memref<1x2x16xi32, #tpu.memory_space<hbm>> -> memref<2x16xi32, #tpu.memory_space<hbm>>
      %dma_start3A_406 = arith.constant 0 : i32
      %dma_start3A_407 = arith.constant 0 : i32
      %dma_start3A_408 = tpu.memref_slice %arg4[%add3A, %dma_start3A_406, %dma_start3A_407] : memref<32x2x16xi32, #tpu.memory_space<hbm>> -> memref<1x2x16xi32, #tpu.memory_space<hbm>>
      %dma_start3A_409 = tpu.memref_squeeze %dma_start3A_408 : memref<1x2x16xi32, #tpu.memory_space<hbm>> -> memref<2x16xi32, #tpu.memory_space<hbm>>
      tpu.enqueue_dma source(%dma_start3A_409 : memref<2x16xi32, #tpu.memory_space<hbm>>) target(%arg25 : memref<2x16xi32, #tpu.memory_space<vmem>>) target_semaphore(%run_scoped3A_401 : memref<!tpu.dma_semaphore, #tpu.memory_space<semaphore_mem>>)
      %dma_wait3A_410 = arith.constant 0 : i32
      %dma_wait3A_411 = arith.constant 0 : i32
      %dma_wait3A_412 = tpu.memref_slice %arg4[%add3A, %dma_wait3A_410, %dma_wait3A_411] : memref<32x2x16xi32, #tpu.memory_space<hbm>> -> memref<1x2x16xi32, #tpu.memory_space<hbm>>
      %dma_wait3A_413 = tpu.memref_squeeze %dma_wait3A_412 : memref<1x2x16xi32, #tpu.memory_space<hbm>> -> memref<2x16xi32, #tpu.memory_space<hbm>>
      %dma_wait3A_414 = arith.constant 0 : i32
      %dma_wait3A_415 = arith.constant 0 : i32
      %dma_wait3A_416 = tpu.memref_slice %arg4[%add3A, %dma_wait3A_414, %dma_wait3A_415] : memref<32x2x16xi32, #tpu.memory_space<hbm>> -> memref<1x2x16xi32, #tpu.memory_space<hbm>>
      %dma_wait3A_417 = tpu.memref_squeeze %dma_wait3A_416 : memref<1x2x16xi32, #tpu.memory_space<hbm>> -> memref<2x16xi32, #tpu.memory_space<hbm>>
      tpu.wait_dma2 semaphore(%run_scoped3A_401 : memref<!tpu.dma_semaphore, #tpu.memory_space<semaphore_mem>>) src(%dma_wait3A_417 : memref<2x16xi32, #tpu.memory_space<hbm>>) dst(%arg25 : memref<2x16xi32, #tpu.memory_space<vmem>>)
      tpu.yield
    }) : () -> ()
    %run_scoped3A = arith.constant 0 : i32
    "tpu.region"() ({
      %run_scoped3A_401 = tpu.sem_alloc : memref<!tpu.dma_semaphore, #tpu.memory_space<semaphore_mem>>
      %dma_start3A_402 = arith.constant 0 : i32
      %dma_start3A_403 = arith.constant 0 : i32
      %dma_start3A_404 = tpu.memref_slice %arg12[%dma_start3A_402, %dma_start3A_403] : memref<96x128xf32, #tpu.memory_space<vmem>> -> memref<16x128xf32, #tpu.memory_space<vmem>>
      %dma_start3A_405 = arith.constant 0 : i32
      %dma_start3A_406 = tpu.memref_slice %arg25[%run_scoped3A, %dma_start3A_405] : memref<2x16xi32, #tpu.memory_space<vmem>> -> memref<1x16xi32, #tpu.memory_space<vmem>>
      %dma_start3A_407 = tpu.memref_squeeze %dma_start3A_406 : memref<1x16xi32, #tpu.memory_space<vmem>> -> memref<16xi32, #tpu.memory_space<vmem>>
      %dma_start3A_408 = arith.constant 0 : i32
      %dma_start3A_409 = arith.constant 0 : i32
      %dma_start3A_410 = tpu.memref_slice %arg2[%dma_start3A_408, %dma_start3A_409] : memref<10000x128xf32, #tpu.memory_space<hbm>> -> memref<10000x128xf32, #tpu.memory_space<hbm>>
      tpu.enqueue_indirect_dma source(%dma_start3A_410 : memref<10000x128xf32, #tpu.memory_space<hbm>>) target(%dma_start3A_404 : memref<16x128xf32, #tpu.memory_space<vmem>>) offsets(%dma_start3A_407 : memref<16xi32, #tpu.memory_space<vmem>>) semaphore(%run_scoped3A_401 : memref<!tpu.dma_semaphore, #tpu.memory_space<semaphore_mem>>)
      %dma_wait3A_411 = arith.constant 0 : i32
      %dma_wait3A_412 = arith.constant 0 : i32
      %dma_wait3A_413 = tpu.memref_slice %arg12[%dma_wait3A_411, %dma_wait3A_412] : memref<96x128xf32, #tpu.memory_space<vmem>> -> memref<16x128xf32, #tpu.memory_space<vmem>>
      %dma_wait3A_414 = arith.constant 0 : i32
      %dma_wait3A_415 = tpu.memref_slice %arg25[%run_scoped3A, %dma_wait3A_414] : memref<2x16xi32, #tpu.memory_space<vmem>> -> memref<1x16xi32, #tpu.memory_space<vmem>>
      %dma_wait3A_416 = tpu.memref_squeeze %dma_wait3A_415 : memref<1x16xi32, #tpu.memory_space<vmem>> -> memref<16xi32, #tpu.memory_space<vmem>>
      %dma_wait3A_417 = arith.constant 0 : i32
      %dma_wait3A_418 = arith.constant 0 : i32
      %dma_wait3A_419 = tpu.memref_slice %arg2[%dma_wait3A_417, %dma_wait3A_418] : memref<10000x128xf32, #tpu.memory_space<hbm>> -> memref<10000x128xf32, #tpu.memory_space<hbm>>
      tpu.wait_indirect_dma semaphore(%run_scoped3A_401 : memref<!tpu.dma_semaphore, #tpu.memory_space<semaphore_mem>>) src(%dma_wait3A_419 : memref<10000x128xf32, #tpu.memory_space<hbm>>) dst(%dma_wait3A_413 : memref<16x128xf32, #tpu.memory_space<vmem>>)
      tpu.yield
    }) : () -> ()
    %run_scoped3A_389 = arith.constant 1 : i32
    "tpu.region"() ({
      %run_scoped3A_401 = tpu.sem_alloc : memref<!tpu.dma_semaphore, #tpu.memory_space<semaphore_mem>>
      %dma_start3A_402 = arith.constant 0 : i32
      %dma_start3A_403 = arith.constant 0 : i32
      %dma_start3A_404 = tpu.memref_slice %arg12[%dma_start3A_402, %dma_start3A_403] : memref<96x128xf32, #tpu.memory_space<vmem>> -> memref<16x128xf32, #tpu.memory_space<vmem>>
      %dma_start3A_405 = arith.constant 0 : i32
      %dma_start3A_406 = tpu.memref_slice %arg25[%run_scoped3A_389, %dma_start3A_405] : memref<2x16xi32, #tpu.memory_space<vmem>> -> memref<1x16xi32, #tpu.memory_space<vmem>>
      %dma_start3A_407 = tpu.memref_squeeze %dma_start3A_406 : memref<1x16xi32, #tpu.memory_space<vmem>> -> memref<16xi32, #tpu.memory_space<vmem>>
      %dma_start3A_408 = arith.constant 0 : i32
      %dma_start3A_409 = arith.constant 0 : i32
      %dma_start3A_410 = tpu.memref_slice %arg15[%dma_start3A_408, %dma_start3A_409] : memref<10000x128xf32, #tpu.memory_space<vmem_shared>> -> memref<10000x128xf32, #tpu.memory_space<vmem_shared>>
      tpu.enqueue_indirect_dma source(%dma_start3A_404 : memref<16x128xf32, #tpu.memory_space<vmem>>) target(%dma_start3A_410 : memref<10000x128xf32, #tpu.memory_space<vmem_shared>>) offsets(%dma_start3A_407 : memref<16xi32, #tpu.memory_space<vmem>>) semaphore(%run_scoped3A_401 : memref<!tpu.dma_semaphore, #tpu.memory_space<semaphore_mem>>) {add = true}
      %dma_wait3A_411 = arith.constant 0 : i32
      %dma_wait3A_412 = arith.constant 0 : i32
      %dma_wait3A_413 = tpu.memref_slice %arg12[%dma_wait3A_411, %dma_wait3A_412] : memref<96x128xf32, #tpu.memory_space<vmem>> -> memref<16x128xf32, #tpu.memory_space<vmem>>
      %dma_wait3A_414 = arith.constant 0 : i32
      %dma_wait3A_415 = tpu.memref_slice %arg25[%run_scoped3A_389, %dma_wait3A_414] : memref<2x16xi32, #tpu.memory_space<vmem>> -> memref<1x16xi32, #tpu.memory_space<vmem>>
      %dma_wait3A_416 = tpu.memref_squeeze %dma_wait3A_415 : memref<1x16xi32, #tpu.memory_space<vmem>> -> memref<16xi32, #tpu.memory_space<vmem>>
      %dma_wait3A_417 = arith.constant 0 : i32
      %dma_wait3A_418 = arith.constant 0 : i32
      %dma_wait3A_419 = tpu.memref_slice %arg15[%dma_wait3A_417, %dma_wait3A_418] : memref<10000x128xf32, #tpu.memory_space<vmem_shared>> -> memref<10000x128xf32, #tpu.memory_space<vmem_shared>>
      tpu.wait_indirect_dma semaphore(%run_scoped3A_401 : memref<!tpu.dma_semaphore, #tpu.memory_space<semaphore_mem>>) src(%dma_wait3A_413 : memref<16x128xf32, #tpu.memory_space<vmem>>) dst(%dma_wait3A_419 : memref<10000x128xf32, #tpu.memory_space<vmem_shared>>)
      tpu.yield
    }) : () -> ()
    %barrier3A_390 = arith.constant 0 : index
    tpu.barrier barrier_id(%barrier3A_390)
    %lt3A_391 = arith.constant 15 : i32
    %lt3A_392 = arith.cmpi slt, %arg1, %lt3A_391 : i32
    %convert_element_type3A_393 = arith.extui %lt3A_392 : i1 to i32
    %cond3A_394 = arith.constant 0 : i32
    %cond3A_395 = arith.cmpi ne, %convert_element_type3A_393, %cond3A_394 : i32
    scf.if %cond3A_395 {
      "tpu.region"() ({
        %run_scoped3A_401 = tpu.sem_alloc : memref<!tpu.dma_semaphore, #tpu.memory_space<semaphore_mem>>
        %dma_start3A_402 = arith.constant 0 : i32
        %dma_start3A_403 = arith.constant 0 : i32
        %dma_start3A_404 = tpu.memref_slice %arg5[%arg0, %dma_start3A_402, %dma_start3A_403] : memref<2x10000x128xf32, #tpu.memory_space<hbm>> -> memref<1x10000x128xf32, #tpu.memory_space<hbm>>
        %dma_start3A_405 = tpu.memref_squeeze %dma_start3A_404 : memref<1x10000x128xf32, #tpu.memory_space<hbm>> -> memref<10000x128xf32, #tpu.memory_space<hbm>>
        %dma_start3A_406 = arith.constant 0 : i32
        %dma_start3A_407 = tpu.memref_slice %dma_start3A_405[%multiple_of3A, %dma_start3A_406] : memref<10000x128xf32, #tpu.memory_space<hbm>> -> memref<632x128xf32, #tpu.memory_space<hbm>>
        %dma_start3A_408 = arith.constant 0 : i32
        %dma_start3A_409 = tpu.memref_slice %arg15[%multiple_of3A, %dma_start3A_408] : memref<10000x128xf32, #tpu.memory_space<vmem_shared>> -> memref<632x128xf32, #tpu.memory_space<vmem_shared>>
        tpu.enqueue_dma source(%dma_start3A_409 : memref<632x128xf32, #tpu.memory_space<vmem_shared>>) target(%dma_start3A_407 : memref<632x128xf32, #tpu.memory_space<hbm>>) target_semaphore(%run_scoped3A_401 : memref<!tpu.dma_semaphore, #tpu.memory_space<semaphore_mem>>)
        %dma_wait3A_410 = arith.constant 0 : i32
        %dma_wait3A_411 = arith.constant 0 : i32
        %dma_wait3A_412 = tpu.memref_slice %arg5[%arg0, %dma_wait3A_410, %dma_wait3A_411] : memref<2x10000x128xf32, #tpu.memory_space<hbm>> -> memref<1x10000x128xf32, #tpu.memory_space<hbm>>
        %dma_wait3A_413 = tpu.memref_squeeze %dma_wait3A_412 : memref<1x10000x128xf32, #tpu.memory_space<hbm>> -> memref<10000x128xf32, #tpu.memory_space<hbm>>
        %dma_wait3A_414 = arith.constant 0 : i32
        %dma_wait3A_415 = tpu.memref_slice %dma_wait3A_413[%multiple_of3A, %dma_wait3A_414] : memref<10000x128xf32, #tpu.memory_space<hbm>> -> memref<632x128xf32, #tpu.memory_space<hbm>>
        %dma_wait3A_416 = arith.constant 0 : i32
        %dma_wait3A_417 = tpu.memref_slice %arg15[%multiple_of3A, %dma_wait3A_416] : memref<10000x128xf32, #tpu.memory_space<vmem_shared>> -> memref<632x128xf32, #tpu.memory_space<vmem_shared>>
        tpu.wait_dma2 semaphore(%run_scoped3A_401 : memref<!tpu.dma_semaphore, #tpu.memory_space<semaphore_mem>>) src(%dma_wait3A_417 : memref<632x128xf32, #tpu.memory_space<vmem_shared>>) dst(%dma_wait3A_415 : memref<632x128xf32, #tpu.memory_space<hbm>>)
        tpu.yield
      }) : () -> ()
    } else {
    }
    %eq3A_396 = arith.constant 15 : i32
    %eq3A_397 = arith.cmpi eq, %arg1, %eq3A_396 : i32
    %convert_element_type3A_398 = arith.extui %eq3A_397 : i1 to i32
    %cond3A_399 = arith.constant 0 : i32
    %cond3A_400 = arith.cmpi ne, %convert_element_type3A_398, %cond3A_399 : i32
    scf.if %cond3A_400 {
      "tpu.region"() ({
        %run_scoped3A_401 = tpu.sem_alloc : memref<!tpu.dma_semaphore, #tpu.memory_space<semaphore_mem>>
        %dma_start3A_402 = arith.constant 0 : i32
        %dma_start3A_403 = arith.constant 0 : i32
        %dma_start3A_404 = tpu.memref_slice %arg5[%arg0, %dma_start3A_402, %dma_start3A_403] : memref<2x10000x128xf32, #tpu.memory_space<hbm>> -> memref<1x10000x128xf32, #tpu.memory_space<hbm>>
        %dma_start3A_405 = tpu.memref_squeeze %dma_start3A_404 : memref<1x10000x128xf32, #tpu.memory_space<hbm>> -> memref<10000x128xf32, #tpu.memory_space<hbm>>
        %dma_start3A_406 = arith.constant 9480 : i32
        %dma_start3A_407 = arith.constant 0 : i32
        %dma_start3A_408 = tpu.memref_slice %dma_start3A_405[%dma_start3A_406, %dma_start3A_407] : memref<10000x128xf32, #tpu.memory_space<hbm>> -> memref<520x128xf32, #tpu.memory_space<hbm>>
        %dma_start3A_409 = arith.constant 9480 : i32
        %dma_start3A_410 = arith.constant 0 : i32
        %dma_start3A_411 = tpu.memref_slice %arg15[%dma_start3A_409, %dma_start3A_410] : memref<10000x128xf32, #tpu.memory_space<vmem_shared>> -> memref<520x128xf32, #tpu.memory_space<vmem_shared>>
        tpu.enqueue_dma source(%dma_start3A_411 : memref<520x128xf32, #tpu.memory_space<vmem_shared>>) target(%dma_start3A_408 : memref<520x128xf32, #tpu.memory_space<hbm>>) target_semaphore(%run_scoped3A_401 : memref<!tpu.dma_semaphore, #tpu.memory_space<semaphore_mem>>)
        %dma_wait3A_412 = arith.constant 0 : i32
        %dma_wait3A_413 = arith.constant 0 : i32
        %dma_wait3A_414 = tpu.memref_slice %arg5[%arg0, %dma_wait3A_412, %dma_wait3A_413] : memref<2x10000x128xf32, #tpu.memory_space<hbm>> -> memref<1x10000x128xf32, #tpu.memory_space<hbm>>
        %dma_wait3A_415 = tpu.memref_squeeze %dma_wait3A_414 : memref<1x10000x128xf32, #tpu.memory_space<hbm>> -> memref<10000x128xf32, #tpu.memory_space<hbm>>
        %dma_wait3A_416 = arith.constant 9480 : i32
        %dma_wait3A_417 = arith.constant 0 : i32
        %dma_wait3A_418 = tpu.memref_slice %dma_wait3A_415[%dma_wait3A_416, %dma_wait3A_417] : memref<10000x128xf32, #tpu.memory_space<hbm>> -> memref<520x128xf32, #tpu.memory_space<hbm>>
        %dma_wait3A_419 = arith.constant 9480 : i32
        %dma_wait3A_420 = arith.constant 0 : i32
        %dma_wait3A_421 = tpu.memref_slice %arg15[%dma_wait3A_419, %dma_wait3A_420] : memref<10000x128xf32, #tpu.memory_space<vmem_shared>> -> memref<520x128xf32, #tpu.memory_space<vmem_shared>>
        tpu.wait_dma2 semaphore(%run_scoped3A_401 : memref<!tpu.dma_semaphore, #tpu.memory_space<semaphore_mem>>) src(%dma_wait3A_421 : memref<520x128xf32, #tpu.memory_space<vmem_shared>>) dst(%dma_wait3A_418 : memref<520x128xf32, #tpu.memory_space<hbm>>)
        tpu.yield
      }) : () -> ()
    } else {
    }
    return
  }
}

#map = affine_map<(d0, d1) -> (0, 0)>
#map1 = affine_map<(d0, d1) -> (0, 0, 0, 0)>
#map2 = affine_map<(d0, d1) -> (0, 0, 0)>
module attributes {stable_mosaic.version = 14 : i64} {
  func.func @seg_sum(%arg0: i32, %arg1: i32, %arg2: memref<10000x128xf32, #tpu.memory_space<hbm>>, %arg3: memref<32x104x2x96xi32, #tpu.memory_space<hbm>>, %arg4: memref<32x2x16xi32, #tpu.memory_space<hbm>>, %arg5: memref<2x10000x128xf32, #tpu.memory_space<hbm>>, %arg6: memref<32x1x10000xf32, #tpu.memory_space<hbm>>, %arg7: memref<2x96xi32, #tpu.memory_space<vmem>>, %arg8: memref<2x96xi32, #tpu.memory_space<vmem>>, %arg9: memref<2x96xi32, #tpu.memory_space<vmem>>, %arg10: memref<96xi32, #tpu.memory_space<vmem>>, %arg11: memref<96xi32, #tpu.memory_space<vmem>>, %arg12: memref<96xi32, #tpu.memory_space<vmem>>, %arg13: memref<96x128xf32, #tpu.memory_space<vmem>>, %arg14: memref<96x128xf32, #tpu.memory_space<vmem>>, %arg15: memref<96x128xf32, #tpu.memory_space<vmem>>, %arg16: memref<10000x128xf32, #tpu.memory_space<vmem_shared>>, %arg17: memref<!tpu.dma_semaphore, #tpu.memory_space<semaphore_mem>>, %arg18: memref<!tpu.dma_semaphore, #tpu.memory_space<semaphore_mem>>, %arg19: memref<!tpu.dma_semaphore, #tpu.memory_space<semaphore_mem>>, %arg20: memref<!tpu.dma_semaphore, #tpu.memory_space<semaphore_mem>>, %arg21: memref<!tpu.dma_semaphore, #tpu.memory_space<semaphore_mem>>, %arg22: memref<!tpu.dma_semaphore, #tpu.memory_space<semaphore_mem>>, %arg23: memref<!tpu.dma_semaphore, #tpu.memory_space<semaphore_mem>>, %arg24: memref<!tpu.dma_semaphore, #tpu.memory_space<semaphore_mem>>, %arg25: memref<!tpu.dma_semaphore, #tpu.memory_space<semaphore_mem>>, %arg26: memref<1x10000xf32, #tpu.memory_space<vmem>>, %arg27: memref<2x16xi32, #tpu.memory_space<vmem>>) attributes {dimension_semantics = [#tpu.dimension_semantics<core_parallel>, #tpu.dimension_semantics<subcore_parallel>], iteration_bounds = array<i64: 2, 16>, scalar_prefetch = 0 : i64, scratch_operands = 21 : i64, tpu.core_type = #tpu.core_type<sc_vector_subcore>, window_params = [{transform_indices = #map}, {transform_indices = #map1}, {transform_indices = #map2}, {transform_indices = #map2}, {transform_indices = #map2}]} {
    %mul3A = arith.constant 16 : i32
    %mul3A_0 = arith.muli %arg0, %mul3A : i32
    %add3A = arith.addi %mul3A_0, %arg1 : i32
    %broadcast_in_dim3A = arith.constant 0.000000e+00 : f32
    %broadcast_in_dim3A_1 = vector.broadcast %broadcast_in_dim3A : f32 to vector<16xf32>
    %broadcast_in_dim3A_2 = arith.constant 0 : i32
    %broadcast_in_dim3A_3 = vector.broadcast %broadcast_in_dim3A_2 : i32 to vector<16xi32>
    %broadcast_in_dim3A_4 = arith.constant 1.000000e+00 : f32
    %broadcast_in_dim3A_5 = vector.broadcast %broadcast_in_dim3A_4 : f32 to vector<16xf32>
    %dma_start3A = arith.constant 0 : i32
    %dma_start3A_6 = arith.constant 0 : i32
    %dma_start3A_7 = arith.constant 0 : i32
    %dma_start3A_8 = tpu.memref_slice %arg3[%add3A, %dma_start3A, %dma_start3A_6, %dma_start3A_7] : memref<32x104x2x96xi32, #tpu.memory_space<hbm>> -> memref<1x1x2x96xi32, #tpu.memory_space<hbm>>
    %dma_start3A_9 = tpu.memref_squeeze %dma_start3A_8 : memref<1x1x2x96xi32, #tpu.memory_space<hbm>> -> memref<2x96xi32, #tpu.memory_space<hbm>>
    %dma_start3A_10 = arith.constant 0 : i32
    %dma_start3A_11 = arith.constant 0 : i32
    %dma_start3A_12 = tpu.memref_slice %arg3[%add3A, %dma_start3A, %dma_start3A_10, %dma_start3A_11] : memref<32x104x2x96xi32, #tpu.memory_space<hbm>> -> memref<1x1x2x96xi32, #tpu.memory_space<hbm>>
    %dma_start3A_13 = tpu.memref_squeeze %dma_start3A_12 : memref<1x1x2x96xi32, #tpu.memory_space<hbm>> -> memref<2x96xi32, #tpu.memory_space<hbm>>
    tpu.enqueue_dma source(%dma_start3A_13 : memref<2x96xi32, #tpu.memory_space<hbm>>) target(%arg7 : memref<2x96xi32, #tpu.memory_space<vmem>>) target_semaphore(%arg17 : memref<!tpu.dma_semaphore, #tpu.memory_space<semaphore_mem>>)
    %dma_start3A_14 = arith.constant 1 : i32
    %dma_start3A_15 = arith.constant 0 : i32
    %dma_start3A_16 = arith.constant 0 : i32
    %dma_start3A_17 = tpu.memref_slice %arg3[%add3A, %dma_start3A_14, %dma_start3A_15, %dma_start3A_16] : memref<32x104x2x96xi32, #tpu.memory_space<hbm>> -> memref<1x1x2x96xi32, #tpu.memory_space<hbm>>
    %dma_start3A_18 = tpu.memref_squeeze %dma_start3A_17 : memref<1x1x2x96xi32, #tpu.memory_space<hbm>> -> memref<2x96xi32, #tpu.memory_space<hbm>>
    %dma_start3A_19 = arith.constant 0 : i32
    %dma_start3A_20 = arith.constant 0 : i32
    %dma_start3A_21 = tpu.memref_slice %arg3[%add3A, %dma_start3A_14, %dma_start3A_19, %dma_start3A_20] : memref<32x104x2x96xi32, #tpu.memory_space<hbm>> -> memref<1x1x2x96xi32, #tpu.memory_space<hbm>>
    %dma_start3A_22 = tpu.memref_squeeze %dma_start3A_21 : memref<1x1x2x96xi32, #tpu.memory_space<hbm>> -> memref<2x96xi32, #tpu.memory_space<hbm>>
    tpu.enqueue_dma source(%dma_start3A_22 : memref<2x96xi32, #tpu.memory_space<hbm>>) target(%arg8 : memref<2x96xi32, #tpu.memory_space<vmem>>) target_semaphore(%arg18 : memref<!tpu.dma_semaphore, #tpu.memory_space<semaphore_mem>>)
    %dma_start3A_23 = arith.constant 2 : i32
    %dma_start3A_24 = arith.constant 0 : i32
    %dma_start3A_25 = arith.constant 0 : i32
    %dma_start3A_26 = tpu.memref_slice %arg3[%add3A, %dma_start3A_23, %dma_start3A_24, %dma_start3A_25] : memref<32x104x2x96xi32, #tpu.memory_space<hbm>> -> memref<1x1x2x96xi32, #tpu.memory_space<hbm>>
    %dma_start3A_27 = tpu.memref_squeeze %dma_start3A_26 : memref<1x1x2x96xi32, #tpu.memory_space<hbm>> -> memref<2x96xi32, #tpu.memory_space<hbm>>
    %dma_start3A_28 = arith.constant 0 : i32
    %dma_start3A_29 = arith.constant 0 : i32
    %dma_start3A_30 = tpu.memref_slice %arg3[%add3A, %dma_start3A_23, %dma_start3A_28, %dma_start3A_29] : memref<32x104x2x96xi32, #tpu.memory_space<hbm>> -> memref<1x1x2x96xi32, #tpu.memory_space<hbm>>
    %dma_start3A_31 = tpu.memref_squeeze %dma_start3A_30 : memref<1x1x2x96xi32, #tpu.memory_space<hbm>> -> memref<2x96xi32, #tpu.memory_space<hbm>>
    tpu.enqueue_dma source(%dma_start3A_31 : memref<2x96xi32, #tpu.memory_space<hbm>>) target(%arg9 : memref<2x96xi32, #tpu.memory_space<vmem>>) target_semaphore(%arg19 : memref<!tpu.dma_semaphore, #tpu.memory_space<semaphore_mem>>)
    %scan3A = arith.constant 0 : i32
    %scan3A_32 = arith.constant 96 : i32
    %scan3A_33 = arith.addi %scan3A, %scan3A_32 : i32
    %scan3A_34 = arith.constant 1 : i32
    scf.for %scan3A_470 = %scan3A to %scan3A_33 step %scan3A_34  : i32 {
      %mul3A_471 = arith.constant 1 : i32
      %mul3A_472 = arith.muli %scan3A_470, %mul3A_471 : i32
      %add3A_473 = arith.constant 0 : i32
      %add3A_474 = arith.addi %add3A_473, %mul3A_472 : i32
      %swap3A_475 = arith.index_cast %add3A_474 : i32 to index
      %swap3A_476 = arith.constant 0 : index
      %swap3A_477 = tpu.vector_load %arg13[%swap3A_475, %swap3A_476] {strides = array<i32>} : memref<96x128xf32, #tpu.memory_space<vmem>>, vector<16xf32>,
      tpu.vector_store %arg13[%swap3A_475, %swap3A_476], %broadcast_in_dim3A_1 {strides = array<i32>} : memref<96x128xf32, #tpu.memory_space<vmem>>, vector<16xf32>,
      %swap3A_478 = arith.index_cast %add3A_474 : i32 to index
      %swap3A_479 = arith.constant 16 : index
      %swap3A_480 = tpu.vector_load %arg13[%swap3A_478, %swap3A_479] {strides = array<i32>} : memref<96x128xf32, #tpu.memory_space<vmem>>, vector<16xf32>,
      tpu.vector_store %arg13[%swap3A_478, %swap3A_479], %broadcast_in_dim3A_1 {strides = array<i32>} : memref<96x128xf32, #tpu.memory_space<vmem>>, vector<16xf32>,
      %swap3A_481 = arith.index_cast %add3A_474 : i32 to index
      %swap3A_482 = arith.constant 32 : index
      %swap3A_483 = tpu.vector_load %arg13[%swap3A_481, %swap3A_482] {strides = array<i32>} : memref<96x128xf32, #tpu.memory_space<vmem>>, vector<16xf32>,
      tpu.vector_store %arg13[%swap3A_481, %swap3A_482], %broadcast_in_dim3A_1 {strides = array<i32>} : memref<96x128xf32, #tpu.memory_space<vmem>>, vector<16xf32>,
      %swap3A_484 = arith.index_cast %add3A_474 : i32 to index
      %swap3A_485 = arith.constant 48 : index
      %swap3A_486 = tpu.vector_load %arg13[%swap3A_484, %swap3A_485] {strides = array<i32>} : memref<96x128xf32, #tpu.memory_space<vmem>>, vector<16xf32>,
      tpu.vector_store %arg13[%swap3A_484, %swap3A_485], %broadcast_in_dim3A_1 {strides = array<i32>} : memref<96x128xf32, #tpu.memory_space<vmem>>, vector<16xf32>,
      %swap3A_487 = arith.index_cast %add3A_474 : i32 to index
      %swap3A_488 = arith.constant 64 : index
      %swap3A_489 = tpu.vector_load %arg13[%swap3A_487, %swap3A_488] {strides = array<i32>} : memref<96x128xf32, #tpu.memory_space<vmem>>, vector<16xf32>,
      tpu.vector_store %arg13[%swap3A_487, %swap3A_488], %broadcast_in_dim3A_1 {strides = array<i32>} : memref<96x128xf32, #tpu.memory_space<vmem>>, vector<16xf32>,
      %swap3A_490 = arith.index_cast %add3A_474 : i32 to index
      %swap3A_491 = arith.constant 80 : index
      %swap3A_492 = tpu.vector_load %arg13[%swap3A_490, %swap3A_491] {strides = array<i32>} : memref<96x128xf32, #tpu.memory_space<vmem>>, vector<16xf32>,
      tpu.vector_store %arg13[%swap3A_490, %swap3A_491], %broadcast_in_dim3A_1 {strides = array<i32>} : memref<96x128xf32, #tpu.memory_space<vmem>>, vector<16xf32>,
      %swap3A_493 = arith.index_cast %add3A_474 : i32 to index
      %swap3A_494 = arith.constant 96 : index
      %swap3A_495 = tpu.vector_load %arg13[%swap3A_493, %swap3A_494] {strides = array<i32>} : memref<96x128xf32, #tpu.memory_space<vmem>>, vector<16xf32>,
      tpu.vector_store %arg13[%swap3A_493, %swap3A_494], %broadcast_in_dim3A_1 {strides = array<i32>} : memref<96x128xf32, #tpu.memory_space<vmem>>, vector<16xf32>,
      %swap3A_496 = arith.index_cast %add3A_474 : i32 to index
      %swap3A_497 = arith.constant 112 : index
      %swap3A_498 = tpu.vector_load %arg13[%swap3A_496, %swap3A_497] {strides = array<i32>} : memref<96x128xf32, #tpu.memory_space<vmem>>, vector<16xf32>,
      tpu.vector_store %arg13[%swap3A_496, %swap3A_497], %broadcast_in_dim3A_1 {strides = array<i32>} : memref<96x128xf32, #tpu.memory_space<vmem>>, vector<16xf32>,
    }
    %scan3A_35 = arith.constant 96 : i32
    %scan3A_36 = arith.constant 0 : i32
    %scan3A_37 = arith.constant 625 : i32
    %scan3A_38 = arith.addi %scan3A_36, %scan3A_37 : i32
    %scan3A_39 = arith.constant 1 : i32
    scf.for %scan3A_470 = %scan3A_36 to %scan3A_38 step %scan3A_39  : i32 {
      %mul3A_471 = arith.constant 1 : i32
      %mul3A_472 = arith.muli %scan3A_470, %mul3A_471 : i32
      %add3A_473 = arith.constant 0 : i32
      %add3A_474 = arith.addi %add3A_473, %mul3A_472 : i32
      %mul3A_475 = arith.constant 16 : i32
      %mul3A_476 = arith.muli %add3A_474, %mul3A_475 : i32
      %swap3A_477 = arith.constant 0 : i32
      %swap3A_478 = arith.index_cast %swap3A_477 : i32 to index
      %swap3A_479 = arith.index_cast %mul3A_476 : i32 to index
      %swap3A_480 = tpu.vector_load %arg26[%swap3A_478, %swap3A_479] {strides = array<i32>} : memref<1x10000xf32, #tpu.memory_space<vmem>>, vector<16xf32>,
      tpu.vector_store %arg26[%swap3A_478, %swap3A_479], %broadcast_in_dim3A_1 {strides = array<i32>} : memref<1x10000xf32, #tpu.memory_space<vmem>>, vector<16xf32>,
    }
    %scan3A_40 = arith.constant 625 : i32
    %mul3A_41 = arith.constant 632 : i32
    %mul3A_42 = arith.muli %arg1, %mul3A_41 : i32
    %multiple_of3A = tpu.assume_multiple %mul3A_42, 8 : i32
    %lt3A = arith.constant 15 : i32
    %lt3A_43 = arith.cmpi slt, %arg1, %lt3A : i32
    %convert_element_type3A = arith.extui %lt3A_43 : i1 to i32
    %cond3A = arith.constant 0 : i32
    %cond3A_44 = arith.cmpi ne, %convert_element_type3A, %cond3A : i32
    scf.if %cond3A_44 {
      %add3A_470 = arith.constant 0 : i32
      %add3A_471 = arith.addi %multiple_of3A, %add3A_470 : i32
      "tpu.region"() ({
        %run_scoped3A_484 = tpu.sem_alloc : memref<!tpu.dma_semaphore, #tpu.memory_space<semaphore_mem>>
        %dma_start3A_485 = arith.constant 0 : i32
        %dma_start3A_486 = arith.constant 0 : i32
        %dma_start3A_487 = tpu.memref_slice %arg13[%dma_start3A_485, %dma_start3A_486] : memref<96x128xf32, #tpu.memory_space<vmem>> -> memref<96x128xf32, #tpu.memory_space<vmem>>
        %dma_start3A_488 = arith.constant 0 : i32
        %dma_start3A_489 = tpu.memref_slice %arg16[%add3A_471, %dma_start3A_488] : memref<10000x128xf32, #tpu.memory_space<vmem_shared>> -> memref<96x128xf32, #tpu.memory_space<vmem_shared>>
        %dma_start3A_490 = arith.constant 0 : i32
        %dma_start3A_491 = tpu.memref_slice %arg16[%add3A_471, %dma_start3A_490] : memref<10000x128xf32, #tpu.memory_space<vmem_shared>> -> memref<96x128xf32, #tpu.memory_space<vmem_shared>>
        %dma_start3A_492 = arith.constant 0 : i32
        %dma_start3A_493 = arith.constant 0 : i32
        %dma_start3A_494 = tpu.memref_slice %arg13[%dma_start3A_492, %dma_start3A_493] : memref<96x128xf32, #tpu.memory_space<vmem>> -> memref<96x128xf32, #tpu.memory_space<vmem>>
        tpu.enqueue_dma source(%dma_start3A_494 : memref<96x128xf32, #tpu.memory_space<vmem>>) target(%dma_start3A_491 : memref<96x128xf32, #tpu.memory_space<vmem_shared>>) target_semaphore(%run_scoped3A_484 : memref<!tpu.dma_semaphore, #tpu.memory_space<semaphore_mem>>)
        %dma_wait3A_495 = arith.constant 0 : i32
        %dma_wait3A_496 = arith.constant 0 : i32
        %dma_wait3A_497 = tpu.memref_slice %arg13[%dma_wait3A_495, %dma_wait3A_496] : memref<96x128xf32, #tpu.memory_space<vmem>> -> memref<96x128xf32, #tpu.memory_space<vmem>>
        %dma_wait3A_498 = arith.constant 0 : i32
        %dma_wait3A_499 = tpu.memref_slice %arg16[%add3A_471, %dma_wait3A_498] : memref<10000x128xf32, #tpu.memory_space<vmem_shared>> -> memref<96x128xf32, #tpu.memory_space<vmem_shared>>
        %dma_wait3A_500 = arith.constant 0 : i32
        %dma_wait3A_501 = tpu.memref_slice %arg16[%add3A_471, %dma_wait3A_500] : memref<10000x128xf32, #tpu.memory_space<vmem_shared>> -> memref<96x128xf32, #tpu.memory_space<vmem_shared>>
        %dma_wait3A_502 = arith.constant 0 : i32
        %dma_wait3A_503 = arith.constant 0 : i32
        %dma_wait3A_504 = tpu.memref_slice %arg13[%dma_wait3A_502, %dma_wait3A_503] : memref<96x128xf32, #tpu.memory_space<vmem>> -> memref<96x128xf32, #tpu.memory_space<vmem>>
        tpu.wait_dma2 semaphore(%run_scoped3A_484 : memref<!tpu.dma_semaphore, #tpu.memory_space<semaphore_mem>>) src(%dma_wait3A_504 : memref<96x128xf32, #tpu.memory_space<vmem>>) dst(%dma_wait3A_501 : memref<96x128xf32, #tpu.memory_space<vmem_shared>>)
        tpu.yield
      }) : () -> ()
      %add3A_472 = arith.constant 96 : i32
      %add3A_473 = arith.addi %multiple_of3A, %add3A_472 : i32
      "tpu.region"() ({
        %run_scoped3A_484 = tpu.sem_alloc : memref<!tpu.dma_semaphore, #tpu.memory_space<semaphore_mem>>
        %dma_start3A_485 = arith.constant 0 : i32
        %dma_start3A_486 = arith.constant 0 : i32
        %dma_start3A_487 = tpu.memref_slice %arg13[%dma_start3A_485, %dma_start3A_486] : memref<96x128xf32, #tpu.memory_space<vmem>> -> memref<96x128xf32, #tpu.memory_space<vmem>>
        %dma_start3A_488 = arith.constant 0 : i32
        %dma_start3A_489 = tpu.memref_slice %arg16[%add3A_473, %dma_start3A_488] : memref<10000x128xf32, #tpu.memory_space<vmem_shared>> -> memref<96x128xf32, #tpu.memory_space<vmem_shared>>
        %dma_start3A_490 = arith.constant 0 : i32
        %dma_start3A_491 = tpu.memref_slice %arg16[%add3A_473, %dma_start3A_490] : memref<10000x128xf32, #tpu.memory_space<vmem_shared>> -> memref<96x128xf32, #tpu.memory_space<vmem_shared>>
        %dma_start3A_492 = arith.constant 0 : i32
        %dma_start3A_493 = arith.constant 0 : i32
        %dma_start3A_494 = tpu.memref_slice %arg13[%dma_start3A_492, %dma_start3A_493] : memref<96x128xf32, #tpu.memory_space<vmem>> -> memref<96x128xf32, #tpu.memory_space<vmem>>
        tpu.enqueue_dma source(%dma_start3A_494 : memref<96x128xf32, #tpu.memory_space<vmem>>) target(%dma_start3A_491 : memref<96x128xf32, #tpu.memory_space<vmem_shared>>) target_semaphore(%run_scoped3A_484 : memref<!tpu.dma_semaphore, #tpu.memory_space<semaphore_mem>>)
        %dma_wait3A_495 = arith.constant 0 : i32
        %dma_wait3A_496 = arith.constant 0 : i32
        %dma_wait3A_497 = tpu.memref_slice %arg13[%dma_wait3A_495, %dma_wait3A_496] : memref<96x128xf32, #tpu.memory_space<vmem>> -> memref<96x128xf32, #tpu.memory_space<vmem>>
        %dma_wait3A_498 = arith.constant 0 : i32
        %dma_wait3A_499 = tpu.memref_slice %arg16[%add3A_473, %dma_wait3A_498] : memref<10000x128xf32, #tpu.memory_space<vmem_shared>> -> memref<96x128xf32, #tpu.memory_space<vmem_shared>>
        %dma_wait3A_500 = arith.constant 0 : i32
        %dma_wait3A_501 = tpu.memref_slice %arg16[%add3A_473, %dma_wait3A_500] : memref<10000x128xf32, #tpu.memory_space<vmem_shared>> -> memref<96x128xf32, #tpu.memory_space<vmem_shared>>
        %dma_wait3A_502 = arith.constant 0 : i32
        %dma_wait3A_503 = arith.constant 0 : i32
        %dma_wait3A_504 = tpu.memref_slice %arg13[%dma_wait3A_502, %dma_wait3A_503] : memref<96x128xf32, #tpu.memory_space<vmem>> -> memref<96x128xf32, #tpu.memory_space<vmem>>
        tpu.wait_dma2 semaphore(%run_scoped3A_484 : memref<!tpu.dma_semaphore, #tpu.memory_space<semaphore_mem>>) src(%dma_wait3A_504 : memref<96x128xf32, #tpu.memory_space<vmem>>) dst(%dma_wait3A_501 : memref<96x128xf32, #tpu.memory_space<vmem_shared>>)
        tpu.yield
      }) : () -> ()
      %add3A_474 = arith.constant 192 : i32
      %add3A_475 = arith.addi %multiple_of3A, %add3A_474 : i32
      "tpu.region"() ({
        %run_scoped3A_484 = tpu.sem_alloc : memref<!tpu.dma_semaphore, #tpu.memory_space<semaphore_mem>>
        %dma_start3A_485 = arith.constant 0 : i32
        %dma_start3A_486 = arith.constant 0 : i32
        %dma_start3A_487 = tpu.memref_slice %arg13[%dma_start3A_485, %dma_start3A_486] : memref<96x128xf32, #tpu.memory_space<vmem>> -> memref<96x128xf32, #tpu.memory_space<vmem>>
        %dma_start3A_488 = arith.constant 0 : i32
        %dma_start3A_489 = tpu.memref_slice %arg16[%add3A_475, %dma_start3A_488] : memref<10000x128xf32, #tpu.memory_space<vmem_shared>> -> memref<96x128xf32, #tpu.memory_space<vmem_shared>>
        %dma_start3A_490 = arith.constant 0 : i32
        %dma_start3A_491 = tpu.memref_slice %arg16[%add3A_475, %dma_start3A_490] : memref<10000x128xf32, #tpu.memory_space<vmem_shared>> -> memref<96x128xf32, #tpu.memory_space<vmem_shared>>
        %dma_start3A_492 = arith.constant 0 : i32
        %dma_start3A_493 = arith.constant 0 : i32
        %dma_start3A_494 = tpu.memref_slice %arg13[%dma_start3A_492, %dma_start3A_493] : memref<96x128xf32, #tpu.memory_space<vmem>> -> memref<96x128xf32, #tpu.memory_space<vmem>>
        tpu.enqueue_dma source(%dma_start3A_494 : memref<96x128xf32, #tpu.memory_space<vmem>>) target(%dma_start3A_491 : memref<96x128xf32, #tpu.memory_space<vmem_shared>>) target_semaphore(%run_scoped3A_484 : memref<!tpu.dma_semaphore, #tpu.memory_space<semaphore_mem>>)
        %dma_wait3A_495 = arith.constant 0 : i32
        %dma_wait3A_496 = arith.constant 0 : i32
        %dma_wait3A_497 = tpu.memref_slice %arg13[%dma_wait3A_495, %dma_wait3A_496] : memref<96x128xf32, #tpu.memory_space<vmem>> -> memref<96x128xf32, #tpu.memory_space<vmem>>
        %dma_wait3A_498 = arith.constant 0 : i32
        %dma_wait3A_499 = tpu.memref_slice %arg16[%add3A_475, %dma_wait3A_498] : memref<10000x128xf32, #tpu.memory_space<vmem_shared>> -> memref<96x128xf32, #tpu.memory_space<vmem_shared>>
        %dma_wait3A_500 = arith.constant 0 : i32
        %dma_wait3A_501 = tpu.memref_slice %arg16[%add3A_475, %dma_wait3A_500] : memref<10000x128xf32, #tpu.memory_space<vmem_shared>> -> memref<96x128xf32, #tpu.memory_space<vmem_shared>>
        %dma_wait3A_502 = arith.constant 0 : i32
        %dma_wait3A_503 = arith.constant 0 : i32
        %dma_wait3A_504 = tpu.memref_slice %arg13[%dma_wait3A_502, %dma_wait3A_503] : memref<96x128xf32, #tpu.memory_space<vmem>> -> memref<96x128xf32, #tpu.memory_space<vmem>>
        tpu.wait_dma2 semaphore(%run_scoped3A_484 : memref<!tpu.dma_semaphore, #tpu.memory_space<semaphore_mem>>) src(%dma_wait3A_504 : memref<96x128xf32, #tpu.memory_space<vmem>>) dst(%dma_wait3A_501 : memref<96x128xf32, #tpu.memory_space<vmem_shared>>)
        tpu.yield
      }) : () -> ()
      %add3A_476 = arith.constant 288 : i32
      %add3A_477 = arith.addi %multiple_of3A, %add3A_476 : i32
      "tpu.region"() ({
        %run_scoped3A_484 = tpu.sem_alloc : memref<!tpu.dma_semaphore, #tpu.memory_space<semaphore_mem>>
        %dma_start3A_485 = arith.constant 0 : i32
        %dma_start3A_486 = arith.constant 0 : i32
        %dma_start3A_487 = tpu.memref_slice %arg13[%dma_start3A_485, %dma_start3A_486] : memref<96x128xf32, #tpu.memory_space<vmem>> -> memref<96x128xf32, #tpu.memory_space<vmem>>
        %dma_start3A_488 = arith.constant 0 : i32
        %dma_start3A_489 = tpu.memref_slice %arg16[%add3A_477, %dma_start3A_488] : memref<10000x128xf32, #tpu.memory_space<vmem_shared>> -> memref<96x128xf32, #tpu.memory_space<vmem_shared>>
        %dma_start3A_490 = arith.constant 0 : i32
        %dma_start3A_491 = tpu.memref_slice %arg16[%add3A_477, %dma_start3A_490] : memref<10000x128xf32, #tpu.memory_space<vmem_shared>> -> memref<96x128xf32, #tpu.memory_space<vmem_shared>>
        %dma_start3A_492 = arith.constant 0 : i32
        %dma_start3A_493 = arith.constant 0 : i32
        %dma_start3A_494 = tpu.memref_slice %arg13[%dma_start3A_492, %dma_start3A_493] : memref<96x128xf32, #tpu.memory_space<vmem>> -> memref<96x128xf32, #tpu.memory_space<vmem>>
        tpu.enqueue_dma source(%dma_start3A_494 : memref<96x128xf32, #tpu.memory_space<vmem>>) target(%dma_start3A_491 : memref<96x128xf32, #tpu.memory_space<vmem_shared>>) target_semaphore(%run_scoped3A_484 : memref<!tpu.dma_semaphore, #tpu.memory_space<semaphore_mem>>)
        %dma_wait3A_495 = arith.constant 0 : i32
        %dma_wait3A_496 = arith.constant 0 : i32
        %dma_wait3A_497 = tpu.memref_slice %arg13[%dma_wait3A_495, %dma_wait3A_496] : memref<96x128xf32, #tpu.memory_space<vmem>> -> memref<96x128xf32, #tpu.memory_space<vmem>>
        %dma_wait3A_498 = arith.constant 0 : i32
        %dma_wait3A_499 = tpu.memref_slice %arg16[%add3A_477, %dma_wait3A_498] : memref<10000x128xf32, #tpu.memory_space<vmem_shared>> -> memref<96x128xf32, #tpu.memory_space<vmem_shared>>
        %dma_wait3A_500 = arith.constant 0 : i32
        %dma_wait3A_501 = tpu.memref_slice %arg16[%add3A_477, %dma_wait3A_500] : memref<10000x128xf32, #tpu.memory_space<vmem_shared>> -> memref<96x128xf32, #tpu.memory_space<vmem_shared>>
        %dma_wait3A_502 = arith.constant 0 : i32
        %dma_wait3A_503 = arith.constant 0 : i32
        %dma_wait3A_504 = tpu.memref_slice %arg13[%dma_wait3A_502, %dma_wait3A_503] : memref<96x128xf32, #tpu.memory_space<vmem>> -> memref<96x128xf32, #tpu.memory_space<vmem>>
        tpu.wait_dma2 semaphore(%run_scoped3A_484 : memref<!tpu.dma_semaphore, #tpu.memory_space<semaphore_mem>>) src(%dma_wait3A_504 : memref<96x128xf32, #tpu.memory_space<vmem>>) dst(%dma_wait3A_501 : memref<96x128xf32, #tpu.memory_space<vmem_shared>>)
        tpu.yield
      }) : () -> ()
      %add3A_478 = arith.constant 384 : i32
      %add3A_479 = arith.addi %multiple_of3A, %add3A_478 : i32
      "tpu.region"() ({
        %run_scoped3A_484 = tpu.sem_alloc : memref<!tpu.dma_semaphore, #tpu.memory_space<semaphore_mem>>
        %dma_start3A_485 = arith.constant 0 : i32
        %dma_start3A_486 = arith.constant 0 : i32
        %dma_start3A_487 = tpu.memref_slice %arg13[%dma_start3A_485, %dma_start3A_486] : memref<96x128xf32, #tpu.memory_space<vmem>> -> memref<96x128xf32, #tpu.memory_space<vmem>>
        %dma_start3A_488 = arith.constant 0 : i32
        %dma_start3A_489 = tpu.memref_slice %arg16[%add3A_479, %dma_start3A_488] : memref<10000x128xf32, #tpu.memory_space<vmem_shared>> -> memref<96x128xf32, #tpu.memory_space<vmem_shared>>
        %dma_start3A_490 = arith.constant 0 : i32
        %dma_start3A_491 = tpu.memref_slice %arg16[%add3A_479, %dma_start3A_490] : memref<10000x128xf32, #tpu.memory_space<vmem_shared>> -> memref<96x128xf32, #tpu.memory_space<vmem_shared>>
        %dma_start3A_492 = arith.constant 0 : i32
        %dma_start3A_493 = arith.constant 0 : i32
        %dma_start3A_494 = tpu.memref_slice %arg13[%dma_start3A_492, %dma_start3A_493] : memref<96x128xf32, #tpu.memory_space<vmem>> -> memref<96x128xf32, #tpu.memory_space<vmem>>
        tpu.enqueue_dma source(%dma_start3A_494 : memref<96x128xf32, #tpu.memory_space<vmem>>) target(%dma_start3A_491 : memref<96x128xf32, #tpu.memory_space<vmem_shared>>) target_semaphore(%run_scoped3A_484 : memref<!tpu.dma_semaphore, #tpu.memory_space<semaphore_mem>>)
        %dma_wait3A_495 = arith.constant 0 : i32
        %dma_wait3A_496 = arith.constant 0 : i32
        %dma_wait3A_497 = tpu.memref_slice %arg13[%dma_wait3A_495, %dma_wait3A_496] : memref<96x128xf32, #tpu.memory_space<vmem>> -> memref<96x128xf32, #tpu.memory_space<vmem>>
        %dma_wait3A_498 = arith.constant 0 : i32
        %dma_wait3A_499 = tpu.memref_slice %arg16[%add3A_479, %dma_wait3A_498] : memref<10000x128xf32, #tpu.memory_space<vmem_shared>> -> memref<96x128xf32, #tpu.memory_space<vmem_shared>>
        %dma_wait3A_500 = arith.constant 0 : i32
        %dma_wait3A_501 = tpu.memref_slice %arg16[%add3A_479, %dma_wait3A_500] : memref<10000x128xf32, #tpu.memory_space<vmem_shared>> -> memref<96x128xf32, #tpu.memory_space<vmem_shared>>
        %dma_wait3A_502 = arith.constant 0 : i32
        %dma_wait3A_503 = arith.constant 0 : i32
        %dma_wait3A_504 = tpu.memref_slice %arg13[%dma_wait3A_502, %dma_wait3A_503] : memref<96x128xf32, #tpu.memory_space<vmem>> -> memref<96x128xf32, #tpu.memory_space<vmem>>
        tpu.wait_dma2 semaphore(%run_scoped3A_484 : memref<!tpu.dma_semaphore, #tpu.memory_space<semaphore_mem>>) src(%dma_wait3A_504 : memref<96x128xf32, #tpu.memory_space<vmem>>) dst(%dma_wait3A_501 : memref<96x128xf32, #tpu.memory_space<vmem_shared>>)
        tpu.yield
      }) : () -> ()
      %add3A_480 = arith.constant 480 : i32
      %add3A_481 = arith.addi %multiple_of3A, %add3A_480 : i32
      "tpu.region"() ({
        %run_scoped3A_484 = tpu.sem_alloc : memref<!tpu.dma_semaphore, #tpu.memory_space<semaphore_mem>>
        %dma_start3A_485 = arith.constant 0 : i32
        %dma_start3A_486 = arith.constant 0 : i32
        %dma_start3A_487 = tpu.memref_slice %arg13[%dma_start3A_485, %dma_start3A_486] : memref<96x128xf32, #tpu.memory_space<vmem>> -> memref<96x128xf32, #tpu.memory_space<vmem>>
        %dma_start3A_488 = arith.constant 0 : i32
        %dma_start3A_489 = tpu.memref_slice %arg16[%add3A_481, %dma_start3A_488] : memref<10000x128xf32, #tpu.memory_space<vmem_shared>> -> memref<96x128xf32, #tpu.memory_space<vmem_shared>>
        %dma_start3A_490 = arith.constant 0 : i32
        %dma_start3A_491 = tpu.memref_slice %arg16[%add3A_481, %dma_start3A_490] : memref<10000x128xf32, #tpu.memory_space<vmem_shared>> -> memref<96x128xf32, #tpu.memory_space<vmem_shared>>
        %dma_start3A_492 = arith.constant 0 : i32
        %dma_start3A_493 = arith.constant 0 : i32
        %dma_start3A_494 = tpu.memref_slice %arg13[%dma_start3A_492, %dma_start3A_493] : memref<96x128xf32, #tpu.memory_space<vmem>> -> memref<96x128xf32, #tpu.memory_space<vmem>>
        tpu.enqueue_dma source(%dma_start3A_494 : memref<96x128xf32, #tpu.memory_space<vmem>>) target(%dma_start3A_491 : memref<96x128xf32, #tpu.memory_space<vmem_shared>>) target_semaphore(%run_scoped3A_484 : memref<!tpu.dma_semaphore, #tpu.memory_space<semaphore_mem>>)
        %dma_wait3A_495 = arith.constant 0 : i32
        %dma_wait3A_496 = arith.constant 0 : i32
        %dma_wait3A_497 = tpu.memref_slice %arg13[%dma_wait3A_495, %dma_wait3A_496] : memref<96x128xf32, #tpu.memory_space<vmem>> -> memref<96x128xf32, #tpu.memory_space<vmem>>
        %dma_wait3A_498 = arith.constant 0 : i32
        %dma_wait3A_499 = tpu.memref_slice %arg16[%add3A_481, %dma_wait3A_498] : memref<10000x128xf32, #tpu.memory_space<vmem_shared>> -> memref<96x128xf32, #tpu.memory_space<vmem_shared>>
        %dma_wait3A_500 = arith.constant 0 : i32
        %dma_wait3A_501 = tpu.memref_slice %arg16[%add3A_481, %dma_wait3A_500] : memref<10000x128xf32, #tpu.memory_space<vmem_shared>> -> memref<96x128xf32, #tpu.memory_space<vmem_shared>>
        %dma_wait3A_502 = arith.constant 0 : i32
        %dma_wait3A_503 = arith.constant 0 : i32
        %dma_wait3A_504 = tpu.memref_slice %arg13[%dma_wait3A_502, %dma_wait3A_503] : memref<96x128xf32, #tpu.memory_space<vmem>> -> memref<96x128xf32, #tpu.memory_space<vmem>>
        tpu.wait_dma2 semaphore(%run_scoped3A_484 : memref<!tpu.dma_semaphore, #tpu.memory_space<semaphore_mem>>) src(%dma_wait3A_504 : memref<96x128xf32, #tpu.memory_space<vmem>>) dst(%dma_wait3A_501 : memref<96x128xf32, #tpu.memory_space<vmem_shared>>)
        tpu.yield
      }) : () -> ()
      %add3A_482 = arith.constant 576 : i32
      %add3A_483 = arith.addi %multiple_of3A, %add3A_482 : i32
      "tpu.region"() ({
        %run_scoped3A_484 = tpu.sem_alloc : memref<!tpu.dma_semaphore, #tpu.memory_space<semaphore_mem>>
        %dma_start3A_485 = arith.constant 0 : i32
        %dma_start3A_486 = arith.constant 0 : i32
        %dma_start3A_487 = tpu.memref_slice %arg13[%dma_start3A_485, %dma_start3A_486] : memref<96x128xf32, #tpu.memory_space<vmem>> -> memref<56x128xf32, #tpu.memory_space<vmem>>
        %dma_start3A_488 = arith.constant 0 : i32
        %dma_start3A_489 = tpu.memref_slice %arg16[%add3A_483, %dma_start3A_488] : memref<10000x128xf32, #tpu.memory_space<vmem_shared>> -> memref<56x128xf32, #tpu.memory_space<vmem_shared>>
        %dma_start3A_490 = arith.constant 0 : i32
        %dma_start3A_491 = tpu.memref_slice %arg16[%add3A_483, %dma_start3A_490] : memref<10000x128xf32, #tpu.memory_space<vmem_shared>> -> memref<56x128xf32, #tpu.memory_space<vmem_shared>>
        %dma_start3A_492 = arith.constant 0 : i32
        %dma_start3A_493 = arith.constant 0 : i32
        %dma_start3A_494 = tpu.memref_slice %arg13[%dma_start3A_492, %dma_start3A_493] : memref<96x128xf32, #tpu.memory_space<vmem>> -> memref<56x128xf32, #tpu.memory_space<vmem>>
        tpu.enqueue_dma source(%dma_start3A_494 : memref<56x128xf32, #tpu.memory_space<vmem>>) target(%dma_start3A_491 : memref<56x128xf32, #tpu.memory_space<vmem_shared>>) target_semaphore(%run_scoped3A_484 : memref<!tpu.dma_semaphore, #tpu.memory_space<semaphore_mem>>)
        %dma_wait3A_495 = arith.constant 0 : i32
        %dma_wait3A_496 = arith.constant 0 : i32
        %dma_wait3A_497 = tpu.memref_slice %arg13[%dma_wait3A_495, %dma_wait3A_496] : memref<96x128xf32, #tpu.memory_space<vmem>> -> memref<56x128xf32, #tpu.memory_space<vmem>>
        %dma_wait3A_498 = arith.constant 0 : i32
        %dma_wait3A_499 = tpu.memref_slice %arg16[%add3A_483, %dma_wait3A_498] : memref<10000x128xf32, #tpu.memory_space<vmem_shared>> -> memref<56x128xf32, #tpu.memory_space<vmem_shared>>
        %dma_wait3A_500 = arith.constant 0 : i32
        %dma_wait3A_501 = tpu.memref_slice %arg16[%add3A_483, %dma_wait3A_500] : memref<10000x128xf32, #tpu.memory_space<vmem_shared>> -> memref<56x128xf32, #tpu.memory_space<vmem_shared>>
        %dma_wait3A_502 = arith.constant 0 : i32
        %dma_wait3A_503 = arith.constant 0 : i32
        %dma_wait3A_504 = tpu.memref_slice %arg13[%dma_wait3A_502, %dma_wait3A_503] : memref<96x128xf32, #tpu.memory_space<vmem>> -> memref<56x128xf32, #tpu.memory_space<vmem>>
        tpu.wait_dma2 semaphore(%run_scoped3A_484 : memref<!tpu.dma_semaphore, #tpu.memory_space<semaphore_mem>>) src(%dma_wait3A_504 : memref<56x128xf32, #tpu.memory_space<vmem>>) dst(%dma_wait3A_501 : memref<56x128xf32, #tpu.memory_space<vmem_shared>>)
        tpu.yield
      }) : () -> ()
    } else {
    }
    %eq3A = arith.constant 15 : i32
    %eq3A_45 = arith.cmpi eq, %arg1, %eq3A : i32
    %convert_element_type3A_46 = arith.extui %eq3A_45 : i1 to i32
    %cond3A_47 = arith.constant 0 : i32
    %cond3A_48 = arith.cmpi ne, %convert_element_type3A_46, %cond3A_47 : i32
    scf.if %cond3A_48 {
      "tpu.region"() ({
        %run_scoped3A_470 = tpu.sem_alloc : memref<!tpu.dma_semaphore, #tpu.memory_space<semaphore_mem>>
        %dma_start3A_471 = arith.constant 0 : i32
        %dma_start3A_472 = arith.constant 0 : i32
        %dma_start3A_473 = tpu.memref_slice %arg13[%dma_start3A_471, %dma_start3A_472] : memref<96x128xf32, #tpu.memory_space<vmem>> -> memref<96x128xf32, #tpu.memory_space<vmem>>
        %dma_start3A_474 = arith.constant 9480 : i32
        %dma_start3A_475 = arith.constant 0 : i32
        %dma_start3A_476 = tpu.memref_slice %arg16[%dma_start3A_474, %dma_start3A_475] : memref<10000x128xf32, #tpu.memory_space<vmem_shared>> -> memref<96x128xf32, #tpu.memory_space<vmem_shared>>
        %dma_start3A_477 = arith.constant 9480 : i32
        %dma_start3A_478 = arith.constant 0 : i32
        %dma_start3A_479 = tpu.memref_slice %arg16[%dma_start3A_477, %dma_start3A_478] : memref<10000x128xf32, #tpu.memory_space<vmem_shared>> -> memref<96x128xf32, #tpu.memory_space<vmem_shared>>
        %dma_start3A_480 = arith.constant 0 : i32
        %dma_start3A_481 = arith.constant 0 : i32
        %dma_start3A_482 = tpu.memref_slice %arg13[%dma_start3A_480, %dma_start3A_481] : memref<96x128xf32, #tpu.memory_space<vmem>> -> memref<96x128xf32, #tpu.memory_space<vmem>>
        tpu.enqueue_dma source(%dma_start3A_482 : memref<96x128xf32, #tpu.memory_space<vmem>>) target(%dma_start3A_479 : memref<96x128xf32, #tpu.memory_space<vmem_shared>>) target_semaphore(%run_scoped3A_470 : memref<!tpu.dma_semaphore, #tpu.memory_space<semaphore_mem>>)
        %dma_wait3A_483 = arith.constant 0 : i32
        %dma_wait3A_484 = arith.constant 0 : i32
        %dma_wait3A_485 = tpu.memref_slice %arg13[%dma_wait3A_483, %dma_wait3A_484] : memref<96x128xf32, #tpu.memory_space<vmem>> -> memref<96x128xf32, #tpu.memory_space<vmem>>
        %dma_wait3A_486 = arith.constant 9480 : i32
        %dma_wait3A_487 = arith.constant 0 : i32
        %dma_wait3A_488 = tpu.memref_slice %arg16[%dma_wait3A_486, %dma_wait3A_487] : memref<10000x128xf32, #tpu.memory_space<vmem_shared>> -> memref<96x128xf32, #tpu.memory_space<vmem_shared>>
        %dma_wait3A_489 = arith.constant 9480 : i32
        %dma_wait3A_490 = arith.constant 0 : i32
        %dma_wait3A_491 = tpu.memref_slice %arg16[%dma_wait3A_489, %dma_wait3A_490] : memref<10000x128xf32, #tpu.memory_space<vmem_shared>> -> memref<96x128xf32, #tpu.memory_space<vmem_shared>>
        %dma_wait3A_492 = arith.constant 0 : i32
        %dma_wait3A_493 = arith.constant 0 : i32
        %dma_wait3A_494 = tpu.memref_slice %arg13[%dma_wait3A_492, %dma_wait3A_493] : memref<96x128xf32, #tpu.memory_space<vmem>> -> memref<96x128xf32, #tpu.memory_space<vmem>>
        tpu.wait_dma2 semaphore(%run_scoped3A_470 : memref<!tpu.dma_semaphore, #tpu.memory_space<semaphore_mem>>) src(%dma_wait3A_494 : memref<96x128xf32, #tpu.memory_space<vmem>>) dst(%dma_wait3A_491 : memref<96x128xf32, #tpu.memory_space<vmem_shared>>)
        tpu.yield
      }) : () -> ()
      "tpu.region"() ({
        %run_scoped3A_470 = tpu.sem_alloc : memref<!tpu.dma_semaphore, #tpu.memory_space<semaphore_mem>>
        %dma_start3A_471 = arith.constant 0 : i32
        %dma_start3A_472 = arith.constant 0 : i32
        %dma_start3A_473 = tpu.memref_slice %arg13[%dma_start3A_471, %dma_start3A_472] : memref<96x128xf32, #tpu.memory_space<vmem>> -> memref<96x128xf32, #tpu.memory_space<vmem>>
        %dma_start3A_474 = arith.constant 9576 : i32
        %dma_start3A_475 = arith.constant 0 : i32
        %dma_start3A_476 = tpu.memref_slice %arg16[%dma_start3A_474, %dma_start3A_475] : memref<10000x128xf32, #tpu.memory_space<vmem_shared>> -> memref<96x128xf32, #tpu.memory_space<vmem_shared>>
        %dma_start3A_477 = arith.constant 9576 : i32
        %dma_start3A_478 = arith.constant 0 : i32
        %dma_start3A_479 = tpu.memref_slice %arg16[%dma_start3A_477, %dma_start3A_478] : memref<10000x128xf32, #tpu.memory_space<vmem_shared>> -> memref<96x128xf32, #tpu.memory_space<vmem_shared>>
        %dma_start3A_480 = arith.constant 0 : i32
        %dma_start3A_481 = arith.constant 0 : i32
        %dma_start3A_482 = tpu.memref_slice %arg13[%dma_start3A_480, %dma_start3A_481] : memref<96x128xf32, #tpu.memory_space<vmem>> -> memref<96x128xf32, #tpu.memory_space<vmem>>
        tpu.enqueue_dma source(%dma_start3A_482 : memref<96x128xf32, #tpu.memory_space<vmem>>) target(%dma_start3A_479 : memref<96x128xf32, #tpu.memory_space<vmem_shared>>) target_semaphore(%run_scoped3A_470 : memref<!tpu.dma_semaphore, #tpu.memory_space<semaphore_mem>>)
        %dma_wait3A_483 = arith.constant 0 : i32
        %dma_wait3A_484 = arith.constant 0 : i32
        %dma_wait3A_485 = tpu.memref_slice %arg13[%dma_wait3A_483, %dma_wait3A_484] : memref<96x128xf32, #tpu.memory_space<vmem>> -> memref<96x128xf32, #tpu.memory_space<vmem>>
        %dma_wait3A_486 = arith.constant 9576 : i32
        %dma_wait3A_487 = arith.constant 0 : i32
        %dma_wait3A_488 = tpu.memref_slice %arg16[%dma_wait3A_486, %dma_wait3A_487] : memref<10000x128xf32, #tpu.memory_space<vmem_shared>> -> memref<96x128xf32, #tpu.memory_space<vmem_shared>>
        %dma_wait3A_489 = arith.constant 9576 : i32
        %dma_wait3A_490 = arith.constant 0 : i32
        %dma_wait3A_491 = tpu.memref_slice %arg16[%dma_wait3A_489, %dma_wait3A_490] : memref<10000x128xf32, #tpu.memory_space<vmem_shared>> -> memref<96x128xf32, #tpu.memory_space<vmem_shared>>
        %dma_wait3A_492 = arith.constant 0 : i32
        %dma_wait3A_493 = arith.constant 0 : i32
        %dma_wait3A_494 = tpu.memref_slice %arg13[%dma_wait3A_492, %dma_wait3A_493] : memref<96x128xf32, #tpu.memory_space<vmem>> -> memref<96x128xf32, #tpu.memory_space<vmem>>
        tpu.wait_dma2 semaphore(%run_scoped3A_470 : memref<!tpu.dma_semaphore, #tpu.memory_space<semaphore_mem>>) src(%dma_wait3A_494 : memref<96x128xf32, #tpu.memory_space<vmem>>) dst(%dma_wait3A_491 : memref<96x128xf32, #tpu.memory_space<vmem_shared>>)
        tpu.yield
      }) : () -> ()
      "tpu.region"() ({
        %run_scoped3A_470 = tpu.sem_alloc : memref<!tpu.dma_semaphore, #tpu.memory_space<semaphore_mem>>
        %dma_start3A_471 = arith.constant 0 : i32
        %dma_start3A_472 = arith.constant 0 : i32
        %dma_start3A_473 = tpu.memref_slice %arg13[%dma_start3A_471, %dma_start3A_472] : memref<96x128xf32, #tpu.memory_space<vmem>> -> memref<96x128xf32, #tpu.memory_space<vmem>>
        %dma_start3A_474 = arith.constant 9672 : i32
        %dma_start3A_475 = arith.constant 0 : i32
        %dma_start3A_476 = tpu.memref_slice %arg16[%dma_start3A_474, %dma_start3A_475] : memref<10000x128xf32, #tpu.memory_space<vmem_shared>> -> memref<96x128xf32, #tpu.memory_space<vmem_shared>>
        %dma_start3A_477 = arith.constant 9672 : i32
        %dma_start3A_478 = arith.constant 0 : i32
        %dma_start3A_479 = tpu.memref_slice %arg16[%dma_start3A_477, %dma_start3A_478] : memref<10000x128xf32, #tpu.memory_space<vmem_shared>> -> memref<96x128xf32, #tpu.memory_space<vmem_shared>>
        %dma_start3A_480 = arith.constant 0 : i32
        %dma_start3A_481 = arith.constant 0 : i32
        %dma_start3A_482 = tpu.memref_slice %arg13[%dma_start3A_480, %dma_start3A_481] : memref<96x128xf32, #tpu.memory_space<vmem>> -> memref<96x128xf32, #tpu.memory_space<vmem>>
        tpu.enqueue_dma source(%dma_start3A_482 : memref<96x128xf32, #tpu.memory_space<vmem>>) target(%dma_start3A_479 : memref<96x128xf32, #tpu.memory_space<vmem_shared>>) target_semaphore(%run_scoped3A_470 : memref<!tpu.dma_semaphore, #tpu.memory_space<semaphore_mem>>)
        %dma_wait3A_483 = arith.constant 0 : i32
        %dma_wait3A_484 = arith.constant 0 : i32
        %dma_wait3A_485 = tpu.memref_slice %arg13[%dma_wait3A_483, %dma_wait3A_484] : memref<96x128xf32, #tpu.memory_space<vmem>> -> memref<96x128xf32, #tpu.memory_space<vmem>>
        %dma_wait3A_486 = arith.constant 9672 : i32
        %dma_wait3A_487 = arith.constant 0 : i32
        %dma_wait3A_488 = tpu.memref_slice %arg16[%dma_wait3A_486, %dma_wait3A_487] : memref<10000x128xf32, #tpu.memory_space<vmem_shared>> -> memref<96x128xf32, #tpu.memory_space<vmem_shared>>
        %dma_wait3A_489 = arith.constant 9672 : i32
        %dma_wait3A_490 = arith.constant 0 : i32
        %dma_wait3A_491 = tpu.memref_slice %arg16[%dma_wait3A_489, %dma_wait3A_490] : memref<10000x128xf32, #tpu.memory_space<vmem_shared>> -> memref<96x128xf32, #tpu.memory_space<vmem_shared>>
        %dma_wait3A_492 = arith.constant 0 : i32
        %dma_wait3A_493 = arith.constant 0 : i32
        %dma_wait3A_494 = tpu.memref_slice %arg13[%dma_wait3A_492, %dma_wait3A_493] : memref<96x128xf32, #tpu.memory_space<vmem>> -> memref<96x128xf32, #tpu.memory_space<vmem>>
        tpu.wait_dma2 semaphore(%run_scoped3A_470 : memref<!tpu.dma_semaphore, #tpu.memory_space<semaphore_mem>>) src(%dma_wait3A_494 : memref<96x128xf32, #tpu.memory_space<vmem>>) dst(%dma_wait3A_491 : memref<96x128xf32, #tpu.memory_space<vmem_shared>>)
        tpu.yield
      }) : () -> ()
      "tpu.region"() ({
        %run_scoped3A_470 = tpu.sem_alloc : memref<!tpu.dma_semaphore, #tpu.memory_space<semaphore_mem>>
        %dma_start3A_471 = arith.constant 0 : i32
        %dma_start3A_472 = arith.constant 0 : i32
        %dma_start3A_473 = tpu.memref_slice %arg13[%dma_start3A_471, %dma_start3A_472] : memref<96x128xf32, #tpu.memory_space<vmem>> -> memref<96x128xf32, #tpu.memory_space<vmem>>
        %dma_start3A_474 = arith.constant 9768 : i32
        %dma_start3A_475 = arith.constant 0 : i32
        %dma_start3A_476 = tpu.memref_slice %arg16[%dma_start3A_474, %dma_start3A_475] : memref<10000x128xf32, #tpu.memory_space<vmem_shared>> -> memref<96x128xf32, #tpu.memory_space<vmem_shared>>
        %dma_start3A_477 = arith.constant 9768 : i32
        %dma_start3A_478 = arith.constant 0 : i32
        %dma_start3A_479 = tpu.memref_slice %arg16[%dma_start3A_477, %dma_start3A_478] : memref<10000x128xf32, #tpu.memory_space<vmem_shared>> -> memref<96x128xf32, #tpu.memory_space<vmem_shared>>
        %dma_start3A_480 = arith.constant 0 : i32
        %dma_start3A_481 = arith.constant 0 : i32
        %dma_start3A_482 = tpu.memref_slice %arg13[%dma_start3A_480, %dma_start3A_481] : memref<96x128xf32, #tpu.memory_space<vmem>> -> memref<96x128xf32, #tpu.memory_space<vmem>>
        tpu.enqueue_dma source(%dma_start3A_482 : memref<96x128xf32, #tpu.memory_space<vmem>>) target(%dma_start3A_479 : memref<96x128xf32, #tpu.memory_space<vmem_shared>>) target_semaphore(%run_scoped3A_470 : memref<!tpu.dma_semaphore, #tpu.memory_space<semaphore_mem>>)
        %dma_wait3A_483 = arith.constant 0 : i32
        %dma_wait3A_484 = arith.constant 0 : i32
        %dma_wait3A_485 = tpu.memref_slice %arg13[%dma_wait3A_483, %dma_wait3A_484] : memref<96x128xf32, #tpu.memory_space<vmem>> -> memref<96x128xf32, #tpu.memory_space<vmem>>
        %dma_wait3A_486 = arith.constant 9768 : i32
        %dma_wait3A_487 = arith.constant 0 : i32
        %dma_wait3A_488 = tpu.memref_slice %arg16[%dma_wait3A_486, %dma_wait3A_487] : memref<10000x128xf32, #tpu.memory_space<vmem_shared>> -> memref<96x128xf32, #tpu.memory_space<vmem_shared>>
        %dma_wait3A_489 = arith.constant 9768 : i32
        %dma_wait3A_490 = arith.constant 0 : i32
        %dma_wait3A_491 = tpu.memref_slice %arg16[%dma_wait3A_489, %dma_wait3A_490] : memref<10000x128xf32, #tpu.memory_space<vmem_shared>> -> memref<96x128xf32, #tpu.memory_space<vmem_shared>>
        %dma_wait3A_492 = arith.constant 0 : i32
        %dma_wait3A_493 = arith.constant 0 : i32
        %dma_wait3A_494 = tpu.memref_slice %arg13[%dma_wait3A_492, %dma_wait3A_493] : memref<96x128xf32, #tpu.memory_space<vmem>> -> memref<96x128xf32, #tpu.memory_space<vmem>>
        tpu.wait_dma2 semaphore(%run_scoped3A_470 : memref<!tpu.dma_semaphore, #tpu.memory_space<semaphore_mem>>) src(%dma_wait3A_494 : memref<96x128xf32, #tpu.memory_space<vmem>>) dst(%dma_wait3A_491 : memref<96x128xf32, #tpu.memory_space<vmem_shared>>)
        tpu.yield
      }) : () -> ()
      "tpu.region"() ({
        %run_scoped3A_470 = tpu.sem_alloc : memref<!tpu.dma_semaphore, #tpu.memory_space<semaphore_mem>>
        %dma_start3A_471 = arith.constant 0 : i32
        %dma_start3A_472 = arith.constant 0 : i32
        %dma_start3A_473 = tpu.memref_slice %arg13[%dma_start3A_471, %dma_start3A_472] : memref<96x128xf32, #tpu.memory_space<vmem>> -> memref<96x128xf32, #tpu.memory_space<vmem>>
        %dma_start3A_474 = arith.constant 9864 : i32
        %dma_start3A_475 = arith.constant 0 : i32
        %dma_start3A_476 = tpu.memref_slice %arg16[%dma_start3A_474, %dma_start3A_475] : memref<10000x128xf32, #tpu.memory_space<vmem_shared>> -> memref<96x128xf32, #tpu.memory_space<vmem_shared>>
        %dma_start3A_477 = arith.constant 9864 : i32
        %dma_start3A_478 = arith.constant 0 : i32
        %dma_start3A_479 = tpu.memref_slice %arg16[%dma_start3A_477, %dma_start3A_478] : memref<10000x128xf32, #tpu.memory_space<vmem_shared>> -> memref<96x128xf32, #tpu.memory_space<vmem_shared>>
        %dma_start3A_480 = arith.constant 0 : i32
        %dma_start3A_481 = arith.constant 0 : i32
        %dma_start3A_482 = tpu.memref_slice %arg13[%dma_start3A_480, %dma_start3A_481] : memref<96x128xf32, #tpu.memory_space<vmem>> -> memref<96x128xf32, #tpu.memory_space<vmem>>
        tpu.enqueue_dma source(%dma_start3A_482 : memref<96x128xf32, #tpu.memory_space<vmem>>) target(%dma_start3A_479 : memref<96x128xf32, #tpu.memory_space<vmem_shared>>) target_semaphore(%run_scoped3A_470 : memref<!tpu.dma_semaphore, #tpu.memory_space<semaphore_mem>>)
        %dma_wait3A_483 = arith.constant 0 : i32
        %dma_wait3A_484 = arith.constant 0 : i32
        %dma_wait3A_485 = tpu.memref_slice %arg13[%dma_wait3A_483, %dma_wait3A_484] : memref<96x128xf32, #tpu.memory_space<vmem>> -> memref<96x128xf32, #tpu.memory_space<vmem>>
        %dma_wait3A_486 = arith.constant 9864 : i32
        %dma_wait3A_487 = arith.constant 0 : i32
        %dma_wait3A_488 = tpu.memref_slice %arg16[%dma_wait3A_486, %dma_wait3A_487] : memref<10000x128xf32, #tpu.memory_space<vmem_shared>> -> memref<96x128xf32, #tpu.memory_space<vmem_shared>>
        %dma_wait3A_489 = arith.constant 9864 : i32
        %dma_wait3A_490 = arith.constant 0 : i32
        %dma_wait3A_491 = tpu.memref_slice %arg16[%dma_wait3A_489, %dma_wait3A_490] : memref<10000x128xf32, #tpu.memory_space<vmem_shared>> -> memref<96x128xf32, #tpu.memory_space<vmem_shared>>
        %dma_wait3A_492 = arith.constant 0 : i32
        %dma_wait3A_493 = arith.constant 0 : i32
        %dma_wait3A_494 = tpu.memref_slice %arg13[%dma_wait3A_492, %dma_wait3A_493] : memref<96x128xf32, #tpu.memory_space<vmem>> -> memref<96x128xf32, #tpu.memory_space<vmem>>
        tpu.wait_dma2 semaphore(%run_scoped3A_470 : memref<!tpu.dma_semaphore, #tpu.memory_space<semaphore_mem>>) src(%dma_wait3A_494 : memref<96x128xf32, #tpu.memory_space<vmem>>) dst(%dma_wait3A_491 : memref<96x128xf32, #tpu.memory_space<vmem_shared>>)
        tpu.yield
      }) : () -> ()
      "tpu.region"() ({
        %run_scoped3A_470 = tpu.sem_alloc : memref<!tpu.dma_semaphore, #tpu.memory_space<semaphore_mem>>
        %dma_start3A_471 = arith.constant 0 : i32
        %dma_start3A_472 = arith.constant 0 : i32
        %dma_start3A_473 = tpu.memref_slice %arg13[%dma_start3A_471, %dma_start3A_472] : memref<96x128xf32, #tpu.memory_space<vmem>> -> memref<40x128xf32, #tpu.memory_space<vmem>>
        %dma_start3A_474 = arith.constant 9960 : i32
        %dma_start3A_475 = arith.constant 0 : i32
        %dma_start3A_476 = tpu.memref_slice %arg16[%dma_start3A_474, %dma_start3A_475] : memref<10000x128xf32, #tpu.memory_space<vmem_shared>> -> memref<40x128xf32, #tpu.memory_space<vmem_shared>>
        %dma_start3A_477 = arith.constant 9960 : i32
        %dma_start3A_478 = arith.constant 0 : i32
        %dma_start3A_479 = tpu.memref_slice %arg16[%dma_start3A_477, %dma_start3A_478] : memref<10000x128xf32, #tpu.memory_space<vmem_shared>> -> memref<40x128xf32, #tpu.memory_space<vmem_shared>>
        %dma_start3A_480 = arith.constant 0 : i32
        %dma_start3A_481 = arith.constant 0 : i32
        %dma_start3A_482 = tpu.memref_slice %arg13[%dma_start3A_480, %dma_start3A_481] : memref<96x128xf32, #tpu.memory_space<vmem>> -> memref<40x128xf32, #tpu.memory_space<vmem>>
        tpu.enqueue_dma source(%dma_start3A_482 : memref<40x128xf32, #tpu.memory_space<vmem>>) target(%dma_start3A_479 : memref<40x128xf32, #tpu.memory_space<vmem_shared>>) target_semaphore(%run_scoped3A_470 : memref<!tpu.dma_semaphore, #tpu.memory_space<semaphore_mem>>)
        %dma_wait3A_483 = arith.constant 0 : i32
        %dma_wait3A_484 = arith.constant 0 : i32
        %dma_wait3A_485 = tpu.memref_slice %arg13[%dma_wait3A_483, %dma_wait3A_484] : memref<96x128xf32, #tpu.memory_space<vmem>> -> memref<40x128xf32, #tpu.memory_space<vmem>>
        %dma_wait3A_486 = arith.constant 9960 : i32
        %dma_wait3A_487 = arith.constant 0 : i32
        %dma_wait3A_488 = tpu.memref_slice %arg16[%dma_wait3A_486, %dma_wait3A_487] : memref<10000x128xf32, #tpu.memory_space<vmem_shared>> -> memref<40x128xf32, #tpu.memory_space<vmem_shared>>
        %dma_wait3A_489 = arith.constant 9960 : i32
        %dma_wait3A_490 = arith.constant 0 : i32
        %dma_wait3A_491 = tpu.memref_slice %arg16[%dma_wait3A_489, %dma_wait3A_490] : memref<10000x128xf32, #tpu.memory_space<vmem_shared>> -> memref<40x128xf32, #tpu.memory_space<vmem_shared>>
        %dma_wait3A_492 = arith.constant 0 : i32
        %dma_wait3A_493 = arith.constant 0 : i32
        %dma_wait3A_494 = tpu.memref_slice %arg13[%dma_wait3A_492, %dma_wait3A_493] : memref<96x128xf32, #tpu.memory_space<vmem>> -> memref<40x128xf32, #tpu.memory_space<vmem>>
        tpu.wait_dma2 semaphore(%run_scoped3A_470 : memref<!tpu.dma_semaphore, #tpu.memory_space<semaphore_mem>>) src(%dma_wait3A_494 : memref<40x128xf32, #tpu.memory_space<vmem>>) dst(%dma_wait3A_491 : memref<40x128xf32, #tpu.memory_space<vmem_shared>>)
        tpu.yield
      }) : () -> ()
    } else {
    }
    %barrier3A = arith.constant 0 : index
    tpu.barrier barrier_id(%barrier3A)
    %dma_wait3A = arith.constant 0 : i32
    %dma_wait3A_49 = arith.constant 0 : i32
    %dma_wait3A_50 = arith.constant 0 : i32
    %dma_wait3A_51 = tpu.memref_slice %arg3[%add3A, %dma_wait3A, %dma_wait3A_49, %dma_wait3A_50] : memref<32x104x2x96xi32, #tpu.memory_space<hbm>> -> memref<1x1x2x96xi32, #tpu.memory_space<hbm>>
    %dma_wait3A_52 = tpu.memref_squeeze %dma_wait3A_51 : memref<1x1x2x96xi32, #tpu.memory_space<hbm>> -> memref<2x96xi32, #tpu.memory_space<hbm>>
    %dma_wait3A_53 = arith.constant 0 : i32
    %dma_wait3A_54 = arith.constant 0 : i32
    %dma_wait3A_55 = tpu.memref_slice %arg3[%add3A, %dma_wait3A, %dma_wait3A_53, %dma_wait3A_54] : memref<32x104x2x96xi32, #tpu.memory_space<hbm>> -> memref<1x1x2x96xi32, #tpu.memory_space<hbm>>
    %dma_wait3A_56 = tpu.memref_squeeze %dma_wait3A_55 : memref<1x1x2x96xi32, #tpu.memory_space<hbm>> -> memref<2x96xi32, #tpu.memory_space<hbm>>
    tpu.wait_dma2 semaphore(%arg17 : memref<!tpu.dma_semaphore, #tpu.memory_space<semaphore_mem>>) src(%dma_wait3A_56 : memref<2x96xi32, #tpu.memory_space<hbm>>) dst(%arg7 : memref<2x96xi32, #tpu.memory_space<vmem>>)
    %dma_start3A_57 = arith.constant 0 : i32
    %dma_start3A_58 = arith.constant 0 : i32
    %dma_start3A_59 = tpu.memref_slice %arg7[%dma_start3A_57, %dma_start3A_58] : memref<2x96xi32, #tpu.memory_space<vmem>> -> memref<1x96xi32, #tpu.memory_space<vmem>>
    %dma_start3A_60 = tpu.memref_squeeze %dma_start3A_59 : memref<1x96xi32, #tpu.memory_space<vmem>> -> memref<96xi32, #tpu.memory_space<vmem>>
    %dma_start3A_61 = arith.constant 0 : i32
    %dma_start3A_62 = arith.constant 0 : i32
    %dma_start3A_63 = tpu.memref_slice %arg2[%dma_start3A_61, %dma_start3A_62] : memref<10000x128xf32, #tpu.memory_space<hbm>> -> memref<10000x128xf32, #tpu.memory_space<hbm>>
    tpu.enqueue_indirect_dma source(%dma_start3A_63 : memref<10000x128xf32, #tpu.memory_space<hbm>>) target(%arg13 : memref<96x128xf32, #tpu.memory_space<vmem>>) offsets(%dma_start3A_60 : memref<96xi32, #tpu.memory_space<vmem>>) semaphore(%arg20 : memref<!tpu.dma_semaphore, #tpu.memory_space<semaphore_mem>>)
    %dma_wait3A_64 = arith.constant 1 : i32
    %dma_wait3A_65 = arith.constant 0 : i32
    %dma_wait3A_66 = arith.constant 0 : i32
    %dma_wait3A_67 = tpu.memref_slice %arg3[%add3A, %dma_wait3A_64, %dma_wait3A_65, %dma_wait3A_66] : memref<32x104x2x96xi32, #tpu.memory_space<hbm>> -> memref<1x1x2x96xi32, #tpu.memory_space<hbm>>
    %dma_wait3A_68 = tpu.memref_squeeze %dma_wait3A_67 : memref<1x1x2x96xi32, #tpu.memory_space<hbm>> -> memref<2x96xi32, #tpu.memory_space<hbm>>
    %dma_wait3A_69 = arith.constant 0 : i32
    %dma_wait3A_70 = arith.constant 0 : i32
    %dma_wait3A_71 = tpu.memref_slice %arg3[%add3A, %dma_wait3A_64, %dma_wait3A_69, %dma_wait3A_70] : memref<32x104x2x96xi32, #tpu.memory_space<hbm>> -> memref<1x1x2x96xi32, #tpu.memory_space<hbm>>
    %dma_wait3A_72 = tpu.memref_squeeze %dma_wait3A_71 : memref<1x1x2x96xi32, #tpu.memory_space<hbm>> -> memref<2x96xi32, #tpu.memory_space<hbm>>
    tpu.wait_dma2 semaphore(%arg18 : memref<!tpu.dma_semaphore, #tpu.memory_space<semaphore_mem>>) src(%dma_wait3A_72 : memref<2x96xi32, #tpu.memory_space<hbm>>) dst(%arg8 : memref<2x96xi32, #tpu.memory_space<vmem>>)
    %dma_start3A_73 = arith.constant 0 : i32
    %dma_start3A_74 = arith.constant 0 : i32
    %dma_start3A_75 = tpu.memref_slice %arg8[%dma_start3A_73, %dma_start3A_74] : memref<2x96xi32, #tpu.memory_space<vmem>> -> memref<1x96xi32, #tpu.memory_space<vmem>>
    %dma_start3A_76 = tpu.memref_squeeze %dma_start3A_75 : memref<1x96xi32, #tpu.memory_space<vmem>> -> memref<96xi32, #tpu.memory_space<vmem>>
    %dma_start3A_77 = arith.constant 0 : i32
    %dma_start3A_78 = arith.constant 0 : i32
    %dma_start3A_79 = tpu.memref_slice %arg2[%dma_start3A_77, %dma_start3A_78] : memref<10000x128xf32, #tpu.memory_space<hbm>> -> memref<10000x128xf32, #tpu.memory_space<hbm>>
    tpu.enqueue_indirect_dma source(%dma_start3A_79 : memref<10000x128xf32, #tpu.memory_space<hbm>>) target(%arg14 : memref<96x128xf32, #tpu.memory_space<vmem>>) offsets(%dma_start3A_76 : memref<96xi32, #tpu.memory_space<vmem>>) semaphore(%arg21 : memref<!tpu.dma_semaphore, #tpu.memory_space<semaphore_mem>>)
    %dma_wait3A_80 = arith.constant 0 : i32
    %dma_wait3A_81 = arith.constant 0 : i32
    %dma_wait3A_82 = tpu.memref_slice %arg7[%dma_wait3A_80, %dma_wait3A_81] : memref<2x96xi32, #tpu.memory_space<vmem>> -> memref<1x96xi32, #tpu.memory_space<vmem>>
    %dma_wait3A_83 = tpu.memref_squeeze %dma_wait3A_82 : memref<1x96xi32, #tpu.memory_space<vmem>> -> memref<96xi32, #tpu.memory_space<vmem>>
    %dma_wait3A_84 = arith.constant 0 : i32
    %dma_wait3A_85 = arith.constant 0 : i32
    %dma_wait3A_86 = tpu.memref_slice %arg2[%dma_wait3A_84, %dma_wait3A_85] : memref<10000x128xf32, #tpu.memory_space<hbm>> -> memref<10000x128xf32, #tpu.memory_space<hbm>>
    tpu.wait_indirect_dma semaphore(%arg20 : memref<!tpu.dma_semaphore, #tpu.memory_space<semaphore_mem>>) src(%dma_wait3A_86 : memref<10000x128xf32, #tpu.memory_space<hbm>>) dst(%arg13 : memref<96x128xf32, #tpu.memory_space<vmem>>)
    %dma_wait3A_87 = arith.constant 2 : i32
    %dma_wait3A_88 = arith.constant 0 : i32
    %dma_wait3A_89 = arith.constant 0 : i32
    %dma_wait3A_90 = tpu.memref_slice %arg3[%add3A, %dma_wait3A_87, %dma_wait3A_88, %dma_wait3A_89] : memref<32x104x2x96xi32, #tpu.memory_space<hbm>> -> memref<1x1x2x96xi32, #tpu.memory_space<hbm>>
    %dma_wait3A_91 = tpu.memref_squeeze %dma_wait3A_90 : memref<1x1x2x96xi32, #tpu.memory_space<hbm>> -> memref<2x96xi32, #tpu.memory_space<hbm>>
    %dma_wait3A_92 = arith.constant 0 : i32
    %dma_wait3A_93 = arith.constant 0 : i32
    %dma_wait3A_94 = tpu.memref_slice %arg3[%add3A, %dma_wait3A_87, %dma_wait3A_92, %dma_wait3A_93] : memref<32x104x2x96xi32, #tpu.memory_space<hbm>> -> memref<1x1x2x96xi32, #tpu.memory_space<hbm>>
    %dma_wait3A_95 = tpu.memref_squeeze %dma_wait3A_94 : memref<1x1x2x96xi32, #tpu.memory_space<hbm>> -> memref<2x96xi32, #tpu.memory_space<hbm>>
    tpu.wait_dma2 semaphore(%arg19 : memref<!tpu.dma_semaphore, #tpu.memory_space<semaphore_mem>>) src(%dma_wait3A_95 : memref<2x96xi32, #tpu.memory_space<hbm>>) dst(%arg9 : memref<2x96xi32, #tpu.memory_space<vmem>>)
    %dma_start3A_96 = arith.constant 0 : i32
    %dma_start3A_97 = arith.constant 0 : i32
    %dma_start3A_98 = tpu.memref_slice %arg9[%dma_start3A_96, %dma_start3A_97] : memref<2x96xi32, #tpu.memory_space<vmem>> -> memref<1x96xi32, #tpu.memory_space<vmem>>
    %dma_start3A_99 = tpu.memref_squeeze %dma_start3A_98 : memref<1x96xi32, #tpu.memory_space<vmem>> -> memref<96xi32, #tpu.memory_space<vmem>>
    %dma_start3A_100 = arith.constant 0 : i32
    %dma_start3A_101 = arith.constant 0 : i32
    %dma_start3A_102 = tpu.memref_slice %arg2[%dma_start3A_100, %dma_start3A_101] : memref<10000x128xf32, #tpu.memory_space<hbm>> -> memref<10000x128xf32, #tpu.memory_space<hbm>>
    tpu.enqueue_indirect_dma source(%dma_start3A_102 : memref<10000x128xf32, #tpu.memory_space<hbm>>) target(%arg15 : memref<96x128xf32, #tpu.memory_space<vmem>>) offsets(%dma_start3A_99 : memref<96xi32, #tpu.memory_space<vmem>>) semaphore(%arg22 : memref<!tpu.dma_semaphore, #tpu.memory_space<semaphore_mem>>)
    %get3A = arith.constant 1 : i32
    %get3A_103 = arith.index_cast %get3A : i32 to index
    %get3A_104 = arith.constant 0 : index
    %get3A_105 = tpu.vector_load %arg7[%get3A_103, %get3A_104] {strides = array<i32>} : memref<2x96xi32, #tpu.memory_space<vmem>>, vector<16xi32>,
    %swap3A = arith.constant 0 : index
    %swap3A_106 = tpu.vector_load %arg10[%swap3A] {strides = array<i32>} : memref<96xi32, #tpu.memory_space<vmem>>, vector<16xi32>,
    tpu.vector_store %arg10[%swap3A], %get3A_105 {strides = array<i32>} : memref<96xi32, #tpu.memory_space<vmem>>, vector<16xi32>,
    %get3A_107 = arith.constant 1 : i32
    %get3A_108 = arith.index_cast %get3A_107 : i32 to index
    %get3A_109 = arith.constant 16 : index
    %get3A_110 = tpu.vector_load %arg7[%get3A_108, %get3A_109] {strides = array<i32>} : memref<2x96xi32, #tpu.memory_space<vmem>>, vector<16xi32>,
    %swap3A_111 = arith.constant 16 : index
    %swap3A_112 = tpu.vector_load %arg10[%swap3A_111] {strides = array<i32>} : memref<96xi32, #tpu.memory_space<vmem>>, vector<16xi32>,
    tpu.vector_store %arg10[%swap3A_111], %get3A_110 {strides = array<i32>} : memref<96xi32, #tpu.memory_space<vmem>>, vector<16xi32>,
    %get3A_113 = arith.constant 1 : i32
    %get3A_114 = arith.index_cast %get3A_113 : i32 to index
    %get3A_115 = arith.constant 32 : index
    %get3A_116 = tpu.vector_load %arg7[%get3A_114, %get3A_115] {strides = array<i32>} : memref<2x96xi32, #tpu.memory_space<vmem>>, vector<16xi32>,
    %swap3A_117 = arith.constant 32 : index
    %swap3A_118 = tpu.vector_load %arg10[%swap3A_117] {strides = array<i32>} : memref<96xi32, #tpu.memory_space<vmem>>, vector<16xi32>,
    tpu.vector_store %arg10[%swap3A_117], %get3A_116 {strides = array<i32>} : memref<96xi32, #tpu.memory_space<vmem>>, vector<16xi32>,
    %get3A_119 = arith.constant 1 : i32
    %get3A_120 = arith.index_cast %get3A_119 : i32 to index
    %get3A_121 = arith.constant 48 : index
    %get3A_122 = tpu.vector_load %arg7[%get3A_120, %get3A_121] {strides = array<i32>} : memref<2x96xi32, #tpu.memory_space<vmem>>, vector<16xi32>,
    %swap3A_123 = arith.constant 48 : index
    %swap3A_124 = tpu.vector_load %arg10[%swap3A_123] {strides = array<i32>} : memref<96xi32, #tpu.memory_space<vmem>>, vector<16xi32>,
    tpu.vector_store %arg10[%swap3A_123], %get3A_122 {strides = array<i32>} : memref<96xi32, #tpu.memory_space<vmem>>, vector<16xi32>,
    %get3A_125 = arith.constant 1 : i32
    %get3A_126 = arith.index_cast %get3A_125 : i32 to index
    %get3A_127 = arith.constant 64 : index
    %get3A_128 = tpu.vector_load %arg7[%get3A_126, %get3A_127] {strides = array<i32>} : memref<2x96xi32, #tpu.memory_space<vmem>>, vector<16xi32>,
    %swap3A_129 = arith.constant 64 : index
    %swap3A_130 = tpu.vector_load %arg10[%swap3A_129] {strides = array<i32>} : memref<96xi32, #tpu.memory_space<vmem>>, vector<16xi32>,
    tpu.vector_store %arg10[%swap3A_129], %get3A_128 {strides = array<i32>} : memref<96xi32, #tpu.memory_space<vmem>>, vector<16xi32>,
    %get3A_131 = arith.constant 1 : i32
    %get3A_132 = arith.index_cast %get3A_131 : i32 to index
    %get3A_133 = arith.constant 80 : index
    %get3A_134 = tpu.vector_load %arg7[%get3A_132, %get3A_133] {strides = array<i32>} : memref<2x96xi32, #tpu.memory_space<vmem>>, vector<16xi32>,
    %swap3A_135 = arith.constant 80 : index
    %swap3A_136 = tpu.vector_load %arg10[%swap3A_135] {strides = array<i32>} : memref<96xi32, #tpu.memory_space<vmem>>, vector<16xi32>,
    tpu.vector_store %arg10[%swap3A_135], %get3A_134 {strides = array<i32>} : memref<96xi32, #tpu.memory_space<vmem>>, vector<16xi32>,
    %dma_start3A_137 = arith.constant 3 : i32
    %dma_start3A_138 = arith.constant 0 : i32
    %dma_start3A_139 = arith.constant 0 : i32
    %dma_start3A_140 = tpu.memref_slice %arg3[%add3A, %dma_start3A_137, %dma_start3A_138, %dma_start3A_139] : memref<32x104x2x96xi32, #tpu.memory_space<hbm>> -> memref<1x1x2x96xi32, #tpu.memory_space<hbm>>
    %dma_start3A_141 = tpu.memref_squeeze %dma_start3A_140 : memref<1x1x2x96xi32, #tpu.memory_space<hbm>> -> memref<2x96xi32, #tpu.memory_space<hbm>>
    %dma_start3A_142 = arith.constant 0 : i32
    %dma_start3A_143 = arith.constant 0 : i32
    %dma_start3A_144 = tpu.memref_slice %arg3[%add3A, %dma_start3A_137, %dma_start3A_142, %dma_start3A_143] : memref<32x104x2x96xi32, #tpu.memory_space<hbm>> -> memref<1x1x2x96xi32, #tpu.memory_space<hbm>>
    %dma_start3A_145 = tpu.memref_squeeze %dma_start3A_144 : memref<1x1x2x96xi32, #tpu.memory_space<hbm>> -> memref<2x96xi32, #tpu.memory_space<hbm>>
    tpu.enqueue_dma source(%dma_start3A_145 : memref<2x96xi32, #tpu.memory_space<hbm>>) target(%arg7 : memref<2x96xi32, #tpu.memory_space<vmem>>) target_semaphore(%arg17 : memref<!tpu.dma_semaphore, #tpu.memory_space<semaphore_mem>>)
    %dma_start3A_146 = arith.constant 0 : i32
    %dma_start3A_147 = arith.constant 0 : i32
    %dma_start3A_148 = tpu.memref_slice %arg16[%dma_start3A_146, %dma_start3A_147] : memref<10000x128xf32, #tpu.memory_space<vmem_shared>> -> memref<10000x128xf32, #tpu.memory_space<vmem_shared>>
    tpu.enqueue_indirect_dma source(%arg13 : memref<96x128xf32, #tpu.memory_space<vmem>>) target(%dma_start3A_148 : memref<10000x128xf32, #tpu.memory_space<vmem_shared>>) offsets(%arg10 : memref<96xi32, #tpu.memory_space<vmem>>) semaphore(%arg23 : memref<!tpu.dma_semaphore, #tpu.memory_space<semaphore_mem>>) {add = true}
    %get3A_149 = arith.constant 0 : index
    %get3A_150 = tpu.vector_load %arg10[%get3A_149] {strides = array<i32>} : memref<96xi32, #tpu.memory_space<vmem>>, vector<16xi32>,
    tpu.vector_store_idx %arg26[%broadcast_in_dim3A_3, %get3A_150], %broadcast_in_dim3A_5 {add = true} : memref<1x10000xf32, #tpu.memory_space<vmem>>[vector<16xi32>, vector<16xi32>], vector<16xf32>,
    %get3A_151 = arith.constant 16 : index
    %get3A_152 = tpu.vector_load %arg10[%get3A_151] {strides = array<i32>} : memref<96xi32, #tpu.memory_space<vmem>>, vector<16xi32>,
    tpu.vector_store_idx %arg26[%broadcast_in_dim3A_3, %get3A_152], %broadcast_in_dim3A_5 {add = true} : memref<1x10000xf32, #tpu.memory_space<vmem>>[vector<16xi32>, vector<16xi32>], vector<16xf32>,
    %get3A_153 = arith.constant 32 : index
    %get3A_154 = tpu.vector_load %arg10[%get3A_153] {strides = array<i32>} : memref<96xi32, #tpu.memory_space<vmem>>, vector<16xi32>,
    tpu.vector_store_idx %arg26[%broadcast_in_dim3A_3, %get3A_154], %broadcast_in_dim3A_5 {add = true} : memref<1x10000xf32, #tpu.memory_space<vmem>>[vector<16xi32>, vector<16xi32>], vector<16xf32>,
    %get3A_155 = arith.constant 48 : index
    %get3A_156 = tpu.vector_load %arg10[%get3A_155] {strides = array<i32>} : memref<96xi32, #tpu.memory_space<vmem>>, vector<16xi32>,
    tpu.vector_store_idx %arg26[%broadcast_in_dim3A_3, %get3A_156], %broadcast_in_dim3A_5 {add = true} : memref<1x10000xf32, #tpu.memory_space<vmem>>[vector<16xi32>, vector<16xi32>], vector<16xf32>,
    %get3A_157 = arith.constant 64 : index
    %get3A_158 = tpu.vector_load %arg10[%get3A_157] {strides = array<i32>} : memref<96xi32, #tpu.memory_space<vmem>>, vector<16xi32>,
    tpu.vector_store_idx %arg26[%broadcast_in_dim3A_3, %get3A_158], %broadcast_in_dim3A_5 {add = true} : memref<1x10000xf32, #tpu.memory_space<vmem>>[vector<16xi32>, vector<16xi32>], vector<16xf32>,
    %get3A_159 = arith.constant 80 : index
    %get3A_160 = tpu.vector_load %arg10[%get3A_159] {strides = array<i32>} : memref<96xi32, #tpu.memory_space<vmem>>, vector<16xi32>,
    tpu.vector_store_idx %arg26[%broadcast_in_dim3A_3, %get3A_160], %broadcast_in_dim3A_5 {add = true} : memref<1x10000xf32, #tpu.memory_space<vmem>>[vector<16xi32>, vector<16xi32>], vector<16xf32>,
    %scan3A_161 = arith.constant 0 : i32
    %scan3A_162 = arith.constant 33 : i32
    %scan3A_163 = arith.addi %scan3A_161, %scan3A_162 : i32
    %scan3A_164 = arith.constant 1 : i32
    scf.for %scan3A_470 = %scan3A_161 to %scan3A_163 step %scan3A_164  : i32 {
      %mul3A_471 = arith.constant 1 : i32
      %mul3A_472 = arith.muli %scan3A_470, %mul3A_471 : i32
      %add3A_473 = arith.constant 0 : i32
      %add3A_474 = arith.addi %add3A_473, %mul3A_472 : i32
      %mul3A_475 = arith.constant 3 : i32
      %mul3A_476 = arith.muli %mul3A_475, %add3A_474 : i32
      %add3A_477 = arith.constant 1 : i32
      %add3A_478 = arith.addi %mul3A_476, %add3A_477 : i32
      %dma_wait3A_479 = arith.constant 0 : i32
      %dma_wait3A_480 = arith.constant 0 : i32
      %dma_wait3A_481 = tpu.memref_slice %arg8[%dma_wait3A_479, %dma_wait3A_480] : memref<2x96xi32, #tpu.memory_space<vmem>> -> memref<1x96xi32, #tpu.memory_space<vmem>>
      %dma_wait3A_482 = tpu.memref_squeeze %dma_wait3A_481 : memref<1x96xi32, #tpu.memory_space<vmem>> -> memref<96xi32, #tpu.memory_space<vmem>>
      %dma_wait3A_483 = arith.constant 0 : i32
      %dma_wait3A_484 = arith.constant 0 : i32
      %dma_wait3A_485 = tpu.memref_slice %arg2[%dma_wait3A_483, %dma_wait3A_484] : memref<10000x128xf32, #tpu.memory_space<hbm>> -> memref<10000x128xf32, #tpu.memory_space<hbm>>
      tpu.wait_indirect_dma semaphore(%arg21 : memref<!tpu.dma_semaphore, #tpu.memory_space<semaphore_mem>>) src(%dma_wait3A_485 : memref<10000x128xf32, #tpu.memory_space<hbm>>) dst(%arg14 : memref<96x128xf32, #tpu.memory_space<vmem>>)
      %dma_wait3A_486 = arith.constant 0 : i32
      %dma_wait3A_487 = arith.constant 0 : i32
      %dma_wait3A_488 = tpu.memref_slice %arg16[%dma_wait3A_486, %dma_wait3A_487] : memref<10000x128xf32, #tpu.memory_space<vmem_shared>> -> memref<10000x128xf32, #tpu.memory_space<vmem_shared>>
      tpu.wait_indirect_dma semaphore(%arg23 : memref<!tpu.dma_semaphore, #tpu.memory_space<semaphore_mem>>) src(%arg13 : memref<96x128xf32, #tpu.memory_space<vmem>>) dst(%dma_wait3A_488 : memref<10000x128xf32, #tpu.memory_space<vmem_shared>>)
      %add3A_489 = arith.constant 2 : i32
      %add3A_490 = arith.addi %add3A_478, %add3A_489 : i32
      %dma_wait3A_491 = arith.constant 0 : i32
      %dma_wait3A_492 = arith.constant 0 : i32
      %dma_wait3A_493 = tpu.memref_slice %arg3[%add3A, %add3A_490, %dma_wait3A_491, %dma_wait3A_492] : memref<32x104x2x96xi32, #tpu.memory_space<hbm>> -> memref<1x1x2x96xi32, #tpu.memory_space<hbm>>
      %dma_wait3A_494 = tpu.memref_squeeze %dma_wait3A_493 : memref<1x1x2x96xi32, #tpu.memory_space<hbm>> -> memref<2x96xi32, #tpu.memory_space<hbm>>
      %dma_wait3A_495 = arith.constant 0 : i32
      %dma_wait3A_496 = arith.constant 0 : i32
      %dma_wait3A_497 = tpu.memref_slice %arg3[%add3A, %add3A_490, %dma_wait3A_495, %dma_wait3A_496] : memref<32x104x2x96xi32, #tpu.memory_space<hbm>> -> memref<1x1x2x96xi32, #tpu.memory_space<hbm>>
      %dma_wait3A_498 = tpu.memref_squeeze %dma_wait3A_497 : memref<1x1x2x96xi32, #tpu.memory_space<hbm>> -> memref<2x96xi32, #tpu.memory_space<hbm>>
      tpu.wait_dma2 semaphore(%arg17 : memref<!tpu.dma_semaphore, #tpu.memory_space<semaphore_mem>>) src(%dma_wait3A_498 : memref<2x96xi32, #tpu.memory_space<hbm>>) dst(%arg7 : memref<2x96xi32, #tpu.memory_space<vmem>>)
      %dma_start3A_499 = arith.constant 0 : i32
      %dma_start3A_500 = arith.constant 0 : i32
      %dma_start3A_501 = tpu.memref_slice %arg7[%dma_start3A_499, %dma_start3A_500] : memref<2x96xi32, #tpu.memory_space<vmem>> -> memref<1x96xi32, #tpu.memory_space<vmem>>
      %dma_start3A_502 = tpu.memref_squeeze %dma_start3A_501 : memref<1x96xi32, #tpu.memory_space<vmem>> -> memref<96xi32, #tpu.memory_space<vmem>>
      %dma_start3A_503 = arith.constant 0 : i32
      %dma_start3A_504 = arith.constant 0 : i32
      %dma_start3A_505 = tpu.memref_slice %arg2[%dma_start3A_503, %dma_start3A_504] : memref<10000x128xf32, #tpu.memory_space<hbm>> -> memref<10000x128xf32, #tpu.memory_space<hbm>>
      tpu.enqueue_indirect_dma source(%dma_start3A_505 : memref<10000x128xf32, #tpu.memory_space<hbm>>) target(%arg13 : memref<96x128xf32, #tpu.memory_space<vmem>>) offsets(%dma_start3A_502 : memref<96xi32, #tpu.memory_space<vmem>>) semaphore(%arg20 : memref<!tpu.dma_semaphore, #tpu.memory_space<semaphore_mem>>)
      %get3A_506 = arith.constant 1 : i32
      %get3A_507 = arith.index_cast %get3A_506 : i32 to index
      %get3A_508 = arith.constant 0 : index
      %get3A_509 = tpu.vector_load %arg8[%get3A_507, %get3A_508] {strides = array<i32>} : memref<2x96xi32, #tpu.memory_space<vmem>>, vector<16xi32>,
      %swap3A_510 = arith.constant 0 : index
      %swap3A_511 = tpu.vector_load %arg11[%swap3A_510] {strides = array<i32>} : memref<96xi32, #tpu.memory_space<vmem>>, vector<16xi32>,
      tpu.vector_store %arg11[%swap3A_510], %get3A_509 {strides = array<i32>} : memref<96xi32, #tpu.memory_space<vmem>>, vector<16xi32>,
      %get3A_512 = arith.constant 1 : i32
      %get3A_513 = arith.index_cast %get3A_512 : i32 to index
      %get3A_514 = arith.constant 16 : index
      %get3A_515 = tpu.vector_load %arg8[%get3A_513, %get3A_514] {strides = array<i32>} : memref<2x96xi32, #tpu.memory_space<vmem>>, vector<16xi32>,
      %swap3A_516 = arith.constant 16 : index
      %swap3A_517 = tpu.vector_load %arg11[%swap3A_516] {strides = array<i32>} : memref<96xi32, #tpu.memory_space<vmem>>, vector<16xi32>,
      tpu.vector_store %arg11[%swap3A_516], %get3A_515 {strides = array<i32>} : memref<96xi32, #tpu.memory_space<vmem>>, vector<16xi32>,
      %get3A_518 = arith.constant 1 : i32
      %get3A_519 = arith.index_cast %get3A_518 : i32 to index
      %get3A_520 = arith.constant 32 : index
      %get3A_521 = tpu.vector_load %arg8[%get3A_519, %get3A_520] {strides = array<i32>} : memref<2x96xi32, #tpu.memory_space<vmem>>, vector<16xi32>,
      %swap3A_522 = arith.constant 32 : index
      %swap3A_523 = tpu.vector_load %arg11[%swap3A_522] {strides = array<i32>} : memref<96xi32, #tpu.memory_space<vmem>>, vector<16xi32>,
      tpu.vector_store %arg11[%swap3A_522], %get3A_521 {strides = array<i32>} : memref<96xi32, #tpu.memory_space<vmem>>, vector<16xi32>,
      %get3A_524 = arith.constant 1 : i32
      %get3A_525 = arith.index_cast %get3A_524 : i32 to index
      %get3A_526 = arith.constant 48 : index
      %get3A_527 = tpu.vector_load %arg8[%get3A_525, %get3A_526] {strides = array<i32>} : memref<2x96xi32, #tpu.memory_space<vmem>>, vector<16xi32>,
      %swap3A_528 = arith.constant 48 : index
      %swap3A_529 = tpu.vector_load %arg11[%swap3A_528] {strides = array<i32>} : memref<96xi32, #tpu.memory_space<vmem>>, vector<16xi32>,
      tpu.vector_store %arg11[%swap3A_528], %get3A_527 {strides = array<i32>} : memref<96xi32, #tpu.memory_space<vmem>>, vector<16xi32>,
      %get3A_530 = arith.constant 1 : i32
      %get3A_531 = arith.index_cast %get3A_530 : i32 to index
      %get3A_532 = arith.constant 64 : index
      %get3A_533 = tpu.vector_load %arg8[%get3A_531, %get3A_532] {strides = array<i32>} : memref<2x96xi32, #tpu.memory_space<vmem>>, vector<16xi32>,
      %swap3A_534 = arith.constant 64 : index
      %swap3A_535 = tpu.vector_load %arg11[%swap3A_534] {strides = array<i32>} : memref<96xi32, #tpu.memory_space<vmem>>, vector<16xi32>,
      tpu.vector_store %arg11[%swap3A_534], %get3A_533 {strides = array<i32>} : memref<96xi32, #tpu.memory_space<vmem>>, vector<16xi32>,
      %get3A_536 = arith.constant 1 : i32
      %get3A_537 = arith.index_cast %get3A_536 : i32 to index
      %get3A_538 = arith.constant 80 : index
      %get3A_539 = tpu.vector_load %arg8[%get3A_537, %get3A_538] {strides = array<i32>} : memref<2x96xi32, #tpu.memory_space<vmem>>, vector<16xi32>,
      %swap3A_540 = arith.constant 80 : index
      %swap3A_541 = tpu.vector_load %arg11[%swap3A_540] {strides = array<i32>} : memref<96xi32, #tpu.memory_space<vmem>>, vector<16xi32>,
      tpu.vector_store %arg11[%swap3A_540], %get3A_539 {strides = array<i32>} : memref<96xi32, #tpu.memory_space<vmem>>, vector<16xi32>,
      %add3A_542 = arith.constant 3 : i32
      %add3A_543 = arith.addi %add3A_478, %add3A_542 : i32
      %dma_start3A_544 = arith.constant 0 : i32
      %dma_start3A_545 = arith.constant 0 : i32
      %dma_start3A_546 = tpu.memref_slice %arg3[%add3A, %add3A_543, %dma_start3A_544, %dma_start3A_545] : memref<32x104x2x96xi32, #tpu.memory_space<hbm>> -> memref<1x1x2x96xi32, #tpu.memory_space<hbm>>
      %dma_start3A_547 = tpu.memref_squeeze %dma_start3A_546 : memref<1x1x2x96xi32, #tpu.memory_space<hbm>> -> memref<2x96xi32, #tpu.memory_space<hbm>>
      %dma_start3A_548 = arith.constant 0 : i32
      %dma_start3A_549 = arith.constant 0 : i32
      %dma_start3A_550 = tpu.memref_slice %arg3[%add3A, %add3A_543, %dma_start3A_548, %dma_start3A_549] : memref<32x104x2x96xi32, #tpu.memory_space<hbm>> -> memref<1x1x2x96xi32, #tpu.memory_space<hbm>>
      %dma_start3A_551 = tpu.memref_squeeze %dma_start3A_550 : memref<1x1x2x96xi32, #tpu.memory_space<hbm>> -> memref<2x96xi32, #tpu.memory_space<hbm>>
      tpu.enqueue_dma source(%dma_start3A_551 : memref<2x96xi32, #tpu.memory_space<hbm>>) target(%arg8 : memref<2x96xi32, #tpu.memory_space<vmem>>) target_semaphore(%arg18 : memref<!tpu.dma_semaphore, #tpu.memory_space<semaphore_mem>>)
      %dma_start3A_552 = arith.constant 0 : i32
      %dma_start3A_553 = arith.constant 0 : i32
      %dma_start3A_554 = tpu.memref_slice %arg16[%dma_start3A_552, %dma_start3A_553] : memref<10000x128xf32, #tpu.memory_space<vmem_shared>> -> memref<10000x128xf32, #tpu.memory_space<vmem_shared>>
      tpu.enqueue_indirect_dma source(%arg14 : memref<96x128xf32, #tpu.memory_space<vmem>>) target(%dma_start3A_554 : memref<10000x128xf32, #tpu.memory_space<vmem_shared>>) offsets(%arg11 : memref<96xi32, #tpu.memory_space<vmem>>) semaphore(%arg24 : memref<!tpu.dma_semaphore, #tpu.memory_space<semaphore_mem>>) {add = true}
      %get3A_555 = arith.constant 0 : index
      %get3A_556 = tpu.vector_load %arg11[%get3A_555] {strides = array<i32>} : memref<96xi32, #tpu.memory_space<vmem>>, vector<16xi32>,
      tpu.vector_store_idx %arg26[%broadcast_in_dim3A_3, %get3A_556], %broadcast_in_dim3A_5 {add = true} : memref<1x10000xf32, #tpu.memory_space<vmem>>[vector<16xi32>, vector<16xi32>], vector<16xf32>,
      %get3A_557 = arith.constant 16 : index
      %get3A_558 = tpu.vector_load %arg11[%get3A_557] {strides = array<i32>} : memref<96xi32, #tpu.memory_space<vmem>>, vector<16xi32>,
      tpu.vector_store_idx %arg26[%broadcast_in_dim3A_3, %get3A_558], %broadcast_in_dim3A_5 {add = true} : memref<1x10000xf32, #tpu.memory_space<vmem>>[vector<16xi32>, vector<16xi32>], vector<16xf32>,
      %get3A_559 = arith.constant 32 : index
      %get3A_560 = tpu.vector_load %arg11[%get3A_559] {strides = array<i32>} : memref<96xi32, #tpu.memory_space<vmem>>, vector<16xi32>,
      tpu.vector_store_idx %arg26[%broadcast_in_dim3A_3, %get3A_560], %broadcast_in_dim3A_5 {add = true} : memref<1x10000xf32, #tpu.memory_space<vmem>>[vector<16xi32>, vector<16xi32>], vector<16xf32>,
      %get3A_561 = arith.constant 48 : index
      %get3A_562 = tpu.vector_load %arg11[%get3A_561] {strides = array<i32>} : memref<96xi32, #tpu.memory_space<vmem>>, vector<16xi32>,
      tpu.vector_store_idx %arg26[%broadcast_in_dim3A_3, %get3A_562], %broadcast_in_dim3A_5 {add = true} : memref<1x10000xf32, #tpu.memory_space<vmem>>[vector<16xi32>, vector<16xi32>], vector<16xf32>,
      %get3A_563 = arith.constant 64 : index
      %get3A_564 = tpu.vector_load %arg11[%get3A_563] {strides = array<i32>} : memref<96xi32, #tpu.memory_space<vmem>>, vector<16xi32>,
      tpu.vector_store_idx %arg26[%broadcast_in_dim3A_3, %get3A_564], %broadcast_in_dim3A_5 {add = true} : memref<1x10000xf32, #tpu.memory_space<vmem>>[vector<16xi32>, vector<16xi32>], vector<16xf32>,
      %get3A_565 = arith.constant 80 : index
      %get3A_566 = tpu.vector_load %arg11[%get3A_565] {strides = array<i32>} : memref<96xi32, #tpu.memory_space<vmem>>, vector<16xi32>,
      tpu.vector_store_idx %arg26[%broadcast_in_dim3A_3, %get3A_566], %broadcast_in_dim3A_5 {add = true} : memref<1x10000xf32, #tpu.memory_space<vmem>>[vector<16xi32>, vector<16xi32>], vector<16xf32>,
      %add3A_567 = arith.constant 1 : i32
      %add3A_568 = arith.addi %add3A_478, %add3A_567 : i32
      %dma_wait3A_569 = arith.constant 0 : i32
      %dma_wait3A_570 = arith.constant 0 : i32
      %dma_wait3A_571 = tpu.memref_slice %arg9[%dma_wait3A_569, %dma_wait3A_570] : memref<2x96xi32, #tpu.memory_space<vmem>> -> memref<1x96xi32, #tpu.memory_space<vmem>>
      %dma_wait3A_572 = tpu.memref_squeeze %dma_wait3A_571 : memref<1x96xi32, #tpu.memory_space<vmem>> -> memref<96xi32, #tpu.memory_space<vmem>>
      %dma_wait3A_573 = arith.constant 0 : i32
      %dma_wait3A_574 = arith.constant 0 : i32
      %dma_wait3A_575 = tpu.memref_slice %arg2[%dma_wait3A_573, %dma_wait3A_574] : memref<10000x128xf32, #tpu.memory_space<hbm>> -> memref<10000x128xf32, #tpu.memory_space<hbm>>
      tpu.wait_indirect_dma semaphore(%arg22 : memref<!tpu.dma_semaphore, #tpu.memory_space<semaphore_mem>>) src(%dma_wait3A_575 : memref<10000x128xf32, #tpu.memory_space<hbm>>) dst(%arg15 : memref<96x128xf32, #tpu.memory_space<vmem>>)
      %dma_wait3A_576 = arith.constant 0 : i32
      %dma_wait3A_577 = arith.constant 0 : i32
      %dma_wait3A_578 = tpu.memref_slice %arg16[%dma_wait3A_576, %dma_wait3A_577] : memref<10000x128xf32, #tpu.memory_space<vmem_shared>> -> memref<10000x128xf32, #tpu.memory_space<vmem_shared>>
      tpu.wait_indirect_dma semaphore(%arg24 : memref<!tpu.dma_semaphore, #tpu.memory_space<semaphore_mem>>) src(%arg14 : memref<96x128xf32, #tpu.memory_space<vmem>>) dst(%dma_wait3A_578 : memref<10000x128xf32, #tpu.memory_space<vmem_shared>>)
      %add3A_579 = arith.constant 2 : i32
      %add3A_580 = arith.addi %add3A_568, %add3A_579 : i32
      %dma_wait3A_581 = arith.constant 0 : i32
      %dma_wait3A_582 = arith.constant 0 : i32
      %dma_wait3A_583 = tpu.memref_slice %arg3[%add3A, %add3A_580, %dma_wait3A_581, %dma_wait3A_582] : memref<32x104x2x96xi32, #tpu.memory_space<hbm>> -> memref<1x1x2x96xi32, #tpu.memory_space<hbm>>
      %dma_wait3A_584 = tpu.memref_squeeze %dma_wait3A_583 : memref<1x1x2x96xi32, #tpu.memory_space<hbm>> -> memref<2x96xi32, #tpu.memory_space<hbm>>
      %dma_wait3A_585 = arith.constant 0 : i32
      %dma_wait3A_586 = arith.constant 0 : i32
      %dma_wait3A_587 = tpu.memref_slice %arg3[%add3A, %add3A_580, %dma_wait3A_585, %dma_wait3A_586] : memref<32x104x2x96xi32, #tpu.memory_space<hbm>> -> memref<1x1x2x96xi32, #tpu.memory_space<hbm>>
      %dma_wait3A_588 = tpu.memref_squeeze %dma_wait3A_587 : memref<1x1x2x96xi32, #tpu.memory_space<hbm>> -> memref<2x96xi32, #tpu.memory_space<hbm>>
      tpu.wait_dma2 semaphore(%arg18 : memref<!tpu.dma_semaphore, #tpu.memory_space<semaphore_mem>>) src(%dma_wait3A_588 : memref<2x96xi32, #tpu.memory_space<hbm>>) dst(%arg8 : memref<2x96xi32, #tpu.memory_space<vmem>>)
      %dma_start3A_589 = arith.constant 0 : i32
      %dma_start3A_590 = arith.constant 0 : i32
      %dma_start3A_591 = tpu.memref_slice %arg8[%dma_start3A_589, %dma_start3A_590] : memref<2x96xi32, #tpu.memory_space<vmem>> -> memref<1x96xi32, #tpu.memory_space<vmem>>
      %dma_start3A_592 = tpu.memref_squeeze %dma_start3A_591 : memref<1x96xi32, #tpu.memory_space<vmem>> -> memref<96xi32, #tpu.memory_space<vmem>>
      %dma_start3A_593 = arith.constant 0 : i32
      %dma_start3A_594 = arith.constant 0 : i32
      %dma_start3A_595 = tpu.memref_slice %arg2[%dma_start3A_593, %dma_start3A_594] : memref<10000x128xf32, #tpu.memory_space<hbm>> -> memref<10000x128xf32, #tpu.memory_space<hbm>>
      tpu.enqueue_indirect_dma source(%dma_start3A_595 : memref<10000x128xf32, #tpu.memory_space<hbm>>) target(%arg14 : memref<96x128xf32, #tpu.memory_space<vmem>>) offsets(%dma_start3A_592 : memref<96xi32, #tpu.memory_space<vmem>>) semaphore(%arg21 : memref<!tpu.dma_semaphore, #tpu.memory_space<semaphore_mem>>)
      %get3A_596 = arith.constant 1 : i32
      %get3A_597 = arith.index_cast %get3A_596 : i32 to index
      %get3A_598 = arith.constant 0 : index
      %get3A_599 = tpu.vector_load %arg9[%get3A_597, %get3A_598] {strides = array<i32>} : memref<2x96xi32, #tpu.memory_space<vmem>>, vector<16xi32>,
      %swap3A_600 = arith.constant 0 : index
      %swap3A_601 = tpu.vector_load %arg12[%swap3A_600] {strides = array<i32>} : memref<96xi32, #tpu.memory_space<vmem>>, vector<16xi32>,
      tpu.vector_store %arg12[%swap3A_600], %get3A_599 {strides = array<i32>} : memref<96xi32, #tpu.memory_space<vmem>>, vector<16xi32>,
      %get3A_602 = arith.constant 1 : i32
      %get3A_603 = arith.index_cast %get3A_602 : i32 to index
      %get3A_604 = arith.constant 16 : index
      %get3A_605 = tpu.vector_load %arg9[%get3A_603, %get3A_604] {strides = array<i32>} : memref<2x96xi32, #tpu.memory_space<vmem>>, vector<16xi32>,
      %swap3A_606 = arith.constant 16 : index
      %swap3A_607 = tpu.vector_load %arg12[%swap3A_606] {strides = array<i32>} : memref<96xi32, #tpu.memory_space<vmem>>, vector<16xi32>,
      tpu.vector_store %arg12[%swap3A_606], %get3A_605 {strides = array<i32>} : memref<96xi32, #tpu.memory_space<vmem>>, vector<16xi32>,
      %get3A_608 = arith.constant 1 : i32
      %get3A_609 = arith.index_cast %get3A_608 : i32 to index
      %get3A_610 = arith.constant 32 : index
      %get3A_611 = tpu.vector_load %arg9[%get3A_609, %get3A_610] {strides = array<i32>} : memref<2x96xi32, #tpu.memory_space<vmem>>, vector<16xi32>,
      %swap3A_612 = arith.constant 32 : index
      %swap3A_613 = tpu.vector_load %arg12[%swap3A_612] {strides = array<i32>} : memref<96xi32, #tpu.memory_space<vmem>>, vector<16xi32>,
      tpu.vector_store %arg12[%swap3A_612], %get3A_611 {strides = array<i32>} : memref<96xi32, #tpu.memory_space<vmem>>, vector<16xi32>,
      %get3A_614 = arith.constant 1 : i32
      %get3A_615 = arith.index_cast %get3A_614 : i32 to index
      %get3A_616 = arith.constant 48 : index
      %get3A_617 = tpu.vector_load %arg9[%get3A_615, %get3A_616] {strides = array<i32>} : memref<2x96xi32, #tpu.memory_space<vmem>>, vector<16xi32>,
      %swap3A_618 = arith.constant 48 : index
      %swap3A_619 = tpu.vector_load %arg12[%swap3A_618] {strides = array<i32>} : memref<96xi32, #tpu.memory_space<vmem>>, vector<16xi32>,
      tpu.vector_store %arg12[%swap3A_618], %get3A_617 {strides = array<i32>} : memref<96xi32, #tpu.memory_space<vmem>>, vector<16xi32>,
      %get3A_620 = arith.constant 1 : i32
      %get3A_621 = arith.index_cast %get3A_620 : i32 to index
      %get3A_622 = arith.constant 64 : index
      %get3A_623 = tpu.vector_load %arg9[%get3A_621, %get3A_622] {strides = array<i32>} : memref<2x96xi32, #tpu.memory_space<vmem>>, vector<16xi32>,
      %swap3A_624 = arith.constant 64 : index
      %swap3A_625 = tpu.vector_load %arg12[%swap3A_624] {strides = array<i32>} : memref<96xi32, #tpu.memory_space<vmem>>, vector<16xi32>,
      tpu.vector_store %arg12[%swap3A_624], %get3A_623 {strides = array<i32>} : memref<96xi32, #tpu.memory_space<vmem>>, vector<16xi32>,
      %get3A_626 = arith.constant 1 : i32
      %get3A_627 = arith.index_cast %get3A_626 : i32 to index
      %get3A_628 = arith.constant 80 : index
      %get3A_629 = tpu.vector_load %arg9[%get3A_627, %get3A_628] {strides = array<i32>} : memref<2x96xi32, #tpu.memory_space<vmem>>, vector<16xi32>,
      %swap3A_630 = arith.constant 80 : index
      %swap3A_631 = tpu.vector_load %arg12[%swap3A_630] {strides = array<i32>} : memref<96xi32, #tpu.memory_space<vmem>>, vector<16xi32>,
      tpu.vector_store %arg12[%swap3A_630], %get3A_629 {strides = array<i32>} : memref<96xi32, #tpu.memory_space<vmem>>, vector<16xi32>,
      %add3A_632 = arith.constant 3 : i32
      %add3A_633 = arith.addi %add3A_568, %add3A_632 : i32
      %dma_start3A_634 = arith.constant 0 : i32
      %dma_start3A_635 = arith.constant 0 : i32
      %dma_start3A_636 = tpu.memref_slice %arg3[%add3A, %add3A_633, %dma_start3A_634, %dma_start3A_635] : memref<32x104x2x96xi32, #tpu.memory_space<hbm>> -> memref<1x1x2x96xi32, #tpu.memory_space<hbm>>
      %dma_start3A_637 = tpu.memref_squeeze %dma_start3A_636 : memref<1x1x2x96xi32, #tpu.memory_space<hbm>> -> memref<2x96xi32, #tpu.memory_space<hbm>>
      %dma_start3A_638 = arith.constant 0 : i32
      %dma_start3A_639 = arith.constant 0 : i32
      %dma_start3A_640 = tpu.memref_slice %arg3[%add3A, %add3A_633, %dma_start3A_638, %dma_start3A_639] : memref<32x104x2x96xi32, #tpu.memory_space<hbm>> -> memref<1x1x2x96xi32, #tpu.memory_space<hbm>>
      %dma_start3A_641 = tpu.memref_squeeze %dma_start3A_640 : memref<1x1x2x96xi32, #tpu.memory_space<hbm>> -> memref<2x96xi32, #tpu.memory_space<hbm>>
      tpu.enqueue_dma source(%dma_start3A_641 : memref<2x96xi32, #tpu.memory_space<hbm>>) target(%arg9 : memref<2x96xi32, #tpu.memory_space<vmem>>) target_semaphore(%arg19 : memref<!tpu.dma_semaphore, #tpu.memory_space<semaphore_mem>>)
      %dma_start3A_642 = arith.constant 0 : i32
      %dma_start3A_643 = arith.constant 0 : i32
      %dma_start3A_644 = tpu.memref_slice %arg16[%dma_start3A_642, %dma_start3A_643] : memref<10000x128xf32, #tpu.memory_space<vmem_shared>> -> memref<10000x128xf32, #tpu.memory_space<vmem_shared>>
      tpu.enqueue_indirect_dma source(%arg15 : memref<96x128xf32, #tpu.memory_space<vmem>>) target(%dma_start3A_644 : memref<10000x128xf32, #tpu.memory_space<vmem_shared>>) offsets(%arg12 : memref<96xi32, #tpu.memory_space<vmem>>) semaphore(%arg25 : memref<!tpu.dma_semaphore, #tpu.memory_space<semaphore_mem>>) {add = true}
      %get3A_645 = arith.constant 0 : index
      %get3A_646 = tpu.vector_load %arg12[%get3A_645] {strides = array<i32>} : memref<96xi32, #tpu.memory_space<vmem>>, vector<16xi32>,
      tpu.vector_store_idx %arg26[%broadcast_in_dim3A_3, %get3A_646], %broadcast_in_dim3A_5 {add = true} : memref<1x10000xf32, #tpu.memory_space<vmem>>[vector<16xi32>, vector<16xi32>], vector<16xf32>,
      %get3A_647 = arith.constant 16 : index
      %get3A_648 = tpu.vector_load %arg12[%get3A_647] {strides = array<i32>} : memref<96xi32, #tpu.memory_space<vmem>>, vector<16xi32>,
      tpu.vector_store_idx %arg26[%broadcast_in_dim3A_3, %get3A_648], %broadcast_in_dim3A_5 {add = true} : memref<1x10000xf32, #tpu.memory_space<vmem>>[vector<16xi32>, vector<16xi32>], vector<16xf32>,
      %get3A_649 = arith.constant 32 : index
      %get3A_650 = tpu.vector_load %arg12[%get3A_649] {strides = array<i32>} : memref<96xi32, #tpu.memory_space<vmem>>, vector<16xi32>,
      tpu.vector_store_idx %arg26[%broadcast_in_dim3A_3, %get3A_650], %broadcast_in_dim3A_5 {add = true} : memref<1x10000xf32, #tpu.memory_space<vmem>>[vector<16xi32>, vector<16xi32>], vector<16xf32>,
      %get3A_651 = arith.constant 48 : index
      %get3A_652 = tpu.vector_load %arg12[%get3A_651] {strides = array<i32>} : memref<96xi32, #tpu.memory_space<vmem>>, vector<16xi32>,
      tpu.vector_store_idx %arg26[%broadcast_in_dim3A_3, %get3A_652], %broadcast_in_dim3A_5 {add = true} : memref<1x10000xf32, #tpu.memory_space<vmem>>[vector<16xi32>, vector<16xi32>], vector<16xf32>,
      %get3A_653 = arith.constant 64 : index
      %get3A_654 = tpu.vector_load %arg12[%get3A_653] {strides = array<i32>} : memref<96xi32, #tpu.memory_space<vmem>>, vector<16xi32>,
      tpu.vector_store_idx %arg26[%broadcast_in_dim3A_3, %get3A_654], %broadcast_in_dim3A_5 {add = true} : memref<1x10000xf32, #tpu.memory_space<vmem>>[vector<16xi32>, vector<16xi32>], vector<16xf32>,
      %get3A_655 = arith.constant 80 : index
      %get3A_656 = tpu.vector_load %arg12[%get3A_655] {strides = array<i32>} : memref<96xi32, #tpu.memory_space<vmem>>, vector<16xi32>,
      tpu.vector_store_idx %arg26[%broadcast_in_dim3A_3, %get3A_656], %broadcast_in_dim3A_5 {add = true} : memref<1x10000xf32, #tpu.memory_space<vmem>>[vector<16xi32>, vector<16xi32>], vector<16xf32>,
      %add3A_657 = arith.constant 2 : i32
      %add3A_658 = arith.addi %add3A_478, %add3A_657 : i32
      %dma_wait3A_659 = arith.constant 0 : i32
      %dma_wait3A_660 = arith.constant 0 : i32
      %dma_wait3A_661 = tpu.memref_slice %arg7[%dma_wait3A_659, %dma_wait3A_660] : memref<2x96xi32, #tpu.memory_space<vmem>> -> memref<1x96xi32, #tpu.memory_space<vmem>>
      %dma_wait3A_662 = tpu.memref_squeeze %dma_wait3A_661 : memref<1x96xi32, #tpu.memory_space<vmem>> -> memref<96xi32, #tpu.memory_space<vmem>>
      %dma_wait3A_663 = arith.constant 0 : i32
      %dma_wait3A_664 = arith.constant 0 : i32
      %dma_wait3A_665 = tpu.memref_slice %arg2[%dma_wait3A_663, %dma_wait3A_664] : memref<10000x128xf32, #tpu.memory_space<hbm>> -> memref<10000x128xf32, #tpu.memory_space<hbm>>
      tpu.wait_indirect_dma semaphore(%arg20 : memref<!tpu.dma_semaphore, #tpu.memory_space<semaphore_mem>>) src(%dma_wait3A_665 : memref<10000x128xf32, #tpu.memory_space<hbm>>) dst(%arg13 : memref<96x128xf32, #tpu.memory_space<vmem>>)
      %dma_wait3A_666 = arith.constant 0 : i32
      %dma_wait3A_667 = arith.constant 0 : i32
      %dma_wait3A_668 = tpu.memref_slice %arg16[%dma_wait3A_666, %dma_wait3A_667] : memref<10000x128xf32, #tpu.memory_space<vmem_shared>> -> memref<10000x128xf32, #tpu.memory_space<vmem_shared>>
      tpu.wait_indirect_dma semaphore(%arg25 : memref<!tpu.dma_semaphore, #tpu.memory_space<semaphore_mem>>) src(%arg15 : memref<96x128xf32, #tpu.memory_space<vmem>>) dst(%dma_wait3A_668 : memref<10000x128xf32, #tpu.memory_space<vmem_shared>>)
      %add3A_669 = arith.constant 2 : i32
      %add3A_670 = arith.addi %add3A_658, %add3A_669 : i32
      %dma_wait3A_671 = arith.constant 0 : i32
      %dma_wait3A_672 = arith.constant 0 : i32
      %dma_wait3A_673 = tpu.memref_slice %arg3[%add3A, %add3A_670, %dma_wait3A_671, %dma_wait3A_672] : memref<32x104x2x96xi32, #tpu.memory_space<hbm>> -> memref<1x1x2x96xi32, #tpu.memory_space<hbm>>
      %dma_wait3A_674 = tpu.memref_squeeze %dma_wait3A_673 : memref<1x1x2x96xi32, #tpu.memory_space<hbm>> -> memref<2x96xi32, #tpu.memory_space<hbm>>
      %dma_wait3A_675 = arith.constant 0 : i32
      %dma_wait3A_676 = arith.constant 0 : i32
      %dma_wait3A_677 = tpu.memref_slice %arg3[%add3A, %add3A_670, %dma_wait3A_675, %dma_wait3A_676] : memref<32x104x2x96xi32, #tpu.memory_space<hbm>> -> memref<1x1x2x96xi32, #tpu.memory_space<hbm>>
      %dma_wait3A_678 = tpu.memref_squeeze %dma_wait3A_677 : memref<1x1x2x96xi32, #tpu.memory_space<hbm>> -> memref<2x96xi32, #tpu.memory_space<hbm>>
      tpu.wait_dma2 semaphore(%arg19 : memref<!tpu.dma_semaphore, #tpu.memory_space<semaphore_mem>>) src(%dma_wait3A_678 : memref<2x96xi32, #tpu.memory_space<hbm>>) dst(%arg9 : memref<2x96xi32, #tpu.memory_space<vmem>>)
      %dma_start3A_679 = arith.constant 0 : i32
      %dma_start3A_680 = arith.constant 0 : i32
      %dma_start3A_681 = tpu.memref_slice %arg9[%dma_start3A_679, %dma_start3A_680] : memref<2x96xi32, #tpu.memory_space<vmem>> -> memref<1x96xi32, #tpu.memory_space<vmem>>
      %dma_start3A_682 = tpu.memref_squeeze %dma_start3A_681 : memref<1x96xi32, #tpu.memory_space<vmem>> -> memref<96xi32, #tpu.memory_space<vmem>>
      %dma_start3A_683 = arith.constant 0 : i32
      %dma_start3A_684 = arith.constant 0 : i32
      %dma_start3A_685 = tpu.memref_slice %arg2[%dma_start3A_683, %dma_start3A_684] : memref<10000x128xf32, #tpu.memory_space<hbm>> -> memref<10000x128xf32, #tpu.memory_space<hbm>>
      tpu.enqueue_indirect_dma source(%dma_start3A_685 : memref<10000x128xf32, #tpu.memory_space<hbm>>) target(%arg15 : memref<96x128xf32, #tpu.memory_space<vmem>>) offsets(%dma_start3A_682 : memref<96xi32, #tpu.memory_space<vmem>>) semaphore(%arg22 : memref<!tpu.dma_semaphore, #tpu.memory_space<semaphore_mem>>)
      %get3A_686 = arith.constant 1 : i32
      %get3A_687 = arith.index_cast %get3A_686 : i32 to index
      %get3A_688 = arith.constant 0 : index
      %get3A_689 = tpu.vector_load %arg7[%get3A_687, %get3A_688] {strides = array<i32>} : memref<2x96xi32, #tpu.memory_space<vmem>>, vector<16xi32>,
      %swap3A_690 = arith.constant 0 : index
      %swap3A_691 = tpu.vector_load %arg10[%swap3A_690] {strides = array<i32>} : memref<96xi32, #tpu.memory_space<vmem>>, vector<16xi32>,
      tpu.vector_store %arg10[%swap3A_690], %get3A_689 {strides = array<i32>} : memref<96xi32, #tpu.memory_space<vmem>>, vector<16xi32>,
      %get3A_692 = arith.constant 1 : i32
      %get3A_693 = arith.index_cast %get3A_692 : i32 to index
      %get3A_694 = arith.constant 16 : index
      %get3A_695 = tpu.vector_load %arg7[%get3A_693, %get3A_694] {strides = array<i32>} : memref<2x96xi32, #tpu.memory_space<vmem>>, vector<16xi32>,
      %swap3A_696 = arith.constant 16 : index
      %swap3A_697 = tpu.vector_load %arg10[%swap3A_696] {strides = array<i32>} : memref<96xi32, #tpu.memory_space<vmem>>, vector<16xi32>,
      tpu.vector_store %arg10[%swap3A_696], %get3A_695 {strides = array<i32>} : memref<96xi32, #tpu.memory_space<vmem>>, vector<16xi32>,
      %get3A_698 = arith.constant 1 : i32
      %get3A_699 = arith.index_cast %get3A_698 : i32 to index
      %get3A_700 = arith.constant 32 : index
      %get3A_701 = tpu.vector_load %arg7[%get3A_699, %get3A_700] {strides = array<i32>} : memref<2x96xi32, #tpu.memory_space<vmem>>, vector<16xi32>,
      %swap3A_702 = arith.constant 32 : index
      %swap3A_703 = tpu.vector_load %arg10[%swap3A_702] {strides = array<i32>} : memref<96xi32, #tpu.memory_space<vmem>>, vector<16xi32>,
      tpu.vector_store %arg10[%swap3A_702], %get3A_701 {strides = array<i32>} : memref<96xi32, #tpu.memory_space<vmem>>, vector<16xi32>,
      %get3A_704 = arith.constant 1 : i32
      %get3A_705 = arith.index_cast %get3A_704 : i32 to index
      %get3A_706 = arith.constant 48 : index
      %get3A_707 = tpu.vector_load %arg7[%get3A_705, %get3A_706] {strides = array<i32>} : memref<2x96xi32, #tpu.memory_space<vmem>>, vector<16xi32>,
      %swap3A_708 = arith.constant 48 : index
      %swap3A_709 = tpu.vector_load %arg10[%swap3A_708] {strides = array<i32>} : memref<96xi32, #tpu.memory_space<vmem>>, vector<16xi32>,
      tpu.vector_store %arg10[%swap3A_708], %get3A_707 {strides = array<i32>} : memref<96xi32, #tpu.memory_space<vmem>>, vector<16xi32>,
      %get3A_710 = arith.constant 1 : i32
      %get3A_711 = arith.index_cast %get3A_710 : i32 to index
      %get3A_712 = arith.constant 64 : index
      %get3A_713 = tpu.vector_load %arg7[%get3A_711, %get3A_712] {strides = array<i32>} : memref<2x96xi32, #tpu.memory_space<vmem>>, vector<16xi32>,
      %swap3A_714 = arith.constant 64 : index
      %swap3A_715 = tpu.vector_load %arg10[%swap3A_714] {strides = array<i32>} : memref<96xi32, #tpu.memory_space<vmem>>, vector<16xi32>,
      tpu.vector_store %arg10[%swap3A_714], %get3A_713 {strides = array<i32>} : memref<96xi32, #tpu.memory_space<vmem>>, vector<16xi32>,
      %get3A_716 = arith.constant 1 : i32
      %get3A_717 = arith.index_cast %get3A_716 : i32 to index
      %get3A_718 = arith.constant 80 : index
      %get3A_719 = tpu.vector_load %arg7[%get3A_717, %get3A_718] {strides = array<i32>} : memref<2x96xi32, #tpu.memory_space<vmem>>, vector<16xi32>,
      %swap3A_720 = arith.constant 80 : index
      %swap3A_721 = tpu.vector_load %arg10[%swap3A_720] {strides = array<i32>} : memref<96xi32, #tpu.memory_space<vmem>>, vector<16xi32>,
      tpu.vector_store %arg10[%swap3A_720], %get3A_719 {strides = array<i32>} : memref<96xi32, #tpu.memory_space<vmem>>, vector<16xi32>,
      %add3A_722 = arith.constant 3 : i32
      %add3A_723 = arith.addi %add3A_658, %add3A_722 : i32
      %dma_start3A_724 = arith.constant 0 : i32
      %dma_start3A_725 = arith.constant 0 : i32
      %dma_start3A_726 = tpu.memref_slice %arg3[%add3A, %add3A_723, %dma_start3A_724, %dma_start3A_725] : memref<32x104x2x96xi32, #tpu.memory_space<hbm>> -> memref<1x1x2x96xi32, #tpu.memory_space<hbm>>
      %dma_start3A_727 = tpu.memref_squeeze %dma_start3A_726 : memref<1x1x2x96xi32, #tpu.memory_space<hbm>> -> memref<2x96xi32, #tpu.memory_space<hbm>>
      %dma_start3A_728 = arith.constant 0 : i32
      %dma_start3A_729 = arith.constant 0 : i32
      %dma_start3A_730 = tpu.memref_slice %arg3[%add3A, %add3A_723, %dma_start3A_728, %dma_start3A_729] : memref<32x104x2x96xi32, #tpu.memory_space<hbm>> -> memref<1x1x2x96xi32, #tpu.memory_space<hbm>>
      %dma_start3A_731 = tpu.memref_squeeze %dma_start3A_730 : memref<1x1x2x96xi32, #tpu.memory_space<hbm>> -> memref<2x96xi32, #tpu.memory_space<hbm>>
      tpu.enqueue_dma source(%dma_start3A_731 : memref<2x96xi32, #tpu.memory_space<hbm>>) target(%arg7 : memref<2x96xi32, #tpu.memory_space<vmem>>) target_semaphore(%arg17 : memref<!tpu.dma_semaphore, #tpu.memory_space<semaphore_mem>>)
      %dma_start3A_732 = arith.constant 0 : i32
      %dma_start3A_733 = arith.constant 0 : i32
      %dma_start3A_734 = tpu.memref_slice %arg16[%dma_start3A_732, %dma_start3A_733] : memref<10000x128xf32, #tpu.memory_space<vmem_shared>> -> memref<10000x128xf32, #tpu.memory_space<vmem_shared>>
      tpu.enqueue_indirect_dma source(%arg13 : memref<96x128xf32, #tpu.memory_space<vmem>>) target(%dma_start3A_734 : memref<10000x128xf32, #tpu.memory_space<vmem_shared>>) offsets(%arg10 : memref<96xi32, #tpu.memory_space<vmem>>) semaphore(%arg23 : memref<!tpu.dma_semaphore, #tpu.memory_space<semaphore_mem>>) {add = true}
      %get3A_735 = arith.constant 0 : index
      %get3A_736 = tpu.vector_load %arg10[%get3A_735] {strides = array<i32>} : memref<96xi32, #tpu.memory_space<vmem>>, vector<16xi32>,
      tpu.vector_store_idx %arg26[%broadcast_in_dim3A_3, %get3A_736], %broadcast_in_dim3A_5 {add = true} : memref<1x10000xf32, #tpu.memory_space<vmem>>[vector<16xi32>, vector<16xi32>], vector<16xf32>,
      %get3A_737 = arith.constant 16 : index
      %get3A_738 = tpu.vector_load %arg10[%get3A_737] {strides = array<i32>} : memref<96xi32, #tpu.memory_space<vmem>>, vector<16xi32>,
      tpu.vector_store_idx %arg26[%broadcast_in_dim3A_3, %get3A_738], %broadcast_in_dim3A_5 {add = true} : memref<1x10000xf32, #tpu.memory_space<vmem>>[vector<16xi32>, vector<16xi32>], vector<16xf32>,
      %get3A_739 = arith.constant 32 : index
      %get3A_740 = tpu.vector_load %arg10[%get3A_739] {strides = array<i32>} : memref<96xi32, #tpu.memory_space<vmem>>, vector<16xi32>,
      tpu.vector_store_idx %arg26[%broadcast_in_dim3A_3, %get3A_740], %broadcast_in_dim3A_5 {add = true} : memref<1x10000xf32, #tpu.memory_space<vmem>>[vector<16xi32>, vector<16xi32>], vector<16xf32>,
      %get3A_741 = arith.constant 48 : index
      %get3A_742 = tpu.vector_load %arg10[%get3A_741] {strides = array<i32>} : memref<96xi32, #tpu.memory_space<vmem>>, vector<16xi32>,
      tpu.vector_store_idx %arg26[%broadcast_in_dim3A_3, %get3A_742], %broadcast_in_dim3A_5 {add = true} : memref<1x10000xf32, #tpu.memory_space<vmem>>[vector<16xi32>, vector<16xi32>], vector<16xf32>,
      %get3A_743 = arith.constant 64 : index
      %get3A_744 = tpu.vector_load %arg10[%get3A_743] {strides = array<i32>} : memref<96xi32, #tpu.memory_space<vmem>>, vector<16xi32>,
      tpu.vector_store_idx %arg26[%broadcast_in_dim3A_3, %get3A_744], %broadcast_in_dim3A_5 {add = true} : memref<1x10000xf32, #tpu.memory_space<vmem>>[vector<16xi32>, vector<16xi32>], vector<16xf32>,
      %get3A_745 = arith.constant 80 : index
      %get3A_746 = tpu.vector_load %arg10[%get3A_745] {strides = array<i32>} : memref<96xi32, #tpu.memory_space<vmem>>, vector<16xi32>,
      tpu.vector_store_idx %arg26[%broadcast_in_dim3A_3, %get3A_746], %broadcast_in_dim3A_5 {add = true} : memref<1x10000xf32, #tpu.memory_space<vmem>>[vector<16xi32>, vector<16xi32>], vector<16xf32>,
    }
    %scan3A_165 = arith.constant 33 : i32
    %dma_wait3A_166 = arith.constant 0 : i32
    %dma_wait3A_167 = arith.constant 0 : i32
    %dma_wait3A_168 = tpu.memref_slice %arg8[%dma_wait3A_166, %dma_wait3A_167] : memref<2x96xi32, #tpu.memory_space<vmem>> -> memref<1x96xi32, #tpu.memory_space<vmem>>
    %dma_wait3A_169 = tpu.memref_squeeze %dma_wait3A_168 : memref<1x96xi32, #tpu.memory_space<vmem>> -> memref<96xi32, #tpu.memory_space<vmem>>
    %dma_wait3A_170 = arith.constant 0 : i32
    %dma_wait3A_171 = arith.constant 0 : i32
    %dma_wait3A_172 = tpu.memref_slice %arg2[%dma_wait3A_170, %dma_wait3A_171] : memref<10000x128xf32, #tpu.memory_space<hbm>> -> memref<10000x128xf32, #tpu.memory_space<hbm>>
    tpu.wait_indirect_dma semaphore(%arg21 : memref<!tpu.dma_semaphore, #tpu.memory_space<semaphore_mem>>) src(%dma_wait3A_172 : memref<10000x128xf32, #tpu.memory_space<hbm>>) dst(%arg14 : memref<96x128xf32, #tpu.memory_space<vmem>>)
    %dma_wait3A_173 = arith.constant 0 : i32
    %dma_wait3A_174 = arith.constant 0 : i32
    %dma_wait3A_175 = tpu.memref_slice %arg16[%dma_wait3A_173, %dma_wait3A_174] : memref<10000x128xf32, #tpu.memory_space<vmem_shared>> -> memref<10000x128xf32, #tpu.memory_space<vmem_shared>>
    tpu.wait_indirect_dma semaphore(%arg23 : memref<!tpu.dma_semaphore, #tpu.memory_space<semaphore_mem>>) src(%arg13 : memref<96x128xf32, #tpu.memory_space<vmem>>) dst(%dma_wait3A_175 : memref<10000x128xf32, #tpu.memory_space<vmem_shared>>)
    %dma_wait3A_176 = arith.constant 102 : i32
    %dma_wait3A_177 = arith.constant 0 : i32
    %dma_wait3A_178 = arith.constant 0 : i32
    %dma_wait3A_179 = tpu.memref_slice %arg3[%add3A, %dma_wait3A_176, %dma_wait3A_177, %dma_wait3A_178] : memref<32x104x2x96xi32, #tpu.memory_space<hbm>> -> memref<1x1x2x96xi32, #tpu.memory_space<hbm>>
    %dma_wait3A_180 = tpu.memref_squeeze %dma_wait3A_179 : memref<1x1x2x96xi32, #tpu.memory_space<hbm>> -> memref<2x96xi32, #tpu.memory_space<hbm>>
    %dma_wait3A_181 = arith.constant 0 : i32
    %dma_wait3A_182 = arith.constant 0 : i32
    %dma_wait3A_183 = tpu.memref_slice %arg3[%add3A, %dma_wait3A_176, %dma_wait3A_181, %dma_wait3A_182] : memref<32x104x2x96xi32, #tpu.memory_space<hbm>> -> memref<1x1x2x96xi32, #tpu.memory_space<hbm>>
    %dma_wait3A_184 = tpu.memref_squeeze %dma_wait3A_183 : memref<1x1x2x96xi32, #tpu.memory_space<hbm>> -> memref<2x96xi32, #tpu.memory_space<hbm>>
    tpu.wait_dma2 semaphore(%arg17 : memref<!tpu.dma_semaphore, #tpu.memory_space<semaphore_mem>>) src(%dma_wait3A_184 : memref<2x96xi32, #tpu.memory_space<hbm>>) dst(%arg7 : memref<2x96xi32, #tpu.memory_space<vmem>>)
    %dma_start3A_185 = arith.constant 0 : i32
    %dma_start3A_186 = arith.constant 0 : i32
    %dma_start3A_187 = tpu.memref_slice %arg7[%dma_start3A_185, %dma_start3A_186] : memref<2x96xi32, #tpu.memory_space<vmem>> -> memref<1x96xi32, #tpu.memory_space<vmem>>
    %dma_start3A_188 = tpu.memref_squeeze %dma_start3A_187 : memref<1x96xi32, #tpu.memory_space<vmem>> -> memref<96xi32, #tpu.memory_space<vmem>>
    %dma_start3A_189 = arith.constant 0 : i32
    %dma_start3A_190 = arith.constant 0 : i32
    %dma_start3A_191 = tpu.memref_slice %arg2[%dma_start3A_189, %dma_start3A_190] : memref<10000x128xf32, #tpu.memory_space<hbm>> -> memref<10000x128xf32, #tpu.memory_space<hbm>>
    tpu.enqueue_indirect_dma source(%dma_start3A_191 : memref<10000x128xf32, #tpu.memory_space<hbm>>) target(%arg13 : memref<96x128xf32, #tpu.memory_space<vmem>>) offsets(%dma_start3A_188 : memref<96xi32, #tpu.memory_space<vmem>>) semaphore(%arg20 : memref<!tpu.dma_semaphore, #tpu.memory_space<semaphore_mem>>)
    %get3A_192 = arith.constant 1 : i32
    %get3A_193 = arith.index_cast %get3A_192 : i32 to index
    %get3A_194 = arith.constant 0 : index
    %get3A_195 = tpu.vector_load %arg8[%get3A_193, %get3A_194] {strides = array<i32>} : memref<2x96xi32, #tpu.memory_space<vmem>>, vector<16xi32>,
    %swap3A_196 = arith.constant 0 : index
    %swap3A_197 = tpu.vector_load %arg11[%swap3A_196] {strides = array<i32>} : memref<96xi32, #tpu.memory_space<vmem>>, vector<16xi32>,
    tpu.vector_store %arg11[%swap3A_196], %get3A_195 {strides = array<i32>} : memref<96xi32, #tpu.memory_space<vmem>>, vector<16xi32>,
    %get3A_198 = arith.constant 1 : i32
    %get3A_199 = arith.index_cast %get3A_198 : i32 to index
    %get3A_200 = arith.constant 16 : index
    %get3A_201 = tpu.vector_load %arg8[%get3A_199, %get3A_200] {strides = array<i32>} : memref<2x96xi32, #tpu.memory_space<vmem>>, vector<16xi32>,
    %swap3A_202 = arith.constant 16 : index
    %swap3A_203 = tpu.vector_load %arg11[%swap3A_202] {strides = array<i32>} : memref<96xi32, #tpu.memory_space<vmem>>, vector<16xi32>,
    tpu.vector_store %arg11[%swap3A_202], %get3A_201 {strides = array<i32>} : memref<96xi32, #tpu.memory_space<vmem>>, vector<16xi32>,
    %get3A_204 = arith.constant 1 : i32
    %get3A_205 = arith.index_cast %get3A_204 : i32 to index
    %get3A_206 = arith.constant 32 : index
    %get3A_207 = tpu.vector_load %arg8[%get3A_205, %get3A_206] {strides = array<i32>} : memref<2x96xi32, #tpu.memory_space<vmem>>, vector<16xi32>,
    %swap3A_208 = arith.constant 32 : index
    %swap3A_209 = tpu.vector_load %arg11[%swap3A_208] {strides = array<i32>} : memref<96xi32, #tpu.memory_space<vmem>>, vector<16xi32>,
    tpu.vector_store %arg11[%swap3A_208], %get3A_207 {strides = array<i32>} : memref<96xi32, #tpu.memory_space<vmem>>, vector<16xi32>,
    %get3A_210 = arith.constant 1 : i32
    %get3A_211 = arith.index_cast %get3A_210 : i32 to index
    %get3A_212 = arith.constant 48 : index
    %get3A_213 = tpu.vector_load %arg8[%get3A_211, %get3A_212] {strides = array<i32>} : memref<2x96xi32, #tpu.memory_space<vmem>>, vector<16xi32>,
    %swap3A_214 = arith.constant 48 : index
    %swap3A_215 = tpu.vector_load %arg11[%swap3A_214] {strides = array<i32>} : memref<96xi32, #tpu.memory_space<vmem>>, vector<16xi32>,
    tpu.vector_store %arg11[%swap3A_214], %get3A_213 {strides = array<i32>} : memref<96xi32, #tpu.memory_space<vmem>>, vector<16xi32>,
    %get3A_216 = arith.constant 1 : i32
    %get3A_217 = arith.index_cast %get3A_216 : i32 to index
    %get3A_218 = arith.constant 64 : index
    %get3A_219 = tpu.vector_load %arg8[%get3A_217, %get3A_218] {strides = array<i32>} : memref<2x96xi32, #tpu.memory_space<vmem>>, vector<16xi32>,
    %swap3A_220 = arith.constant 64 : index
    %swap3A_221 = tpu.vector_load %arg11[%swap3A_220] {strides = array<i32>} : memref<96xi32, #tpu.memory_space<vmem>>, vector<16xi32>,
    tpu.vector_store %arg11[%swap3A_220], %get3A_219 {strides = array<i32>} : memref<96xi32, #tpu.memory_space<vmem>>, vector<16xi32>,
    %get3A_222 = arith.constant 1 : i32
    %get3A_223 = arith.index_cast %get3A_222 : i32 to index
    %get3A_224 = arith.constant 80 : index
    %get3A_225 = tpu.vector_load %arg8[%get3A_223, %get3A_224] {strides = array<i32>} : memref<2x96xi32, #tpu.memory_space<vmem>>, vector<16xi32>,
    %swap3A_226 = arith.constant 80 : index
    %swap3A_227 = tpu.vector_load %arg11[%swap3A_226] {strides = array<i32>} : memref<96xi32, #tpu.memory_space<vmem>>, vector<16xi32>,
    tpu.vector_store %arg11[%swap3A_226], %get3A_225 {strides = array<i32>} : memref<96xi32, #tpu.memory_space<vmem>>, vector<16xi32>,
    %dma_start3A_228 = arith.constant 103 : i32
    %dma_start3A_229 = arith.constant 0 : i32
    %dma_start3A_230 = arith.constant 0 : i32
    %dma_start3A_231 = tpu.memref_slice %arg3[%add3A, %dma_start3A_228, %dma_start3A_229, %dma_start3A_230] : memref<32x104x2x96xi32, #tpu.memory_space<hbm>> -> memref<1x1x2x96xi32, #tpu.memory_space<hbm>>
    %dma_start3A_232 = tpu.memref_squeeze %dma_start3A_231 : memref<1x1x2x96xi32, #tpu.memory_space<hbm>> -> memref<2x96xi32, #tpu.memory_space<hbm>>
    %dma_start3A_233 = arith.constant 0 : i32
    %dma_start3A_234 = arith.constant 0 : i32
    %dma_start3A_235 = tpu.memref_slice %arg3[%add3A, %dma_start3A_228, %dma_start3A_233, %dma_start3A_234] : memref<32x104x2x96xi32, #tpu.memory_space<hbm>> -> memref<1x1x2x96xi32, #tpu.memory_space<hbm>>
    %dma_start3A_236 = tpu.memref_squeeze %dma_start3A_235 : memref<1x1x2x96xi32, #tpu.memory_space<hbm>> -> memref<2x96xi32, #tpu.memory_space<hbm>>
    tpu.enqueue_dma source(%dma_start3A_236 : memref<2x96xi32, #tpu.memory_space<hbm>>) target(%arg8 : memref<2x96xi32, #tpu.memory_space<vmem>>) target_semaphore(%arg18 : memref<!tpu.dma_semaphore, #tpu.memory_space<semaphore_mem>>)
    %dma_start3A_237 = arith.constant 0 : i32
    %dma_start3A_238 = arith.constant 0 : i32
    %dma_start3A_239 = tpu.memref_slice %arg16[%dma_start3A_237, %dma_start3A_238] : memref<10000x128xf32, #tpu.memory_space<vmem_shared>> -> memref<10000x128xf32, #tpu.memory_space<vmem_shared>>
    tpu.enqueue_indirect_dma source(%arg14 : memref<96x128xf32, #tpu.memory_space<vmem>>) target(%dma_start3A_239 : memref<10000x128xf32, #tpu.memory_space<vmem_shared>>) offsets(%arg11 : memref<96xi32, #tpu.memory_space<vmem>>) semaphore(%arg24 : memref<!tpu.dma_semaphore, #tpu.memory_space<semaphore_mem>>) {add = true}
    %get3A_240 = arith.constant 0 : index
    %get3A_241 = tpu.vector_load %arg11[%get3A_240] {strides = array<i32>} : memref<96xi32, #tpu.memory_space<vmem>>, vector<16xi32>,
    tpu.vector_store_idx %arg26[%broadcast_in_dim3A_3, %get3A_241], %broadcast_in_dim3A_5 {add = true} : memref<1x10000xf32, #tpu.memory_space<vmem>>[vector<16xi32>, vector<16xi32>], vector<16xf32>,
    %get3A_242 = arith.constant 16 : index
    %get3A_243 = tpu.vector_load %arg11[%get3A_242] {strides = array<i32>} : memref<96xi32, #tpu.memory_space<vmem>>, vector<16xi32>,
    tpu.vector_store_idx %arg26[%broadcast_in_dim3A_3, %get3A_243], %broadcast_in_dim3A_5 {add = true} : memref<1x10000xf32, #tpu.memory_space<vmem>>[vector<16xi32>, vector<16xi32>], vector<16xf32>,
    %get3A_244 = arith.constant 32 : index
    %get3A_245 = tpu.vector_load %arg11[%get3A_244] {strides = array<i32>} : memref<96xi32, #tpu.memory_space<vmem>>, vector<16xi32>,
    tpu.vector_store_idx %arg26[%broadcast_in_dim3A_3, %get3A_245], %broadcast_in_dim3A_5 {add = true} : memref<1x10000xf32, #tpu.memory_space<vmem>>[vector<16xi32>, vector<16xi32>], vector<16xf32>,
    %get3A_246 = arith.constant 48 : index
    %get3A_247 = tpu.vector_load %arg11[%get3A_246] {strides = array<i32>} : memref<96xi32, #tpu.memory_space<vmem>>, vector<16xi32>,
    tpu.vector_store_idx %arg26[%broadcast_in_dim3A_3, %get3A_247], %broadcast_in_dim3A_5 {add = true} : memref<1x10000xf32, #tpu.memory_space<vmem>>[vector<16xi32>, vector<16xi32>], vector<16xf32>,
    %get3A_248 = arith.constant 64 : index
    %get3A_249 = tpu.vector_load %arg11[%get3A_248] {strides = array<i32>} : memref<96xi32, #tpu.memory_space<vmem>>, vector<16xi32>,
    tpu.vector_store_idx %arg26[%broadcast_in_dim3A_3, %get3A_249], %broadcast_in_dim3A_5 {add = true} : memref<1x10000xf32, #tpu.memory_space<vmem>>[vector<16xi32>, vector<16xi32>], vector<16xf32>,
    %get3A_250 = arith.constant 80 : index
    %get3A_251 = tpu.vector_load %arg11[%get3A_250] {strides = array<i32>} : memref<96xi32, #tpu.memory_space<vmem>>, vector<16xi32>,
    tpu.vector_store_idx %arg26[%broadcast_in_dim3A_3, %get3A_251], %broadcast_in_dim3A_5 {add = true} : memref<1x10000xf32, #tpu.memory_space<vmem>>[vector<16xi32>, vector<16xi32>], vector<16xf32>,
    %dma_wait3A_252 = arith.constant 0 : i32
    %dma_wait3A_253 = arith.constant 0 : i32
    %dma_wait3A_254 = tpu.memref_slice %arg9[%dma_wait3A_252, %dma_wait3A_253] : memref<2x96xi32, #tpu.memory_space<vmem>> -> memref<1x96xi32, #tpu.memory_space<vmem>>
    %dma_wait3A_255 = tpu.memref_squeeze %dma_wait3A_254 : memref<1x96xi32, #tpu.memory_space<vmem>> -> memref<96xi32, #tpu.memory_space<vmem>>
    %dma_wait3A_256 = arith.constant 0 : i32
    %dma_wait3A_257 = arith.constant 0 : i32
    %dma_wait3A_258 = tpu.memref_slice %arg2[%dma_wait3A_256, %dma_wait3A_257] : memref<10000x128xf32, #tpu.memory_space<hbm>> -> memref<10000x128xf32, #tpu.memory_space<hbm>>
    tpu.wait_indirect_dma semaphore(%arg22 : memref<!tpu.dma_semaphore, #tpu.memory_space<semaphore_mem>>) src(%dma_wait3A_258 : memref<10000x128xf32, #tpu.memory_space<hbm>>) dst(%arg15 : memref<96x128xf32, #tpu.memory_space<vmem>>)
    %dma_wait3A_259 = arith.constant 0 : i32
    %dma_wait3A_260 = arith.constant 0 : i32
    %dma_wait3A_261 = tpu.memref_slice %arg16[%dma_wait3A_259, %dma_wait3A_260] : memref<10000x128xf32, #tpu.memory_space<vmem_shared>> -> memref<10000x128xf32, #tpu.memory_space<vmem_shared>>
    tpu.wait_indirect_dma semaphore(%arg24 : memref<!tpu.dma_semaphore, #tpu.memory_space<semaphore_mem>>) src(%arg14 : memref<96x128xf32, #tpu.memory_space<vmem>>) dst(%dma_wait3A_261 : memref<10000x128xf32, #tpu.memory_space<vmem_shared>>)
    %dma_wait3A_262 = arith.constant 103 : i32
    %dma_wait3A_263 = arith.constant 0 : i32
    %dma_wait3A_264 = arith.constant 0 : i32
    %dma_wait3A_265 = tpu.memref_slice %arg3[%add3A, %dma_wait3A_262, %dma_wait3A_263, %dma_wait3A_264] : memref<32x104x2x96xi32, #tpu.memory_space<hbm>> -> memref<1x1x2x96xi32, #tpu.memory_space<hbm>>
    %dma_wait3A_266 = tpu.memref_squeeze %dma_wait3A_265 : memref<1x1x2x96xi32, #tpu.memory_space<hbm>> -> memref<2x96xi32, #tpu.memory_space<hbm>>
    %dma_wait3A_267 = arith.constant 0 : i32
    %dma_wait3A_268 = arith.constant 0 : i32
    %dma_wait3A_269 = tpu.memref_slice %arg3[%add3A, %dma_wait3A_262, %dma_wait3A_267, %dma_wait3A_268] : memref<32x104x2x96xi32, #tpu.memory_space<hbm>> -> memref<1x1x2x96xi32, #tpu.memory_space<hbm>>
    %dma_wait3A_270 = tpu.memref_squeeze %dma_wait3A_269 : memref<1x1x2x96xi32, #tpu.memory_space<hbm>> -> memref<2x96xi32, #tpu.memory_space<hbm>>
    tpu.wait_dma2 semaphore(%arg18 : memref<!tpu.dma_semaphore, #tpu.memory_space<semaphore_mem>>) src(%dma_wait3A_270 : memref<2x96xi32, #tpu.memory_space<hbm>>) dst(%arg8 : memref<2x96xi32, #tpu.memory_space<vmem>>)
    %dma_start3A_271 = arith.constant 0 : i32
    %dma_start3A_272 = arith.constant 0 : i32
    %dma_start3A_273 = tpu.memref_slice %arg8[%dma_start3A_271, %dma_start3A_272] : memref<2x96xi32, #tpu.memory_space<vmem>> -> memref<1x96xi32, #tpu.memory_space<vmem>>
    %dma_start3A_274 = tpu.memref_squeeze %dma_start3A_273 : memref<1x96xi32, #tpu.memory_space<vmem>> -> memref<96xi32, #tpu.memory_space<vmem>>
    %dma_start3A_275 = arith.constant 0 : i32
    %dma_start3A_276 = arith.constant 0 : i32
    %dma_start3A_277 = tpu.memref_slice %arg2[%dma_start3A_275, %dma_start3A_276] : memref<10000x128xf32, #tpu.memory_space<hbm>> -> memref<10000x128xf32, #tpu.memory_space<hbm>>
    tpu.enqueue_indirect_dma source(%dma_start3A_277 : memref<10000x128xf32, #tpu.memory_space<hbm>>) target(%arg14 : memref<96x128xf32, #tpu.memory_space<vmem>>) offsets(%dma_start3A_274 : memref<96xi32, #tpu.memory_space<vmem>>) semaphore(%arg21 : memref<!tpu.dma_semaphore, #tpu.memory_space<semaphore_mem>>)
    %get3A_278 = arith.constant 1 : i32
    %get3A_279 = arith.index_cast %get3A_278 : i32 to index
    %get3A_280 = arith.constant 0 : index
    %get3A_281 = tpu.vector_load %arg9[%get3A_279, %get3A_280] {strides = array<i32>} : memref<2x96xi32, #tpu.memory_space<vmem>>, vector<16xi32>,
    %swap3A_282 = arith.constant 0 : index
    %swap3A_283 = tpu.vector_load %arg12[%swap3A_282] {strides = array<i32>} : memref<96xi32, #tpu.memory_space<vmem>>, vector<16xi32>,
    tpu.vector_store %arg12[%swap3A_282], %get3A_281 {strides = array<i32>} : memref<96xi32, #tpu.memory_space<vmem>>, vector<16xi32>,
    %get3A_284 = arith.constant 1 : i32
    %get3A_285 = arith.index_cast %get3A_284 : i32 to index
    %get3A_286 = arith.constant 16 : index
    %get3A_287 = tpu.vector_load %arg9[%get3A_285, %get3A_286] {strides = array<i32>} : memref<2x96xi32, #tpu.memory_space<vmem>>, vector<16xi32>,
    %swap3A_288 = arith.constant 16 : index
    %swap3A_289 = tpu.vector_load %arg12[%swap3A_288] {strides = array<i32>} : memref<96xi32, #tpu.memory_space<vmem>>, vector<16xi32>,
    tpu.vector_store %arg12[%swap3A_288], %get3A_287 {strides = array<i32>} : memref<96xi32, #tpu.memory_space<vmem>>, vector<16xi32>,
    %get3A_290 = arith.constant 1 : i32
    %get3A_291 = arith.index_cast %get3A_290 : i32 to index
    %get3A_292 = arith.constant 32 : index
    %get3A_293 = tpu.vector_load %arg9[%get3A_291, %get3A_292] {strides = array<i32>} : memref<2x96xi32, #tpu.memory_space<vmem>>, vector<16xi32>,
    %swap3A_294 = arith.constant 32 : index
    %swap3A_295 = tpu.vector_load %arg12[%swap3A_294] {strides = array<i32>} : memref<96xi32, #tpu.memory_space<vmem>>, vector<16xi32>,
    tpu.vector_store %arg12[%swap3A_294], %get3A_293 {strides = array<i32>} : memref<96xi32, #tpu.memory_space<vmem>>, vector<16xi32>,
    %get3A_296 = arith.constant 1 : i32
    %get3A_297 = arith.index_cast %get3A_296 : i32 to index
    %get3A_298 = arith.constant 48 : index
    %get3A_299 = tpu.vector_load %arg9[%get3A_297, %get3A_298] {strides = array<i32>} : memref<2x96xi32, #tpu.memory_space<vmem>>, vector<16xi32>,
    %swap3A_300 = arith.constant 48 : index
    %swap3A_301 = tpu.vector_load %arg12[%swap3A_300] {strides = array<i32>} : memref<96xi32, #tpu.memory_space<vmem>>, vector<16xi32>,
    tpu.vector_store %arg12[%swap3A_300], %get3A_299 {strides = array<i32>} : memref<96xi32, #tpu.memory_space<vmem>>, vector<16xi32>,
    %get3A_302 = arith.constant 1 : i32
    %get3A_303 = arith.index_cast %get3A_302 : i32 to index
    %get3A_304 = arith.constant 64 : index
    %get3A_305 = tpu.vector_load %arg9[%get3A_303, %get3A_304] {strides = array<i32>} : memref<2x96xi32, #tpu.memory_space<vmem>>, vector<16xi32>,
    %swap3A_306 = arith.constant 64 : index
    %swap3A_307 = tpu.vector_load %arg12[%swap3A_306] {strides = array<i32>} : memref<96xi32, #tpu.memory_space<vmem>>, vector<16xi32>,
    tpu.vector_store %arg12[%swap3A_306], %get3A_305 {strides = array<i32>} : memref<96xi32, #tpu.memory_space<vmem>>, vector<16xi32>,
    %get3A_308 = arith.constant 1 : i32
    %get3A_309 = arith.index_cast %get3A_308 : i32 to index
    %get3A_310 = arith.constant 80 : index
    %get3A_311 = tpu.vector_load %arg9[%get3A_309, %get3A_310] {strides = array<i32>} : memref<2x96xi32, #tpu.memory_space<vmem>>, vector<16xi32>,
    %swap3A_312 = arith.constant 80 : index
    %swap3A_313 = tpu.vector_load %arg12[%swap3A_312] {strides = array<i32>} : memref<96xi32, #tpu.memory_space<vmem>>, vector<16xi32>,
    tpu.vector_store %arg12[%swap3A_312], %get3A_311 {strides = array<i32>} : memref<96xi32, #tpu.memory_space<vmem>>, vector<16xi32>,
    %dma_start3A_314 = arith.constant 0 : i32
    %dma_start3A_315 = arith.constant 0 : i32
    %dma_start3A_316 = tpu.memref_slice %arg16[%dma_start3A_314, %dma_start3A_315] : memref<10000x128xf32, #tpu.memory_space<vmem_shared>> -> memref<10000x128xf32, #tpu.memory_space<vmem_shared>>
    tpu.enqueue_indirect_dma source(%arg15 : memref<96x128xf32, #tpu.memory_space<vmem>>) target(%dma_start3A_316 : memref<10000x128xf32, #tpu.memory_space<vmem_shared>>) offsets(%arg12 : memref<96xi32, #tpu.memory_space<vmem>>) semaphore(%arg25 : memref<!tpu.dma_semaphore, #tpu.memory_space<semaphore_mem>>) {add = true}
    %get3A_317 = arith.constant 0 : index
    %get3A_318 = tpu.vector_load %arg12[%get3A_317] {strides = array<i32>} : memref<96xi32, #tpu.memory_space<vmem>>, vector<16xi32>,
    tpu.vector_store_idx %arg26[%broadcast_in_dim3A_3, %get3A_318], %broadcast_in_dim3A_5 {add = true} : memref<1x10000xf32, #tpu.memory_space<vmem>>[vector<16xi32>, vector<16xi32>], vector<16xf32>,
    %get3A_319 = arith.constant 16 : index
    %get3A_320 = tpu.vector_load %arg12[%get3A_319] {strides = array<i32>} : memref<96xi32, #tpu.memory_space<vmem>>, vector<16xi32>,
    tpu.vector_store_idx %arg26[%broadcast_in_dim3A_3, %get3A_320], %broadcast_in_dim3A_5 {add = true} : memref<1x10000xf32, #tpu.memory_space<vmem>>[vector<16xi32>, vector<16xi32>], vector<16xf32>,
    %get3A_321 = arith.constant 32 : index
    %get3A_322 = tpu.vector_load %arg12[%get3A_321] {strides = array<i32>} : memref<96xi32, #tpu.memory_space<vmem>>, vector<16xi32>,
    tpu.vector_store_idx %arg26[%broadcast_in_dim3A_3, %get3A_322], %broadcast_in_dim3A_5 {add = true} : memref<1x10000xf32, #tpu.memory_space<vmem>>[vector<16xi32>, vector<16xi32>], vector<16xf32>,
    %get3A_323 = arith.constant 48 : index
    %get3A_324 = tpu.vector_load %arg12[%get3A_323] {strides = array<i32>} : memref<96xi32, #tpu.memory_space<vmem>>, vector<16xi32>,
    tpu.vector_store_idx %arg26[%broadcast_in_dim3A_3, %get3A_324], %broadcast_in_dim3A_5 {add = true} : memref<1x10000xf32, #tpu.memory_space<vmem>>[vector<16xi32>, vector<16xi32>], vector<16xf32>,
    %get3A_325 = arith.constant 64 : index
    %get3A_326 = tpu.vector_load %arg12[%get3A_325] {strides = array<i32>} : memref<96xi32, #tpu.memory_space<vmem>>, vector<16xi32>,
    tpu.vector_store_idx %arg26[%broadcast_in_dim3A_3, %get3A_326], %broadcast_in_dim3A_5 {add = true} : memref<1x10000xf32, #tpu.memory_space<vmem>>[vector<16xi32>, vector<16xi32>], vector<16xf32>,
    %get3A_327 = arith.constant 80 : index
    %get3A_328 = tpu.vector_load %arg12[%get3A_327] {strides = array<i32>} : memref<96xi32, #tpu.memory_space<vmem>>, vector<16xi32>,
    tpu.vector_store_idx %arg26[%broadcast_in_dim3A_3, %get3A_328], %broadcast_in_dim3A_5 {add = true} : memref<1x10000xf32, #tpu.memory_space<vmem>>[vector<16xi32>, vector<16xi32>], vector<16xf32>,
    %dma_wait3A_329 = arith.constant 0 : i32
    %dma_wait3A_330 = arith.constant 0 : i32
    %dma_wait3A_331 = tpu.memref_slice %arg7[%dma_wait3A_329, %dma_wait3A_330] : memref<2x96xi32, #tpu.memory_space<vmem>> -> memref<1x96xi32, #tpu.memory_space<vmem>>
    %dma_wait3A_332 = tpu.memref_squeeze %dma_wait3A_331 : memref<1x96xi32, #tpu.memory_space<vmem>> -> memref<96xi32, #tpu.memory_space<vmem>>
    %dma_wait3A_333 = arith.constant 0 : i32
    %dma_wait3A_334 = arith.constant 0 : i32
    %dma_wait3A_335 = tpu.memref_slice %arg2[%dma_wait3A_333, %dma_wait3A_334] : memref<10000x128xf32, #tpu.memory_space<hbm>> -> memref<10000x128xf32, #tpu.memory_space<hbm>>
    tpu.wait_indirect_dma semaphore(%arg20 : memref<!tpu.dma_semaphore, #tpu.memory_space<semaphore_mem>>) src(%dma_wait3A_335 : memref<10000x128xf32, #tpu.memory_space<hbm>>) dst(%arg13 : memref<96x128xf32, #tpu.memory_space<vmem>>)
    %dma_wait3A_336 = arith.constant 0 : i32
    %dma_wait3A_337 = arith.constant 0 : i32
    %dma_wait3A_338 = tpu.memref_slice %arg16[%dma_wait3A_336, %dma_wait3A_337] : memref<10000x128xf32, #tpu.memory_space<vmem_shared>> -> memref<10000x128xf32, #tpu.memory_space<vmem_shared>>
    tpu.wait_indirect_dma semaphore(%arg25 : memref<!tpu.dma_semaphore, #tpu.memory_space<semaphore_mem>>) src(%arg15 : memref<96x128xf32, #tpu.memory_space<vmem>>) dst(%dma_wait3A_338 : memref<10000x128xf32, #tpu.memory_space<vmem_shared>>)
    %get3A_339 = arith.constant 1 : i32
    %get3A_340 = arith.index_cast %get3A_339 : i32 to index
    %get3A_341 = arith.constant 0 : index
    %get3A_342 = tpu.vector_load %arg7[%get3A_340, %get3A_341] {strides = array<i32>} : memref<2x96xi32, #tpu.memory_space<vmem>>, vector<16xi32>,
    %swap3A_343 = arith.constant 0 : index
    %swap3A_344 = tpu.vector_load %arg10[%swap3A_343] {strides = array<i32>} : memref<96xi32, #tpu.memory_space<vmem>>, vector<16xi32>,
    tpu.vector_store %arg10[%swap3A_343], %get3A_342 {strides = array<i32>} : memref<96xi32, #tpu.memory_space<vmem>>, vector<16xi32>,
    %get3A_345 = arith.constant 1 : i32
    %get3A_346 = arith.index_cast %get3A_345 : i32 to index
    %get3A_347 = arith.constant 16 : index
    %get3A_348 = tpu.vector_load %arg7[%get3A_346, %get3A_347] {strides = array<i32>} : memref<2x96xi32, #tpu.memory_space<vmem>>, vector<16xi32>,
    %swap3A_349 = arith.constant 16 : index
    %swap3A_350 = tpu.vector_load %arg10[%swap3A_349] {strides = array<i32>} : memref<96xi32, #tpu.memory_space<vmem>>, vector<16xi32>,
    tpu.vector_store %arg10[%swap3A_349], %get3A_348 {strides = array<i32>} : memref<96xi32, #tpu.memory_space<vmem>>, vector<16xi32>,
    %get3A_351 = arith.constant 1 : i32
    %get3A_352 = arith.index_cast %get3A_351 : i32 to index
    %get3A_353 = arith.constant 32 : index
    %get3A_354 = tpu.vector_load %arg7[%get3A_352, %get3A_353] {strides = array<i32>} : memref<2x96xi32, #tpu.memory_space<vmem>>, vector<16xi32>,
    %swap3A_355 = arith.constant 32 : index
    %swap3A_356 = tpu.vector_load %arg10[%swap3A_355] {strides = array<i32>} : memref<96xi32, #tpu.memory_space<vmem>>, vector<16xi32>,
    tpu.vector_store %arg10[%swap3A_355], %get3A_354 {strides = array<i32>} : memref<96xi32, #tpu.memory_space<vmem>>, vector<16xi32>,
    %get3A_357 = arith.constant 1 : i32
    %get3A_358 = arith.index_cast %get3A_357 : i32 to index
    %get3A_359 = arith.constant 48 : index
    %get3A_360 = tpu.vector_load %arg7[%get3A_358, %get3A_359] {strides = array<i32>} : memref<2x96xi32, #tpu.memory_space<vmem>>, vector<16xi32>,
    %swap3A_361 = arith.constant 48 : index
    %swap3A_362 = tpu.vector_load %arg10[%swap3A_361] {strides = array<i32>} : memref<96xi32, #tpu.memory_space<vmem>>, vector<16xi32>,
    tpu.vector_store %arg10[%swap3A_361], %get3A_360 {strides = array<i32>} : memref<96xi32, #tpu.memory_space<vmem>>, vector<16xi32>,
    %get3A_363 = arith.constant 1 : i32
    %get3A_364 = arith.index_cast %get3A_363 : i32 to index
    %get3A_365 = arith.constant 64 : index
    %get3A_366 = tpu.vector_load %arg7[%get3A_364, %get3A_365] {strides = array<i32>} : memref<2x96xi32, #tpu.memory_space<vmem>>, vector<16xi32>,
    %swap3A_367 = arith.constant 64 : index
    %swap3A_368 = tpu.vector_load %arg10[%swap3A_367] {strides = array<i32>} : memref<96xi32, #tpu.memory_space<vmem>>, vector<16xi32>,
    tpu.vector_store %arg10[%swap3A_367], %get3A_366 {strides = array<i32>} : memref<96xi32, #tpu.memory_space<vmem>>, vector<16xi32>,
    %get3A_369 = arith.constant 1 : i32
    %get3A_370 = arith.index_cast %get3A_369 : i32 to index
    %get3A_371 = arith.constant 80 : index
    %get3A_372 = tpu.vector_load %arg7[%get3A_370, %get3A_371] {strides = array<i32>} : memref<2x96xi32, #tpu.memory_space<vmem>>, vector<16xi32>,
    %swap3A_373 = arith.constant 80 : index
    %swap3A_374 = tpu.vector_load %arg10[%swap3A_373] {strides = array<i32>} : memref<96xi32, #tpu.memory_space<vmem>>, vector<16xi32>,
    tpu.vector_store %arg10[%swap3A_373], %get3A_372 {strides = array<i32>} : memref<96xi32, #tpu.memory_space<vmem>>, vector<16xi32>,
    %dma_start3A_375 = arith.constant 0 : i32
    %dma_start3A_376 = arith.constant 0 : i32
    %dma_start3A_377 = tpu.memref_slice %arg16[%dma_start3A_375, %dma_start3A_376] : memref<10000x128xf32, #tpu.memory_space<vmem_shared>> -> memref<10000x128xf32, #tpu.memory_space<vmem_shared>>
    tpu.enqueue_indirect_dma source(%arg13 : memref<96x128xf32, #tpu.memory_space<vmem>>) target(%dma_start3A_377 : memref<10000x128xf32, #tpu.memory_space<vmem_shared>>) offsets(%arg10 : memref<96xi32, #tpu.memory_space<vmem>>) semaphore(%arg23 : memref<!tpu.dma_semaphore, #tpu.memory_space<semaphore_mem>>) {add = true}
    %get3A_378 = arith.constant 0 : index
    %get3A_379 = tpu.vector_load %arg10[%get3A_378] {strides = array<i32>} : memref<96xi32, #tpu.memory_space<vmem>>, vector<16xi32>,
    tpu.vector_store_idx %arg26[%broadcast_in_dim3A_3, %get3A_379], %broadcast_in_dim3A_5 {add = true} : memref<1x10000xf32, #tpu.memory_space<vmem>>[vector<16xi32>, vector<16xi32>], vector<16xf32>,
    %get3A_380 = arith.constant 16 : index
    %get3A_381 = tpu.vector_load %arg10[%get3A_380] {strides = array<i32>} : memref<96xi32, #tpu.memory_space<vmem>>, vector<16xi32>,
    tpu.vector_store_idx %arg26[%broadcast_in_dim3A_3, %get3A_381], %broadcast_in_dim3A_5 {add = true} : memref<1x10000xf32, #tpu.memory_space<vmem>>[vector<16xi32>, vector<16xi32>], vector<16xf32>,
    %get3A_382 = arith.constant 32 : index
    %get3A_383 = tpu.vector_load %arg10[%get3A_382] {strides = array<i32>} : memref<96xi32, #tpu.memory_space<vmem>>, vector<16xi32>,
    tpu.vector_store_idx %arg26[%broadcast_in_dim3A_3, %get3A_383], %broadcast_in_dim3A_5 {add = true} : memref<1x10000xf32, #tpu.memory_space<vmem>>[vector<16xi32>, vector<16xi32>], vector<16xf32>,
    %get3A_384 = arith.constant 48 : index
    %get3A_385 = tpu.vector_load %arg10[%get3A_384] {strides = array<i32>} : memref<96xi32, #tpu.memory_space<vmem>>, vector<16xi32>,
    tpu.vector_store_idx %arg26[%broadcast_in_dim3A_3, %get3A_385], %broadcast_in_dim3A_5 {add = true} : memref<1x10000xf32, #tpu.memory_space<vmem>>[vector<16xi32>, vector<16xi32>], vector<16xf32>,
    %get3A_386 = arith.constant 64 : index
    %get3A_387 = tpu.vector_load %arg10[%get3A_386] {strides = array<i32>} : memref<96xi32, #tpu.memory_space<vmem>>, vector<16xi32>,
    tpu.vector_store_idx %arg26[%broadcast_in_dim3A_3, %get3A_387], %broadcast_in_dim3A_5 {add = true} : memref<1x10000xf32, #tpu.memory_space<vmem>>[vector<16xi32>, vector<16xi32>], vector<16xf32>,
    %get3A_388 = arith.constant 80 : index
    %get3A_389 = tpu.vector_load %arg10[%get3A_388] {strides = array<i32>} : memref<96xi32, #tpu.memory_space<vmem>>, vector<16xi32>,
    tpu.vector_store_idx %arg26[%broadcast_in_dim3A_3, %get3A_389], %broadcast_in_dim3A_5 {add = true} : memref<1x10000xf32, #tpu.memory_space<vmem>>[vector<16xi32>, vector<16xi32>], vector<16xf32>,
    %dma_wait3A_390 = arith.constant 0 : i32
    %dma_wait3A_391 = arith.constant 0 : i32
    %dma_wait3A_392 = tpu.memref_slice %arg8[%dma_wait3A_390, %dma_wait3A_391] : memref<2x96xi32, #tpu.memory_space<vmem>> -> memref<1x96xi32, #tpu.memory_space<vmem>>
    %dma_wait3A_393 = tpu.memref_squeeze %dma_wait3A_392 : memref<1x96xi32, #tpu.memory_space<vmem>> -> memref<96xi32, #tpu.memory_space<vmem>>
    %dma_wait3A_394 = arith.constant 0 : i32
    %dma_wait3A_395 = arith.constant 0 : i32
    %dma_wait3A_396 = tpu.memref_slice %arg2[%dma_wait3A_394, %dma_wait3A_395] : memref<10000x128xf32, #tpu.memory_space<hbm>> -> memref<10000x128xf32, #tpu.memory_space<hbm>>
    tpu.wait_indirect_dma semaphore(%arg21 : memref<!tpu.dma_semaphore, #tpu.memory_space<semaphore_mem>>) src(%dma_wait3A_396 : memref<10000x128xf32, #tpu.memory_space<hbm>>) dst(%arg14 : memref<96x128xf32, #tpu.memory_space<vmem>>)
    %dma_wait3A_397 = arith.constant 0 : i32
    %dma_wait3A_398 = arith.constant 0 : i32
    %dma_wait3A_399 = tpu.memref_slice %arg16[%dma_wait3A_397, %dma_wait3A_398] : memref<10000x128xf32, #tpu.memory_space<vmem_shared>> -> memref<10000x128xf32, #tpu.memory_space<vmem_shared>>
    tpu.wait_indirect_dma semaphore(%arg23 : memref<!tpu.dma_semaphore, #tpu.memory_space<semaphore_mem>>) src(%arg13 : memref<96x128xf32, #tpu.memory_space<vmem>>) dst(%dma_wait3A_399 : memref<10000x128xf32, #tpu.memory_space<vmem_shared>>)
    %get3A_400 = arith.constant 1 : i32
    %get3A_401 = arith.index_cast %get3A_400 : i32 to index
    %get3A_402 = arith.constant 0 : index
    %get3A_403 = tpu.vector_load %arg8[%get3A_401, %get3A_402] {strides = array<i32>} : memref<2x96xi32, #tpu.memory_space<vmem>>, vector<16xi32>,
    %swap3A_404 = arith.constant 0 : index
    %swap3A_405 = tpu.vector_load %arg11[%swap3A_404] {strides = array<i32>} : memref<96xi32, #tpu.memory_space<vmem>>, vector<16xi32>,
    tpu.vector_store %arg11[%swap3A_404], %get3A_403 {strides = array<i32>} : memref<96xi32, #tpu.memory_space<vmem>>, vector<16xi32>,
    %get3A_406 = arith.constant 1 : i32
    %get3A_407 = arith.index_cast %get3A_406 : i32 to index
    %get3A_408 = arith.constant 16 : index
    %get3A_409 = tpu.vector_load %arg8[%get3A_407, %get3A_408] {strides = array<i32>} : memref<2x96xi32, #tpu.memory_space<vmem>>, vector<16xi32>,
    %swap3A_410 = arith.constant 16 : index
    %swap3A_411 = tpu.vector_load %arg11[%swap3A_410] {strides = array<i32>} : memref<96xi32, #tpu.memory_space<vmem>>, vector<16xi32>,
    tpu.vector_store %arg11[%swap3A_410], %get3A_409 {strides = array<i32>} : memref<96xi32, #tpu.memory_space<vmem>>, vector<16xi32>,
    %get3A_412 = arith.constant 1 : i32
    %get3A_413 = arith.index_cast %get3A_412 : i32 to index
    %get3A_414 = arith.constant 32 : index
    %get3A_415 = tpu.vector_load %arg8[%get3A_413, %get3A_414] {strides = array<i32>} : memref<2x96xi32, #tpu.memory_space<vmem>>, vector<16xi32>,
    %swap3A_416 = arith.constant 32 : index
    %swap3A_417 = tpu.vector_load %arg11[%swap3A_416] {strides = array<i32>} : memref<96xi32, #tpu.memory_space<vmem>>, vector<16xi32>,
    tpu.vector_store %arg11[%swap3A_416], %get3A_415 {strides = array<i32>} : memref<96xi32, #tpu.memory_space<vmem>>, vector<16xi32>,
    %get3A_418 = arith.constant 1 : i32
    %get3A_419 = arith.index_cast %get3A_418 : i32 to index
    %get3A_420 = arith.constant 48 : index
    %get3A_421 = tpu.vector_load %arg8[%get3A_419, %get3A_420] {strides = array<i32>} : memref<2x96xi32, #tpu.memory_space<vmem>>, vector<16xi32>,
    %swap3A_422 = arith.constant 48 : index
    %swap3A_423 = tpu.vector_load %arg11[%swap3A_422] {strides = array<i32>} : memref<96xi32, #tpu.memory_space<vmem>>, vector<16xi32>,
    tpu.vector_store %arg11[%swap3A_422], %get3A_421 {strides = array<i32>} : memref<96xi32, #tpu.memory_space<vmem>>, vector<16xi32>,
    %get3A_424 = arith.constant 1 : i32
    %get3A_425 = arith.index_cast %get3A_424 : i32 to index
    %get3A_426 = arith.constant 64 : index
    %get3A_427 = tpu.vector_load %arg8[%get3A_425, %get3A_426] {strides = array<i32>} : memref<2x96xi32, #tpu.memory_space<vmem>>, vector<16xi32>,
    %swap3A_428 = arith.constant 64 : index
    %swap3A_429 = tpu.vector_load %arg11[%swap3A_428] {strides = array<i32>} : memref<96xi32, #tpu.memory_space<vmem>>, vector<16xi32>,
    tpu.vector_store %arg11[%swap3A_428], %get3A_427 {strides = array<i32>} : memref<96xi32, #tpu.memory_space<vmem>>, vector<16xi32>,
    %get3A_430 = arith.constant 1 : i32
    %get3A_431 = arith.index_cast %get3A_430 : i32 to index
    %get3A_432 = arith.constant 80 : index
    %get3A_433 = tpu.vector_load %arg8[%get3A_431, %get3A_432] {strides = array<i32>} : memref<2x96xi32, #tpu.memory_space<vmem>>, vector<16xi32>,
    %swap3A_434 = arith.constant 80 : index
    %swap3A_435 = tpu.vector_load %arg11[%swap3A_434] {strides = array<i32>} : memref<96xi32, #tpu.memory_space<vmem>>, vector<16xi32>,
    tpu.vector_store %arg11[%swap3A_434], %get3A_433 {strides = array<i32>} : memref<96xi32, #tpu.memory_space<vmem>>, vector<16xi32>,
    %dma_start3A_436 = arith.constant 0 : i32
    %dma_start3A_437 = arith.constant 0 : i32
    %dma_start3A_438 = tpu.memref_slice %arg16[%dma_start3A_436, %dma_start3A_437] : memref<10000x128xf32, #tpu.memory_space<vmem_shared>> -> memref<10000x128xf32, #tpu.memory_space<vmem_shared>>
    tpu.enqueue_indirect_dma source(%arg14 : memref<96x128xf32, #tpu.memory_space<vmem>>) target(%dma_start3A_438 : memref<10000x128xf32, #tpu.memory_space<vmem_shared>>) offsets(%arg11 : memref<96xi32, #tpu.memory_space<vmem>>) semaphore(%arg24 : memref<!tpu.dma_semaphore, #tpu.memory_space<semaphore_mem>>) {add = true}
    %get3A_439 = arith.constant 0 : index
    %get3A_440 = tpu.vector_load %arg11[%get3A_439] {strides = array<i32>} : memref<96xi32, #tpu.memory_space<vmem>>, vector<16xi32>,
    tpu.vector_store_idx %arg26[%broadcast_in_dim3A_3, %get3A_440], %broadcast_in_dim3A_5 {add = true} : memref<1x10000xf32, #tpu.memory_space<vmem>>[vector<16xi32>, vector<16xi32>], vector<16xf32>,
    %get3A_441 = arith.constant 16 : index
    %get3A_442 = tpu.vector_load %arg11[%get3A_441] {strides = array<i32>} : memref<96xi32, #tpu.memory_space<vmem>>, vector<16xi32>,
    tpu.vector_store_idx %arg26[%broadcast_in_dim3A_3, %get3A_442], %broadcast_in_dim3A_5 {add = true} : memref<1x10000xf32, #tpu.memory_space<vmem>>[vector<16xi32>, vector<16xi32>], vector<16xf32>,
    %get3A_443 = arith.constant 32 : index
    %get3A_444 = tpu.vector_load %arg11[%get3A_443] {strides = array<i32>} : memref<96xi32, #tpu.memory_space<vmem>>, vector<16xi32>,
    tpu.vector_store_idx %arg26[%broadcast_in_dim3A_3, %get3A_444], %broadcast_in_dim3A_5 {add = true} : memref<1x10000xf32, #tpu.memory_space<vmem>>[vector<16xi32>, vector<16xi32>], vector<16xf32>,
    %get3A_445 = arith.constant 48 : index
    %get3A_446 = tpu.vector_load %arg11[%get3A_445] {strides = array<i32>} : memref<96xi32, #tpu.memory_space<vmem>>, vector<16xi32>,
    tpu.vector_store_idx %arg26[%broadcast_in_dim3A_3, %get3A_446], %broadcast_in_dim3A_5 {add = true} : memref<1x10000xf32, #tpu.memory_space<vmem>>[vector<16xi32>, vector<16xi32>], vector<16xf32>,
    %get3A_447 = arith.constant 64 : index
    %get3A_448 = tpu.vector_load %arg11[%get3A_447] {strides = array<i32>} : memref<96xi32, #tpu.memory_space<vmem>>, vector<16xi32>,
    tpu.vector_store_idx %arg26[%broadcast_in_dim3A_3, %get3A_448], %broadcast_in_dim3A_5 {add = true} : memref<1x10000xf32, #tpu.memory_space<vmem>>[vector<16xi32>, vector<16xi32>], vector<16xf32>,
    %get3A_449 = arith.constant 80 : index
    %get3A_450 = tpu.vector_load %arg11[%get3A_449] {strides = array<i32>} : memref<96xi32, #tpu.memory_space<vmem>>, vector<16xi32>,
    tpu.vector_store_idx %arg26[%broadcast_in_dim3A_3, %get3A_450], %broadcast_in_dim3A_5 {add = true} : memref<1x10000xf32, #tpu.memory_space<vmem>>[vector<16xi32>, vector<16xi32>], vector<16xf32>,
    %dma_wait3A_451 = arith.constant 0 : i32
    %dma_wait3A_452 = arith.constant 0 : i32
    %dma_wait3A_453 = tpu.memref_slice %arg16[%dma_wait3A_451, %dma_wait3A_452] : memref<10000x128xf32, #tpu.memory_space<vmem_shared>> -> memref<10000x128xf32, #tpu.memory_space<vmem_shared>>
    tpu.wait_indirect_dma semaphore(%arg24 : memref<!tpu.dma_semaphore, #tpu.memory_space<semaphore_mem>>) src(%arg14 : memref<96x128xf32, #tpu.memory_space<vmem>>) dst(%dma_wait3A_453 : memref<10000x128xf32, #tpu.memory_space<vmem_shared>>)
    "tpu.region"() ({
      %run_scoped3A_470 = tpu.sem_alloc : memref<!tpu.dma_semaphore, #tpu.memory_space<semaphore_mem>>
      %dma_start3A_471 = arith.constant 0 : i32
      %dma_start3A_472 = arith.constant 0 : i32
      %dma_start3A_473 = tpu.memref_slice %arg4[%add3A, %dma_start3A_471, %dma_start3A_472] : memref<32x2x16xi32, #tpu.memory_space<hbm>> -> memref<1x2x16xi32, #tpu.memory_space<hbm>>
      %dma_start3A_474 = tpu.memref_squeeze %dma_start3A_473 : memref<1x2x16xi32, #tpu.memory_space<hbm>> -> memref<2x16xi32, #tpu.memory_space<hbm>>
      %dma_start3A_475 = arith.constant 0 : i32
      %dma_start3A_476 = arith.constant 0 : i32
      %dma_start3A_477 = tpu.memref_slice %arg4[%add3A, %dma_start3A_475, %dma_start3A_476] : memref<32x2x16xi32, #tpu.memory_space<hbm>> -> memref<1x2x16xi32, #tpu.memory_space<hbm>>
      %dma_start3A_478 = tpu.memref_squeeze %dma_start3A_477 : memref<1x2x16xi32, #tpu.memory_space<hbm>> -> memref<2x16xi32, #tpu.memory_space<hbm>>
      tpu.enqueue_dma source(%dma_start3A_478 : memref<2x16xi32, #tpu.memory_space<hbm>>) target(%arg27 : memref<2x16xi32, #tpu.memory_space<vmem>>) target_semaphore(%run_scoped3A_470 : memref<!tpu.dma_semaphore, #tpu.memory_space<semaphore_mem>>)
      %dma_wait3A_479 = arith.constant 0 : i32
      %dma_wait3A_480 = arith.constant 0 : i32
      %dma_wait3A_481 = tpu.memref_slice %arg4[%add3A, %dma_wait3A_479, %dma_wait3A_480] : memref<32x2x16xi32, #tpu.memory_space<hbm>> -> memref<1x2x16xi32, #tpu.memory_space<hbm>>
      %dma_wait3A_482 = tpu.memref_squeeze %dma_wait3A_481 : memref<1x2x16xi32, #tpu.memory_space<hbm>> -> memref<2x16xi32, #tpu.memory_space<hbm>>
      %dma_wait3A_483 = arith.constant 0 : i32
      %dma_wait3A_484 = arith.constant 0 : i32
      %dma_wait3A_485 = tpu.memref_slice %arg4[%add3A, %dma_wait3A_483, %dma_wait3A_484] : memref<32x2x16xi32, #tpu.memory_space<hbm>> -> memref<1x2x16xi32, #tpu.memory_space<hbm>>
      %dma_wait3A_486 = tpu.memref_squeeze %dma_wait3A_485 : memref<1x2x16xi32, #tpu.memory_space<hbm>> -> memref<2x16xi32, #tpu.memory_space<hbm>>
      tpu.wait_dma2 semaphore(%run_scoped3A_470 : memref<!tpu.dma_semaphore, #tpu.memory_space<semaphore_mem>>) src(%dma_wait3A_486 : memref<2x16xi32, #tpu.memory_space<hbm>>) dst(%arg27 : memref<2x16xi32, #tpu.memory_space<vmem>>)
      tpu.yield
    }) : () -> ()
    %run_scoped3A = arith.constant 0 : i32
    "tpu.region"() ({
      %run_scoped3A_470 = tpu.sem_alloc : memref<!tpu.dma_semaphore, #tpu.memory_space<semaphore_mem>>
      %dma_start3A_471 = arith.constant 0 : i32
      %dma_start3A_472 = arith.constant 0 : i32
      %dma_start3A_473 = tpu.memref_slice %arg13[%dma_start3A_471, %dma_start3A_472] : memref<96x128xf32, #tpu.memory_space<vmem>> -> memref<16x128xf32, #tpu.memory_space<vmem>>
      %dma_start3A_474 = arith.constant 0 : i32
      %dma_start3A_475 = tpu.memref_slice %arg27[%run_scoped3A, %dma_start3A_474] : memref<2x16xi32, #tpu.memory_space<vmem>> -> memref<1x16xi32, #tpu.memory_space<vmem>>
      %dma_start3A_476 = tpu.memref_squeeze %dma_start3A_475 : memref<1x16xi32, #tpu.memory_space<vmem>> -> memref<16xi32, #tpu.memory_space<vmem>>
      %dma_start3A_477 = arith.constant 0 : i32
      %dma_start3A_478 = arith.constant 0 : i32
      %dma_start3A_479 = tpu.memref_slice %arg2[%dma_start3A_477, %dma_start3A_478] : memref<10000x128xf32, #tpu.memory_space<hbm>> -> memref<10000x128xf32, #tpu.memory_space<hbm>>
      tpu.enqueue_indirect_dma source(%dma_start3A_479 : memref<10000x128xf32, #tpu.memory_space<hbm>>) target(%dma_start3A_473 : memref<16x128xf32, #tpu.memory_space<vmem>>) offsets(%dma_start3A_476 : memref<16xi32, #tpu.memory_space<vmem>>) semaphore(%run_scoped3A_470 : memref<!tpu.dma_semaphore, #tpu.memory_space<semaphore_mem>>)
      %dma_wait3A_480 = arith.constant 0 : i32
      %dma_wait3A_481 = arith.constant 0 : i32
      %dma_wait3A_482 = tpu.memref_slice %arg13[%dma_wait3A_480, %dma_wait3A_481] : memref<96x128xf32, #tpu.memory_space<vmem>> -> memref<16x128xf32, #tpu.memory_space<vmem>>
      %dma_wait3A_483 = arith.constant 0 : i32
      %dma_wait3A_484 = tpu.memref_slice %arg27[%run_scoped3A, %dma_wait3A_483] : memref<2x16xi32, #tpu.memory_space<vmem>> -> memref<1x16xi32, #tpu.memory_space<vmem>>
      %dma_wait3A_485 = tpu.memref_squeeze %dma_wait3A_484 : memref<1x16xi32, #tpu.memory_space<vmem>> -> memref<16xi32, #tpu.memory_space<vmem>>
      %dma_wait3A_486 = arith.constant 0 : i32
      %dma_wait3A_487 = arith.constant 0 : i32
      %dma_wait3A_488 = tpu.memref_slice %arg2[%dma_wait3A_486, %dma_wait3A_487] : memref<10000x128xf32, #tpu.memory_space<hbm>> -> memref<10000x128xf32, #tpu.memory_space<hbm>>
      tpu.wait_indirect_dma semaphore(%run_scoped3A_470 : memref<!tpu.dma_semaphore, #tpu.memory_space<semaphore_mem>>) src(%dma_wait3A_488 : memref<10000x128xf32, #tpu.memory_space<hbm>>) dst(%dma_wait3A_482 : memref<16x128xf32, #tpu.memory_space<vmem>>)
      tpu.yield
    }) : () -> ()
    %run_scoped3A_454 = arith.constant 1 : i32
    "tpu.region"() ({
      %run_scoped3A_470 = tpu.sem_alloc : memref<!tpu.dma_semaphore, #tpu.memory_space<semaphore_mem>>
      %dma_start3A_471 = arith.constant 0 : i32
      %dma_start3A_472 = arith.constant 0 : i32
      %dma_start3A_473 = tpu.memref_slice %arg13[%dma_start3A_471, %dma_start3A_472] : memref<96x128xf32, #tpu.memory_space<vmem>> -> memref<16x128xf32, #tpu.memory_space<vmem>>
      %dma_start3A_474 = arith.constant 0 : i32
      %dma_start3A_475 = tpu.memref_slice %arg27[%run_scoped3A_454, %dma_start3A_474] : memref<2x16xi32, #tpu.memory_space<vmem>> -> memref<1x16xi32, #tpu.memory_space<vmem>>
      %dma_start3A_476 = tpu.memref_squeeze %dma_start3A_475 : memref<1x16xi32, #tpu.memory_space<vmem>> -> memref<16xi32, #tpu.memory_space<vmem>>
      %dma_start3A_477 = arith.constant 0 : i32
      %dma_start3A_478 = arith.constant 0 : i32
      %dma_start3A_479 = tpu.memref_slice %arg16[%dma_start3A_477, %dma_start3A_478] : memref<10000x128xf32, #tpu.memory_space<vmem_shared>> -> memref<10000x128xf32, #tpu.memory_space<vmem_shared>>
      tpu.enqueue_indirect_dma source(%dma_start3A_473 : memref<16x128xf32, #tpu.memory_space<vmem>>) target(%dma_start3A_479 : memref<10000x128xf32, #tpu.memory_space<vmem_shared>>) offsets(%dma_start3A_476 : memref<16xi32, #tpu.memory_space<vmem>>) semaphore(%run_scoped3A_470 : memref<!tpu.dma_semaphore, #tpu.memory_space<semaphore_mem>>) {add = true}
      %dma_wait3A_480 = arith.constant 0 : i32
      %dma_wait3A_481 = arith.constant 0 : i32
      %dma_wait3A_482 = tpu.memref_slice %arg13[%dma_wait3A_480, %dma_wait3A_481] : memref<96x128xf32, #tpu.memory_space<vmem>> -> memref<16x128xf32, #tpu.memory_space<vmem>>
      %dma_wait3A_483 = arith.constant 0 : i32
      %dma_wait3A_484 = tpu.memref_slice %arg27[%run_scoped3A_454, %dma_wait3A_483] : memref<2x16xi32, #tpu.memory_space<vmem>> -> memref<1x16xi32, #tpu.memory_space<vmem>>
      %dma_wait3A_485 = tpu.memref_squeeze %dma_wait3A_484 : memref<1x16xi32, #tpu.memory_space<vmem>> -> memref<16xi32, #tpu.memory_space<vmem>>
      %dma_wait3A_486 = arith.constant 0 : i32
      %dma_wait3A_487 = arith.constant 0 : i32
      %dma_wait3A_488 = tpu.memref_slice %arg16[%dma_wait3A_486, %dma_wait3A_487] : memref<10000x128xf32, #tpu.memory_space<vmem_shared>> -> memref<10000x128xf32, #tpu.memory_space<vmem_shared>>
      tpu.wait_indirect_dma semaphore(%run_scoped3A_470 : memref<!tpu.dma_semaphore, #tpu.memory_space<semaphore_mem>>) src(%dma_wait3A_482 : memref<16x128xf32, #tpu.memory_space<vmem>>) dst(%dma_wait3A_488 : memref<10000x128xf32, #tpu.memory_space<vmem_shared>>)
      tpu.yield
    }) : () -> ()
    %get3A_455 = arith.constant 1 : i32
    %get3A_456 = arith.index_cast %get3A_455 : i32 to index
    %get3A_457 = arith.constant 0 : index
    %get3A_458 = tpu.vector_load %arg27[%get3A_456, %get3A_457] {strides = array<i32>} : memref<2x16xi32, #tpu.memory_space<vmem>>, vector<16xi32>,
    tpu.vector_store_idx %arg26[%broadcast_in_dim3A_3, %get3A_458], %broadcast_in_dim3A_5 {add = true} : memref<1x10000xf32, #tpu.memory_space<vmem>>[vector<16xi32>, vector<16xi32>], vector<16xf32>,
    %barrier3A_459 = arith.constant 0 : index
    tpu.barrier barrier_id(%barrier3A_459)
    %lt3A_460 = arith.constant 15 : i32
    %lt3A_461 = arith.cmpi slt, %arg1, %lt3A_460 : i32
    %convert_element_type3A_462 = arith.extui %lt3A_461 : i1 to i32
    %cond3A_463 = arith.constant 0 : i32
    %cond3A_464 = arith.cmpi ne, %convert_element_type3A_462, %cond3A_463 : i32
    scf.if %cond3A_464 {
      "tpu.region"() ({
        %run_scoped3A_470 = tpu.sem_alloc : memref<!tpu.dma_semaphore, #tpu.memory_space<semaphore_mem>>
        %dma_start3A_471 = arith.constant 0 : i32
        %dma_start3A_472 = arith.constant 0 : i32
        %dma_start3A_473 = tpu.memref_slice %arg5[%arg0, %dma_start3A_471, %dma_start3A_472] : memref<2x10000x128xf32, #tpu.memory_space<hbm>> -> memref<1x10000x128xf32, #tpu.memory_space<hbm>>
        %dma_start3A_474 = tpu.memref_squeeze %dma_start3A_473 : memref<1x10000x128xf32, #tpu.memory_space<hbm>> -> memref<10000x128xf32, #tpu.memory_space<hbm>>
        %dma_start3A_475 = arith.constant 0 : i32
        %dma_start3A_476 = tpu.memref_slice %dma_start3A_474[%multiple_of3A, %dma_start3A_475] : memref<10000x128xf32, #tpu.memory_space<hbm>> -> memref<632x128xf32, #tpu.memory_space<hbm>>
        %dma_start3A_477 = arith.constant 0 : i32
        %dma_start3A_478 = tpu.memref_slice %arg16[%multiple_of3A, %dma_start3A_477] : memref<10000x128xf32, #tpu.memory_space<vmem_shared>> -> memref<632x128xf32, #tpu.memory_space<vmem_shared>>
        tpu.enqueue_dma source(%dma_start3A_478 : memref<632x128xf32, #tpu.memory_space<vmem_shared>>) target(%dma_start3A_476 : memref<632x128xf32, #tpu.memory_space<hbm>>) target_semaphore(%run_scoped3A_470 : memref<!tpu.dma_semaphore, #tpu.memory_space<semaphore_mem>>)
        %dma_wait3A_479 = arith.constant 0 : i32
        %dma_wait3A_480 = arith.constant 0 : i32
        %dma_wait3A_481 = tpu.memref_slice %arg5[%arg0, %dma_wait3A_479, %dma_wait3A_480] : memref<2x10000x128xf32, #tpu.memory_space<hbm>> -> memref<1x10000x128xf32, #tpu.memory_space<hbm>>
        %dma_wait3A_482 = tpu.memref_squeeze %dma_wait3A_481 : memref<1x10000x128xf32, #tpu.memory_space<hbm>> -> memref<10000x128xf32, #tpu.memory_space<hbm>>
        %dma_wait3A_483 = arith.constant 0 : i32
        %dma_wait3A_484 = tpu.memref_slice %dma_wait3A_482[%multiple_of3A, %dma_wait3A_483] : memref<10000x128xf32, #tpu.memory_space<hbm>> -> memref<632x128xf32, #tpu.memory_space<hbm>>
        %dma_wait3A_485 = arith.constant 0 : i32
        %dma_wait3A_486 = tpu.memref_slice %arg16[%multiple_of3A, %dma_wait3A_485] : memref<10000x128xf32, #tpu.memory_space<vmem_shared>> -> memref<632x128xf32, #tpu.memory_space<vmem_shared>>
        tpu.wait_dma2 semaphore(%run_scoped3A_470 : memref<!tpu.dma_semaphore, #tpu.memory_space<semaphore_mem>>) src(%dma_wait3A_486 : memref<632x128xf32, #tpu.memory_space<vmem_shared>>) dst(%dma_wait3A_484 : memref<632x128xf32, #tpu.memory_space<hbm>>)
        tpu.yield
      }) : () -> ()
    } else {
    }
    %eq3A_465 = arith.constant 15 : i32
    %eq3A_466 = arith.cmpi eq, %arg1, %eq3A_465 : i32
    %convert_element_type3A_467 = arith.extui %eq3A_466 : i1 to i32
    %cond3A_468 = arith.constant 0 : i32
    %cond3A_469 = arith.cmpi ne, %convert_element_type3A_467, %cond3A_468 : i32
    scf.if %cond3A_469 {
      "tpu.region"() ({
        %run_scoped3A_470 = tpu.sem_alloc : memref<!tpu.dma_semaphore, #tpu.memory_space<semaphore_mem>>
        %dma_start3A_471 = arith.constant 0 : i32
        %dma_start3A_472 = arith.constant 0 : i32
        %dma_start3A_473 = tpu.memref_slice %arg5[%arg0, %dma_start3A_471, %dma_start3A_472] : memref<2x10000x128xf32, #tpu.memory_space<hbm>> -> memref<1x10000x128xf32, #tpu.memory_space<hbm>>
        %dma_start3A_474 = tpu.memref_squeeze %dma_start3A_473 : memref<1x10000x128xf32, #tpu.memory_space<hbm>> -> memref<10000x128xf32, #tpu.memory_space<hbm>>
        %dma_start3A_475 = arith.constant 9480 : i32
        %dma_start3A_476 = arith.constant 0 : i32
        %dma_start3A_477 = tpu.memref_slice %dma_start3A_474[%dma_start3A_475, %dma_start3A_476] : memref<10000x128xf32, #tpu.memory_space<hbm>> -> memref<520x128xf32, #tpu.memory_space<hbm>>
        %dma_start3A_478 = arith.constant 9480 : i32
        %dma_start3A_479 = arith.constant 0 : i32
        %dma_start3A_480 = tpu.memref_slice %arg16[%dma_start3A_478, %dma_start3A_479] : memref<10000x128xf32, #tpu.memory_space<vmem_shared>> -> memref<520x128xf32, #tpu.memory_space<vmem_shared>>
        tpu.enqueue_dma source(%dma_start3A_480 : memref<520x128xf32, #tpu.memory_space<vmem_shared>>) target(%dma_start3A_477 : memref<520x128xf32, #tpu.memory_space<hbm>>) target_semaphore(%run_scoped3A_470 : memref<!tpu.dma_semaphore, #tpu.memory_space<semaphore_mem>>)
        %dma_wait3A_481 = arith.constant 0 : i32
        %dma_wait3A_482 = arith.constant 0 : i32
        %dma_wait3A_483 = tpu.memref_slice %arg5[%arg0, %dma_wait3A_481, %dma_wait3A_482] : memref<2x10000x128xf32, #tpu.memory_space<hbm>> -> memref<1x10000x128xf32, #tpu.memory_space<hbm>>
        %dma_wait3A_484 = tpu.memref_squeeze %dma_wait3A_483 : memref<1x10000x128xf32, #tpu.memory_space<hbm>> -> memref<10000x128xf32, #tpu.memory_space<hbm>>
        %dma_wait3A_485 = arith.constant 9480 : i32
        %dma_wait3A_486 = arith.constant 0 : i32
        %dma_wait3A_487 = tpu.memref_slice %dma_wait3A_484[%dma_wait3A_485, %dma_wait3A_486] : memref<10000x128xf32, #tpu.memory_space<hbm>> -> memref<520x128xf32, #tpu.memory_space<hbm>>
        %dma_wait3A_488 = arith.constant 9480 : i32
        %dma_wait3A_489 = arith.constant 0 : i32
        %dma_wait3A_490 = tpu.memref_slice %arg16[%dma_wait3A_488, %dma_wait3A_489] : memref<10000x128xf32, #tpu.memory_space<vmem_shared>> -> memref<520x128xf32, #tpu.memory_space<vmem_shared>>
        tpu.wait_dma2 semaphore(%run_scoped3A_470 : memref<!tpu.dma_semaphore, #tpu.memory_space<semaphore_mem>>) src(%dma_wait3A_490 : memref<520x128xf32, #tpu.memory_space<vmem_shared>>) dst(%dma_wait3A_487 : memref<520x128xf32, #tpu.memory_space<hbm>>)
        tpu.yield
      }) : () -> ()
    } else {
    }
    "tpu.region"() ({
      %run_scoped3A_470 = tpu.sem_alloc : memref<!tpu.dma_semaphore, #tpu.memory_space<semaphore_mem>>
      %dma_start3A_471 = arith.constant 0 : i32
      %dma_start3A_472 = arith.constant 0 : i32
      %dma_start3A_473 = tpu.memref_slice %arg6[%add3A, %dma_start3A_471, %dma_start3A_472] : memref<32x1x10000xf32, #tpu.memory_space<hbm>> -> memref<1x1x10000xf32, #tpu.memory_space<hbm>>
      %dma_start3A_474 = tpu.memref_squeeze %dma_start3A_473 : memref<1x1x10000xf32, #tpu.memory_space<hbm>> -> memref<1x10000xf32, #tpu.memory_space<hbm>>
      %dma_start3A_475 = arith.constant 0 : i32
      %dma_start3A_476 = arith.constant 0 : i32
      %dma_start3A_477 = tpu.memref_slice %arg6[%add3A, %dma_start3A_475, %dma_start3A_476] : memref<32x1x10000xf32, #tpu.memory_space<hbm>> -> memref<1x1x10000xf32, #tpu.memory_space<hbm>>
      %dma_start3A_478 = tpu.memref_squeeze %dma_start3A_477 : memref<1x1x10000xf32, #tpu.memory_space<hbm>> -> memref<1x10000xf32, #tpu.memory_space<hbm>>
      tpu.enqueue_dma source(%arg26 : memref<1x10000xf32, #tpu.memory_space<vmem>>) target(%dma_start3A_478 : memref<1x10000xf32, #tpu.memory_space<hbm>>) target_semaphore(%run_scoped3A_470 : memref<!tpu.dma_semaphore, #tpu.memory_space<semaphore_mem>>)
      %dma_wait3A_479 = arith.constant 0 : i32
      %dma_wait3A_480 = arith.constant 0 : i32
      %dma_wait3A_481 = tpu.memref_slice %arg6[%add3A, %dma_wait3A_479, %dma_wait3A_480] : memref<32x1x10000xf32, #tpu.memory_space<hbm>> -> memref<1x1x10000xf32, #tpu.memory_space<hbm>>
      %dma_wait3A_482 = tpu.memref_squeeze %dma_wait3A_481 : memref<1x1x10000xf32, #tpu.memory_space<hbm>> -> memref<1x10000xf32, #tpu.memory_space<hbm>>
      %dma_wait3A_483 = arith.constant 0 : i32
      %dma_wait3A_484 = arith.constant 0 : i32
      %dma_wait3A_485 = tpu.memref_slice %arg6[%add3A, %dma_wait3A_483, %dma_wait3A_484] : memref<32x1x10000xf32, #tpu.memory_space<hbm>> -> memref<1x1x10000xf32, #tpu.memory_space<hbm>>
      %dma_wait3A_486 = tpu.memref_squeeze %dma_wait3A_485 : memref<1x1x10000xf32, #tpu.memory_space<hbm>> -> memref<1x10000xf32, #tpu.memory_space<hbm>>
      tpu.wait_dma2 semaphore(%run_scoped3A_470 : memref<!tpu.dma_semaphore, #tpu.memory_space<semaphore_mem>>) src(%arg26 : memref<1x10000xf32, #tpu.memory_space<vmem>>) dst(%dma_wait3A_486 : memref<1x10000xf32, #tpu.memory_space<hbm>>)
      tpu.yield
    }) : () -> ()
    return
  }
}

module attributes {stable_mosaic.version = 14 : i64} {
  func.func @_tc1_body(%arg0: memref<2x10000x128xf32, #tpu.memory_space<vmem>>, %arg1: memref<10000x32xf32, #tpu.memory_space<vmem>>, %arg2: memref<10000x128xf32, #tpu.memory_space<vmem>>, %arg3: memref<128x128xf32, #tpu.memory_space<vmem>>, %arg4: memref<128xf32, #tpu.memory_space<vmem>>, %arg5: memref<128x128xf32, #tpu.memory_space<vmem>>, %arg6: memref<128xf32, #tpu.memory_space<vmem>>, %arg7: memref<128xf32, #tpu.memory_space<vmem>>, %arg8: memref<10000x128xf32, #tpu.memory_space<vmem>>, %arg9: memref<10000x1xf32, #tpu.memory_space<vmem>>) attributes {dimension_semantics = [], scalar_prefetch = 0 : i64, scratch_operands = 0 : i64, tpu.core_type = #tpu.core_type<tc>} {
    %get3A = arith.constant 0 : index
    %get3A_0 = arith.constant 0 : index
    %get3A_1 = vector.load %arg1[%get3A, %get3A_0] : memref<10000x32xf32, #tpu.memory_space<vmem>>, vector<10000x32xf32>
    %reduce_sum3A = arith.constant dense<0.000000e+00> : vector<10000xf32>
    %reduce_sum3A_2 = vector.multi_reduction <add>, %get3A_1, %reduce_sum3A [1] : vector<10000x32xf32> to vector<10000xf32>
    %broadcast_in_dim3A = vector.shape_cast %reduce_sum3A_2 : vector<10000xf32> to vector<10000x1xf32>
    %max3A = arith.constant 1.000000e+00 : f32
    %max3A_3 = vector.broadcast %max3A : f32 to vector<10000x1xf32>
    %max3A_4 = arith.maximumf %broadcast_in_dim3A, %max3A_3 : vector<10000x1xf32>
    %div3A = arith.constant 1.000000e+00 : f32
    %div3A_5 = vector.broadcast %div3A : f32 to vector<10000x1xf32>
    %div3A_6 = arith.divf %div3A_5, %max3A_4 : vector<10000x1xf32>
    %get3A_7 = arith.constant 0 : index
    %get3A_8 = arith.constant 0 : index
    %get3A_9 = arith.constant 0 : index
    %get3A_10 = vector.load %arg0[%get3A_7, %get3A_8, %get3A_9] : memref<2x10000x128xf32, #tpu.memory_space<vmem>>, vector<1x10000x128xf32>
    %get3A_11 = vector.shape_cast %get3A_10 : vector<1x10000x128xf32> to vector<10000x128xf32>
    %get3A_12 = arith.constant 1 : index
    %get3A_13 = arith.constant 0 : index
    %get3A_14 = arith.constant 0 : index
    %get3A_15 = vector.load %arg0[%get3A_12, %get3A_13, %get3A_14] : memref<2x10000x128xf32, #tpu.memory_space<vmem>>, vector<1x10000x128xf32>
    %get3A_16 = vector.shape_cast %get3A_15 : vector<1x10000x128xf32> to vector<10000x128xf32>
    %add3A = arith.addf %get3A_11, %get3A_16 : vector<10000x128xf32>
    %mul3A = vector.broadcast %div3A_6 : vector<10000x1xf32> to vector<10000x128xf32>
    %mul3A_17 = arith.mulf %add3A, %mul3A : vector<10000x128xf32>
    %get3A_18 = arith.constant 0 : index
    %get3A_19 = arith.constant 0 : index
    %get3A_20 = vector.load %arg3[%get3A_18, %get3A_19] : memref<128x128xf32, #tpu.memory_space<vmem>>, vector<128x128xf32>
    %dot_general3A = arith.constant dense<0.000000e+00> : vector<10000x128xf32>
    %dot_general3A_21 = tpu.matmul %mul3A_17, %get3A_20, %dot_general3A {dimension_numbers = #tpu.dot_dimension_numbers<[1], [1], [0], [0], [0, 0, 1, 0], [], []>, transpose_lhs_hint = false} : vector<10000x128xf32>, vector<128x128xf32>, vector<10000x128xf32> -> vector<10000x128xf32>
    %get3A_22 = arith.constant 0 : index
    %get3A_23 = vector.load %arg4[%get3A_22] : memref<128xf32, #tpu.memory_space<vmem>>, vector<128xf32>
    %broadcast_in_dim3A_24 = vector.shape_cast %get3A_23 : vector<128xf32> to vector<1x128xf32>
    %add3A_25 = vector.broadcast %broadcast_in_dim3A_24 : vector<1x128xf32> to vector<10000x128xf32>
    %add3A_26 = arith.addf %dot_general3A_21, %add3A_25 : vector<10000x128xf32>
    %get3A_27 = arith.constant 0 : index
    %get3A_28 = arith.constant 0 : index
    %get3A_29 = vector.load %arg2[%get3A_27, %get3A_28] : memref<10000x128xf32, #tpu.memory_space<vmem>>, vector<10000x128xf32>
    %get3A_30 = arith.constant 0 : index
    %get3A_31 = arith.constant 0 : index
    %get3A_32 = vector.load %arg5[%get3A_30, %get3A_31] : memref<128x128xf32, #tpu.memory_space<vmem>>, vector<128x128xf32>
    %dot_general3A_33 = arith.constant dense<0.000000e+00> : vector<10000x128xf32>
    %dot_general3A_34 = tpu.matmul %get3A_29, %get3A_32, %dot_general3A_33 {dimension_numbers = #tpu.dot_dimension_numbers<[1], [1], [0], [0], [0, 0, 1, 0], [], []>, transpose_lhs_hint = false} : vector<10000x128xf32>, vector<128x128xf32>, vector<10000x128xf32> -> vector<10000x128xf32>
    %add3A_35 = arith.addf %add3A_26, %dot_general3A_34 : vector<10000x128xf32>
    %reduce_sum3A_36 = arith.constant dense<0.000000e+00> : vector<128xf32>
    %reduce_sum3A_37 = vector.multi_reduction <add>, %add3A_35, %reduce_sum3A_36 [0] : vector<10000x128xf32> to vector<128xf32>
    %broadcast_in_dim3A_38 = vector.shape_cast %reduce_sum3A_37 : vector<128xf32> to vector<1x128xf32>
    %div3A_39 = arith.constant 1.000000e+04 : f32
    %div3A_40 = vector.broadcast %div3A_39 : f32 to vector<1x128xf32>
    %div3A_41 = arith.divf %broadcast_in_dim3A_38, %div3A_40 : vector<1x128xf32>
    %sub3A = vector.broadcast %div3A_41 : vector<1x128xf32> to vector<10000x128xf32>
    %sub3A_42 = arith.subf %add3A_35, %sub3A : vector<10000x128xf32>
    %mul3A_43 = arith.mulf %sub3A_42, %sub3A_42 : vector<10000x128xf32>
    %reduce_sum3A_44 = arith.constant dense<0.000000e+00> : vector<128xf32>
    %reduce_sum3A_45 = vector.multi_reduction <add>, %mul3A_43, %reduce_sum3A_44 [0] : vector<10000x128xf32> to vector<128xf32>
    %broadcast_in_dim3A_46 = vector.shape_cast %reduce_sum3A_45 : vector<128xf32> to vector<1x128xf32>
    %div3A_47 = arith.constant 1.000000e+04 : f32
    %div3A_48 = vector.broadcast %div3A_47 : f32 to vector<1x128xf32>
    %div3A_49 = arith.divf %broadcast_in_dim3A_46, %div3A_48 : vector<1x128xf32>
    %add3A_50 = arith.constant 9.99999974E-6 : f32
    %add3A_51 = vector.broadcast %add3A_50 : f32 to vector<1x128xf32>
    %add3A_52 = arith.addf %div3A_49, %add3A_51 : vector<1x128xf32>
    %sqrt3A = math.sqrt %add3A_52 : vector<1x128xf32>
    %div3A_53 = vector.broadcast %sqrt3A : vector<1x128xf32> to vector<10000x128xf32>
    %div3A_54 = arith.divf %sub3A_42, %div3A_53 : vector<10000x128xf32>
    %get3A_55 = arith.constant 0 : index
    %get3A_56 = vector.load %arg6[%get3A_55] : memref<128xf32, #tpu.memory_space<vmem>>, vector<128xf32>
    %broadcast_in_dim3A_57 = vector.shape_cast %get3A_56 : vector<128xf32> to vector<1x128xf32>
    %mul3A_58 = vector.broadcast %broadcast_in_dim3A_57 : vector<1x128xf32> to vector<10000x128xf32>
    %mul3A_59 = arith.mulf %div3A_54, %mul3A_58 : vector<10000x128xf32>
    %get3A_60 = arith.constant 0 : index
    %get3A_61 = vector.load %arg7[%get3A_60] : memref<128xf32, #tpu.memory_space<vmem>>, vector<128xf32>
    %broadcast_in_dim3A_62 = vector.shape_cast %get3A_61 : vector<128xf32> to vector<1x128xf32>
    %add3A_63 = vector.broadcast %broadcast_in_dim3A_62 : vector<1x128xf32> to vector<10000x128xf32>
    %add3A_64 = arith.addf %mul3A_59, %add3A_63 : vector<10000x128xf32>
    %max3A_65 = arith.constant 0.000000e+00 : f32
    %max3A_66 = vector.broadcast %max3A_65 : f32 to vector<10000x128xf32>
    %max3A_67 = arith.maximumf %add3A_64, %max3A_66 : vector<10000x128xf32>
    %swap3A = arith.constant 0 : index
    %swap3A_68 = arith.constant 0 : index
    %swap3A_69 = vector.load %arg8[%swap3A, %swap3A_68] : memref<10000x128xf32, #tpu.memory_space<vmem>>, vector<10000x128xf32>
    tpu.vector_store %arg8[%swap3A, %swap3A_68], %max3A_67 {strides = array<i32>} : memref<10000x128xf32, #tpu.memory_space<vmem>>, vector<10000x128xf32>,
    %swap3A_70 = arith.constant 0 : index
    %swap3A_71 = arith.constant 0 : index
    %swap3A_72 = vector.load %arg9[%swap3A_70, %swap3A_71] : memref<10000x1xf32, #tpu.memory_space<vmem>>, vector<10000x1xf32>
    tpu.vector_store %arg9[%swap3A_70, %swap3A_71], %div3A_6 {strides = array<i32>} : memref<10000x1xf32, #tpu.memory_space<vmem>>, vector<10000x1xf32>,
    return
  }
}

module attributes {stable_mosaic.version = 14 : i64} {
  func.func @_tc2_body(%arg0: memref<2x10000x128xf32, #tpu.memory_space<vmem>>, %arg1: memref<10000x1xf32, #tpu.memory_space<vmem>>, %arg2: memref<10000x128xf32, #tpu.memory_space<vmem>>, %arg3: memref<128x128xf32, #tpu.memory_space<vmem>>, %arg4: memref<128xf32, #tpu.memory_space<vmem>>, %arg5: memref<128x128xf32, #tpu.memory_space<vmem>>, %arg6: memref<10000x128xf32, #tpu.memory_space<vmem>>) attributes {dimension_semantics = [], scalar_prefetch = 0 : i64, scratch_operands = 0 : i64, tpu.core_type = #tpu.core_type<tc>} {
    %get3A = arith.constant 0 : index
    %get3A_0 = arith.constant 0 : index
    %get3A_1 = arith.constant 0 : index
    %get3A_2 = vector.load %arg0[%get3A, %get3A_0, %get3A_1] : memref<2x10000x128xf32, #tpu.memory_space<vmem>>, vector<1x10000x128xf32>
    %get3A_3 = vector.shape_cast %get3A_2 : vector<1x10000x128xf32> to vector<10000x128xf32>
    %get3A_4 = arith.constant 1 : index
    %get3A_5 = arith.constant 0 : index
    %get3A_6 = arith.constant 0 : index
    %get3A_7 = vector.load %arg0[%get3A_4, %get3A_5, %get3A_6] : memref<2x10000x128xf32, #tpu.memory_space<vmem>>, vector<1x10000x128xf32>
    %get3A_8 = vector.shape_cast %get3A_7 : vector<1x10000x128xf32> to vector<10000x128xf32>
    %add3A = arith.addf %get3A_3, %get3A_8 : vector<10000x128xf32>
    %get3A_9 = arith.constant 0 : index
    %get3A_10 = arith.constant 0 : index
    %get3A_11 = vector.load %arg1[%get3A_9, %get3A_10] : memref<10000x1xf32, #tpu.memory_space<vmem>>, vector<10000x1xf32>
    %mul3A = vector.broadcast %get3A_11 : vector<10000x1xf32> to vector<10000x128xf32>
    %mul3A_12 = arith.mulf %add3A, %mul3A : vector<10000x128xf32>
    %get3A_13 = arith.constant 0 : index
    %get3A_14 = arith.constant 0 : index
    %get3A_15 = vector.load %arg3[%get3A_13, %get3A_14] : memref<128x128xf32, #tpu.memory_space<vmem>>, vector<128x128xf32>
    %dot_general3A = arith.constant dense<0.000000e+00> : vector<10000x128xf32>
    %dot_general3A_16 = tpu.matmul %mul3A_12, %get3A_15, %dot_general3A {dimension_numbers = #tpu.dot_dimension_numbers<[1], [1], [0], [0], [0, 0, 1, 0], [], []>, transpose_lhs_hint = false} : vector<10000x128xf32>, vector<128x128xf32>, vector<10000x128xf32> -> vector<10000x128xf32>
    %get3A_17 = arith.constant 0 : index
    %get3A_18 = vector.load %arg4[%get3A_17] : memref<128xf32, #tpu.memory_space<vmem>>, vector<128xf32>
    %broadcast_in_dim3A = vector.shape_cast %get3A_18 : vector<128xf32> to vector<1x128xf32>
    %add3A_19 = vector.broadcast %broadcast_in_dim3A : vector<1x128xf32> to vector<10000x128xf32>
    %add3A_20 = arith.addf %dot_general3A_16, %add3A_19 : vector<10000x128xf32>
    %get3A_21 = arith.constant 0 : index
    %get3A_22 = arith.constant 0 : index
    %get3A_23 = vector.load %arg2[%get3A_21, %get3A_22] : memref<10000x128xf32, #tpu.memory_space<vmem>>, vector<10000x128xf32>
    %get3A_24 = arith.constant 0 : index
    %get3A_25 = arith.constant 0 : index
    %get3A_26 = vector.load %arg5[%get3A_24, %get3A_25] : memref<128x128xf32, #tpu.memory_space<vmem>>, vector<128x128xf32>
    %dot_general3A_27 = arith.constant dense<0.000000e+00> : vector<10000x128xf32>
    %dot_general3A_28 = tpu.matmul %get3A_23, %get3A_26, %dot_general3A_27 {dimension_numbers = #tpu.dot_dimension_numbers<[1], [1], [0], [0], [0, 0, 1, 0], [], []>, transpose_lhs_hint = false} : vector<10000x128xf32>, vector<128x128xf32>, vector<10000x128xf32> -> vector<10000x128xf32>
    %add3A_29 = arith.addf %add3A_20, %dot_general3A_28 : vector<10000x128xf32>
    %swap3A = arith.constant 0 : index
    %swap3A_30 = arith.constant 0 : index
    %swap3A_31 = vector.load %arg6[%swap3A, %swap3A_30] : memref<10000x128xf32, #tpu.memory_space<vmem>>, vector<10000x128xf32>
    tpu.vector_store %arg6[%swap3A, %swap3A_30], %add3A_29 {strides = array<i32>} : memref<10000x128xf32, #tpu.memory_space<vmem>>, vector<10000x128xf32>,
    return
  }
}

</mosaic_0001>

<sc_bundles>
// kernel: kernel.6.cloned.1.call-start
scs
__scs_entry_jumppad:
0x0: {  	(pc) =	sbr.rel $0x88, $3  }
0x1: {  	(tag) =	ssettag $0x0;
	lr =	simm.s32 $0x1  }
0x2: {  	[smem:$0x3F97] =	sst lr;
	_ =	strace $0xD0000000  }
0x3: {  	_ = 	snop  }
0x4: {  	_ = 	snop  }
0x5: {  	_ = 	snop  }
0x6: {  	_ = 	snop  }
0x7: {  	_ = 	snop  }
__scs_overlays_trampoline_lowered:
0x8: {  	[smem:$0x3FA6] =	sst s0  }
0x9: {  	[smem:$0x3FA7] =	sst s1  }
0xa: {  	[smem:$0x3FA8] =	sst s2  }
0xb: {  	[smem:$0x3FA9] =	sst s3  }
0xc: {  	[smem:$0x3FAA] =	sst s4  }
0xd: {  	[smem:$0x3FAB] =	sst s5  }
0xe: {  	[smem:$0x3FAC] =	sst s6  }
0xf: {  	[smem:$0x3FAD] =	sst s7  }
0x10: {  	[smem:$0x3FAE] =	sst s8  }
0x11: {  	[smem:$0x3FAF] =	sst s9;
	s0 =	simm.s32 @!p0 $0x0  }
0x12: {  	s1 =	sld [smem:$0x3F95];
	s0 =	simm.s32 @p0 $0x1  }
0x13: {  	[smem:$0x3FB0] =	sst s0;
	s0 =	simm.s32 @!p1 $0x0  }
0x14: {  	s2 =	sld [smem:$0x3F94];
	s0 =	simm.s32 @p1 $0x1  }
0x15: {  	[smem:$0x3FB1] =	sst s0;
	s0 =	simm.s32 @!p2 $0x0  }
0x16: {  	s3 =	sld [smem:$0x3FDB];
	s0 =	simm.s32 @p2 $0x1  }
0x17: {  	s4 =	simm.s32 $0x1BF5;
	[smem:$0x3FB3] =	sst s0  }
0x18: {  	s0 =	sld [smem:$0x3F96];
	_ =	swait.ge [sflag:s4], $0x0  }
0x19: {  	s7 =	sld [smem:$0x3F97]  }
0x1a: {  	s8 =	sadd.s32 $0xFFFFE003, lr  }
0x1b: {  	s9 =	sadd.s32 $0xFFFFFEF7, lr;
	s5 =	simm.s32 $0xFFFFFFFF;
	p2 =	slt.u32 s8, $0xFFFFF086  }
0x1c: {  	p1 =	slt.u32 s9, $0xF7A;
	s5 =	simm.s32 @!p2 $0x0  }
0x1d: {  	s5 =	simm.s32 @p1 $0x1;
	p0 =	seq.s32 s7, s2  }
0x1e: {  	s7 =	smul.u32 @!p0 $0xF7A, s2;
	p2 =	seq.s32 @!p0 s5, $0x0  }
0x1f: {  	s9 =	smul.u32 $0xF7A, s1;
	s8 =	simm.s32 @!p0 $0x1BF5;
	p2 =	por !p2, p0  }
0x20: {  	[sflag:s8] =	ssyncset.s32 @!p0 $0xFFFFF086;
	s6 =	sadd.s32 @!p0 s3, s7;
	s7 =	simm.s32 @!p0 $0x108  }
0x21: {  	s3 =	sadd.s32 s3, s9;
	s6 =	sadd.s32 @!p0 $0x88, s6;
	s7 =	simm.s32 @p2 $0x1082  }
0x22: {  	[simem:s7], [sflag:s8] =	dma.local @!p0 [hbm:s6], $0xF7A  }
0x23: {  	s9 =	sor.u32 $0xD0000000, s2;
	s6 =	simm.s32 $0x108;
	_ =	swait.ge @!p0 [sflag:s8], $0x0  }
0x24: {  	s3 =	sadd.s32 $0x88, s3;
	s6 =	simm.s32 @!p1 $0x1082;
	[sflag:s4] =	ssyncset.s32 $0xFFFFF086  }
0x25: {  	[simem:s6], [sflag:s4] =	dma.local [hbm:s3], $0xF7A  }
0x26: {  	[smem:$0x3F97] =	sst s1;
	(tag) =	ssettag s2;
	_ =	strace s9  }
0x27: {  	s1 =	sld [smem:$0x3FA7]  }
0x28: {  	s2 =	sld [smem:$0x3FA8]  }
0x29: {  	s4 =	sld [smem:$0x3FAA]  }
0x2a: {  	p0 =	seq.s32 s5, $0x0;
	s5 =	sld [smem:$0x3FAB]  }
0x2b: {  	s6 =	sld [smem:$0x3FAC]  }
0x2c: {  	s7 =	sld [smem:$0x3FAD]  }
0x2d: {  	s3 =	simm.s32 $0x108;
	s8 =	sld [smem:$0x3FAE]  }
0x2e: {  	s3 =	simm.s32 @!p0 $0x1082;
	s9 =	sld [smem:$0x3FAF]  }
0x2f: {  	lr =	sadd.s32 s0, s3;
	s0 =	sld [smem:$0x3FA6]  }
0x30: {  	s3 =	sld [smem:$0x3FA9]  }
0x31: {  	[smem:$0x3FB2] =	sst s10  }
0x32: {  	s10 =	sld [smem:$0x3FB0];
	_ =	sdelay $0x3  }
0x33: {  	p0 =	seq.s32 s10, $0x1;
	s10 =	sld [smem:$0x3FB2];
	_ =	sdelay $0x3  }
0x34: {  	[smem:$0x3FB2] =	sst s10  }
0x35: {  	s10 =	sld [smem:$0x3FB1];
	_ =	sdelay $0x3  }
0x36: {  	p1 =	seq.s32 s10, $0x1;
	s10 =	sld [smem:$0x3FB2];
	_ =	sdelay $0x3  }
0x37: {  	[smem:$0x3FB2] =	sst s10  }
0x38: {  	s10 =	sld [smem:$0x3FB3]  }
0x39: {  	_ = 	snop;
	(pc) =	sbr.ind lr, $3  }
0x3a: {  	_ = 	snop  }
0x3b: {  	_ = 	snop  }
0x3c: {  	p2 =	seq.s32 s10, $0x1;
	s10 =	sld [smem:$0x3FB2]  }
0x3d: {  	_ =	shalt  }
0x3e: {  	_ =	shalt  }
0x3f: {  	_ =	shalt  }
0x40: {  	_ =	shalt  }
0x41: {  	_ =	shalt  }
0x42: {  	_ =	shalt  }
0x43: {  	_ =	shalt  }
0x44: {  	_ =	shalt  }
0x45: {  	_ =	shalt  }
0x46: {  	_ =	shalt  }
0x47: {  	_ =	shalt  }
0x48: {  	_ =	shalt  }
0x49: {  	_ =	shalt  }
0x4a: {  	_ =	shalt  }
0x4b: {  	_ =	shalt  }
0x4c: {  	_ =	shalt  }
0x4d: {  	_ =	shalt  }
0x4e: {  	_ =	shalt  }
0x4f: {  	_ =	shalt  }
0x50: {  	_ =	shalt  }
0x51: {  	_ =	shalt  }
0x52: {  	_ =	shalt  }
0x53: {  	_ =	shalt  }
0x54: {  	_ =	shalt  }
0x55: {  	_ =	shalt  }
0x56: {  	_ =	shalt  }
0x57: {  	_ =	shalt  }
0x58: {  	_ =	shalt  }
0x59: {  	_ =	shalt  }
0x5a: {  	_ =	shalt  }
0x5b: {  	_ =	shalt  }
0x5c: {  	_ =	shalt  }
0x5d: {  	_ =	shalt  }
0x5e: {  	_ =	shalt  }
0x5f: {  	_ =	shalt  }
0x60: {  	_ =	shalt  }
0x61: {  	_ =	shalt  }
0x62: {  	_ =	shalt  }
0x63: {  	_ =	shalt  }
0x64: {  	_ =	shalt  }
0x65: {  	_ =	shalt  }
0x66: {  	_ =	shalt  }
0x67: {  	_ =	shalt  }
0x68: {  	_ =	shalt  }
0x69: {  	_ =	shalt  }
0x6a: {  	_ =	shalt  }
0x6b: {  	_ =	shalt  }
0x6c: {  	_ =	shalt  }
0x6d: {  	_ =	shalt  }
0x6e: {  	_ =	shalt  }
0x6f: {  	_ =	shalt  }
0x70: {  	_ =	shalt  }
0x71: {  	_ =	shalt  }
0x72: {  	_ =	shalt  }
0x73: {  	_ =	shalt  }
0x74: {  	_ =	shalt  }
0x75: {  	_ =	shalt  }
0x76: {  	_ =	shalt  }
0x77: {  	_ =	shalt  }
0x78: {  	_ =	shalt  }
0x79: {  	_ =	shalt  }
0x7a: {  	_ =	shalt  }
0x7b: {  	_ =	shalt  }
0x7c: {  	_ =	shalt  }
0x7d: {  	_ =	shalt  }
0x7e: {  	_ =	shalt  }
0x7f: {  	_ =	shalt  }
0x80: {  	_ =	shalt  }
0x81: {  	_ =	shalt  }
0x82: {  	_ =	shalt  }
0x83: {  	_ =	shalt  }
0x84: {  	_ =	shalt  }
0x85: {  	_ =	shalt  }
0x86: {  	_ =	shalt  }
0x87: {  	_ =	shalt  }
.Lfunc_end0:
.L_simem_size_0:
called_computation_lowered:
.L_overlay_start_0:
0x88: {  	s2 =	sld [smem:$0x3FD9]  }
0x89: {  	s3 =	sld [smem:$0x3FFE];
	_ =	sdelay $0x1  }
0x8a: {  	s1 =	srdreg.scid  }
0x8b: {  	s0 =	sand.u32 $0x1, s1  }
0x8c: {  	s17 =	sshll.u32 s0, $0xA;
	s2 =	sadd.s32 s3, s2  }
0x8d: {  	s2 =	sadd.s32 s2, s17  }
0x8e: {  	[smem:$0x3FBE] =	sst s2  }
0x8f: {  	_ = 	snop  }
0x90: {  	s2 =	sld [smem:$0x3FC9]  }
0x91: {  	s18 =	sld [smem:$0x3FD0];
	(tm) =	ssettm $0x1  }
0x92: {  	s4 =	sld [smem:$0x3FFB];
	_ =	sdelay $0x3  }
0x93: {  	_ =	strace s4  }
0x94: {  	s4 =	sld [smem:$0x3FFC];
	_ =	sdelay $0x3  }
0x95: {  	_ =	strace s4  }
0x96: {  	s4 =	sld [smem:$0x3FFD];
	_ =	sdelay $0x3  }
0x97: {  	_ =	strace s4  }
0x98: {  	_ =	strace $0x8FFFFFFF  }
0x99: {  	s19 =	sld [smem:$0x3FDB];
	_ =	sdelay $0x1  }
0x9a: {  	s5 =	simm.s32 $_scs_section_size  }
0x9b: {  	s6 =	simm.s32 $_size__tile_overlayer_lowered;
	s7 =	simm.s32 $_tile_overlayer_lowered  }
0x9c: {  	s22 =	simm.s32 $0x1BFF;
	s21 =	sshll.u32 s7, $0x1;
	s4 =	sadd.s32 s5, s19  }
0x9d: {  	s8 =	simm.s32 $0x0;
	s20 =	sshll.u32 s6, $0x1;
	s6 =	sadd.s32 s21, s4  }
0x9e: {  	[timem:s8], [sflag:s22] =	dma.local [hbm:s6], s20  }
0x9f: {  	_ =	swait.ge [sflag:s22], s20  }
0xa0: {  	s5 =	ssub.s32 $0x0, s20;
	[sflag:s22] =	ssyncset.done $0x0  }
0xa1: {  	[sflag:s22] =	ssyncadd.s32 s5;
	_ =	sdelay $0x1  }
0xa2: {  	s23 =	simm.s32 $0x1B8B  }
0xa3: {  	_ =	swait.ge [sflag:s23], $0x1  }
0xa4: {  	[sflag:s23] =	ssyncset.done $0x0  }
0xa5: {  	s25 =	simm.s32 $0x1B8E;
	s24 =	sld [smem:$0x3FFE];
	[sflag:s23] =	ssyncadd.s32 $0xFFFFFFFF  }
0xa6: {  	s26 =	simm.s32 $execute0_lowered;
	[smem:$0x3FD2] =	sst s25  }
0xa7: {  	s6 =	sshll.u32 s26, $0x1;
	_ =	strace $0x80000046;
	[dreg:$0x1] =	wrdreg $0xFFFFFFFF  }
0xa8: {  	s28 =	simm.s32 $_size_execute0_lowered;
	s4 =	sadd.s32 s4, s6;
	[dreg:$0x0] =	wrdreg $0x0  }
0xa9: {  	s6 =	sshll.u32 s28, $0x1;
	[dreg:$0x2] =	wrdreg s4  }
0xaa: {  	[dreg:$0x3] =	wrdreg s6  }
0xab: {  	[dreg:$0x4] =	wrdreg $0xC0  }
0xac: {  	_ =	task [dreg:s8], $0x5FFFF  }
0xad: {  	[dreg:$0x1] =	wrdreg $0xFFFFFFFF  }
0xae: {  	[dreg:$0x0] =	wrdreg $0x60  }
0xaf: {  	[dreg:$0x2] =	wrdreg s2  }
0xb0: {  	[dreg:$0x3] =	wrdreg s24  }
0xb1: {  	[dreg:$0x4] =	wrdreg s18  }
0xb2: {  	[dreg:$0x5] =	wrdreg $0x94800  }
0xb3: {  	[dreg:$0x6] =	wrdreg $0x9  }
0xb4: {  	_ =	task.clear_ibuf [dreg:s8], $0x7FFFF;
	_ =	strace $0x90000046  }
0xb5: {  	s29 =	simm.s32 $0x9;
	_ =	strace $0x80000048  }
0xb6: {  	_ =	swait.ge [sflag:s29], $0x1  }
0xb7: {  	[sflag:s29] =	ssyncadd.s32 $0xFFFFFFFF  }
0xb8: {  	_ =	strace $0x90000048  }
0xb9: {  	_ =	sfence  }
0xba: {  	s30 =	sld [smem:$0x0];
	_ =	sdelay $0x2  }
0xbb: {  	s31 =	sshll.u32 s1, $0xD;
	s1 =	sshrl.u32 s1, $0x2  }
0xbc: {  	s3 =	sand.u32 $0x4000, s31;
	s1 =	sadd.s32 s1, s30  }
0xbd: {  	s0 =	sor.u32 s3, s0;
	s1 =	sshll.u32 s1, $0x11  }
0xbe: {  	s0 =	sor.u32 s1, s0  }
0xbf: {  	s0 =	sadd.s32 $0x8F2B, s0  }
0xc0: {  	[sflag:s0] =	ssyncadd.remote.s32 $0x1  }
0xc1: {  	_ =	sfence.sel $0xFFFF  }
0xc2: {  	[dreg:$0x0] =	wrdreg $0xFFFFFFFF;
	(pc) =	sbr.abs _section_cstart, $3  }
0xc3: {  	[dreg:$0x1] =	wrdreg $0xFFFFFFFF  }
0xc4: {  	_ =	task.clear_ibuf [dreg:s8], $0x2FFFF;
	_ =	strace $0x9FFFFFFF  }
0xc5: {  	(tm) =	ssettm $0x7FFFFFFF  }
tec
execute0_lowered:
.L_overlay_start_1:
0x0: {  	(tag) =	ssettag $0x1  }
0x1: {  	s1 =	rddreg [dreg:$0x0]  }
0x2: {  	s0 =	rddreg [dreg:$0x1]  }
0x3: {  	s3 =	rddreg [dreg:$0x2]  }
0x4: {  	s2 =	rddreg [dreg:$0x3]  }
0x5: {  	s4 =	srdreg.scid;
	s13 =	stileid.u32  }
0x6: {  	s28 =	simm.s32 $0x400;
	s29 =	simm.s32 $0x9;
	s31 =	simm.s32 $0xA  }
0x7: {  	s30 =	simm.s32 $0x0;
	s5 =	sand.u32 $0x1, s4;
	s11 =	smul.u32 $0x4F000, s13  }
0x8: {  	s9 =	sadd.s32 $0x3800, s0;
	s23 =	smul.u32 $0x6800, s13;
	s24 =	sadd.s32 $0x128400, s2  }
0x9: {  	s4 =	simm.s32 $0x0;
	s25 =	sadd.s32 $0x12B400, s2;
	s26 =	sadd.s32 $0x12E400, s2  }
0xa: {  	p0 =	seq.s32 s13, $0xF;
	s6 =	sshll.u32 s5, $0x4;
	s15 =	smul.u32 $0x27100, s5  }
0xb: {  	[smem:$0x7FF] =	sst s4;
	s16 =	ssub.s32 $0x2, s5;
	s5 =	smul.u32 $0x68000, s5  }
0xc: {  	s7 =	sor.u32 s13, s6;
	_ =	strace $0x80000047;
	[dreg:$0xe] =	wrdreg s24  }
0xd: {  	s12 =	sshrl.u32 s16, $0x1;
	s11 =	sshrl.u32 s11, $0x2;
	[dreg:$0xf] =	wrdreg s25  }
0xe: {  	[dreg:$0x10] =	wrdreg s26;
	s24 =	sadd.s32 $0x137400, s2;
	s8 =	smul.u32 $0x6800, s7  }
0xf: {  	s10 =	sshll.u32 s7, $0x5;
	s12 =	ssub.s32 s16, s12;
	s6 =	sadd.s32 s11, s2  }
0x10: {  	s5 =	sadd.s32 s23, s5;
	s23 =	sadd.s32 $0x134400, s2;
	[dreg:$0x18] =	wrdreg s24  }
0x11: {  	s7 =	smul.u32 $0x4F0, s7;
	s18 =	sadd.s32 $0x3000, s6;
	[dreg:$0x17] =	wrdreg s23  }
0x12: {  	s24 =	simm.s32 $0x380;
	s19 =	sadd.s32 $0x6000, s6;
	[dreg:$0x8] =	wrdreg s18  }
0x13: {  	s10 =	sadd.s32 s10, s0;
	s20 =	sadd.s32 $0x9000, s6;
	[dreg:$0x9] =	wrdreg s19  }
0x14: {  	s0 =	sadd.s32 s15, s0;
	s21 =	sadd.s32 $0xC000, s6;
	[dreg:$0xa] =	wrdreg s20  }
0x15: {  	s22 =	sadd.s32 $0xF000, s6;
	s11 =	sadd.s32 $0x12000, s6;
	[dreg:$0xb] =	wrdreg s21  }
0x16: {  	s15 =	sor.u32 $0x600, s5;
	s16 =	sor.u32 $0x500, s5;
	[dreg:$0xc] =	wrdreg s22  }
0x17: {  	s5 =	sor.u32 $0x400, s5;
	s8 =	sshrl.u32 s8, $0x3;
	[dreg:$0xd] =	wrdreg s11  }
0x18: {  	s11 =	sadd.s32 $0x3400, s10;
	s3 =	sadd.s32 s3, s7;
	s5 =	sshrl.u32 s5, $0x3  }
0x19: {  	s0 =	sadd.s32 $0x1D800, s0;
	s18 =	smax.u32 s12, $0x1;
	[dreg:$0x11] =	wrdreg s11  }
0x1a: {  	s19 =	sadd.s32 $0x131400, s2;
	s7 =	simm.s32 $0x1;
	[dreg:$0x12] =	wrdreg s3  }
0x1b: {  	s10 =	simm.s32 $0x2;
	s12 =	simm.s32 $0x4;
	[dreg:$0x14] =	wrdreg s18  }
0x1c: {  	s14 =	sadd.s32 s9, s8;
	s3 =	sshrl.u32 s15, $0x3;
	[dreg:$0x13] =	wrdreg s0  }
0x1d: {  	s22 =	sadd.s32 s5, s9;
	[dreg:$0x16] =	wrdreg s19;
	s11 =	simm.s32 $0x3480  }
0x1e: {  	s18 =	simm.s32 $0x5;
	s19 =	simm.s32 $0x7;
	s8 =	sadd.s32 $0x20, s14  }
0x1f: {  	s17 =	sadd.s32 $0x40, s14;
	s20 =	sadd.s32 s3, s9;
	[dreg:$0x5] =	wrdreg s14  }
0x20: {  	s3 =	smul.u32 $0x2780, s13;
	s25 =	sadd.s32 $0x60, s14;
	[dreg:$0x6] =	wrdreg s8  }
0x21: {  	s26 =	sadd.s32 $0xCE0, s14;
	s13 =	simm.s32 $0x3;
	[dreg:$0x7] =	wrdreg s17  }
0x22: {  	s14 =	simm.s32 $0x6480;
	s17 =	sshrl.u32 s16, $0x3;
	[dreg:$0x19] =	wrdreg s25  }
0x23: {  	[dreg:$0x1a] =	wrdreg s26;
	s8 =	simm.s32 $0x60;
	s16 =	simm.s32 $0x300  }
0x24: {  	s25 =	simm.s32 $0x6;
	s26 =	simm.s32 $0x8;
	s21 =	sadd.s32 s17, s9  }
0x25: {  	s0 =	sadd.s32 @!p0 s3, s0;
	s3 =	simm.s32 $0x200;
	s9 =	simm.s32 $0x480  }
0x26: {  	v0 =	vimm.f32 $0.0e+00;
	v1 =	vimm.f32 $1.000000000e+00;
	s17 =	simm.s32 $0x1CD00;
	[dreg:$0x15] =	wrdreg s0;
	s0 =	simm.s32 $0x100  }
.LBB2_1:
0x27: {  	s5 =	rddreg [dreg:$0x5]  }
0x28: {  	[tilespmem:s4], [sflag:$0x1] =	stream.linear.gather [hbm4b:s5+s4], $0x100, $0x38;
	[tilespmem:$0x1F580] =	vst v63  }
0x29: {  	s15 =	rddreg [dreg:$0x6]  }
0x2a: {  	[tilespmem:s0], [sflag:$0x2] =	stream.linear.gather [hbm4b:s15+s4], $0x100, $0x38;
	[tilespmem:$0x1F580] =	vst v63  }
0x2b: {  	s23 =	rddreg [dreg:$0x7]  }
0x2c: {  	[tilespmem:s3], [sflag:$0x3] =	stream.linear.gather [hbm4b:s23+s4], $0x100, $0x38;
	[tilespmem:$0x1F580] =	vst v63  }
0x2d: {  	s5 =	simm.s32 $0x200;
	s23 =	simm.s32 $0x0  }
.LBB2_2:
0x2e: {  	p1 =	sne.s32 s5, $0xBE00;
	[tilespmem:s23+$0x4F0] =	vst v0  }
0x2f: {  	[tilespmem:s23+$0x480] =	vst v0  }
0x30: {  	[tilespmem:s23+$0x490] =	vst v0  }
.Ltmp0:
0x31: {  	[tilespmem:s23+$0x4A0] =	vst v0;
	(pc) =	sbr.rel @p1 .LBB2_2-.Ltmp0, $4  }
0x32: {  	[tilespmem:s23+$0x4B0] =	vst v0  }
0x33: {  	[tilespmem:s23+$0x4C0] =	vst v0  }
0x34: {  	[tilespmem:s23+$0x4D0] =	vst v0  }
0x35: {  	[tilespmem:s23+$0x4E0] =	vst v0;
	s23 =	sshra.s32 s5, $0x2;
	s5 =	sadd.s32 $0x200, s5  }
0x36: {  	[tilespmem:s23+$0x4F0] =	vst v0  }
0x37: {  	[tilespmem:s23+$0x480] =	vst v0  }
0x38: {  	[tilespmem:s23+$0x490] =	vst v0  }
0x39: {  	[tilespmem:s23+$0x4A0] =	vst v0  }
0x3a: {  	[tilespmem:s23+$0x4B0] =	vst v0  }
0x3b: {  	[tilespmem:s23+$0x4C0] =	vst v0  }
0x3c: {  	[tilespmem:s23+$0x4D0] =	vst v0  }
0x3d: {  	[tilespmem:s23+$0x4E0] =	vst v0;
	s5 =	simm.s32 $0x40;
	s23 =	simm.s32 $0x0  }
.LBB2_4:
0x3e: {  	p1 =	sne.s32 s5, $0x9C00;
	[tilespmem:s23+$0x1CD00] =	vst v0;
	s23 =	smov.u32 s5;
	s5 =	sadd.s32 $0x40, s5  }
.Ltmp1:
0x3f: {  	(pc) =	sbr.rel @p1 .LBB2_4-.Ltmp1, $2  }
0x40: {  	_ =	sdelay $0x2  }
0x41: {  	s23 =	sshra.s32 s23, $0x2  }
0x42: {  	[tilespmem:s23+$0x1CD00] =	vst v0;
	s5 =	simm.s32 @p0 $0x480;
	s15 =	rddreg [dreg:$0xe];
	s23 =	simm.s32 @p0 $0xA  }
0x43: {  	[spmem:s15] =	stream.linear.scatter @p0 [tilespmem:s5], [sflag:$0xA], $0x3000, $0x38;
	[tilespmem:$0x1F580] =	vst v63  }
0x44: {  	_ =	swait.ge @p0 [sflag:s23], $0x3000  }
0x45: {  	[sflag:s23] =	ssyncset.done @p0 $0x0  }
0x46: {  	s15 =	rddreg [dreg:$0xf];
	[sflag:s23] =	ssyncadd.s32 @p0 $0xFFFFD000  }
0x47: {  	[spmem:s15] =	stream.linear.scatter @p0 [tilespmem:s5], [sflag:$0xA], $0x3000, $0x38;
	[tilespmem:$0x1F580] =	vst v63  }
0x48: {  	_ =	swait.ge @p0 [sflag:s23], $0x3000  }
0x49: {  	[sflag:s23] =	ssyncset.done @p0 $0x0  }
0x4a: {  	s15 =	rddreg [dreg:$0x10];
	[sflag:s23] =	ssyncadd.s32 @p0 $0xFFFFD000  }
0x4b: {  	[spmem:s15] =	stream.linear.scatter @p0 [tilespmem:s5], [sflag:$0xA], $0x3000, $0x38;
	[tilespmem:$0x1F580] =	vst v63  }
0x4c: {  	_ =	swait.ge @p0 [sflag:s23], $0x3000  }
0x4d: {  	[sflag:s23] =	ssyncset.done @p0 $0x0  }
0x4e: {  	s15 =	rddreg [dreg:$0x16];
	[sflag:s23] =	ssyncadd.s32 @p0 $0xFFFFD000  }
0x4f: {  	[spmem:s15] =	stream.linear.scatter @p0 [tilespmem:s5], [sflag:$0xA], $0x3000, $0x38;
	[tilespmem:$0x1F580] =	vst v63  }
0x50: {  	_ =	swait.ge @p0 [sflag:s23], $0x3000  }
0x51: {  	[sflag:s23] =	ssyncset.done @p0 $0x0  }
0x52: {  	s15 =	rddreg [dreg:$0x17];
	[sflag:s23] =	ssyncadd.s32 @p0 $0xFFFFD000  }
0x53: {  	[spmem:s15] =	stream.linear.scatter @p0 [tilespmem:s5], [sflag:$0xA], $0x3000, $0x38;
	[tilespmem:$0x1F580] =	vst v63  }
0x54: {  	_ =	swait.ge @p0 [sflag:s23], $0x3000  }
0x55: {  	[sflag:s23] =	ssyncset.done @p0 $0x0  }
0x56: {  	s15 =	rddreg [dreg:$0x18];
	[sflag:s23] =	ssyncadd.s32 @p0 $0xFFFFD000  }
0x57: {  	[spmem:s15] =	stream.linear.scatter @p0 [tilespmem:s5], [sflag:$0xA], $0x1400, $0x38;
	[tilespmem:$0x1F580] =	vst v63  }
0x58: {  	_ =	swait.ge @p0 [sflag:s23], $0x1400  }
0x59: {  	[sflag:s23] =	ssyncset.done @p0 $0x0  }
0x5a: {  	s5 =	simm.s32 @!p0 $0x480;
	[sflag:s23] =	ssyncadd.s32 @p0 $0xFFFFEC00;
	s23 =	simm.s32 @!p0 $0xA  }
0x5b: {  	[spmem:s6] =	stream.linear.scatter @!p0 [tilespmem:s5], [sflag:$0xA], $0x3000, $0x38;
	[tilespmem:$0x1F580] =	vst v63  }
0x5c: {  	_ =	swait.ge @!p0 [sflag:s23], $0x3000  }
0x5d: {  	[sflag:s23] =	ssyncset.done @!p0 $0x0  }
0x5e: {  	s15 =	rddreg [dreg:$0x8];
	[sflag:s23] =	ssyncadd.s32 @!p0 $0xFFFFD000  }
0x5f: {  	[spmem:s15] =	stream.linear.scatter @!p0 [tilespmem:s5], [sflag:$0xA], $0x3000, $0x38;
	[tilespmem:$0x1F580] =	vst v63  }
0x60: {  	_ =	swait.ge @!p0 [sflag:s23], $0x3000  }
0x61: {  	[sflag:s23] =	ssyncset.done @!p0 $0x0  }
0x62: {  	s15 =	rddreg [dreg:$0x9];
	[sflag:s23] =	ssyncadd.s32 @!p0 $0xFFFFD000  }
0x63: {  	[spmem:s15] =	stream.linear.scatter @!p0 [tilespmem:s5], [sflag:$0xA], $0x3000, $0x38;
	[tilespmem:$0x1F580] =	vst v63  }
0x64: {  	_ =	swait.ge @!p0 [sflag:s23], $0x3000  }
0x65: {  	[sflag:s23] =	ssyncset.done @!p0 $0x0  }
0x66: {  	s15 =	rddreg [dreg:$0xa];
	[sflag:s23] =	ssyncadd.s32 @!p0 $0xFFFFD000  }
0x67: {  	[spmem:s15] =	stream.linear.scatter @!p0 [tilespmem:s5], [sflag:$0xA], $0x3000, $0x38;
	[tilespmem:$0x1F580] =	vst v63  }
0x68: {  	_ =	swait.ge @!p0 [sflag:s23], $0x3000  }
0x69: {  	[sflag:s23] =	ssyncset.done @!p0 $0x0  }
0x6a: {  	s15 =	rddreg [dreg:$0xb];
	[sflag:s23] =	ssyncadd.s32 @!p0 $0xFFFFD000  }
0x6b: {  	[spmem:s15] =	stream.linear.scatter @!p0 [tilespmem:s5], [sflag:$0xA], $0x3000, $0x38;
	[tilespmem:$0x1F580] =	vst v63  }
0x6c: {  	_ =	swait.ge @!p0 [sflag:s23], $0x3000  }
0x6d: {  	[sflag:s23] =	ssyncset.done @!p0 $0x0  }
0x6e: {  	s15 =	rddreg [dreg:$0xc];
	[sflag:s23] =	ssyncadd.s32 @!p0 $0xFFFFD000  }
0x6f: {  	[spmem:s15] =	stream.linear.scatter @!p0 [tilespmem:s5], [sflag:$0xA], $0x3000, $0x38;
	[tilespmem:$0x1F580] =	vst v63  }
0x70: {  	_ =	swait.ge @!p0 [sflag:s23], $0x3000  }
0x71: {  	[sflag:s23] =	ssyncset.done @!p0 $0x0  }
0x72: {  	s15 =	rddreg [dreg:$0xd];
	[sflag:s23] =	ssyncadd.s32 @!p0 $0xFFFFD000  }
0x73: {  	[spmem:s15] =	stream.linear.scatter @!p0 [tilespmem:s5], [sflag:$0xA], $0x1C00, $0x38;
	[tilespmem:$0x1F580] =	vst v63  }
0x74: {  	_ =	swait.ge @!p0 [sflag:s23], $0x1C00  }
0x75: {  	[sflag:s23] =	ssyncset.done @!p0 $0x0  }
0x76: {  	[sflag:s23] =	ssyncadd.s32 @!p0 $0xFFFFE400  }
0x77: {  	[bflag:$0x0] =	sbarrier.arrive $0xFFFF  }
0x78: {  	_ =	swait.ge [sflag:s7], $0x100  }
0x79: {  	[sflag:s7] =	ssyncset.done $0x0  }
0x7a: {  	s23 =	simm.s32 $0x0;
	[sflag:s7] =	ssyncadd.s32 $0xFFFFFF00  }
0x7b: {  	[tilespmem:s9], [sflag:$0x4] =	stream.indirect.gather [hbm4b:s1+s8], $0x80, s23, s8, $0xb8;
	[tilespmem:$0x1F580] =	vst v63  }
0x7c: {  	_ =	swait.ge [sflag:s10], $0x100  }
0x7d: {  	[sflag:s10] =	ssyncset.done $0x0  }
0x7e: {  	[sflag:s10] =	ssyncadd.s32 $0xFFFFFF00  }
0x7f: {  	[tilespmem:s11], [sflag:$0x5] =	stream.indirect.gather [hbm4b:s1+s8], $0x80, s0, s8, $0xb8;
	[tilespmem:$0x1F580] =	vst v63  }
0x80: {  	_ =	swait.ge [sflag:s12], $0x3000  }
0x81: {  	[sflag:s12] =	ssyncset.done $0x0  }
0x82: {  	[sflag:s12] =	ssyncadd.s32 $0xFFFFD000  }
0x83: {  	_ =	swait.ge [sflag:s13], $0x100  }
0x84: {  	[sflag:s13] =	ssyncset.done $0x0  }
0x85: {  	[sflag:s13] =	ssyncadd.s32 $0xFFFFFF00  }
0x86: {  	[tilespmem:s14], [sflag:$0x6] =	stream.indirect.gather [hbm4b:s1+s8], $0x80, s3, s8, $0xb8;
	[tilespmem:$0x1F580] =	vst v63  }
0x87: {  	v2 =	vld [tilespmem:$0x80]  }
0x88: {  	v3 =	vld [tilespmem:$0x90]  }
0x89: {  	v4 =	vld [tilespmem:$0xA0]  }
0x8a: {  	v5 =	vld [tilespmem:$0xB0]  }
0x8b: {  	v6 =	vld [tilespmem:$0xC0]  }
0x8c: {  	[tilespmem:$0x300] =	vst v2;
	v2 =	vld [tilespmem:$0xD0]  }
0x8d: {  	[tilespmem:$0x310] =	vst v3  }
0x8e: {  	[tilespmem:$0x320] =	vst v4  }
0x8f: {  	[tilespmem:$0x330] =	vst v5  }
0x90: {  	[tilespmem:$0x340] =	vst v6  }
0x91: {  	s15 =	rddreg [dreg:$0x19];
	[tilespmem:$0x350] =	vst v2  }
0x92: {  	[tilespmem:s23], [sflag:$0x1] =	stream.linear.gather [hbm4b:s15+s23], $0x100, $0x38;
	[tilespmem:$0x1F580] =	vst v63  }
0x93: {  	_ = 	snop  }
0x94: {  	[spmem:s2] =	stream.indirect.scatter.add.f32 [tilespmem:s9], [sflag:$0x7], $0x80, s16, s8, $0xb8;
	[tilespmem:$0x1F580] =	vst v63  }
0x95: {  	v2 =	vld [tilespmem:$0x300];
	_ =	sdelay $0x7  }
0x96: {  	[tilespmem:v2+s17+$0x0] =	vst.idx.add.f32.msk $0xffff, v1  }
0x97: {  	v2 =	vld [tilespmem:$0x310];
	_ =	sdelay $0x7  }
0x98: {  	[tilespmem:v2+s17+$0x0] =	vst.idx.add.f32.msk $0xffff, v1  }
0x99: {  	v2 =	vld [tilespmem:$0x320];
	_ =	sdelay $0x7  }
0x9a: {  	[tilespmem:v2+s17+$0x0] =	vst.idx.add.f32.msk $0xffff, v1  }
0x9b: {  	v2 =	vld [tilespmem:$0x330];
	_ =	sdelay $0x7  }
0x9c: {  	[tilespmem:v2+s17+$0x0] =	vst.idx.add.f32.msk $0xffff, v1  }
0x9d: {  	v2 =	vld [tilespmem:$0x340];
	_ =	sdelay $0x7  }
0x9e: {  	[tilespmem:v2+s17+$0x0] =	vst.idx.add.f32.msk $0xffff, v1  }
0x9f: {  	v2 =	vld [tilespmem:$0x350];
	_ =	sdelay $0x7  }
0xa0: {  	[tilespmem:v2+s17+$0x0] =	vst.idx.add.f32.msk $0xffff, v1  }
.LBB2_6:
0xa1: {  	_ =	swait.ge [sflag:s18], $0x3000  }
0xa2: {  	[sflag:s18] =	ssyncset.done $0x0  }
0xa3: {  	[sflag:s18] =	ssyncadd.s32 $0xFFFFD000  }
0xa4: {  	_ =	swait.ge [sflag:s19], $0x3000  }
0xa5: {  	[sflag:s19] =	ssyncset.done $0x0  }
0xa6: {  	[sflag:s19] =	ssyncadd.s32 $0xFFFFD000  }
0xa7: {  	_ =	swait.ge [sflag:s7], $0x100  }
0xa8: {  	[sflag:s7] =	ssyncset.done $0x0  }
0xa9: {  	[sflag:s7] =	ssyncadd.s32 $0xFFFFFF00  }
0xaa: {  	[tilespmem:s9], [sflag:$0x4] =	stream.indirect.gather [hbm4b:s1+s8], $0x80, s4, s8, $0xb8;
	[tilespmem:$0x1F580] =	vst v63  }
0xab: {  	v2 =	vld [tilespmem:$0x180]  }
0xac: {  	v3 =	vld [tilespmem:$0x190]  }
0xad: {  	v4 =	vld [tilespmem:$0x1A0]  }
0xae: {  	v5 =	vld [tilespmem:$0x1B0]  }
0xaf: {  	v6 =	vld [tilespmem:$0x1C0]  }
0xb0: {  	[tilespmem:$0x380] =	vst v2;
	v2 =	vld [tilespmem:$0x1D0]  }
0xb1: {  	[tilespmem:$0x390] =	vst v3  }
0xb2: {  	[tilespmem:$0x3A0] =	vst v4  }
0xb3: {  	[tilespmem:$0x3B0] =	vst v5  }
0xb4: {  	[tilespmem:$0x3C0] =	vst v6  }
0xb5: {  	s5 =	sadd.s32 s23, s22;
	[tilespmem:$0x3D0] =	vst v2  }
0xb6: {  	[tilespmem:s0], [sflag:$0x2] =	stream.linear.gather [hbm4b:s5+s4], $0x100, $0x38;
	[tilespmem:$0x1F580] =	vst v63  }
0xb7: {  	_ = 	snop  }
0xb8: {  	[spmem:s2] =	stream.indirect.scatter.add.f32 [tilespmem:s11], [sflag:$0x8], $0x80, s24, s8, $0xb8;
	[tilespmem:$0x1F580] =	vst v63  }
0xb9: {  	v2 =	vld [tilespmem:$0x380];
	_ =	sdelay $0x7  }
0xba: {  	[tilespmem:v2+s17+$0x0] =	vst.idx.add.f32.msk $0xffff, v1  }
0xbb: {  	v2 =	vld [tilespmem:$0x390];
	_ =	sdelay $0x7  }
0xbc: {  	[tilespmem:v2+s17+$0x0] =	vst.idx.add.f32.msk $0xffff, v1  }
0xbd: {  	v2 =	vld [tilespmem:$0x3A0];
	_ =	sdelay $0x7  }
0xbe: {  	[tilespmem:v2+s17+$0x0] =	vst.idx.add.f32.msk $0xffff, v1  }
0xbf: {  	v2 =	vld [tilespmem:$0x3B0];
	_ =	sdelay $0x7  }
0xc0: {  	[tilespmem:v2+s17+$0x0] =	vst.idx.add.f32.msk $0xffff, v1  }
0xc1: {  	v2 =	vld [tilespmem:$0x3C0];
	_ =	sdelay $0x7  }
0xc2: {  	[tilespmem:v2+s17+$0x0] =	vst.idx.add.f32.msk $0xffff, v1  }
0xc3: {  	v2 =	vld [tilespmem:$0x3D0];
	_ =	sdelay $0x7  }
0xc4: {  	[tilespmem:v2+s17+$0x0] =	vst.idx.add.f32.msk $0xffff, v1  }
0xc5: {  	_ =	swait.ge [sflag:s25], $0x3000  }
0xc6: {  	[sflag:s25] =	ssyncset.done $0x0  }
0xc7: {  	[sflag:s25] =	ssyncadd.s32 $0xFFFFD000  }
0xc8: {  	_ =	swait.ge [sflag:s26], $0x3000  }
0xc9: {  	[sflag:s26] =	ssyncset.done $0x0  }
0xca: {  	[sflag:s26] =	ssyncadd.s32 $0xFFFFD000  }
0xcb: {  	_ =	swait.ge [sflag:s10], $0x100  }
0xcc: {  	[sflag:s10] =	ssyncset.done $0x0  }
0xcd: {  	[sflag:s10] =	ssyncadd.s32 $0xFFFFFF00  }
0xce: {  	[tilespmem:s11], [sflag:$0x5] =	stream.indirect.gather [hbm4b:s1+s8], $0x80, s0, s8, $0xb8;
	[tilespmem:$0x1F580] =	vst v63  }
0xcf: {  	v2 =	vld [tilespmem:$0x280]  }
0xd0: {  	v3 =	vld [tilespmem:$0x290]  }
0xd1: {  	v58 =	vld [tilespmem:$0x2A0]  }
0xd2: {  	v59 =	vld [tilespmem:$0x2B0]  }
0xd3: {  	v60 =	vld [tilespmem:$0x2C0]  }
0xd4: {  	[tilespmem:$0x400] =	vst v2;
	v2 =	vld [tilespmem:$0x2D0]  }
0xd5: {  	[tilespmem:$0x410] =	vst v3  }
0xd6: {  	[tilespmem:$0x420] =	vst v58  }
0xd7: {  	[tilespmem:$0x430] =	vst v59  }
0xd8: {  	[tilespmem:$0x440] =	vst v60  }
0xd9: {  	s15 =	sadd.s32 s23, s21;
	[tilespmem:$0x450] =	vst v2  }
0xda: {  	[tilespmem:s3], [sflag:$0x3] =	stream.linear.gather [hbm4b:s15+s4], $0x100, $0x38;
	[tilespmem:$0x1F580] =	vst v63  }
0xdb: {  	_ = 	snop  }
0xdc: {  	[spmem:s2] =	stream.indirect.scatter.add.f32 [tilespmem:s14], [sflag:$0x9], $0x80, s28, s8, $0xb8;
	[tilespmem:$0x1F580] =	vst v63  }
0xdd: {  	v2 =	vld [tilespmem:$0x400];
	_ =	sdelay $0x7  }
0xde: {  	[tilespmem:v2+s17+$0x0] =	vst.idx.add.f32.msk $0xffff, v1  }
0xdf: {  	v2 =	vld [tilespmem:$0x410];
	_ =	sdelay $0x7  }
0xe0: {  	[tilespmem:v2+s17+$0x0] =	vst.idx.add.f32.msk $0xffff, v1  }
0xe1: {  	v2 =	vld [tilespmem:$0x420];
	_ =	sdelay $0x7  }
0xe2: {  	[tilespmem:v2+s17+$0x0] =	vst.idx.add.f32.msk $0xffff, v1  }
0xe3: {  	v2 =	vld [tilespmem:$0x430];
	_ =	sdelay $0x7  }
0xe4: {  	[tilespmem:v2+s17+$0x0] =	vst.idx.add.f32.msk $0xffff, v1  }
0xe5: {  	v2 =	vld [tilespmem:$0x440];
	_ =	sdelay $0x7  }
0xe6: {  	[tilespmem:v2+s17+$0x0] =	vst.idx.add.f32.msk $0xffff, v1  }
0xe7: {  	v2 =	vld [tilespmem:$0x450];
	_ =	sdelay $0x7  }
0xe8: {  	[tilespmem:v2+s17+$0x0] =	vst.idx.add.f32.msk $0xffff, v1  }
0xe9: {  	_ =	swait.ge [sflag:s12], $0x3000  }
0xea: {  	[sflag:s12] =	ssyncset.done $0x0  }
0xeb: {  	[sflag:s12] =	ssyncadd.s32 $0xFFFFD000  }
0xec: {  	_ =	swait.ge [sflag:s29], $0x3000  }
0xed: {  	[sflag:s29] =	ssyncset.done $0x0  }
0xee: {  	[sflag:s29] =	ssyncadd.s32 $0xFFFFD000  }
0xef: {  	_ =	swait.ge [sflag:s13], $0x100  }
0xf0: {  	[sflag:s13] =	ssyncset.done $0x0  }
0xf1: {  	[sflag:s13] =	ssyncadd.s32 $0xFFFFFF00  }
0xf2: {  	[tilespmem:s14], [sflag:$0x6] =	stream.indirect.gather [hbm4b:s1+s8], $0x80, s3, s8, $0xb8;
	[tilespmem:$0x1F580] =	vst v63  }
0xf3: {  	v2 =	vld [tilespmem:$0x80]  }
0xf4: {  	v3 =	vld [tilespmem:$0x90]  }
0xf5: {  	v61 =	vld [tilespmem:$0xA0]  }
0xf6: {  	v62 =	vld [tilespmem:$0xB0]  }
0xf7: {  	v63 =	vld [tilespmem:$0xC0]  }
0xf8: {  	[tilespmem:$0x300] =	vst v2;
	v2 =	vld [tilespmem:$0xD0]  }
0xf9: {  	[tilespmem:$0x310] =	vst v3  }
0xfa: {  	[tilespmem:$0x320] =	vst v61  }
0xfb: {  	[tilespmem:$0x330] =	vst v62  }
0xfc: {  	[tilespmem:$0x340] =	vst v63  }
0xfd: {  	s15 =	sadd.s32 s23, s20;
	[tilespmem:$0x350] =	vst v2  }
0xfe: {  	[tilespmem:s4], [sflag:$0x1] =	stream.linear.gather [hbm4b:s15+s4], $0x100, $0x38;
	[tilespmem:$0x1F580] =	vst v63  }
0xff: {  	_ = 	snop  }
0x100: {  	[spmem:s2] =	stream.indirect.scatter.add.f32 [tilespmem:s9], [sflag:$0x7], $0x80, s16, s8, $0xb8;
	[tilespmem:$0x1F580] =	vst v63  }
0x101: {  	v2 =	vld [tilespmem:$0x300];
	_ =	sdelay $0x7  }
0x102: {  	[tilespmem:v2+s17+$0x0] =	vst.idx.add.f32.msk $0xffff, v1  }
0x103: {  	v2 =	vld [tilespmem:$0x310];
	_ =	sdelay $0x7  }
0x104: {  	[tilespmem:v2+s17+$0x0] =	vst.idx.add.f32.msk $0xffff, v1  }
0x105: {  	v2 =	vld [tilespmem:$0x320];
	_ =	sdelay $0x7  }
0x106: {  	[tilespmem:v2+s17+$0x0] =	vst.idx.add.f32.msk $0xffff, v1  }
0x107: {  	v2 =	vld [tilespmem:$0x330];
	_ =	sdelay $0x7  }
0x108: {  	[tilespmem:v2+s17+$0x0] =	vst.idx.add.f32.msk $0xffff, v1  }
0x109: {  	v2 =	vld [tilespmem:$0x340];
	_ =	sdelay $0x7  }
0x10a: {  	[tilespmem:v2+s17+$0x0] =	vst.idx.add.f32.msk $0xffff, v1  }
0x10b: {  	v2 =	vld [tilespmem:$0x350];
	_ =	sdelay $0x2  }
0x10c: {  	p1 =	sne.s32 s23, $0xC00  }
.Ltmp2:
0x10d: {  	_ = 	snop;
	(pc) =	sbr.rel @p1 .LBB2_6-.Ltmp2, $2  }
0x10e: {  	_ =	sdelay $0x2  }
0x10f: {  	s23 =	sadd.s32 $0x60, s23;
	[tilespmem:v2+s17+$0x0] =	vst.idx.add.f32.msk $0xffff, v1  }
0x110: {  	_ =	swait.ge [sflag:s18], $0x3000  }
0x111: {  	[sflag:s18] =	ssyncset.done $0x0  }
0x112: {  	[sflag:s18] =	ssyncadd.s32 $0xFFFFD000  }
0x113: {  	_ =	swait.ge [sflag:s19], $0x3000  }
0x114: {  	[sflag:s19] =	ssyncset.done $0x0  }
0x115: {  	[sflag:s19] =	ssyncadd.s32 $0xFFFFD000  }
0x116: {  	_ =	swait.ge [sflag:s7], $0x100  }
0x117: {  	[sflag:s7] =	ssyncset.done $0x0  }
0x118: {  	[sflag:s7] =	ssyncadd.s32 $0xFFFFFF00  }
0x119: {  	[tilespmem:s9], [sflag:$0x4] =	stream.indirect.gather [hbm4b:s1+s8], $0x80, s4, s8, $0xb8;
	[tilespmem:$0x1F580] =	vst v63  }
0x11a: {  	v2 =	vld [tilespmem:$0x180]  }
0x11b: {  	v3 =	vld [tilespmem:$0x190]  }
0x11c: {  	v4 =	vld [tilespmem:$0x1A0]  }
0x11d: {  	v5 =	vld [tilespmem:$0x1B0]  }
0x11e: {  	v6 =	vld [tilespmem:$0x1C0]  }
0x11f: {  	[tilespmem:$0x380] =	vst v2;
	v2 =	vld [tilespmem:$0x1D0]  }
0x120: {  	[tilespmem:$0x390] =	vst v3  }
0x121: {  	[tilespmem:$0x3A0] =	vst v4  }
0x122: {  	[tilespmem:$0x3B0] =	vst v5  }
0x123: {  	[tilespmem:$0x3C0] =	vst v6  }
0x124: {  	s5 =	rddreg [dreg:$0x1a];
	[tilespmem:$0x3D0] =	vst v2  }
0x125: {  	[tilespmem:s0], [sflag:$0x2] =	stream.linear.gather [hbm4b:s5+s4], $0x100, $0x38;
	[tilespmem:$0x1F580] =	vst v63  }
0x126: {  	_ = 	snop  }
0x127: {  	[spmem:s2] =	stream.indirect.scatter.add.f32 [tilespmem:s11], [sflag:$0x8], $0x80, s24, s8, $0xb8;
	[tilespmem:$0x1F580] =	vst v63  }
0x128: {  	v2 =	vld [tilespmem:$0x380];
	_ =	sdelay $0x7  }
0x129: {  	[tilespmem:v2+s17+$0x0] =	vst.idx.add.f32.msk $0xffff, v1  }
0x12a: {  	v2 =	vld [tilespmem:$0x390];
	_ =	sdelay $0x7  }
0x12b: {  	[tilespmem:v2+s17+$0x0] =	vst.idx.add.f32.msk $0xffff, v1  }
0x12c: {  	v2 =	vld [tilespmem:$0x3A0];
	_ =	sdelay $0x7  }
0x12d: {  	[tilespmem:v2+s17+$0x0] =	vst.idx.add.f32.msk $0xffff, v1  }
0x12e: {  	v2 =	vld [tilespmem:$0x3B0];
	_ =	sdelay $0x7  }
0x12f: {  	[tilespmem:v2+s17+$0x0] =	vst.idx.add.f32.msk $0xffff, v1  }
0x130: {  	v2 =	vld [tilespmem:$0x3C0];
	_ =	sdelay $0x7  }
0x131: {  	[tilespmem:v2+s17+$0x0] =	vst.idx.add.f32.msk $0xffff, v1  }
0x132: {  	v2 =	vld [tilespmem:$0x3D0];
	_ =	sdelay $0x7  }
0x133: {  	[tilespmem:v2+s17+$0x0] =	vst.idx.add.f32.msk $0xffff, v1  }
0x134: {  	_ =	swait.ge [sflag:s25], $0x3000  }
0x135: {  	[sflag:s25] =	ssyncset.done $0x0  }
0x136: {  	[sflag:s25] =	ssyncadd.s32 $0xFFFFD000  }
0x137: {  	_ =	swait.ge [sflag:s26], $0x3000  }
0x138: {  	[sflag:s26] =	ssyncset.done $0x0  }
0x139: {  	[sflag:s26] =	ssyncadd.s32 $0xFFFFD000  }
0x13a: {  	_ =	swait.ge [sflag:s10], $0x100  }
0x13b: {  	[sflag:s10] =	ssyncset.done $0x0  }
0x13c: {  	[sflag:s10] =	ssyncadd.s32 $0xFFFFFF00  }
0x13d: {  	[tilespmem:s11], [sflag:$0x5] =	stream.indirect.gather [hbm4b:s1+s8], $0x80, s0, s8, $0xb8;
	[tilespmem:$0x1F580] =	vst v63  }
0x13e: {  	v2 =	vld [tilespmem:$0x280]  }
0x13f: {  	v3 =	vld [tilespmem:$0x290]  }
0x140: {  	v55 =	vld [tilespmem:$0x2A0]  }
0x141: {  	v56 =	vld [tilespmem:$0x2B0]  }
0x142: {  	v57 =	vld [tilespmem:$0x2C0]  }
0x143: {  	[tilespmem:$0x400] =	vst v2;
	v2 =	vld [tilespmem:$0x2D0]  }
0x144: {  	[tilespmem:$0x410] =	vst v3  }
0x145: {  	[tilespmem:$0x420] =	vst v55  }
0x146: {  	[tilespmem:$0x430] =	vst v56  }
0x147: {  	[tilespmem:$0x440] =	vst v57  }
0x148: {  	[tilespmem:$0x450] =	vst v2  }
0x149: {  	[spmem:s2] =	stream.indirect.scatter.add.f32 [tilespmem:s14], [sflag:$0x9], $0x80, s28, s8, $0xb8;
	[tilespmem:$0x1F580] =	vst v63  }
0x14a: {  	v2 =	vld [tilespmem:$0x400];
	_ =	sdelay $0x7  }
0x14b: {  	[tilespmem:v2+s17+$0x0] =	vst.idx.add.f32.msk $0xffff, v1  }
0x14c: {  	v2 =	vld [tilespmem:$0x410];
	_ =	sdelay $0x7  }
0x14d: {  	[tilespmem:v2+s17+$0x0] =	vst.idx.add.f32.msk $0xffff, v1  }
0x14e: {  	v2 =	vld [tilespmem:$0x420];
	_ =	sdelay $0x7  }
0x14f: {  	[tilespmem:v2+s17+$0x0] =	vst.idx.add.f32.msk $0xffff, v1  }
0x150: {  	v2 =	vld [tilespmem:$0x430];
	_ =	sdelay $0x7  }
0x151: {  	[tilespmem:v2+s17+$0x0] =	vst.idx.add.f32.msk $0xffff, v1  }
0x152: {  	v2 =	vld [tilespmem:$0x440];
	_ =	sdelay $0x7  }
0x153: {  	[tilespmem:v2+s17+$0x0] =	vst.idx.add.f32.msk $0xffff, v1  }
0x154: {  	v2 =	vld [tilespmem:$0x450];
	_ =	sdelay $0x7  }
0x155: {  	[tilespmem:v2+s17+$0x0] =	vst.idx.add.f32.msk $0xffff, v1  }
0x156: {  	_ =	swait.ge [sflag:s12], $0x3000  }
0x157: {  	[sflag:s12] =	ssyncset.done $0x0  }
0x158: {  	[sflag:s12] =	ssyncadd.s32 $0xFFFFD000  }
0x159: {  	_ =	swait.ge [sflag:s29], $0x3000  }
0x15a: {  	[sflag:s29] =	ssyncset.done $0x0  }
0x15b: {  	[sflag:s29] =	ssyncadd.s32 $0xFFFFD000  }
0x15c: {  	v2 =	vld [tilespmem:$0x80]  }
0x15d: {  	v3 =	vld [tilespmem:$0x90]  }
0x15e: {  	v58 =	vld [tilespmem:$0xA0]  }
0x15f: {  	v59 =	vld [tilespmem:$0xB0]  }
0x160: {  	v60 =	vld [tilespmem:$0xC0]  }
0x161: {  	[tilespmem:$0x300] =	vst v2;
	v2 =	vld [tilespmem:$0xD0]  }
0x162: {  	[tilespmem:$0x310] =	vst v3  }
0x163: {  	[tilespmem:$0x320] =	vst v58  }
0x164: {  	[tilespmem:$0x330] =	vst v59  }
0x165: {  	[tilespmem:$0x340] =	vst v60  }
0x166: {  	[tilespmem:$0x350] =	vst v2  }
0x167: {  	[spmem:s2] =	stream.indirect.scatter.add.f32 [tilespmem:s9], [sflag:$0x7], $0x80, s16, s8, $0xb8;
	[tilespmem:$0x1F580] =	vst v63  }
0x168: {  	v2 =	vld [tilespmem:$0x300];
	_ =	sdelay $0x7  }
0x169: {  	[tilespmem:v2+s17+$0x0] =	vst.idx.add.f32.msk $0xffff, v1  }
0x16a: {  	v2 =	vld [tilespmem:$0x310];
	_ =	sdelay $0x7  }
0x16b: {  	[tilespmem:v2+s17+$0x0] =	vst.idx.add.f32.msk $0xffff, v1  }
0x16c: {  	v2 =	vld [tilespmem:$0x320];
	_ =	sdelay $0x7  }
0x16d: {  	[tilespmem:v2+s17+$0x0] =	vst.idx.add.f32.msk $0xffff, v1  }
0x16e: {  	v2 =	vld [tilespmem:$0x330];
	_ =	sdelay $0x7  }
0x16f: {  	[tilespmem:v2+s17+$0x0] =	vst.idx.add.f32.msk $0xffff, v1  }
0x170: {  	v2 =	vld [tilespmem:$0x340];
	_ =	sdelay $0x7  }
0x171: {  	[tilespmem:v2+s17+$0x0] =	vst.idx.add.f32.msk $0xffff, v1  }
0x172: {  	v2 =	vld [tilespmem:$0x350];
	_ =	sdelay $0x7  }
0x173: {  	[tilespmem:v2+s17+$0x0] =	vst.idx.add.f32.msk $0xffff, v1  }
0x174: {  	_ =	swait.ge [sflag:s18], $0x3000  }
0x175: {  	[sflag:s18] =	ssyncset.done $0x0  }
0x176: {  	[sflag:s18] =	ssyncadd.s32 $0xFFFFD000  }
0x177: {  	_ =	swait.ge [sflag:s19], $0x3000  }
0x178: {  	[sflag:s19] =	ssyncset.done $0x0  }
0x179: {  	[sflag:s19] =	ssyncadd.s32 $0xFFFFD000  }
0x17a: {  	v2 =	vld [tilespmem:$0x180]  }
0x17b: {  	v3 =	vld [tilespmem:$0x190]  }
0x17c: {  	v61 =	vld [tilespmem:$0x1A0]  }
0x17d: {  	v62 =	vld [tilespmem:$0x1B0]  }
0x17e: {  	v63 =	vld [tilespmem:$0x1C0]  }
0x17f: {  	[tilespmem:$0x380] =	vst v2;
	v2 =	vld [tilespmem:$0x1D0]  }
0x180: {  	[tilespmem:$0x390] =	vst v3  }
0x181: {  	[tilespmem:$0x3A0] =	vst v61  }
0x182: {  	[tilespmem:$0x3B0] =	vst v62  }
0x183: {  	[tilespmem:$0x3C0] =	vst v63  }
0x184: {  	[tilespmem:$0x3D0] =	vst v2  }
0x185: {  	[spmem:s2] =	stream.indirect.scatter.add.f32 [tilespmem:s11], [sflag:$0x8], $0x80, s24, s8, $0xb8;
	[tilespmem:$0x1F580] =	vst v63  }
0x186: {  	v2 =	vld [tilespmem:$0x380];
	_ =	sdelay $0x7  }
0x187: {  	[tilespmem:v2+s17+$0x0] =	vst.idx.add.f32.msk $0xffff, v1  }
0x188: {  	v2 =	vld [tilespmem:$0x390];
	_ =	sdelay $0x7  }
0x189: {  	[tilespmem:v2+s17+$0x0] =	vst.idx.add.f32.msk $0xffff, v1  }
0x18a: {  	v2 =	vld [tilespmem:$0x3A0];
	_ =	sdelay $0x7  }
0x18b: {  	[tilespmem:v2+s17+$0x0] =	vst.idx.add.f32.msk $0xffff, v1  }
0x18c: {  	v2 =	vld [tilespmem:$0x3B0];
	_ =	sdelay $0x7  }
0x18d: {  	[tilespmem:v2+s17+$0x0] =	vst.idx.add.f32.msk $0xffff, v1  }
0x18e: {  	v2 =	vld [tilespmem:$0x3C0];
	_ =	sdelay $0x7  }
0x18f: {  	[tilespmem:v2+s17+$0x0] =	vst.idx.add.f32.msk $0xffff, v1  }
0x190: {  	v2 =	vld [tilespmem:$0x3D0];
	_ =	sdelay $0x7  }
0x191: {  	[tilespmem:v2+s17+$0x0] =	vst.idx.add.f32.msk $0xffff, v1  }
0x192: {  	_ =	swait.ge [sflag:s26], $0x3000  }
0x193: {  	[sflag:s26] =	ssyncset.done $0x0  }
0x194: {  	s15 =	simm.s32 $0x1F480;
	s23 =	rddreg [dreg:$0x11];
	[sflag:s26] =	ssyncadd.s32 $0xFFFFD000  }
0x195: {  	[tilespmem:s15], [sflag:$0xA] =	stream.linear.gather [hbm4b:s23+s4], $0x100, $0x38;
	[tilespmem:$0x1F580] =	vst v63  }
0x196: {  	_ =	swait.ge [sflag:s31], $0x100  }
0x197: {  	[sflag:s31] =	ssyncset.done $0x0  }
0x198: {  	s5 =	simm.s32 $0x10;
	[sflag:s31] =	ssyncadd.s32 $0xFFFFFF00  }
0x199: {  	[tilespmem:s9], [sflag:$0xA] =	stream.indirect.gather [hbm4b:s1+s5], $0x80, s15, s5, $0xb8;
	[tilespmem:$0x1F580] =	vst v63  }
0x19a: {  	_ =	swait.ge [sflag:s31], $0x800  }
0x19b: {  	[sflag:s31] =	ssyncset.done $0x0  }
0x19c: {  	s23 =	simm.s32 $0x1F500;
	[sflag:s31] =	ssyncadd.s32 $0xFFFFF800  }
0x19d: {  	[spmem:s2] =	stream.indirect.scatter.add.f32 [tilespmem:s9], [sflag:$0xA], $0x80, s23, s5, $0xb8;
	[tilespmem:$0x1F580] =	vst v63  }
0x19e: {  	_ =	swait.ge [sflag:s31], $0x800  }
0x19f: {  	[sflag:s31] =	ssyncset.done $0x0  }
0x1a0: {  	[sflag:s31] =	ssyncadd.s32 $0xFFFFF800  }
0x1a1: {  	v2 =	vld [tilespmem:$0x1F500];
	_ =	sdelay $0x7  }
0x1a2: {  	[tilespmem:v2+s17+$0x0] =	vst.idx.add.f32.msk $0xffff, v1  }
0x1a3: {  	[bflag:$0x0] =	sbarrier.arrive $0xFFFF  }
0x1a4: {  	s5 =	rddreg [dreg:$0x13]  }
0x1a5: {  	s15 =	rddreg [dreg:$0xe]  }
0x1a6: {  	s5 =	sadd.s32 @p0 $0x25080, s5;
	s23 =	sshrl.u32 @p0 s15, $0x3;
	s15 =	simm.s32 @p0 $0x1FCA  }
0x1a7: {  	[hbm:s5], [sflag:s15] =	dma.local @p0 [spmem:s23], $0x2080  }
0x1a8: {  	s5 =	simm.s32 @p0 $0xA  }
0x1a9: {  	s15 =	stileid.u32;
	_ =	swait.ge @p0 [sflag:s5], $0x2080  }
0x1aa: {  	s15 =	sshll.u32 @!p0 s15, $0x6;
	[sflag:s5] =	ssyncset.done @p0 $0x0;
	s23 =	rddreg [dreg:$0x15]  }
0x1ab: {  	[sflag:s5] =	ssyncadd.s32 @p0 $0xFFFFDF80;
	s5 =	sor.u32 @!p0 $0x1C0A, s15;
	s15 =	sshrl.u32 @!p0 s6, $0x3  }
0x1ac: {  	[hbm:s23], [sflag:s5] =	dma.local @!p0 [spmem:s15], $0x2780  }
0x1ad: {  	s5 =	simm.s32 @!p0 $0xA  }
0x1ae: {  	_ =	swait.ge @!p0 [sflag:s5], $0x2780  }
0x1af: {  	[sflag:s5] =	ssyncset.done @!p0 $0x0  }
0x1b0: {  	s15 =	rddreg [dreg:$0x12];
	[sflag:s5] =	ssyncadd.s32 @!p0 $0xFFFFD880  }
0x1b1: {  	[hbm4b:s15+s4] =	stream.linear.scatter [tilespmem:s17], [sflag:$0xA], $0x2780, $0x38;
	[tilespmem:$0x1F580] =	vst v63  }
0x1b2: {  	_ =	swait.ge [sflag:s31], $0x2780  }
0x1b3: {  	s30 =	sadd.s32 $0x1, s30;
	s23 =	rddreg [dreg:$0x14]  }
0x1b4: {  	p1 =	sne.s32 s30, s23  }
.Ltmp3:
0x1b5: {  	_ = 	snop;
	(pc) =	sbr.rel @p1 .LBB2_1-.Ltmp3, $3  }
0x1b6: {  	_ =	sdelay $0x1  }
0x1b7: {  	[sflag:s31] =	ssyncset.done $0x0  }
0x1b8: {  	[sflag:s31] =	ssyncadd.s32 $0xFFFFD880  }
0x1b9: {  	_ =	sfence.sel $0x180000  }
0x1ba: {  	[bflag:$0x0] =	sbarrier.arrive $0xFFFF  }
0x1bb: {  	_ =	strace $0x90000047  }
0x1bc: {  	s0 =	stileid.u32;
	[bflag:$0x2] =	sbarrier.arrive $0xFFFF  }
0x1bd: {  	p0 =	sne.s32 s0, $0x0;
	s0 =	rddreg [dreg:$0x4]  }
0x1be: {  	s0 =	sadd.s32 @!p0 $0x100000, s0  }
0x1bf: {  	[sflag:s0] =	ssyncadd.tile.s32 @!p0 $0x1;
	_ =	shalt  }
.Lfunc_end2:
_tile_overlayer_lowered:
.L_overlay_start_2:
0x1c0: {  	(tag) =	ssettag $0x2  }
0x1c1: {  	s0 =	rddreg [dreg:$0x0];
	s2 =	stileid.u32  }
0x1c2: {  	s1 =	rddreg [dreg:$0x1];
	p0 =	sne.s32 s2, $0x0  }
0x1c3: {  	s3 =	rddreg [dreg:$0x2];
	[bflag:$0x3] =	sbarrier.arrive $0xFFFF;
	s2 =	simm.s32 @!p0 $0x1C0A  }
0x1c4: {  	[timem:s3], [sflag:s2] =	dma.local @!p0 [hbm:s0], s1  }
0x1c5: {  	s0 =	simm.s32 @!p0 $0xA  }
0x1c6: {  	_ =	swait.ge @!p0 [sflag:s0], s1  }
0x1c7: {  	s1 =	ssub.s32 @!p0 $0x0, s1;
	[sflag:s0] =	ssyncset.done @!p0 $0x0  }
0x1c8: {  	[sflag:s0] =	ssyncadd.s32 @!p0 s1  }
0x1c9: {  	[bflag:$0x3] =	sbarrier.arrive $0xFFFF  }
0x1ca: {  	_ =	shalt  }

// kernel: kernel.9.cloned.1.call-start
scs
__scs_entry_jumppad:
0x0: {  	(pc) =	sbr.rel $0x88, $3  }
0x1: {  	(tag) =	ssettag $0x0;
	lr =	simm.s32 $0x1  }
0x2: {  	[smem:$0x3F97] =	sst lr;
	_ =	strace $0xD0000000  }
0x3: {  	_ = 	snop  }
0x4: {  	_ = 	snop  }
0x5: {  	_ = 	snop  }
0x6: {  	_ = 	snop  }
0x7: {  	_ = 	snop  }
__scs_overlays_trampoline_lowered:
0x8: {  	[smem:$0x3FA6] =	sst s0  }
0x9: {  	[smem:$0x3FA7] =	sst s1  }
0xa: {  	[smem:$0x3FA8] =	sst s2  }
0xb: {  	[smem:$0x3FA9] =	sst s3  }
0xc: {  	[smem:$0x3FAA] =	sst s4  }
0xd: {  	[smem:$0x3FAB] =	sst s5  }
0xe: {  	[smem:$0x3FAC] =	sst s6  }
0xf: {  	[smem:$0x3FAD] =	sst s7  }
0x10: {  	[smem:$0x3FAE] =	sst s8  }
0x11: {  	[smem:$0x3FAF] =	sst s9;
	s0 =	simm.s32 @!p0 $0x0  }
0x12: {  	s1 =	sld [smem:$0x3F95];
	s0 =	simm.s32 @p0 $0x1  }
0x13: {  	[smem:$0x3FB0] =	sst s0;
	s0 =	simm.s32 @!p1 $0x0  }
0x14: {  	s2 =	sld [smem:$0x3F94];
	s0 =	simm.s32 @p1 $0x1  }
0x15: {  	[smem:$0x3FB1] =	sst s0;
	s0 =	simm.s32 @!p2 $0x0  }
0x16: {  	s3 =	sld [smem:$0x3FDB];
	s0 =	simm.s32 @p2 $0x1  }
0x17: {  	s4 =	simm.s32 $0x1BF5;
	[smem:$0x3FB3] =	sst s0  }
0x18: {  	s0 =	sld [smem:$0x3F96];
	_ =	swait.ge [sflag:s4], $0x0  }
0x19: {  	s7 =	sld [smem:$0x3F97]  }
0x1a: {  	s8 =	sadd.s32 $0xFFFFE003, lr  }
0x1b: {  	s9 =	sadd.s32 $0xFFFFFEF7, lr;
	s5 =	simm.s32 $0xFFFFFFFF;
	p2 =	slt.u32 s8, $0xFFFFF086  }
0x1c: {  	p1 =	slt.u32 s9, $0xF7A;
	s5 =	simm.s32 @!p2 $0x0  }
0x1d: {  	s5 =	simm.s32 @p1 $0x1;
	p0 =	seq.s32 s7, s2  }
0x1e: {  	s7 =	smul.u32 @!p0 $0xF7A, s2;
	p2 =	seq.s32 @!p0 s5, $0x0  }
0x1f: {  	s9 =	smul.u32 $0xF7A, s1;
	s8 =	simm.s32 @!p0 $0x1BF5;
	p2 =	por !p2, p0  }
0x20: {  	[sflag:s8] =	ssyncset.s32 @!p0 $0xFFFFF086;
	s6 =	sadd.s32 @!p0 s3, s7;
	s7 =	simm.s32 @!p0 $0x108  }
0x21: {  	s3 =	sadd.s32 s3, s9;
	s6 =	sadd.s32 @!p0 $0x88, s6;
	s7 =	simm.s32 @p2 $0x1082  }
0x22: {  	[simem:s7], [sflag:s8] =	dma.local @!p0 [hbm:s6], $0xF7A  }
0x23: {  	s9 =	sor.u32 $0xD0000000, s2;
	s6 =	simm.s32 $0x108;
	_ =	swait.ge @!p0 [sflag:s8], $0x0  }
0x24: {  	s3 =	sadd.s32 $0x88, s3;
	s6 =	simm.s32 @!p1 $0x1082;
	[sflag:s4] =	ssyncset.s32 $0xFFFFF086  }
0x25: {  	[simem:s6], [sflag:s4] =	dma.local [hbm:s3], $0xF7A  }
0x26: {  	[smem:$0x3F97] =	sst s1;
	(tag) =	ssettag s2;
	_ =	strace s9  }
0x27: {  	s1 =	sld [smem:$0x3FA7]  }
0x28: {  	s2 =	sld [smem:$0x3FA8]  }
0x29: {  	s4 =	sld [smem:$0x3FAA]  }
0x2a: {  	p0 =	seq.s32 s5, $0x0;
	s5 =	sld [smem:$0x3FAB]  }
0x2b: {  	s6 =	sld [smem:$0x3FAC]  }
0x2c: {  	s7 =	sld [smem:$0x3FAD]  }
0x2d: {  	s3 =	simm.s32 $0x108;
	s8 =	sld [smem:$0x3FAE]  }
0x2e: {  	s3 =	simm.s32 @!p0 $0x1082;
	s9 =	sld [smem:$0x3FAF]  }
0x2f: {  	lr =	sadd.s32 s0, s3;
	s0 =	sld [smem:$0x3FA6]  }
0x30: {  	s3 =	sld [smem:$0x3FA9]  }
0x31: {  	[smem:$0x3FB2] =	sst s10  }
0x32: {  	s10 =	sld [smem:$0x3FB0];
	_ =	sdelay $0x3  }
0x33: {  	p0 =	seq.s32 s10, $0x1;
	s10 =	sld [smem:$0x3FB2];
	_ =	sdelay $0x3  }
0x34: {  	[smem:$0x3FB2] =	sst s10  }
0x35: {  	s10 =	sld [smem:$0x3FB1];
	_ =	sdelay $0x3  }
0x36: {  	p1 =	seq.s32 s10, $0x1;
	s10 =	sld [smem:$0x3FB2];
	_ =	sdelay $0x3  }
0x37: {  	[smem:$0x3FB2] =	sst s10  }
0x38: {  	s10 =	sld [smem:$0x3FB3]  }
0x39: {  	_ = 	snop;
	(pc) =	sbr.ind lr, $3  }
0x3a: {  	_ = 	snop  }
0x3b: {  	_ = 	snop  }
0x3c: {  	p2 =	seq.s32 s10, $0x1;
	s10 =	sld [smem:$0x3FB2]  }
0x3d: {  	_ =	shalt  }
0x3e: {  	_ =	shalt  }
0x3f: {  	_ =	shalt  }
0x40: {  	_ =	shalt  }
0x41: {  	_ =	shalt  }
0x42: {  	_ =	shalt  }
0x43: {  	_ =	shalt  }
0x44: {  	_ =	shalt  }
0x45: {  	_ =	shalt  }
0x46: {  	_ =	shalt  }
0x47: {  	_ =	shalt  }
0x48: {  	_ =	shalt  }
0x49: {  	_ =	shalt  }
0x4a: {  	_ =	shalt  }
0x4b: {  	_ =	shalt  }
0x4c: {  	_ =	shalt  }
0x4d: {  	_ =	shalt  }
0x4e: {  	_ =	shalt  }
0x4f: {  	_ =	shalt  }
0x50: {  	_ =	shalt  }
0x51: {  	_ =	shalt  }
0x52: {  	_ =	shalt  }
0x53: {  	_ =	shalt  }
0x54: {  	_ =	shalt  }
0x55: {  	_ =	shalt  }
0x56: {  	_ =	shalt  }
0x57: {  	_ =	shalt  }
0x58: {  	_ =	shalt  }
0x59: {  	_ =	shalt  }
0x5a: {  	_ =	shalt  }
0x5b: {  	_ =	shalt  }
0x5c: {  	_ =	shalt  }
0x5d: {  	_ =	shalt  }
0x5e: {  	_ =	shalt  }
0x5f: {  	_ =	shalt  }
0x60: {  	_ =	shalt  }
0x61: {  	_ =	shalt  }
0x62: {  	_ =	shalt  }
0x63: {  	_ =	shalt  }
0x64: {  	_ =	shalt  }
0x65: {  	_ =	shalt  }
0x66: {  	_ =	shalt  }
0x67: {  	_ =	shalt  }
0x68: {  	_ =	shalt  }
0x69: {  	_ =	shalt  }
0x6a: {  	_ =	shalt  }
0x6b: {  	_ =	shalt  }
0x6c: {  	_ =	shalt  }
0x6d: {  	_ =	shalt  }
0x6e: {  	_ =	shalt  }
0x6f: {  	_ =	shalt  }
0x70: {  	_ =	shalt  }
0x71: {  	_ =	shalt  }
0x72: {  	_ =	shalt  }
0x73: {  	_ =	shalt  }
0x74: {  	_ =	shalt  }
0x75: {  	_ =	shalt  }
0x76: {  	_ =	shalt  }
0x77: {  	_ =	shalt  }
0x78: {  	_ =	shalt  }
0x79: {  	_ =	shalt  }
0x7a: {  	_ =	shalt  }
0x7b: {  	_ =	shalt  }
0x7c: {  	_ =	shalt  }
0x7d: {  	_ =	shalt  }
0x7e: {  	_ =	shalt  }
0x7f: {  	_ =	shalt  }
0x80: {  	_ =	shalt  }
0x81: {  	_ =	shalt  }
0x82: {  	_ =	shalt  }
0x83: {  	_ =	shalt  }
0x84: {  	_ =	shalt  }
0x85: {  	_ =	shalt  }
0x86: {  	_ =	shalt  }
0x87: {  	_ =	shalt  }
.Lfunc_end0:
.L_simem_size_0:
called_computation.1_lowered:
.L_overlay_start_0:
0x88: {  	s2 =	sld [smem:$0x3FD9]  }
0x89: {  	s3 =	sld [smem:$0x3FFE];
	_ =	sdelay $0x1  }
0x8a: {  	s1 =	srdreg.scid  }
0x8b: {  	s0 =	sand.u32 $0x1, s1  }
0x8c: {  	s17 =	sshll.u32 s0, $0xA;
	s2 =	sadd.s32 s3, s2  }
0x8d: {  	s2 =	sadd.s32 s2, s17  }
0x8e: {  	[smem:$0x3FBE] =	sst s2  }
0x8f: {  	_ = 	snop  }
0x90: {  	s2 =	sld [smem:$0x3FD0];
	(tm) =	ssettm $0x1  }
0x91: {  	s18 =	sld [smem:$0x3FFB];
	_ =	sdelay $0x3  }
0x92: {  	_ =	strace s18  }
0x93: {  	s3 =	sld [smem:$0x3FFC];
	_ =	sdelay $0x3  }
0x94: {  	_ =	strace s3  }
0x95: {  	s3 =	sld [smem:$0x3FFD];
	_ =	sdelay $0x3  }
0x96: {  	_ =	strace s3  }
0x97: {  	_ =	strace $0x8FFFFFFF  }
0x98: {  	s19 =	sld [smem:$0x3FDB];
	_ =	sdelay $0x1  }
0x99: {  	s4 =	simm.s32 $_scs_section_size  }
0x9a: {  	s5 =	simm.s32 $_size__tile_overlayer_lowered;
	s6 =	simm.s32 $_tile_overlayer_lowered  }
0x9b: {  	s22 =	simm.s32 $0x1BFF;
	s21 =	sshll.u32 s6, $0x1;
	s3 =	sadd.s32 s4, s19  }
0x9c: {  	s7 =	simm.s32 $0x0;
	s20 =	sshll.u32 s5, $0x1;
	s5 =	sadd.s32 s21, s3  }
0x9d: {  	[timem:s7], [sflag:s22] =	dma.local [hbm:s5], s20  }
0x9e: {  	_ =	swait.ge [sflag:s22], s20  }
0x9f: {  	s4 =	ssub.s32 $0x0, s20;
	[sflag:s22] =	ssyncset.done $0x0  }
0xa0: {  	[sflag:s22] =	ssyncadd.s32 s4;
	_ =	sdelay $0x1  }
0xa1: {  	s23 =	simm.s32 $0x1B8B  }
0xa2: {  	_ =	swait.ge [sflag:s23], $0x1  }
0xa3: {  	[sflag:s23] =	ssyncset.done $0x0  }
0xa4: {  	s25 =	simm.s32 $0x1B8E;
	s24 =	sld [smem:$0x3FFE];
	[sflag:s23] =	ssyncadd.s32 $0xFFFFFFFF  }
0xa5: {  	s26 =	simm.s32 $execute0_lowered;
	[smem:$0x3FD2] =	sst s25  }
0xa6: {  	s5 =	sshll.u32 s26, $0x1;
	_ =	strace $0x80000049;
	[dreg:$0x1] =	wrdreg $0xFFFFFFFF  }
0xa7: {  	s28 =	simm.s32 $_size_execute0_lowered;
	s3 =	sadd.s32 s3, s5;
	[dreg:$0x0] =	wrdreg $0x0  }
0xa8: {  	s5 =	sshll.u32 s28, $0x1;
	[dreg:$0x2] =	wrdreg s3  }
0xa9: {  	[dreg:$0x3] =	wrdreg s5  }
0xaa: {  	[dreg:$0x4] =	wrdreg $0xC0  }
0xab: {  	_ =	task [dreg:s7], $0x5FFFF  }
0xac: {  	[dreg:$0x1] =	wrdreg $0xFFFFFFFF  }
0xad: {  	[dreg:$0x0] =	wrdreg $0x60  }
0xae: {  	[dreg:$0x2] =	wrdreg s2  }
0xaf: {  	[dreg:$0x3] =	wrdreg s24  }
0xb0: {  	[dreg:$0x4] =	wrdreg $0x94800  }
0xb1: {  	[dreg:$0x5] =	wrdreg $0x9  }
0xb2: {  	_ =	task.clear_ibuf [dreg:s7], $0x6FFFF;
	_ =	strace $0x90000049  }
0xb3: {  	s29 =	simm.s32 $0x9;
	_ =	strace $0x8000004B  }
0xb4: {  	_ =	swait.ge [sflag:s29], $0x1  }
0xb5: {  	[sflag:s29] =	ssyncadd.s32 $0xFFFFFFFF  }
0xb6: {  	_ =	strace $0x9000004B  }
0xb7: {  	_ =	sfence  }
0xb8: {  	s30 =	sld [smem:$0x0];
	_ =	sdelay $0x2  }
0xb9: {  	s31 =	sshll.u32 s1, $0xD;
	s1 =	sshrl.u32 s1, $0x2  }
0xba: {  	s3 =	sand.u32 $0x4000, s31;
	s1 =	sadd.s32 s1, s30  }
0xbb: {  	s0 =	sor.u32 s3, s0;
	s1 =	sshll.u32 s1, $0x11  }
0xbc: {  	s0 =	sor.u32 s1, s0  }
0xbd: {  	s0 =	sadd.s32 $0x8F2B, s0  }
0xbe: {  	[sflag:s0] =	ssyncadd.remote.s32 $0x1  }
0xbf: {  	_ =	sfence.sel $0xFFFF  }
0xc0: {  	[dreg:$0x0] =	wrdreg $0xFFFFFFFF;
	(pc) =	sbr.abs _section_cstart, $3  }
0xc1: {  	[dreg:$0x1] =	wrdreg $0xFFFFFFFF  }
0xc2: {  	_ =	task.clear_ibuf [dreg:s7], $0x2FFFF;
	_ =	strace $0x9FFFFFFF  }
0xc3: {  	(tm) =	ssettm $0x7FFFFFFF  }
tec
execute0_lowered:
.L_overlay_start_1:
0x0: {  	(tag) =	ssettag $0x1  }
0x1: {  	s1 =	rddreg [dreg:$0x0]  }
0x2: {  	s0 =	rddreg [dreg:$0x1]  }
0x3: {  	s2 =	rddreg [dreg:$0x2];
	s3 =	srdreg.scid  }
0x4: {  	s4 =	simm.s32 $0x0;
	s13 =	stileid.u32;
	s31 =	simm.s32 $0x100  }
0x5: {  	s29 =	simm.s32 $0xA;
	[smem:$0x7FF] =	sst s4;
	s9 =	smul.u32 $0x4F000, s13  }
0x6: {  	s8 =	sadd.s32 $0x3800, s0;
	s17 =	smul.u32 $0x6800, s13;
	s19 =	sadd.s32 $0x128400, s2  }
0x7: {  	s3 =	sand.u32 $0x1, s3;
	s20 =	sadd.s32 $0x12B400, s2;
	s21 =	sadd.s32 $0x12E400, s2  }
0x8: {  	s22 =	sadd.s32 $0x131400, s2;
	_ =	strace $0x8000004A;
	[dreg:$0xd] =	wrdreg s19  }
0x9: {  	p0 =	seq.s32 s13, $0xF;
	s25 =	sadd.s32 $0x134400, s2;
	[dreg:$0xe] =	wrdreg s20  }
0xa: {  	s5 =	sshll.u32 s3, $0x4;
	s6 =	smul.u32 $0x27100, s3;
	[dreg:$0xf] =	wrdreg s21  }
0xb: {  	s26 =	ssub.s32 $0x2, s3;
	s3 =	smul.u32 $0x68000, s3;
	[dreg:$0x10] =	wrdreg s22  }
0xc: {  	[dreg:$0x15] =	wrdreg s25;
	s21 =	simm.s32 $0x380;
	s25 =	simm.s32 $0x400  }
0xd: {  	s22 =	simm.s32 $0x0;
	s5 =	sor.u32 s13, s5;
	s28 =	sshrl.u32 s26, $0x1  }
0xe: {  	s9 =	sshrl.u32 s9, $0x2;
	s7 =	smul.u32 $0x6800, s5;
	s5 =	sshll.u32 s5, $0x5  }
0xf: {  	s11 =	ssub.s32 s26, s28;
	s3 =	sadd.s32 s17, s3;
	s26 =	sadd.s32 $0x137400, s2  }
0x10: {  	s17 =	simm.s32 $0x7;
	s10 =	sadd.s32 s5, s0;
	s0 =	sadd.s32 s6, s0  }
0x11: {  	s6 =	sadd.s32 s9, s2;
	s24 =	smax.u32 s11, $0x1;
	[dreg:$0x16] =	wrdreg s26  }
0x12: {  	s11 =	simm.s32 $0x4;
	s30 =	sadd.s32 $0x3000, s6;
	[dreg:$0x13] =	wrdreg s24  }
0x13: {  	s26 =	simm.s32 $0x9;
	s9 =	sadd.s32 $0x6000, s6;
	[dreg:$0x6] =	wrdreg s30  }
0x14: {  	s7 =	sshrl.u32 s7, $0x3;
	s12 =	sadd.s32 $0x9000, s6;
	[dreg:$0x7] =	wrdreg s9  }
0x15: {  	s14 =	sadd.s32 $0xC000, s6;
	s15 =	sadd.s32 $0xF000, s6;
	[dreg:$0x8] =	wrdreg s12  }
0x16: {  	s16 =	sadd.s32 $0x12000, s6;
	s0 =	sadd.s32 $0x1D800, s0;
	[dreg:$0x9] =	wrdreg s14  }
0x17: {  	s23 =	sadd.s32 $0x3400, s10;
	s10 =	simm.s32 $0x3480;
	[dreg:$0xa] =	wrdreg s15  }
0x18: {  	s24 =	simm.s32 $0x8;
	s5 =	sadd.s32 s8, s7;
	[dreg:$0xb] =	wrdreg s16  }
0x19: {  	s9 =	smul.u32 $0x2780, s13;
	s12 =	sor.u32 $0x500, s3;
	[dreg:$0x12] =	wrdreg s23  }
0x1a: {  	[dreg:$0x11] =	wrdreg s0;
	s13 =	simm.s32 $0x6480;
	s14 =	simm.s32 $0x300  }
0x1b: {  	s16 =	simm.s32 $0x5;
	s23 =	simm.s32 $0x6;
	s7 =	sadd.s32 $0x20, s5  }
0x1c: {  	s18 =	sadd.s32 $0x40, s5;
	s12 =	sshrl.u32 s12, $0x3;
	[dreg:$0x4] =	wrdreg s5  }
0x1d: {  	s28 =	sadd.s32 $0x60, s5;
	s30 =	sadd.s32 $0xCE0, s5;
	[dreg:$0x5] =	wrdreg s7  }
0x1e: {  	[dreg:$0xc] =	wrdreg s18;
	s7 =	sor.u32 $0x600, s3;
	s3 =	sor.u32 $0x400, s3  }
0x1f: {  	s19 =	sadd.s32 s12, s8;
	s0 =	sadd.s32 @!p0 s9, s0;
	[dreg:$0x17] =	wrdreg s28  }
0x20: {  	[dreg:$0x18] =	wrdreg s30;
	s9 =	simm.s32 $0x2;
	s12 =	simm.s32 $0x3  }
0x21: {  	s7 =	sshrl.u32 s7, $0x3;
	s3 =	sshrl.u32 s3, $0x3;
	[dreg:$0x14] =	wrdreg s0  }
0x22: {  	s0 =	simm.s32 $0x200;
	s18 =	sadd.s32 s7, s8;
	s20 =	sadd.s32 s3, s8  }
0x23: {  	v0 =	vimm.f32 $0.0e+00;
	s3 =	simm.s32 $0x1;
	s7 =	simm.s32 $0x60;
	s8 =	simm.s32 $0x480  }
.LBB2_1:
0x24: {  	s5 =	rddreg [dreg:$0x4]  }
0x25: {  	[tilespmem:s4], [sflag:$0x1] =	stream.linear.gather [hbm4b:s5+s4], $0x100, $0x38;
	[tilespmem:$0x1CE00] =	vst v63  }
0x26: {  	s15 =	rddreg [dreg:$0x5]  }
0x27: {  	[tilespmem:s31], [sflag:$0x2] =	stream.linear.gather [hbm4b:s15+s4], $0x100, $0x38;
	[tilespmem:$0x1CE00] =	vst v63  }
0x28: {  	s28 =	simm.s32 $0x0;
	s30 =	simm.s32 $0x200;
	s15 =	rddreg [dreg:$0xc]  }
0x29: {  	[tilespmem:s0], [sflag:$0x3] =	stream.linear.gather [hbm4b:s15+s4], $0x100, $0x38;
	[tilespmem:$0x1CE00] =	vst v63  }
.LBB2_2:
0x2a: {  	p1 =	sne.s32 s30, $0xBE00;
	[tilespmem:s28+$0x4F0] =	vst v0  }
0x2b: {  	[tilespmem:s28+$0x480] =	vst v0  }
0x2c: {  	[tilespmem:s28+$0x490] =	vst v0  }
.Ltmp0:
0x2d: {  	[tilespmem:s28+$0x4A0] =	vst v0;
	(pc) =	sbr.rel @p1 .LBB2_2-.Ltmp0, $4  }
0x2e: {  	[tilespmem:s28+$0x4B0] =	vst v0  }
0x2f: {  	[tilespmem:s28+$0x4C0] =	vst v0  }
0x30: {  	[tilespmem:s28+$0x4D0] =	vst v0  }
0x31: {  	[tilespmem:s28+$0x4E0] =	vst v0;
	s28 =	sshra.s32 s30, $0x2;
	s30 =	sadd.s32 $0x200, s30  }
0x32: {  	[tilespmem:s28+$0x4F0] =	vst v0  }
0x33: {  	[tilespmem:s28+$0x480] =	vst v0  }
0x34: {  	[tilespmem:s28+$0x490] =	vst v0  }
0x35: {  	[tilespmem:s28+$0x4A0] =	vst v0  }
0x36: {  	[tilespmem:s28+$0x4B0] =	vst v0  }
0x37: {  	[tilespmem:s28+$0x4C0] =	vst v0  }
0x38: {  	[tilespmem:s28+$0x4D0] =	vst v0  }
0x39: {  	[tilespmem:s28+$0x4E0] =	vst v0;
	s28 =	simm.s32 @p0 $0x480;
	s5 =	rddreg [dreg:$0xd];
	s30 =	simm.s32 @p0 $0xA  }
0x3a: {  	[spmem:s5] =	stream.linear.scatter @p0 [tilespmem:s28], [sflag:$0xA], $0x3000, $0x38;
	[tilespmem:$0x1CE00] =	vst v63  }
0x3b: {  	_ =	swait.ge @p0 [sflag:s30], $0x3000  }
0x3c: {  	[sflag:s30] =	ssyncset.done @p0 $0x0  }
0x3d: {  	s5 =	rddreg [dreg:$0xe];
	[sflag:s30] =	ssyncadd.s32 @p0 $0xFFFFD000  }
0x3e: {  	[spmem:s5] =	stream.linear.scatter @p0 [tilespmem:s28], [sflag:$0xA], $0x3000, $0x38;
	[tilespmem:$0x1CE00] =	vst v63  }
0x3f: {  	_ =	swait.ge @p0 [sflag:s30], $0x3000  }
0x40: {  	[sflag:s30] =	ssyncset.done @p0 $0x0  }
0x41: {  	s5 =	rddreg [dreg:$0xf];
	[sflag:s30] =	ssyncadd.s32 @p0 $0xFFFFD000  }
0x42: {  	[spmem:s5] =	stream.linear.scatter @p0 [tilespmem:s28], [sflag:$0xA], $0x3000, $0x38;
	[tilespmem:$0x1CE00] =	vst v63  }
0x43: {  	_ =	swait.ge @p0 [sflag:s30], $0x3000  }
0x44: {  	[sflag:s30] =	ssyncset.done @p0 $0x0  }
0x45: {  	s5 =	rddreg [dreg:$0x10];
	[sflag:s30] =	ssyncadd.s32 @p0 $0xFFFFD000  }
0x46: {  	[spmem:s5] =	stream.linear.scatter @p0 [tilespmem:s28], [sflag:$0xA], $0x3000, $0x38;
	[tilespmem:$0x1CE00] =	vst v63  }
0x47: {  	_ =	swait.ge @p0 [sflag:s30], $0x3000  }
0x48: {  	[sflag:s30] =	ssyncset.done @p0 $0x0  }
0x49: {  	s5 =	rddreg [dreg:$0x15];
	[sflag:s30] =	ssyncadd.s32 @p0 $0xFFFFD000  }
0x4a: {  	[spmem:s5] =	stream.linear.scatter @p0 [tilespmem:s28], [sflag:$0xA], $0x3000, $0x38;
	[tilespmem:$0x1CE00] =	vst v63  }
0x4b: {  	_ =	swait.ge @p0 [sflag:s30], $0x3000  }
0x4c: {  	[sflag:s30] =	ssyncset.done @p0 $0x0  }
0x4d: {  	s5 =	rddreg [dreg:$0x16];
	[sflag:s30] =	ssyncadd.s32 @p0 $0xFFFFD000  }
0x4e: {  	[spmem:s5] =	stream.linear.scatter @p0 [tilespmem:s28], [sflag:$0xA], $0x1400, $0x38;
	[tilespmem:$0x1CE00] =	vst v63  }
0x4f: {  	_ =	swait.ge @p0 [sflag:s30], $0x1400  }
0x50: {  	[sflag:s30] =	ssyncset.done @p0 $0x0  }
0x51: {  	s28 =	simm.s32 @!p0 $0x480;
	[sflag:s30] =	ssyncadd.s32 @p0 $0xFFFFEC00;
	s30 =	simm.s32 @!p0 $0xA  }
0x52: {  	[spmem:s6] =	stream.linear.scatter @!p0 [tilespmem:s28], [sflag:$0xA], $0x3000, $0x38;
	[tilespmem:$0x1CE00] =	vst v63  }
0x53: {  	_ =	swait.ge @!p0 [sflag:s30], $0x3000  }
0x54: {  	[sflag:s30] =	ssyncset.done @!p0 $0x0  }
0x55: {  	s5 =	rddreg [dreg:$0x6];
	[sflag:s30] =	ssyncadd.s32 @!p0 $0xFFFFD000  }
0x56: {  	[spmem:s5] =	stream.linear.scatter @!p0 [tilespmem:s28], [sflag:$0xA], $0x3000, $0x38;
	[tilespmem:$0x1CE00] =	vst v63  }
0x57: {  	_ =	swait.ge @!p0 [sflag:s30], $0x3000  }
0x58: {  	[sflag:s30] =	ssyncset.done @!p0 $0x0  }
0x59: {  	s5 =	rddreg [dreg:$0x7];
	[sflag:s30] =	ssyncadd.s32 @!p0 $0xFFFFD000  }
0x5a: {  	[spmem:s5] =	stream.linear.scatter @!p0 [tilespmem:s28], [sflag:$0xA], $0x3000, $0x38;
	[tilespmem:$0x1CE00] =	vst v63  }
0x5b: {  	_ =	swait.ge @!p0 [sflag:s30], $0x3000  }
0x5c: {  	[sflag:s30] =	ssyncset.done @!p0 $0x0  }
0x5d: {  	s5 =	rddreg [dreg:$0x8];
	[sflag:s30] =	ssyncadd.s32 @!p0 $0xFFFFD000  }
0x5e: {  	[spmem:s5] =	stream.linear.scatter @!p0 [tilespmem:s28], [sflag:$0xA], $0x3000, $0x38;
	[tilespmem:$0x1CE00] =	vst v63  }
0x5f: {  	_ =	swait.ge @!p0 [sflag:s30], $0x3000  }
0x60: {  	[sflag:s30] =	ssyncset.done @!p0 $0x0  }
0x61: {  	s5 =	rddreg [dreg:$0x9];
	[sflag:s30] =	ssyncadd.s32 @!p0 $0xFFFFD000  }
0x62: {  	[spmem:s5] =	stream.linear.scatter @!p0 [tilespmem:s28], [sflag:$0xA], $0x3000, $0x38;
	[tilespmem:$0x1CE00] =	vst v63  }
0x63: {  	_ =	swait.ge @!p0 [sflag:s30], $0x3000  }
0x64: {  	[sflag:s30] =	ssyncset.done @!p0 $0x0  }
0x65: {  	s5 =	rddreg [dreg:$0xa];
	[sflag:s30] =	ssyncadd.s32 @!p0 $0xFFFFD000  }
0x66: {  	[spmem:s5] =	stream.linear.scatter @!p0 [tilespmem:s28], [sflag:$0xA], $0x3000, $0x38;
	[tilespmem:$0x1CE00] =	vst v63  }
0x67: {  	_ =	swait.ge @!p0 [sflag:s30], $0x3000  }
0x68: {  	[sflag:s30] =	ssyncset.done @!p0 $0x0  }
0x69: {  	s5 =	rddreg [dreg:$0xb];
	[sflag:s30] =	ssyncadd.s32 @!p0 $0xFFFFD000  }
0x6a: {  	[spmem:s5] =	stream.linear.scatter @!p0 [tilespmem:s28], [sflag:$0xA], $0x1C00, $0x38;
	[tilespmem:$0x1CE00] =	vst v63  }
0x6b: {  	_ =	swait.ge @!p0 [sflag:s30], $0x1C00  }
0x6c: {  	[sflag:s30] =	ssyncset.done @!p0 $0x0  }
0x6d: {  	[sflag:s30] =	ssyncadd.s32 @!p0 $0xFFFFE400  }
0x6e: {  	[bflag:$0x0] =	sbarrier.arrive $0xFFFF  }
0x6f: {  	_ =	swait.ge [sflag:s3], $0x100  }
0x70: {  	[sflag:s3] =	ssyncset.done $0x0  }
0x71: {  	s28 =	simm.s32 $0x0;
	[sflag:s3] =	ssyncadd.s32 $0xFFFFFF00  }
0x72: {  	[tilespmem:s8], [sflag:$0x4] =	stream.indirect.gather [hbm4b:s1+s7], $0x80, s28, s7, $0xb8;
	[tilespmem:$0x1CE00] =	vst v63  }
0x73: {  	_ =	swait.ge [sflag:s9], $0x100  }
0x74: {  	[sflag:s9] =	ssyncset.done $0x0  }
0x75: {  	[sflag:s9] =	ssyncadd.s32 $0xFFFFFF00  }
0x76: {  	[tilespmem:s10], [sflag:$0x5] =	stream.indirect.gather [hbm4b:s1+s7], $0x80, s31, s7, $0xb8;
	[tilespmem:$0x1CE00] =	vst v63  }
0x77: {  	_ =	swait.ge [sflag:s11], $0x3000  }
0x78: {  	[sflag:s11] =	ssyncset.done $0x0  }
0x79: {  	[sflag:s11] =	ssyncadd.s32 $0xFFFFD000  }
0x7a: {  	_ =	swait.ge [sflag:s12], $0x100  }
0x7b: {  	[sflag:s12] =	ssyncset.done $0x0  }
0x7c: {  	[sflag:s12] =	ssyncadd.s32 $0xFFFFFF00  }
0x7d: {  	[tilespmem:s13], [sflag:$0x6] =	stream.indirect.gather [hbm4b:s1+s7], $0x80, s0, s7, $0xb8;
	[tilespmem:$0x1CE00] =	vst v63  }
0x7e: {  	v1 =	vld [tilespmem:$0x80]  }
0x7f: {  	v2 =	vld [tilespmem:$0x90]  }
0x80: {  	v3 =	vld [tilespmem:$0xA0]  }
0x81: {  	v4 =	vld [tilespmem:$0xB0]  }
0x82: {  	v5 =	vld [tilespmem:$0xC0]  }
0x83: {  	[tilespmem:$0x300] =	vst v1;
	v1 =	vld [tilespmem:$0xD0]  }
0x84: {  	[tilespmem:$0x310] =	vst v2  }
0x85: {  	[tilespmem:$0x320] =	vst v3  }
0x86: {  	[tilespmem:$0x330] =	vst v4  }
0x87: {  	[tilespmem:$0x340] =	vst v5  }
0x88: {  	s15 =	rddreg [dreg:$0x17];
	[tilespmem:$0x350] =	vst v1  }
0x89: {  	[tilespmem:s28], [sflag:$0x1] =	stream.linear.gather [hbm4b:s15+s28], $0x100, $0x38;
	[tilespmem:$0x1CE00] =	vst v63  }
0x8a: {  	_ = 	snop  }
0x8b: {  	[spmem:s2] =	stream.indirect.scatter.add.f32 [tilespmem:s8], [sflag:$0x7], $0x80, s14, s7, $0xb8;
	[tilespmem:$0x1CE00] =	vst v63  }
0x8c: {  	_ =	swait.ge [sflag:s16], $0x3000  }
0x8d: {  	[sflag:s16] =	ssyncset.done $0x0  }
0x8e: {  	[sflag:s16] =	ssyncadd.s32 $0xFFFFD000  }
0x8f: {  	_ =	swait.ge [sflag:s17], $0x3000  }
0x90: {  	[sflag:s17] =	ssyncset.done $0x0  }
0x91: {  	[sflag:s17] =	ssyncadd.s32 $0xFFFFD000  }
0x92: {  	_ =	swait.ge [sflag:s3], $0x100  }
0x93: {  	[sflag:s3] =	ssyncset.done $0x0  }
0x94: {  	[sflag:s3] =	ssyncadd.s32 $0xFFFFFF00  }
0x95: {  	[tilespmem:s8], [sflag:$0x4] =	stream.indirect.gather [hbm4b:s1+s7], $0x80, s4, s7, $0xb8;
	[tilespmem:$0x1CE00] =	vst v63  }
0x96: {  	v1 =	vld [tilespmem:$0x1C0]  }
0x97: {  	v2 =	vld [tilespmem:$0x1D0]  }
0x98: {  	v3 =	vld [tilespmem:$0x1B0]  }
0x99: {  	v4 =	vld [tilespmem:$0x180]  }
0x9a: {  	v5 =	vld [tilespmem:$0x1A0]  }
0x9b: {  	v6 =	vld [tilespmem:$0x190];
	[tilespmem:$0x3C0] =	vst v1  }
0x9c: {  	[tilespmem:$0x3D0] =	vst v2  }
0x9d: {  	[tilespmem:$0x3B0] =	vst v3  }
0x9e: {  	[tilespmem:$0x380] =	vst v4  }
0x9f: {  	[tilespmem:$0x3A0] =	vst v5  }
0xa0: {  	s30 =	sadd.s32 $0x0, s20;
	[tilespmem:$0x390] =	vst v6  }
0xa1: {  	[tilespmem:s31], [sflag:$0x2] =	stream.linear.gather [hbm4b:s30+s4], $0x100, $0x38;
	[tilespmem:$0x1CE00] =	vst v63  }
0xa2: {  	_ = 	snop  }
0xa3: {  	[spmem:s2] =	stream.indirect.scatter.add.f32 [tilespmem:s10], [sflag:$0x8], $0x80, s21, s7, $0xb8;
	[tilespmem:$0x1CE00] =	vst v63  }
0xa4: {  	_ =	swait.ge [sflag:s23], $0x3000  }
0xa5: {  	[sflag:s23] =	ssyncset.done $0x0  }
0xa6: {  	[sflag:s23] =	ssyncadd.s32 $0xFFFFD000  }
0xa7: {  	_ =	swait.ge [sflag:s24], $0x3000  }
0xa8: {  	[sflag:s24] =	ssyncset.done $0x0  }
0xa9: {  	[sflag:s24] =	ssyncadd.s32 $0xFFFFD000  }
0xaa: {  	_ =	swait.ge [sflag:s9], $0x100  }
0xab: {  	[sflag:s9] =	ssyncset.done $0x0  }
0xac: {  	[sflag:s9] =	ssyncadd.s32 $0xFFFFFF00  }
0xad: {  	[tilespmem:s10], [sflag:$0x5] =	stream.indirect.gather [hbm4b:s1+s7], $0x80, s31, s7, $0xb8;
	[tilespmem:$0x1CE00] =	vst v63  }
0xae: {  	v4 =	vld [tilespmem:$0x2A0]  }
0xaf: {  	v5 =	vld [tilespmem:$0x2D0]  }
0xb0: {  	v3 =	vld [tilespmem:$0x2C0]  }
0xb1: {  	v1 =	vld [tilespmem:$0x290]  }
0xb2: {  	v2 =	vld [tilespmem:$0x280]  }
0xb3: {  	[tilespmem:$0x420] =	vst v4;
	v4 =	vld [tilespmem:$0x2B0]  }
0xb4: {  	s30 =	simm.s32 $0x60;
	[tilespmem:$0x450] =	vst v5  }
.LBB2_4:
0xb5: {  	p1 =	sne.s32 s30, $0xC00;
	[tilespmem:$0x440] =	vst v3;
	s5 =	smov.u32 s30;
	s30 =	sadd.s32 $0x60, s30  }
0xb6: {  	[tilespmem:$0x410] =	vst v1  }
0xb7: {  	[tilespmem:$0x400] =	vst v2  }
0xb8: {  	s15 =	sadd.s32 s28, s19;
	[tilespmem:$0x430] =	vst v4  }
0xb9: {  	[tilespmem:s0], [sflag:$0x3] =	stream.linear.gather [hbm4b:s15+s4], $0x100, $0x38;
	[tilespmem:$0x1CE00] =	vst v63  }
0xba: {  	_ = 	snop  }
0xbb: {  	[spmem:s2] =	stream.indirect.scatter.add.f32 [tilespmem:s13], [sflag:$0x9], $0x80, s25, s7, $0xb8;
	[tilespmem:$0x1CE00] =	vst v63  }
0xbc: {  	_ =	swait.ge [sflag:s11], $0x3000  }
0xbd: {  	[sflag:s11] =	ssyncset.done $0x0  }
0xbe: {  	[sflag:s11] =	ssyncadd.s32 $0xFFFFD000  }
0xbf: {  	_ =	swait.ge [sflag:s26], $0x3000  }
0xc0: {  	[sflag:s26] =	ssyncset.done $0x0  }
0xc1: {  	[sflag:s26] =	ssyncadd.s32 $0xFFFFD000  }
0xc2: {  	_ =	swait.ge [sflag:s12], $0x100  }
0xc3: {  	[sflag:s12] =	ssyncset.done $0x0  }
0xc4: {  	[sflag:s12] =	ssyncadd.s32 $0xFFFFFF00  }
0xc5: {  	[tilespmem:s13], [sflag:$0x6] =	stream.indirect.gather [hbm4b:s1+s7], $0x80, s0, s7, $0xb8;
	[tilespmem:$0x1CE00] =	vst v63  }
0xc6: {  	v1 =	vld [tilespmem:$0x80]  }
0xc7: {  	v2 =	vld [tilespmem:$0x90]  }
0xc8: {  	v3 =	vld [tilespmem:$0xA0]  }
0xc9: {  	v4 =	vld [tilespmem:$0xB0]  }
0xca: {  	v5 =	vld [tilespmem:$0xD0]  }
0xcb: {  	[tilespmem:$0x300] =	vst v1;
	v1 =	vld [tilespmem:$0xC0]  }
0xcc: {  	[tilespmem:$0x310] =	vst v2  }
0xcd: {  	[tilespmem:$0x320] =	vst v3  }
0xce: {  	[tilespmem:$0x330] =	vst v4  }
0xcf: {  	[tilespmem:$0x350] =	vst v5  }
0xd0: {  	s15 =	sadd.s32 s28, s18;
	s28 =	smov.u32 s5;
	[tilespmem:$0x340] =	vst v1  }
0xd1: {  	[tilespmem:s4], [sflag:$0x1] =	stream.linear.gather [hbm4b:s15+s4], $0x100, $0x38;
	[tilespmem:$0x1CE00] =	vst v63  }
0xd2: {  	_ = 	snop  }
0xd3: {  	[spmem:s2] =	stream.indirect.scatter.add.f32 [tilespmem:s8], [sflag:$0x7], $0x80, s14, s7, $0xb8;
	[tilespmem:$0x1CE00] =	vst v63  }
0xd4: {  	_ =	swait.ge [sflag:s16], $0x3000  }
0xd5: {  	[sflag:s16] =	ssyncset.done $0x0  }
0xd6: {  	[sflag:s16] =	ssyncadd.s32 $0xFFFFD000  }
0xd7: {  	_ =	swait.ge [sflag:s17], $0x3000  }
0xd8: {  	[sflag:s17] =	ssyncset.done $0x0  }
0xd9: {  	[sflag:s17] =	ssyncadd.s32 $0xFFFFD000  }
0xda: {  	_ =	swait.ge [sflag:s3], $0x100  }
0xdb: {  	[sflag:s3] =	ssyncset.done $0x0  }
0xdc: {  	[sflag:s3] =	ssyncadd.s32 $0xFFFFFF00  }
0xdd: {  	[tilespmem:s8], [sflag:$0x4] =	stream.indirect.gather [hbm4b:s1+s7], $0x80, s4, s7, $0xb8;
	[tilespmem:$0x1CE00] =	vst v63  }
0xde: {  	v1 =	vld [tilespmem:$0x1C0]  }
0xdf: {  	v2 =	vld [tilespmem:$0x1D0]  }
0xe0: {  	v3 =	vld [tilespmem:$0x1B0]  }
0xe1: {  	v4 =	vld [tilespmem:$0x180]  }
0xe2: {  	v5 =	vld [tilespmem:$0x1A0]  }
0xe3: {  	v6 =	vld [tilespmem:$0x190];
	[tilespmem:$0x3C0] =	vst v1  }
0xe4: {  	[tilespmem:$0x3D0] =	vst v2  }
0xe5: {  	[tilespmem:$0x3B0] =	vst v3  }
0xe6: {  	[tilespmem:$0x380] =	vst v4  }
0xe7: {  	[tilespmem:$0x3A0] =	vst v5  }
0xe8: {  	s5 =	sadd.s32 s28, s20;
	[tilespmem:$0x390] =	vst v6  }
0xe9: {  	[tilespmem:s31], [sflag:$0x2] =	stream.linear.gather [hbm4b:s5+s4], $0x100, $0x38;
	[tilespmem:$0x1CE00] =	vst v63  }
0xea: {  	_ = 	snop  }
0xeb: {  	[spmem:s2] =	stream.indirect.scatter.add.f32 [tilespmem:s10], [sflag:$0x8], $0x80, s21, s7, $0xb8;
	[tilespmem:$0x1CE00] =	vst v63  }
0xec: {  	_ =	swait.ge [sflag:s23], $0x3000  }
0xed: {  	[sflag:s23] =	ssyncset.done $0x0  }
0xee: {  	[sflag:s23] =	ssyncadd.s32 $0xFFFFD000  }
0xef: {  	_ =	swait.ge [sflag:s24], $0x3000  }
0xf0: {  	[sflag:s24] =	ssyncset.done $0x0  }
0xf1: {  	[sflag:s24] =	ssyncadd.s32 $0xFFFFD000  }
0xf2: {  	_ =	swait.ge [sflag:s9], $0x100  }
0xf3: {  	[sflag:s9] =	ssyncset.done $0x0  }
0xf4: {  	[sflag:s9] =	ssyncadd.s32 $0xFFFFFF00  }
0xf5: {  	[tilespmem:s10], [sflag:$0x5] =	stream.indirect.gather [hbm4b:s1+s7], $0x80, s31, s7, $0xb8;
	[tilespmem:$0x1CE00] =	vst v63  }
0xf6: {  	v4 =	vld [tilespmem:$0x2A0]  }
0xf7: {  	v5 =	vld [tilespmem:$0x2D0]  }
.Ltmp1:
0xf8: {  	v3 =	vld [tilespmem:$0x2C0];
	(pc) =	sbr.rel @p1 .LBB2_4-.Ltmp1, $4  }
0xf9: {  	v1 =	vld [tilespmem:$0x290]  }
0xfa: {  	v2 =	vld [tilespmem:$0x280]  }
0xfb: {  	[tilespmem:$0x420] =	vst v4;
	v4 =	vld [tilespmem:$0x2B0]  }
0xfc: {  	[tilespmem:$0x450] =	vst v5  }
0xfd: {  	[tilespmem:$0x440] =	vst v3  }
0xfe: {  	[tilespmem:$0x410] =	vst v1  }
0xff: {  	[tilespmem:$0x400] =	vst v2  }
0x100: {  	s5 =	sadd.s32 s28, s19;
	[tilespmem:$0x430] =	vst v4  }
0x101: {  	[tilespmem:s0], [sflag:$0x3] =	stream.linear.gather [hbm4b:s5+s4], $0x100, $0x38;
	[tilespmem:$0x1CE00] =	vst v63  }
0x102: {  	_ = 	snop  }
0x103: {  	[spmem:s2] =	stream.indirect.scatter.add.f32 [tilespmem:s13], [sflag:$0x9], $0x80, s25, s7, $0xb8;
	[tilespmem:$0x1CE00] =	vst v63  }
0x104: {  	_ =	swait.ge [sflag:s11], $0x3000  }
0x105: {  	[sflag:s11] =	ssyncset.done $0x0  }
0x106: {  	[sflag:s11] =	ssyncadd.s32 $0xFFFFD000  }
0x107: {  	_ =	swait.ge [sflag:s26], $0x3000  }
0x108: {  	[sflag:s26] =	ssyncset.done $0x0  }
0x109: {  	[sflag:s26] =	ssyncadd.s32 $0xFFFFD000  }
0x10a: {  	_ =	swait.ge [sflag:s12], $0x100  }
0x10b: {  	[sflag:s12] =	ssyncset.done $0x0  }
0x10c: {  	[sflag:s12] =	ssyncadd.s32 $0xFFFFFF00  }
0x10d: {  	[tilespmem:s13], [sflag:$0x6] =	stream.indirect.gather [hbm4b:s1+s7], $0x80, s0, s7, $0xb8;
	[tilespmem:$0x1CE00] =	vst v63  }
0x10e: {  	v1 =	vld [tilespmem:$0x80]  }
0x10f: {  	v2 =	vld [tilespmem:$0x90]  }
0x110: {  	v3 =	vld [tilespmem:$0xA0]  }
0x111: {  	v55 =	vld [tilespmem:$0xB0]  }
0x112: {  	v5 =	vld [tilespmem:$0xD0]  }
0x113: {  	[tilespmem:$0x300] =	vst v1;
	v1 =	vld [tilespmem:$0xC0]  }
0x114: {  	[tilespmem:$0x310] =	vst v2  }
0x115: {  	[tilespmem:$0x320] =	vst v3  }
0x116: {  	[tilespmem:$0x330] =	vst v55  }
0x117: {  	[tilespmem:$0x350] =	vst v5  }
0x118: {  	s30 =	sadd.s32 s28, s18;
	[tilespmem:$0x340] =	vst v1  }
0x119: {  	[tilespmem:s4], [sflag:$0x1] =	stream.linear.gather [hbm4b:s30+s4], $0x100, $0x38;
	[tilespmem:$0x1CE00] =	vst v63  }
0x11a: {  	_ = 	snop  }
0x11b: {  	[spmem:s2] =	stream.indirect.scatter.add.f32 [tilespmem:s8], [sflag:$0x7], $0x80, s14, s7, $0xb8;
	[tilespmem:$0x1CE00] =	vst v63  }
0x11c: {  	_ =	swait.ge [sflag:s16], $0x3000  }
0x11d: {  	[sflag:s16] =	ssyncset.done $0x0  }
0x11e: {  	[sflag:s16] =	ssyncadd.s32 $0xFFFFD000  }
0x11f: {  	_ =	swait.ge [sflag:s17], $0x3000  }
0x120: {  	[sflag:s17] =	ssyncset.done $0x0  }
0x121: {  	[sflag:s17] =	ssyncadd.s32 $0xFFFFD000  }
0x122: {  	_ =	swait.ge [sflag:s3], $0x100  }
0x123: {  	[sflag:s3] =	ssyncset.done $0x0  }
0x124: {  	[sflag:s3] =	ssyncadd.s32 $0xFFFFFF00  }
0x125: {  	[tilespmem:s8], [sflag:$0x4] =	stream.indirect.gather [hbm4b:s1+s7], $0x80, s4, s7, $0xb8;
	[tilespmem:$0x1CE00] =	vst v63  }
0x126: {  	v1 =	vld [tilespmem:$0x180]  }
0x127: {  	v2 =	vld [tilespmem:$0x190]  }
0x128: {  	v3 =	vld [tilespmem:$0x1A0]  }
0x129: {  	v56 =	vld [tilespmem:$0x1B0]  }
0x12a: {  	v57 =	vld [tilespmem:$0x1C0]  }
0x12b: {  	[tilespmem:$0x380] =	vst v1;
	v1 =	vld [tilespmem:$0x1D0]  }
0x12c: {  	[tilespmem:$0x390] =	vst v2  }
0x12d: {  	[tilespmem:$0x3A0] =	vst v3  }
0x12e: {  	[tilespmem:$0x3B0] =	vst v56  }
0x12f: {  	[tilespmem:$0x3C0] =	vst v57  }
0x130: {  	s15 =	rddreg [dreg:$0x18];
	[tilespmem:$0x3D0] =	vst v1  }
0x131: {  	[tilespmem:s31], [sflag:$0x2] =	stream.linear.gather [hbm4b:s15+s4], $0x100, $0x38;
	[tilespmem:$0x1CE00] =	vst v63  }
0x132: {  	_ = 	snop  }
0x133: {  	[spmem:s2] =	stream.indirect.scatter.add.f32 [tilespmem:s10], [sflag:$0x8], $0x80, s21, s7, $0xb8;
	[tilespmem:$0x1CE00] =	vst v63  }
0x134: {  	_ =	swait.ge [sflag:s23], $0x3000  }
0x135: {  	[sflag:s23] =	ssyncset.done $0x0  }
0x136: {  	[sflag:s23] =	ssyncadd.s32 $0xFFFFD000  }
0x137: {  	_ =	swait.ge [sflag:s24], $0x3000  }
0x138: {  	[sflag:s24] =	ssyncset.done $0x0  }
0x139: {  	[sflag:s24] =	ssyncadd.s32 $0xFFFFD000  }
0x13a: {  	_ =	swait.ge [sflag:s9], $0x100  }
0x13b: {  	[sflag:s9] =	ssyncset.done $0x0  }
0x13c: {  	[sflag:s9] =	ssyncadd.s32 $0xFFFFFF00  }
0x13d: {  	[tilespmem:s10], [sflag:$0x5] =	stream.indirect.gather [hbm4b:s1+s7], $0x80, s31, s7, $0xb8;
	[tilespmem:$0x1CE00] =	vst v63  }
0x13e: {  	v1 =	vld [tilespmem:$0x280]  }
0x13f: {  	v2 =	vld [tilespmem:$0x290]  }
0x140: {  	v3 =	vld [tilespmem:$0x2A0]  }
0x141: {  	v58 =	vld [tilespmem:$0x2B0]  }
0x142: {  	v59 =	vld [tilespmem:$0x2C0]  }
0x143: {  	[tilespmem:$0x400] =	vst v1;
	v1 =	vld [tilespmem:$0x2D0]  }
0x144: {  	[tilespmem:$0x410] =	vst v2  }
0x145: {  	[tilespmem:$0x420] =	vst v3  }
0x146: {  	[tilespmem:$0x430] =	vst v58  }
0x147: {  	[tilespmem:$0x440] =	vst v59  }
0x148: {  	[tilespmem:$0x450] =	vst v1  }
0x149: {  	[spmem:s2] =	stream.indirect.scatter.add.f32 [tilespmem:s13], [sflag:$0x9], $0x80, s25, s7, $0xb8;
	[tilespmem:$0x1CE00] =	vst v63  }
0x14a: {  	_ =	swait.ge [sflag:s11], $0x3000  }
0x14b: {  	[sflag:s11] =	ssyncset.done $0x0  }
0x14c: {  	[sflag:s11] =	ssyncadd.s32 $0xFFFFD000  }
0x14d: {  	_ =	swait.ge [sflag:s26], $0x3000  }
0x14e: {  	[sflag:s26] =	ssyncset.done $0x0  }
0x14f: {  	[sflag:s26] =	ssyncadd.s32 $0xFFFFD000  }
0x150: {  	v1 =	vld [tilespmem:$0x80]  }
0x151: {  	v2 =	vld [tilespmem:$0x90]  }
0x152: {  	v3 =	vld [tilespmem:$0xA0]  }
0x153: {  	v60 =	vld [tilespmem:$0xB0]  }
0x154: {  	v61 =	vld [tilespmem:$0xC0]  }
0x155: {  	[tilespmem:$0x300] =	vst v1;
	v1 =	vld [tilespmem:$0xD0]  }
0x156: {  	[tilespmem:$0x310] =	vst v2  }
0x157: {  	[tilespmem:$0x320] =	vst v3  }
0x158: {  	[tilespmem:$0x330] =	vst v60  }
0x159: {  	[tilespmem:$0x340] =	vst v61  }
0x15a: {  	[tilespmem:$0x350] =	vst v1  }
0x15b: {  	[spmem:s2] =	stream.indirect.scatter.add.f32 [tilespmem:s8], [sflag:$0x7], $0x80, s14, s7, $0xb8;
	[tilespmem:$0x1CE00] =	vst v63  }
0x15c: {  	_ =	swait.ge [sflag:s16], $0x3000  }
0x15d: {  	[sflag:s16] =	ssyncset.done $0x0  }
0x15e: {  	[sflag:s16] =	ssyncadd.s32 $0xFFFFD000  }
0x15f: {  	_ =	swait.ge [sflag:s17], $0x3000  }
0x160: {  	[sflag:s17] =	ssyncset.done $0x0  }
0x161: {  	[sflag:s17] =	ssyncadd.s32 $0xFFFFD000  }
0x162: {  	v1 =	vld [tilespmem:$0x180]  }
0x163: {  	v2 =	vld [tilespmem:$0x190]  }
0x164: {  	v3 =	vld [tilespmem:$0x1A0]  }
0x165: {  	v62 =	vld [tilespmem:$0x1B0]  }
0x166: {  	v63 =	vld [tilespmem:$0x1C0]  }
0x167: {  	[tilespmem:$0x380] =	vst v1;
	v1 =	vld [tilespmem:$0x1D0]  }
0x168: {  	[tilespmem:$0x390] =	vst v2  }
0x169: {  	[tilespmem:$0x3A0] =	vst v3  }
0x16a: {  	[tilespmem:$0x3B0] =	vst v62  }
0x16b: {  	[tilespmem:$0x3C0] =	vst v63  }
0x16c: {  	[tilespmem:$0x3D0] =	vst v1  }
0x16d: {  	[spmem:s2] =	stream.indirect.scatter.add.f32 [tilespmem:s10], [sflag:$0x8], $0x80, s21, s7, $0xb8;
	[tilespmem:$0x1CE00] =	vst v63  }
0x16e: {  	_ =	swait.ge [sflag:s24], $0x3000  }
0x16f: {  	[sflag:s24] =	ssyncset.done $0x0  }
0x170: {  	s15 =	simm.s32 $0x1CD00;
	s28 =	rddreg [dreg:$0x12];
	[sflag:s24] =	ssyncadd.s32 $0xFFFFD000  }
0x171: {  	[tilespmem:s15], [sflag:$0xA] =	stream.linear.gather [hbm4b:s28+s4], $0x100, $0x38;
	[tilespmem:$0x1CE00] =	vst v63  }
0x172: {  	_ =	swait.ge [sflag:s29], $0x100  }
0x173: {  	[sflag:s29] =	ssyncset.done $0x0  }
0x174: {  	s30 =	simm.s32 $0x10;
	[sflag:s29] =	ssyncadd.s32 $0xFFFFFF00  }
0x175: {  	[tilespmem:s8], [sflag:$0xA] =	stream.indirect.gather [hbm4b:s1+s30], $0x80, s15, s30, $0xb8;
	[tilespmem:$0x1CE00] =	vst v63  }
0x176: {  	_ =	swait.ge [sflag:s29], $0x800  }
0x177: {  	[sflag:s29] =	ssyncset.done $0x0  }
0x178: {  	s28 =	simm.s32 $0x1CD80;
	[sflag:s29] =	ssyncadd.s32 $0xFFFFF800  }
0x179: {  	[spmem:s2] =	stream.indirect.scatter.add.f32 [tilespmem:s8], [sflag:$0xA], $0x80, s28, s30, $0xb8;
	[tilespmem:$0x1CE00] =	vst v63  }
0x17a: {  	_ =	swait.ge [sflag:s29], $0x800  }
0x17b: {  	[sflag:s29] =	ssyncset.done $0x0  }
0x17c: {  	[sflag:s29] =	ssyncadd.s32 $0xFFFFF800  }
0x17d: {  	[bflag:$0x0] =	sbarrier.arrive $0xFFFF  }
0x17e: {  	s5 =	rddreg [dreg:$0x11]  }
0x17f: {  	s15 =	rddreg [dreg:$0xd]  }
0x180: {  	s28 =	simm.s32 @p0 $0x1FCA;
	s5 =	sadd.s32 @p0 $0x25080, s5;
	s15 =	sshrl.u32 @p0 s15, $0x3  }
0x181: {  	[hbm:s5], [sflag:s28] =	dma.local @p0 [spmem:s15], $0x2080  }
0x182: {  	s5 =	simm.s32 @p0 $0xA  }
0x183: {  	s15 =	stileid.u32;
	_ =	swait.ge @p0 [sflag:s5], $0x2080  }
0x184: {  	s15 =	sshll.u32 @!p0 s15, $0x6;
	[sflag:s5] =	ssyncset.done @p0 $0x0;
	s28 =	rddreg [dreg:$0x14]  }
0x185: {  	[sflag:s5] =	ssyncadd.s32 @p0 $0xFFFFDF80;
	s5 =	sor.u32 @!p0 $0x1C0A, s15;
	s15 =	sshrl.u32 @!p0 s6, $0x3  }
0x186: {  	[hbm:s28], [sflag:s5] =	dma.local @!p0 [spmem:s15], $0x2780  }
0x187: {  	s5 =	simm.s32 @!p0 $0xA  }
0x188: {  	_ =	swait.ge @!p0 [sflag:s5], $0x2780  }
0x189: {  	s22 =	sadd.s32 $0x1, s22;
	s30 =	rddreg [dreg:$0x13]  }
0x18a: {  	p1 =	sne.s32 s22, s30  }
.Ltmp2:
0x18b: {  	_ = 	snop;
	(pc) =	sbr.rel @p1 .LBB2_1-.Ltmp2, $3  }
0x18c: {  	_ =	sdelay $0x1  }
0x18d: {  	[sflag:s5] =	ssyncset.done @!p0 $0x0  }
0x18e: {  	[sflag:s5] =	ssyncadd.s32 @!p0 $0xFFFFD880  }
0x18f: {  	_ =	sfence.sel $0x180000  }
0x190: {  	[bflag:$0x0] =	sbarrier.arrive $0xFFFF  }
0x191: {  	_ =	strace $0x9000004A  }
0x192: {  	s0 =	stileid.u32;
	[bflag:$0x2] =	sbarrier.arrive $0xFFFF  }
0x193: {  	p0 =	sne.s32 s0, $0x0;
	s0 =	rddreg [dreg:$0x3]  }
0x194: {  	s0 =	sadd.s32 @!p0 $0x100000, s0  }
0x195: {  	[sflag:s0] =	ssyncadd.tile.s32 @!p0 $0x1;
	_ =	shalt  }
.Lfunc_end2:
_tile_overlayer_lowered:
.L_overlay_start_2:
0x196: {  	(tag) =	ssettag $0x2  }
0x197: {  	s0 =	rddreg [dreg:$0x0];
	s2 =	stileid.u32  }
0x198: {  	s1 =	rddreg [dreg:$0x1];
	p0 =	sne.s32 s2, $0x0  }
0x199: {  	s3 =	rddreg [dreg:$0x2];
	[bflag:$0x3] =	sbarrier.arrive $0xFFFF;
	s2 =	simm.s32 @!p0 $0x1C0A  }
0x19a: {  	[timem:s3], [sflag:s2] =	dma.local @!p0 [hbm:s0], s1  }
0x19b: {  	s0 =	simm.s32 @!p0 $0xA  }
0x19c: {  	_ =	swait.ge @!p0 [sflag:s0], s1  }
0x19d: {  	s1 =	ssub.s32 @!p0 $0x0, s1;
	[sflag:s0] =	ssyncset.done @!p0 $0x0  }
0x19e: {  	[sflag:s0] =	ssyncadd.s32 @!p0 s1  }
0x19f: {  	[bflag:$0x3] =	sbarrier.arrive $0xFFFF  }
0x1a0: {  	_ =	shalt  }

</sc_bundles>
